<compile_context>
chip_gen: v7x
topology: tpu7x:2x2x1
jax: 0.10.2.dev20260603
libtpu: 0.0.44.dev20260713+nightly
codegen_flags: <defaults>
</compile_context>

<pallas_src>
import jax
import jax.numpy as jnp
from jax import lax
from jax.experimental import pallas as pl
from jax.experimental.pallas import tpu as pltpu
from jax.experimental.pallas import tpu_sc as plsc

NC = 2
NS = 16
CHUNK = 125


def _span(n):
    stride = ((n // NS) // 8) * 8
    return stride, n - stride * (NS - 1)


def _deg_kernel_body(dst4, ones_hbm, zeros_hbm, deg_out, dstv, onesv, degsp,
                     ss0, ss1, ss2, ss3):
    c = lax.axis_index("c")
    s = lax.axis_index("s")
    wid = c * NS + s
    n_chunks = dst4.shape[1]
    n = degsp.shape[0]
    stride, span = _span(n)
    sl = pl.ds(s * stride, span)
    ss = (ss0, ss1, ss2, ss3)

    pltpu.sync_copy(zeros_hbm, degsp.at[sl])
    pltpu.sync_copy(dst4.at[wid], dstv)
    pltpu.sync_copy(ones_hbm, onesv)
    plsc.subcore_barrier()

    nd = len(ss)

    def body(i, carry):
        for b in range(nd):
            j = nd * i + b

            @pl.when(j >= nd)
            def _():
                pltpu.make_async_copy(onesv, degsp.at[dstv.at[j - nd]],
                                      ss[b]).wait()

            pltpu.async_copy(onesv, degsp.at[dstv.at[j]], ss[b], add=True)
        return carry

    lax.fori_loop(0, n_chunks // nd, body, 0)
    for b in range(nd):
        pltpu.make_async_copy(onesv, degsp.at[dstv.at[n_chunks - nd + b]],
                              ss[b]).wait()
    plsc.subcore_barrier()
    pltpu.sync_copy(degsp.at[sl], deg_out.at[c, sl])


def _deg_call(dst4, n):
    mesh = plsc.VectorSubcoreMesh(core_axis_name="c", subcore_axis_name="s")
    n_chunks = dst4.shape[1]
    _, span = _span(n)
    k = pl.kernel(
        _deg_kernel_body,
        out_type=jax.ShapeDtypeStruct((NC, n, 128), jnp.float32),
        mesh=mesh,
        scratch_types=[
            pltpu.VMEM((n_chunks, CHUNK), jnp.int32),
            pltpu.VMEM((CHUNK, 128), jnp.float32),
            pltpu.VMEM_SHARED((n, 128), jnp.float32),
            pltpu.SemaphoreType.DMA,
            pltpu.SemaphoreType.DMA,
            pltpu.SemaphoreType.DMA,
            pltpu.SemaphoreType.DMA,
        ],
    )
    ones_hbm = jnp.ones((CHUNK, 128), jnp.float32)
    zeros_hbm = jnp.zeros((span, 128), jnp.float32)
    return k(dst4, ones_hbm, zeros_hbm)


def _make_agg_body(split_cols, n_chunks, blk, nd):
    nblk = n_chunks // blk
    assert nblk % 2 == 0 and blk % nd == 0

    def body(hs_a, hs_b, srci, dsti, zeros_hbm, *outs_and_scratch):
        if split_cols:
            g_a, g_b = outs_and_scratch[:2]
            rest = outs_and_scratch[2:]
        else:
            g_part = outs_and_scratch[0]
            rest = outs_and_scratch[1:]
        srcb = rest[0:2]
        dstb = rest[2:4]
        rows = rest[4:4 + nd]
        accsp = rest[4 + nd]
        sg = rest[5 + nd:5 + 2 * nd]
        ss = rest[5 + 2 * nd:5 + 3 * nd]
        si = rest[5 + 3 * nd:7 + 3 * nd]
        c = lax.axis_index("c")
        s = lax.axis_index("s")
        tid = s if split_cols else c * NS + s
        n = accsp.shape[0]
        stride, span = _span(n)
        sl = pl.ds(s * stride, span)
        srcb0, dstb0, rows0, sg0 = srcb[0], dstb[0], rows[0], sg[0]

        def gather(idx_row, buf, sem):
            if split_cols:
                @pl.when(c == 0)
                def _():
                    pltpu.async_copy(hs_a.at[idx_row], buf, sem)

                @pl.when(c == 1)
                def _():
                    pltpu.async_copy(hs_b.at[idx_row], buf, sem)
            else:
                pltpu.async_copy(hs_a.at[idx_row], buf, sem)

        def gather_wait(idx_row, buf, sem):
            pltpu.make_async_copy(hs_a.at[idx_row], buf, sem).wait()

        def scatter_wait(buf, any_idx_row, sem):
            pltpu.make_async_copy(buf, accsp.at[any_idx_row], sem).wait()

        pltpu.sync_copy(srci.at[tid, pl.ds(0, blk)], srcb0)
        pltpu.sync_copy(dsti.at[tid, pl.ds(0, blk)], dstb0)
        gather(srcb0.at[0], rows0, sg0)
        pltpu.sync_copy(zeros_hbm, accsp.at[sl])
        plsc.subcore_barrier()

        def outer(i, carry):
            for pb in range(2):
                blkid = 2 * i + pb

                @pl.when(blkid + 1 < nblk)
                def _():
                    nxt = pl.ds((blkid + 1) * blk, blk)
                    pltpu.async_copy(srci.at[tid, nxt], srcb[1 - pb],
                                     si[1 - pb])
                    pltpu.async_copy(dsti.at[tid, nxt], dstb[1 - pb],
                                     si[1 - pb])

                for b in range(blk):
                    rb = b % nd
                    nb = (b + 1) % nd
                    if b >= nd - 1:
                        scatter_wait(rows[nb], dstb[pb].at[0], ss[nb])
                    else:
                        @pl.when(blkid >= 1)
                        def _():
                            scatter_wait(rows[nb], dstb[pb].at[0], ss[nb])
                    if b < blk - 1:
                        gather(srcb[pb].at[b + 1], rows[nb], sg[nb])
                    else:
                        @pl.when(blkid + 1 < nblk)
                        def _():
                            pltpu.make_async_copy(
                                srci.at[tid, pl.ds(0, blk)], srcb[1 - pb],
                                si[1 - pb]).wait()
                            pltpu.make_async_copy(
                                dsti.at[tid, pl.ds(0, blk)], dstb[1 - pb],
                                si[1 - pb]).wait()
                            gather(srcb[1 - pb].at[0], rows[nb], sg[nb])
                    gather_wait(srcb[pb].at[b], rows[rb], sg[rb])
                    pltpu.async_copy(rows[rb], accsp.at[dstb[pb].at[b]],
                                     ss[rb], add=True)
            return carry

        lax.fori_loop(0, nblk // 2, outer, 0)
        for t in range(nd - 1):
            jj = n_chunks - (nd - 1) + t
            scatter_wait(rows[jj % nd], dstb[(nblk - 1) % 2].at[0],
                         ss[jj % nd])
        plsc.subcore_barrier()

        if split_cols:
            @pl.when(c == 0)
            def _():
                pltpu.sync_copy(accsp.at[sl], g_a.at[sl])

            @pl.when(c == 1)
            def _():
                pltpu.sync_copy(accsp.at[sl], g_b.at[sl])
        else:
            pltpu.sync_copy(accsp.at[sl], g_part.at[c, sl])

    return body


def _agg_call(split_cols, hs_a, hs_b, srci, dsti, nd=2):
    n, h = hs_a.shape
    n_chunks = srci.shape[1]
    chunk = srci.shape[2]
    blk = None
    for cand in (8, 4, 2):
        if cand % nd == 0 or nd % cand == 0:
            if n_chunks % cand == 0 and (n_chunks // cand) % 2 == 0:
                if cand % nd == 0:
                    blk = cand
                    break
    assert blk is not None
    mesh = plsc.VectorSubcoreMesh(core_axis_name="c", subcore_axis_name="s")
    if split_cols:
        out_type = (
            jax.ShapeDtypeStruct((n, h), jnp.float32),
            jax.ShapeDtypeStruct((n, h), jnp.float32),
        )
    else:
        out_type = jax.ShapeDtypeStruct((NC, n, h), jnp.float32)
    k = pl.kernel(
        _make_agg_body(split_cols, n_chunks, blk, nd),
        out_type=out_type,
        mesh=mesh,
        scratch_types=[pltpu.VMEM((blk, chunk), jnp.int32)] * 4
        + [pltpu.VMEM((chunk, h), jnp.float32)] * nd
        + [pltpu.VMEM_SHARED((n, h), jnp.float32)]
        + [pltpu.SemaphoreType.DMA] * (2 * nd + 2),
    )
    _, span = _span(n)
    zeros_hbm = jnp.zeros((span, h), jnp.float32)
    return k(hs_a, hs_b, srci, dsti, zeros_hbm)


_BR = 400


def _mm0_body(x_ref, w_ref, h_ref):
    h_ref[...] = jnp.dot(x_ref[...], w_ref[...],
                         preferred_element_type=jnp.float32)


def _mm0_call(x, w):
    n, d_in = x.shape
    d = w.shape[1]
    return pl.pallas_call(
        _mm0_body,
        grid=(n // _BR,),
        in_specs=[
            pl.BlockSpec((_BR, d_in), lambda i: (i, 0)),
            pl.BlockSpec((d_in, d), lambda i: (0, 0)),
        ],
        out_specs=pl.BlockSpec((_BR, d), lambda i: (i, 0)),
        out_shape=jax.ShapeDtypeStruct((n, d), jnp.float32),
    )(x, w)


def _scale_body(h_ref, deg_ref, sa_ref, sb_ref, dinv_ref):
    deg = deg_ref[0, :, 0] + deg_ref[1, :, 0] + 1.0
    dinv = lax.rsqrt(deg)
    s = h_ref[...] * dinv[:, None]
    half = s.shape[1] // 2
    sa_ref[...] = s[:, :half]
    sb_ref[...] = s[:, half:]
    dinv_ref[...] = dinv[:, None]


def _scale_call(h, deg_out):
    n, d = h.shape
    half = d // 2
    return pl.pallas_call(
        _scale_body,
        grid=(n // _BR,),
        in_specs=[
            pl.BlockSpec((_BR, d), lambda i: (i, 0)),
            pl.BlockSpec((NC, _BR, 1), lambda i: (0, i, 0)),
        ],
        out_specs=[
            pl.BlockSpec((_BR, half), lambda i: (i, 0)),
            pl.BlockSpec((_BR, half), lambda i: (i, 0)),
            pl.BlockSpec((_BR, 1), lambda i: (i, 0)),
        ],
        out_shape=[
            jax.ShapeDtypeStruct((n, half), jnp.float32),
            jax.ShapeDtypeStruct((n, half), jnp.float32),
            jax.ShapeDtypeStruct((n, 1), jnp.float32),
        ],
    )(h, deg_out)


def _mm2_body(ga_ref, gb_ref, sa_ref, sb_ref, dinv_ref, b_ref, w_ref, o_ref):
    dinv = dinv_ref[...]
    half = ga_ref.shape[1]
    b = b_ref[...]
    xa = jnp.maximum(dinv * (ga_ref[...] + sa_ref[...]) + b[:, :half], 0.0)
    xb = jnp.maximum(dinv * (gb_ref[...] + sb_ref[...]) + b[:, half:], 0.0)
    x1 = jnp.concatenate([xa, xb], axis=1)
    t2 = jnp.dot(x1, w_ref[...], preferred_element_type=jnp.float32)
    o_ref[...] = t2 * dinv


def _mm2_call(ga, gb, sa, sb, dinv, b1, w2):
    n, half = ga.shape
    d_out = w2.shape[1]
    return pl.pallas_call(
        _mm2_body,
        grid=(n // _BR,),
        in_specs=[
            pl.BlockSpec((_BR, half), lambda i: (i, 0)),
            pl.BlockSpec((_BR, half), lambda i: (i, 0)),
            pl.BlockSpec((_BR, half), lambda i: (i, 0)),
            pl.BlockSpec((_BR, half), lambda i: (i, 0)),
            pl.BlockSpec((_BR, 1), lambda i: (i, 0)),
            pl.BlockSpec((1, 2 * half), lambda i: (0, 0)),
            pl.BlockSpec((2 * half, d_out), lambda i: (0, 0)),
        ],
        out_specs=pl.BlockSpec((_BR, d_out), lambda i: (i, 0)),
        out_shape=jax.ShapeDtypeStruct((n, d_out), jnp.float32),
    )(ga, gb, sa, sb, dinv, b1, w2)


def _final_body(gp_ref, s_ref, dinv_ref, b_ref, o_ref):
    dinv = dinv_ref[...]
    g = gp_ref[0] + gp_ref[1]
    o_ref[...] = dinv * (g + s_ref[...]) + b_ref[...]


def _final_call(g_part, s2, dinv, b2):
    _, n, d_out = g_part.shape
    return pl.pallas_call(
        _final_body,
        grid=(n // _BR,),
        in_specs=[
            pl.BlockSpec((NC, _BR, d_out), lambda i: (0, i, 0)),
            pl.BlockSpec((_BR, d_out), lambda i: (i, 0)),
            pl.BlockSpec((_BR, 1), lambda i: (i, 0)),
            pl.BlockSpec((1, d_out), lambda i: (0, 0)),
        ],
        out_specs=pl.BlockSpec((_BR, d_out), lambda i: (i, 0)),
        out_shape=jax.ShapeDtypeStruct((n, d_out), jnp.float32),
    )(g_part, s2, dinv, b2)


@jax.jit
def kernel(X, A, W1, b1, W2, b2):
    n = X.shape[0]
    e = A.shape[1]
    src = A[0]
    dst = A[1]
    src3 = src.reshape(NS, e // NS // CHUNK, CHUNK)
    dst3 = dst.reshape(NS, e // NS // CHUNK, CHUNK)
    src4 = src.reshape(NC * NS, e // (NC * NS) // CHUNK, CHUNK)
    dst4 = dst.reshape(NC * NS, e // (NC * NS) // CHUNK, CHUNK)

    deg_out = _deg_call(dst4, n)
    h1 = _mm0_call(X, W1)
    s1a, s1b, dinv = _scale_call(h1, deg_out[:, :, :1])
    g1a, g1b = _agg_call(True, s1a, s1b, src3, dst3, nd=2)
    s2 = _mm2_call(g1a, g1b, s1a, s1b, dinv, b1.reshape(1, -1), W2)
    g2_part = _agg_call(False, s2, s2, src4, dst4, nd=2)
    return _final_call(g2_part, s2, dinv, b2.reshape(1, -1))

# --- scband reference (transcript-rebuilt; emitter-appended) ---
"""Pipeline reference for scband-gcn-35364760715623 (READ-ONLY COPY).

The authoritative reference and input builder live on the scoring server;
editing this copy changes nothing except your own understanding.
"""

import jax, jax.numpy as jnp
import numpy as np

N = 10000
E = 160000
D_IN = 256
D_HID = 256
D_OUT = 128


def glorot(key, shape):
    limit = float(np.sqrt(6.0 / (shape[0] + shape[1])))
    return jax.random.uniform(key, shape, dtype=jnp.float32, minval=-limit, maxval=limit)


def setup_inputs(seed: int = 0) -> dict:
    key = jax.random.key(seed)
    k1, k2, k3, k4 = jax.random.split(key, 4)
    X = jax.random.normal(k1, (N, D_IN), dtype=jnp.float32)
    A = jax.random.randint(k2, (2, E), 0, N, dtype=jnp.int32)
    W1 = glorot(k3, (D_IN, D_HID))
    b1 = jnp.zeros((D_HID,), dtype=jnp.float32)
    W2 = glorot(k4, (D_HID, D_OUT))
    b2 = jnp.zeros((D_OUT,), dtype=jnp.float32)
    return {"X": X, "A": A, "W1": W1, "b1": b1, "W2": W2, "b2": b2}


def _gcn_conv(x, edge_index, W, b):
    # GCNConv: out = D^{-1/2} (A + I) D^{-1/2} X W + b
    n = x.shape[0]
    src = edge_index[0]
    dst = edge_index[1]
    loop = jnp.arange(n, dtype=src.dtype)
    src = jnp.concatenate([src, loop])
    dst = jnp.concatenate([dst, loop])
    deg = jax.ops.segment_sum(jnp.ones_like(src, dtype=x.dtype), dst, num_segments=n)
    dinv = jnp.where(deg > 0, 1.0 / jnp.sqrt(deg), 0.0)
    norm = dinv[src] * dinv[dst]
    h = x @ W
    msg = h[src] * norm[:, None]
    out = jax.ops.segment_sum(msg, dst, num_segments=n)
    return out + b


def reference(X, A, W1, b1, W2, b2):
    h1 = _gcn_conv(X, A, W1, b1)
    h1 = jax.nn.relu(h1)
    h2 = _gcn_conv(h1, A, W2, b2)
    return h2

if __name__ == "__main__":
    import jax
    _d = setup_inputs()
    print(jax.jit(kernel)(*tuple(_d.values())))

</pallas_src>

<mosaic_0001>
#map = affine_map<(d0, d1) -> (0, 0)>
#map1 = affine_map<(d0, d1) -> (0, 0, 0)>
module attributes {stable_mosaic.version = 14 : i64} {
  func.func @body(%arg0: i32, %arg1: i32, %arg2: memref<10000x128xf32, #tpu.memory_space<hbm>>, %arg3: memref<10000x128xf32, #tpu.memory_space<hbm>>, %arg4: memref<16x80x125xi32, #tpu.memory_space<hbm>>, %arg5: memref<16x80x125xi32, #tpu.memory_space<hbm>>, %arg6: memref<640x128xf32, #tpu.memory_space<hbm>>, %arg7: memref<10000x128xf32, #tpu.memory_space<hbm>>, %arg8: memref<10000x128xf32, #tpu.memory_space<hbm>>, %arg9: memref<8x125xi32, #tpu.memory_space<vmem>>, %arg10: memref<8x125xi32, #tpu.memory_space<vmem>>, %arg11: memref<8x125xi32, #tpu.memory_space<vmem>>, %arg12: memref<8x125xi32, #tpu.memory_space<vmem>>, %arg13: memref<125x128xf32, #tpu.memory_space<vmem>>, %arg14: memref<125x128xf32, #tpu.memory_space<vmem>>, %arg15: memref<10000x128xf32, #tpu.memory_space<vmem_shared>>, %arg16: memref<!tpu.dma_semaphore, #tpu.memory_space<semaphore_mem>>, %arg17: memref<!tpu.dma_semaphore, #tpu.memory_space<semaphore_mem>>, %arg18: memref<!tpu.dma_semaphore, #tpu.memory_space<semaphore_mem>>, %arg19: memref<!tpu.dma_semaphore, #tpu.memory_space<semaphore_mem>>, %arg20: memref<!tpu.dma_semaphore, #tpu.memory_space<semaphore_mem>>, %arg21: memref<!tpu.dma_semaphore, #tpu.memory_space<semaphore_mem>>) attributes {dimension_semantics = [#tpu.dimension_semantics<core_parallel>, #tpu.dimension_semantics<subcore_parallel>], iteration_bounds = array<i64: 2, 16>, scalar_prefetch = 0 : i64, scratch_operands = 13 : i64, tpu.core_type = #tpu.core_type<sc_vector_subcore>, window_params = [{transform_indices = #map}, {transform_indices = #map}, {transform_indices = #map1}, {transform_indices = #map1}, {transform_indices = #map}, {transform_indices = #map}, {transform_indices = #map}]} {
    %mul3A = arith.constant 624 : i32
    %mul3A_0 = arith.muli %arg1, %mul3A : i32
    "tpu.region"() ({
      %run_scoped3A = tpu.sem_alloc : memref<!tpu.dma_semaphore, #tpu.memory_space<semaphore_mem>>
      %dma_start3A = arith.constant 0 : i32
      %dma_start3A_32 = arith.constant 0 : i32
      %dma_start3A_33 = tpu.memref_slice %arg4[%arg1, %dma_start3A, %dma_start3A_32] : memref<16x80x125xi32, #tpu.memory_space<hbm>> -> memref<1x8x125xi32, #tpu.memory_space<hbm>>
      %dma_start3A_34 = tpu.memref_squeeze %dma_start3A_33 : memref<1x8x125xi32, #tpu.memory_space<hbm>> -> memref<8x125xi32, #tpu.memory_space<hbm>>
      %dma_start3A_35 = arith.constant 0 : i32
      %dma_start3A_36 = arith.constant 0 : i32
      %dma_start3A_37 = tpu.memref_slice %arg4[%arg1, %dma_start3A_35, %dma_start3A_36] : memref<16x80x125xi32, #tpu.memory_space<hbm>> -> memref<1x8x125xi32, #tpu.memory_space<hbm>>
      %dma_start3A_38 = tpu.memref_squeeze %dma_start3A_37 : memref<1x8x125xi32, #tpu.memory_space<hbm>> -> memref<8x125xi32, #tpu.memory_space<hbm>>
      tpu.enqueue_dma source(%dma_start3A_38 : memref<8x125xi32, #tpu.memory_space<hbm>>) target(%arg9 : memref<8x125xi32, #tpu.memory_space<vmem>>) target_semaphore(%run_scoped3A : memref<!tpu.dma_semaphore, #tpu.memory_space<semaphore_mem>>)
      %dma_wait3A_39 = arith.constant 0 : i32
      %dma_wait3A_40 = arith.constant 0 : i32
      %dma_wait3A_41 = tpu.memref_slice %arg4[%arg1, %dma_wait3A_39, %dma_wait3A_40] : memref<16x80x125xi32, #tpu.memory_space<hbm>> -> memref<1x8x125xi32, #tpu.memory_space<hbm>>
      %dma_wait3A_42 = tpu.memref_squeeze %dma_wait3A_41 : memref<1x8x125xi32, #tpu.memory_space<hbm>> -> memref<8x125xi32, #tpu.memory_space<hbm>>
      %dma_wait3A_43 = arith.constant 0 : i32
      %dma_wait3A_44 = arith.constant 0 : i32
      %dma_wait3A_45 = tpu.memref_slice %arg4[%arg1, %dma_wait3A_43, %dma_wait3A_44] : memref<16x80x125xi32, #tpu.memory_space<hbm>> -> memref<1x8x125xi32, #tpu.memory_space<hbm>>
      %dma_wait3A_46 = tpu.memref_squeeze %dma_wait3A_45 : memref<1x8x125xi32, #tpu.memory_space<hbm>> -> memref<8x125xi32, #tpu.memory_space<hbm>>
      tpu.wait_dma2 semaphore(%run_scoped3A : memref<!tpu.dma_semaphore, #tpu.memory_space<semaphore_mem>>) src(%dma_wait3A_46 : memref<8x125xi32, #tpu.memory_space<hbm>>) dst(%arg9 : memref<8x125xi32, #tpu.memory_space<vmem>>)
      tpu.yield
    }) : () -> ()
    "tpu.region"() ({
      %run_scoped3A = tpu.sem_alloc : memref<!tpu.dma_semaphore, #tpu.memory_space<semaphore_mem>>
      %dma_start3A = arith.constant 0 : i32
      %dma_start3A_32 = arith.constant 0 : i32
      %dma_start3A_33 = tpu.memref_slice %arg5[%arg1, %dma_start3A, %dma_start3A_32] : memref<16x80x125xi32, #tpu.memory_space<hbm>> -> memref<1x8x125xi32, #tpu.memory_space<hbm>>
      %dma_start3A_34 = tpu.memref_squeeze %dma_start3A_33 : memref<1x8x125xi32, #tpu.memory_space<hbm>> -> memref<8x125xi32, #tpu.memory_space<hbm>>
      %dma_start3A_35 = arith.constant 0 : i32
      %dma_start3A_36 = arith.constant 0 : i32
      %dma_start3A_37 = tpu.memref_slice %arg5[%arg1, %dma_start3A_35, %dma_start3A_36] : memref<16x80x125xi32, #tpu.memory_space<hbm>> -> memref<1x8x125xi32, #tpu.memory_space<hbm>>
      %dma_start3A_38 = tpu.memref_squeeze %dma_start3A_37 : memref<1x8x125xi32, #tpu.memory_space<hbm>> -> memref<8x125xi32, #tpu.memory_space<hbm>>
      tpu.enqueue_dma source(%dma_start3A_38 : memref<8x125xi32, #tpu.memory_space<hbm>>) target(%arg11 : memref<8x125xi32, #tpu.memory_space<vmem>>) target_semaphore(%run_scoped3A : memref<!tpu.dma_semaphore, #tpu.memory_space<semaphore_mem>>)
      %dma_wait3A_39 = arith.constant 0 : i32
      %dma_wait3A_40 = arith.constant 0 : i32
      %dma_wait3A_41 = tpu.memref_slice %arg5[%arg1, %dma_wait3A_39, %dma_wait3A_40] : memref<16x80x125xi32, #tpu.memory_space<hbm>> -> memref<1x8x125xi32, #tpu.memory_space<hbm>>
      %dma_wait3A_42 = tpu.memref_squeeze %dma_wait3A_41 : memref<1x8x125xi32, #tpu.memory_space<hbm>> -> memref<8x125xi32, #tpu.memory_space<hbm>>
      %dma_wait3A_43 = arith.constant 0 : i32
      %dma_wait3A_44 = arith.constant 0 : i32
      %dma_wait3A_45 = tpu.memref_slice %arg5[%arg1, %dma_wait3A_43, %dma_wait3A_44] : memref<16x80x125xi32, #tpu.memory_space<hbm>> -> memref<1x8x125xi32, #tpu.memory_space<hbm>>
      %dma_wait3A_46 = tpu.memref_squeeze %dma_wait3A_45 : memref<1x8x125xi32, #tpu.memory_space<hbm>> -> memref<8x125xi32, #tpu.memory_space<hbm>>
      tpu.wait_dma2 semaphore(%run_scoped3A : memref<!tpu.dma_semaphore, #tpu.memory_space<semaphore_mem>>) src(%dma_wait3A_46 : memref<8x125xi32, #tpu.memory_space<hbm>>) dst(%arg11 : memref<8x125xi32, #tpu.memory_space<vmem>>)
      tpu.yield
    }) : () -> ()
    %eq3A = arith.constant 0 : i32
    %eq3A_1 = arith.cmpi eq, %arg0, %eq3A : i32
    %convert_element_type3A = arith.extui %eq3A_1 : i1 to i32
    %cond3A = arith.constant 0 : i32
    %cond3A_2 = arith.constant 0 : i32
    %cond3A_3 = arith.cmpi ne, %convert_element_type3A, %cond3A_2 : i32
    scf.if %cond3A_3 {
      %dma_start3A = arith.constant 0 : i32
      %dma_start3A_32 = tpu.memref_slice %arg9[%cond3A, %dma_start3A] : memref<8x125xi32, #tpu.memory_space<vmem>> -> memref<1x125xi32, #tpu.memory_space<vmem>>
      %dma_start3A_33 = tpu.memref_squeeze %dma_start3A_32 : memref<1x125xi32, #tpu.memory_space<vmem>> -> memref<125xi32, #tpu.memory_space<vmem>>
      %dma_start3A_34 = arith.constant 0 : i32
      %dma_start3A_35 = arith.constant 0 : i32
      %dma_start3A_36 = tpu.memref_slice %arg2[%dma_start3A_34, %dma_start3A_35] : memref<10000x128xf32, #tpu.memory_space<hbm>> -> memref<10000x128xf32, #tpu.memory_space<hbm>>
      tpu.enqueue_indirect_dma source(%dma_start3A_36 : memref<10000x128xf32, #tpu.memory_space<hbm>>) target(%arg13 : memref<125x128xf32, #tpu.memory_space<vmem>>) offsets(%dma_start3A_33 : memref<125xi32, #tpu.memory_space<vmem>>) semaphore(%arg16 : memref<!tpu.dma_semaphore, #tpu.memory_space<semaphore_mem>>)
    } else {
    }
    %eq3A_4 = arith.constant 1 : i32
    %eq3A_5 = arith.cmpi eq, %arg0, %eq3A_4 : i32
    %convert_element_type3A_6 = arith.extui %eq3A_5 : i1 to i32
    %cond3A_7 = arith.constant 0 : i32
    %cond3A_8 = arith.constant 0 : i32
    %cond3A_9 = arith.cmpi ne, %convert_element_type3A_6, %cond3A_8 : i32
    scf.if %cond3A_9 {
      %dma_start3A = arith.constant 0 : i32
      %dma_start3A_32 = tpu.memref_slice %arg9[%cond3A_7, %dma_start3A] : memref<8x125xi32, #tpu.memory_space<vmem>> -> memref<1x125xi32, #tpu.memory_space<vmem>>
      %dma_start3A_33 = tpu.memref_squeeze %dma_start3A_32 : memref<1x125xi32, #tpu.memory_space<vmem>> -> memref<125xi32, #tpu.memory_space<vmem>>
      %dma_start3A_34 = arith.constant 0 : i32
      %dma_start3A_35 = arith.constant 0 : i32
      %dma_start3A_36 = tpu.memref_slice %arg3[%dma_start3A_34, %dma_start3A_35] : memref<10000x128xf32, #tpu.memory_space<hbm>> -> memref<10000x128xf32, #tpu.memory_space<hbm>>
      tpu.enqueue_indirect_dma source(%dma_start3A_36 : memref<10000x128xf32, #tpu.memory_space<hbm>>) target(%arg13 : memref<125x128xf32, #tpu.memory_space<vmem>>) offsets(%dma_start3A_33 : memref<125xi32, #tpu.memory_space<vmem>>) semaphore(%arg16 : memref<!tpu.dma_semaphore, #tpu.memory_space<semaphore_mem>>)
    } else {
    }
    "tpu.region"() ({
      %run_scoped3A = tpu.sem_alloc : memref<!tpu.dma_semaphore, #tpu.memory_space<semaphore_mem>>
      %dma_start3A = arith.constant 0 : i32
      %dma_start3A_32 = tpu.memref_slice %arg15[%mul3A_0, %dma_start3A] : memref<10000x128xf32, #tpu.memory_space<vmem_shared>> -> memref<640x128xf32, #tpu.memory_space<vmem_shared>>
      tpu.enqueue_dma source(%arg6 : memref<640x128xf32, #tpu.memory_space<hbm>>) target(%dma_start3A_32 : memref<640x128xf32, #tpu.memory_space<vmem_shared>>) target_semaphore(%run_scoped3A : memref<!tpu.dma_semaphore, #tpu.memory_space<semaphore_mem>>)
      %dma_wait3A_33 = arith.constant 0 : i32
      %dma_wait3A_34 = tpu.memref_slice %arg15[%mul3A_0, %dma_wait3A_33] : memref<10000x128xf32, #tpu.memory_space<vmem_shared>> -> memref<640x128xf32, #tpu.memory_space<vmem_shared>>
      tpu.wait_dma2 semaphore(%run_scoped3A : memref<!tpu.dma_semaphore, #tpu.memory_space<semaphore_mem>>) src(%arg6 : memref<640x128xf32, #tpu.memory_space<hbm>>) dst(%dma_wait3A_34 : memref<640x128xf32, #tpu.memory_space<vmem_shared>>)
      tpu.yield
    }) : () -> ()
    %barrier3A = arith.constant 0 : index
    tpu.barrier barrier_id(%barrier3A)
    %scan3A = arith.constant 0 : i32
    %scan3A_10 = arith.constant 0 : i32
    %scan3A_11 = arith.constant 5 : i32
    %scan3A_12 = arith.addi %scan3A_10, %scan3A_11 : i32
    %scan3A_13 = arith.constant 1 : i32
    scf.for %scan3A_32 = %scan3A_10 to %scan3A_12 step %scan3A_13  : i32 {
      %mul3A_33 = arith.constant 2 : i32
      %mul3A_34 = arith.muli %mul3A_33, %scan3A_32 : i32
      %add3A = arith.constant 0 : i32
      %add3A_35 = arith.addi %mul3A_34, %add3A : i32
      %add3A_36 = arith.constant 1 : i32
      %add3A_37 = arith.addi %add3A_35, %add3A_36 : i32
      %lt3A = arith.constant 10 : i32
      %lt3A_38 = arith.cmpi slt, %add3A_37, %lt3A : i32
      %convert_element_type3A_39 = arith.extui %lt3A_38 : i1 to i32
      %cond3A_40 = arith.constant 0 : i32
      %cond3A_41 = arith.cmpi ne, %convert_element_type3A_39, %cond3A_40 : i32
      scf.if %cond3A_41 {
        %add3A_565 = arith.constant 1 : i32
        %add3A_566 = arith.addi %add3A_35, %add3A_565 : i32
        %mul3A_567 = arith.constant 8 : i32
        %mul3A_568 = arith.muli %add3A_566, %mul3A_567 : i32
        %dma_start3A_569 = arith.constant 0 : i32
        %dma_start3A_570 = tpu.memref_slice %arg4[%arg1, %mul3A_568, %dma_start3A_569] : memref<16x80x125xi32, #tpu.memory_space<hbm>> -> memref<1x8x125xi32, #tpu.memory_space<hbm>>
        %dma_start3A_571 = tpu.memref_squeeze %dma_start3A_570 : memref<1x8x125xi32, #tpu.memory_space<hbm>> -> memref<8x125xi32, #tpu.memory_space<hbm>>
        %dma_start3A_572 = arith.constant 0 : i32
        %dma_start3A_573 = tpu.memref_slice %arg4[%arg1, %mul3A_568, %dma_start3A_572] : memref<16x80x125xi32, #tpu.memory_space<hbm>> -> memref<1x8x125xi32, #tpu.memory_space<hbm>>
        %dma_start3A_574 = tpu.memref_squeeze %dma_start3A_573 : memref<1x8x125xi32, #tpu.memory_space<hbm>> -> memref<8x125xi32, #tpu.memory_space<hbm>>
        tpu.enqueue_dma source(%dma_start3A_574 : memref<8x125xi32, #tpu.memory_space<hbm>>) target(%arg10 : memref<8x125xi32, #tpu.memory_space<vmem>>) target_semaphore(%arg21 : memref<!tpu.dma_semaphore, #tpu.memory_space<semaphore_mem>>)
        %dma_start3A_575 = arith.constant 0 : i32
        %dma_start3A_576 = tpu.memref_slice %arg5[%arg1, %mul3A_568, %dma_start3A_575] : memref<16x80x125xi32, #tpu.memory_space<hbm>> -> memref<1x8x125xi32, #tpu.memory_space<hbm>>
        %dma_start3A_577 = tpu.memref_squeeze %dma_start3A_576 : memref<1x8x125xi32, #tpu.memory_space<hbm>> -> memref<8x125xi32, #tpu.memory_space<hbm>>
        %dma_start3A_578 = arith.constant 0 : i32
        %dma_start3A_579 = tpu.memref_slice %arg5[%arg1, %mul3A_568, %dma_start3A_578] : memref<16x80x125xi32, #tpu.memory_space<hbm>> -> memref<1x8x125xi32, #tpu.memory_space<hbm>>
        %dma_start3A_580 = tpu.memref_squeeze %dma_start3A_579 : memref<1x8x125xi32, #tpu.memory_space<hbm>> -> memref<8x125xi32, #tpu.memory_space<hbm>>
        tpu.enqueue_dma source(%dma_start3A_580 : memref<8x125xi32, #tpu.memory_space<hbm>>) target(%arg12 : memref<8x125xi32, #tpu.memory_space<vmem>>) target_semaphore(%arg21 : memref<!tpu.dma_semaphore, #tpu.memory_space<semaphore_mem>>)
      } else {
      }
      %ge3A = arith.constant 1 : i32
      %ge3A_42 = arith.cmpi sge, %add3A_35, %ge3A : i32
      %convert_element_type3A_43 = arith.extui %ge3A_42 : i1 to i32
      %cond3A_44 = arith.constant 0 : i32
      %cond3A_45 = arith.cmpi ne, %convert_element_type3A_43, %cond3A_44 : i32
      scf.if %cond3A_45 {
        %dma_wait3A_565 = arith.constant 0 : i32
        %dma_wait3A_566 = arith.constant 0 : i32
        %dma_wait3A_567 = tpu.memref_slice %arg11[%dma_wait3A_565, %dma_wait3A_566] : memref<8x125xi32, #tpu.memory_space<vmem>> -> memref<1x125xi32, #tpu.memory_space<vmem>>
        %dma_wait3A_568 = tpu.memref_squeeze %dma_wait3A_567 : memref<1x125xi32, #tpu.memory_space<vmem>> -> memref<125xi32, #tpu.memory_space<vmem>>
        %dma_wait3A_569 = arith.constant 0 : i32
        %dma_wait3A_570 = arith.constant 0 : i32
        %dma_wait3A_571 = tpu.memref_slice %arg15[%dma_wait3A_569, %dma_wait3A_570] : memref<10000x128xf32, #tpu.memory_space<vmem_shared>> -> memref<10000x128xf32, #tpu.memory_space<vmem_shared>>
        tpu.wait_indirect_dma semaphore(%arg19 : memref<!tpu.dma_semaphore, #tpu.memory_space<semaphore_mem>>) src(%arg14 : memref<125x128xf32, #tpu.memory_space<vmem>>) dst(%dma_wait3A_571 : memref<10000x128xf32, #tpu.memory_space<vmem_shared>>)
      } else {
      }
      %eq3A_46 = arith.constant 0 : i32
      %eq3A_47 = arith.cmpi eq, %arg0, %eq3A_46 : i32
      %convert_element_type3A_48 = arith.extui %eq3A_47 : i1 to i32
      %cond3A_49 = arith.constant 1 : i32
      %cond3A_50 = arith.constant 0 : i32
      %cond3A_51 = arith.cmpi ne, %convert_element_type3A_48, %cond3A_50 : i32
      scf.if %cond3A_51 {
        %dma_start3A_565 = arith.constant 0 : i32
        %dma_start3A_566 = tpu.memref_slice %arg9[%cond3A_49, %dma_start3A_565] : memref<8x125xi32, #tpu.memory_space<vmem>> -> memref<1x125xi32, #tpu.memory_space<vmem>>
        %dma_start3A_567 = tpu.memref_squeeze %dma_start3A_566 : memref<1x125xi32, #tpu.memory_space<vmem>> -> memref<125xi32, #tpu.memory_space<vmem>>
        %dma_start3A_568 = arith.constant 0 : i32
        %dma_start3A_569 = arith.constant 0 : i32
        %dma_start3A_570 = tpu.memref_slice %arg2[%dma_start3A_568, %dma_start3A_569] : memref<10000x128xf32, #tpu.memory_space<hbm>> -> memref<10000x128xf32, #tpu.memory_space<hbm>>
        tpu.enqueue_indirect_dma source(%dma_start3A_570 : memref<10000x128xf32, #tpu.memory_space<hbm>>) target(%arg14 : memref<125x128xf32, #tpu.memory_space<vmem>>) offsets(%dma_start3A_567 : memref<125xi32, #tpu.memory_space<vmem>>) semaphore(%arg17 : memref<!tpu.dma_semaphore, #tpu.memory_space<semaphore_mem>>)
      } else {
      }
      %eq3A_52 = arith.constant 1 : i32
      %eq3A_53 = arith.cmpi eq, %arg0, %eq3A_52 : i32
      %convert_element_type3A_54 = arith.extui %eq3A_53 : i1 to i32
      %cond3A_55 = arith.constant 1 : i32
      %cond3A_56 = arith.constant 0 : i32
      %cond3A_57 = arith.cmpi ne, %convert_element_type3A_54, %cond3A_56 : i32
      scf.if %cond3A_57 {
        %dma_start3A_565 = arith.constant 0 : i32
        %dma_start3A_566 = tpu.memref_slice %arg9[%cond3A_55, %dma_start3A_565] : memref<8x125xi32, #tpu.memory_space<vmem>> -> memref<1x125xi32, #tpu.memory_space<vmem>>
        %dma_start3A_567 = tpu.memref_squeeze %dma_start3A_566 : memref<1x125xi32, #tpu.memory_space<vmem>> -> memref<125xi32, #tpu.memory_space<vmem>>
        %dma_start3A_568 = arith.constant 0 : i32
        %dma_start3A_569 = arith.constant 0 : i32
        %dma_start3A_570 = tpu.memref_slice %arg3[%dma_start3A_568, %dma_start3A_569] : memref<10000x128xf32, #tpu.memory_space<hbm>> -> memref<10000x128xf32, #tpu.memory_space<hbm>>
        tpu.enqueue_indirect_dma source(%dma_start3A_570 : memref<10000x128xf32, #tpu.memory_space<hbm>>) target(%arg14 : memref<125x128xf32, #tpu.memory_space<vmem>>) offsets(%dma_start3A_567 : memref<125xi32, #tpu.memory_space<vmem>>) semaphore(%arg17 : memref<!tpu.dma_semaphore, #tpu.memory_space<semaphore_mem>>)
      } else {
      }
      %dma_wait3A_58 = arith.constant 0 : i32
      %dma_wait3A_59 = arith.constant 0 : i32
      %dma_wait3A_60 = tpu.memref_slice %arg9[%dma_wait3A_58, %dma_wait3A_59] : memref<8x125xi32, #tpu.memory_space<vmem>> -> memref<1x125xi32, #tpu.memory_space<vmem>>
      %dma_wait3A_61 = tpu.memref_squeeze %dma_wait3A_60 : memref<1x125xi32, #tpu.memory_space<vmem>> -> memref<125xi32, #tpu.memory_space<vmem>>
      %dma_wait3A_62 = arith.constant 0 : i32
      %dma_wait3A_63 = arith.constant 0 : i32
      %dma_wait3A_64 = tpu.memref_slice %arg2[%dma_wait3A_62, %dma_wait3A_63] : memref<10000x128xf32, #tpu.memory_space<hbm>> -> memref<10000x128xf32, #tpu.memory_space<hbm>>
      tpu.wait_indirect_dma semaphore(%arg16 : memref<!tpu.dma_semaphore, #tpu.memory_space<semaphore_mem>>) src(%dma_wait3A_64 : memref<10000x128xf32, #tpu.memory_space<hbm>>) dst(%arg13 : memref<125x128xf32, #tpu.memory_space<vmem>>)
      %dma_start3A = arith.constant 0 : i32
      %dma_start3A_65 = arith.constant 0 : i32
      %dma_start3A_66 = tpu.memref_slice %arg11[%dma_start3A, %dma_start3A_65] : memref<8x125xi32, #tpu.memory_space<vmem>> -> memref<1x125xi32, #tpu.memory_space<vmem>>
      %dma_start3A_67 = tpu.memref_squeeze %dma_start3A_66 : memref<1x125xi32, #tpu.memory_space<vmem>> -> memref<125xi32, #tpu.memory_space<vmem>>
      %dma_start3A_68 = arith.constant 0 : i32
      %dma_start3A_69 = arith.constant 0 : i32
      %dma_start3A_70 = tpu.memref_slice %arg15[%dma_start3A_68, %dma_start3A_69] : memref<10000x128xf32, #tpu.memory_space<vmem_shared>> -> memref<10000x128xf32, #tpu.memory_space<vmem_shared>>
      tpu.enqueue_indirect_dma source(%arg13 : memref<125x128xf32, #tpu.memory_space<vmem>>) target(%dma_start3A_70 : memref<10000x128xf32, #tpu.memory_space<vmem_shared>>) offsets(%dma_start3A_67 : memref<125xi32, #tpu.memory_space<vmem>>) semaphore(%arg18 : memref<!tpu.dma_semaphore, #tpu.memory_space<semaphore_mem>>) {add = true}
      %dma_wait3A_71 = arith.constant 0 : i32
      %dma_wait3A_72 = arith.constant 0 : i32
      %dma_wait3A_73 = tpu.memref_slice %arg11[%dma_wait3A_71, %dma_wait3A_72] : memref<8x125xi32, #tpu.memory_space<vmem>> -> memref<1x125xi32, #tpu.memory_space<vmem>>
      %dma_wait3A_74 = tpu.memref_squeeze %dma_wait3A_73 : memref<1x125xi32, #tpu.memory_space<vmem>> -> memref<125xi32, #tpu.memory_space<vmem>>
      %dma_wait3A_75 = arith.constant 0 : i32
      %dma_wait3A_76 = arith.constant 0 : i32
      %dma_wait3A_77 = tpu.memref_slice %arg15[%dma_wait3A_75, %dma_wait3A_76] : memref<10000x128xf32, #tpu.memory_space<vmem_shared>> -> memref<10000x128xf32, #tpu.memory_space<vmem_shared>>
      tpu.wait_indirect_dma semaphore(%arg18 : memref<!tpu.dma_semaphore, #tpu.memory_space<semaphore_mem>>) src(%arg13 : memref<125x128xf32, #tpu.memory_space<vmem>>) dst(%dma_wait3A_77 : memref<10000x128xf32, #tpu.memory_space<vmem_shared>>)
      %eq3A_78 = arith.constant 0 : i32
      %eq3A_79 = arith.cmpi eq, %arg0, %eq3A_78 : i32
      %convert_element_type3A_80 = arith.extui %eq3A_79 : i1 to i32
      %cond3A_81 = arith.constant 2 : i32
      %cond3A_82 = arith.constant 0 : i32
      %cond3A_83 = arith.cmpi ne, %convert_element_type3A_80, %cond3A_82 : i32
      scf.if %cond3A_83 {
        %dma_start3A_565 = arith.constant 0 : i32
        %dma_start3A_566 = tpu.memref_slice %arg9[%cond3A_81, %dma_start3A_565] : memref<8x125xi32, #tpu.memory_space<vmem>> -> memref<1x125xi32, #tpu.memory_space<vmem>>
        %dma_start3A_567 = tpu.memref_squeeze %dma_start3A_566 : memref<1x125xi32, #tpu.memory_space<vmem>> -> memref<125xi32, #tpu.memory_space<vmem>>
        %dma_start3A_568 = arith.constant 0 : i32
        %dma_start3A_569 = arith.constant 0 : i32
        %dma_start3A_570 = tpu.memref_slice %arg2[%dma_start3A_568, %dma_start3A_569] : memref<10000x128xf32, #tpu.memory_space<hbm>> -> memref<10000x128xf32, #tpu.memory_space<hbm>>
        tpu.enqueue_indirect_dma source(%dma_start3A_570 : memref<10000x128xf32, #tpu.memory_space<hbm>>) target(%arg13 : memref<125x128xf32, #tpu.memory_space<vmem>>) offsets(%dma_start3A_567 : memref<125xi32, #tpu.memory_space<vmem>>) semaphore(%arg16 : memref<!tpu.dma_semaphore, #tpu.memory_space<semaphore_mem>>)
      } else {
      }
      %eq3A_84 = arith.constant 1 : i32
      %eq3A_85 = arith.cmpi eq, %arg0, %eq3A_84 : i32
      %convert_element_type3A_86 = arith.extui %eq3A_85 : i1 to i32
      %cond3A_87 = arith.constant 2 : i32
      %cond3A_88 = arith.constant 0 : i32
      %cond3A_89 = arith.cmpi ne, %convert_element_type3A_86, %cond3A_88 : i32
      scf.if %cond3A_89 {
        %dma_start3A_565 = arith.constant 0 : i32
        %dma_start3A_566 = tpu.memref_slice %arg9[%cond3A_87, %dma_start3A_565] : memref<8x125xi32, #tpu.memory_space<vmem>> -> memref<1x125xi32, #tpu.memory_space<vmem>>
        %dma_start3A_567 = tpu.memref_squeeze %dma_start3A_566 : memref<1x125xi32, #tpu.memory_space<vmem>> -> memref<125xi32, #tpu.memory_space<vmem>>
        %dma_start3A_568 = arith.constant 0 : i32
        %dma_start3A_569 = arith.constant 0 : i32
        %dma_start3A_570 = tpu.memref_slice %arg3[%dma_start3A_568, %dma_start3A_569] : memref<10000x128xf32, #tpu.memory_space<hbm>> -> memref<10000x128xf32, #tpu.memory_space<hbm>>
        tpu.enqueue_indirect_dma source(%dma_start3A_570 : memref<10000x128xf32, #tpu.memory_space<hbm>>) target(%arg13 : memref<125x128xf32, #tpu.memory_space<vmem>>) offsets(%dma_start3A_567 : memref<125xi32, #tpu.memory_space<vmem>>) semaphore(%arg16 : memref<!tpu.dma_semaphore, #tpu.memory_space<semaphore_mem>>)
      } else {
      }
      %dma_wait3A_90 = arith.constant 1 : i32
      %dma_wait3A_91 = arith.constant 0 : i32
      %dma_wait3A_92 = tpu.memref_slice %arg9[%dma_wait3A_90, %dma_wait3A_91] : memref<8x125xi32, #tpu.memory_space<vmem>> -> memref<1x125xi32, #tpu.memory_space<vmem>>
      %dma_wait3A_93 = tpu.memref_squeeze %dma_wait3A_92 : memref<1x125xi32, #tpu.memory_space<vmem>> -> memref<125xi32, #tpu.memory_space<vmem>>
      %dma_wait3A_94 = arith.constant 0 : i32
      %dma_wait3A_95 = arith.constant 0 : i32
      %dma_wait3A_96 = tpu.memref_slice %arg2[%dma_wait3A_94, %dma_wait3A_95] : memref<10000x128xf32, #tpu.memory_space<hbm>> -> memref<10000x128xf32, #tpu.memory_space<hbm>>
      tpu.wait_indirect_dma semaphore(%arg17 : memref<!tpu.dma_semaphore, #tpu.memory_space<semaphore_mem>>) src(%dma_wait3A_96 : memref<10000x128xf32, #tpu.memory_space<hbm>>) dst(%arg14 : memref<125x128xf32, #tpu.memory_space<vmem>>)
      %dma_start3A_97 = arith.constant 1 : i32
      %dma_start3A_98 = arith.constant 0 : i32
      %dma_start3A_99 = tpu.memref_slice %arg11[%dma_start3A_97, %dma_start3A_98] : memref<8x125xi32, #tpu.memory_space<vmem>> -> memref<1x125xi32, #tpu.memory_space<vmem>>
      %dma_start3A_100 = tpu.memref_squeeze %dma_start3A_99 : memref<1x125xi32, #tpu.memory_space<vmem>> -> memref<125xi32, #tpu.memory_space<vmem>>
      %dma_start3A_101 = arith.constant 0 : i32
      %dma_start3A_102 = arith.constant 0 : i32
      %dma_start3A_103 = tpu.memref_slice %arg15[%dma_start3A_101, %dma_start3A_102] : memref<10000x128xf32, #tpu.memory_space<vmem_shared>> -> memref<10000x128xf32, #tpu.memory_space<vmem_shared>>
      tpu.enqueue_indirect_dma source(%arg14 : memref<125x128xf32, #tpu.memory_space<vmem>>) target(%dma_start3A_103 : memref<10000x128xf32, #tpu.memory_space<vmem_shared>>) offsets(%dma_start3A_100 : memref<125xi32, #tpu.memory_space<vmem>>) semaphore(%arg19 : memref<!tpu.dma_semaphore, #tpu.memory_space<semaphore_mem>>) {add = true}
      %dma_wait3A_104 = arith.constant 0 : i32
      %dma_wait3A_105 = arith.constant 0 : i32
      %dma_wait3A_106 = tpu.memref_slice %arg11[%dma_wait3A_104, %dma_wait3A_105] : memref<8x125xi32, #tpu.memory_space<vmem>> -> memref<1x125xi32, #tpu.memory_space<vmem>>
      %dma_wait3A_107 = tpu.memref_squeeze %dma_wait3A_106 : memref<1x125xi32, #tpu.memory_space<vmem>> -> memref<125xi32, #tpu.memory_space<vmem>>
      %dma_wait3A_108 = arith.constant 0 : i32
      %dma_wait3A_109 = arith.constant 0 : i32
      %dma_wait3A_110 = tpu.memref_slice %arg15[%dma_wait3A_108, %dma_wait3A_109] : memref<10000x128xf32, #tpu.memory_space<vmem_shared>> -> memref<10000x128xf32, #tpu.memory_space<vmem_shared>>
      tpu.wait_indirect_dma semaphore(%arg19 : memref<!tpu.dma_semaphore, #tpu.memory_space<semaphore_mem>>) src(%arg14 : memref<125x128xf32, #tpu.memory_space<vmem>>) dst(%dma_wait3A_110 : memref<10000x128xf32, #tpu.memory_space<vmem_shared>>)
      %eq3A_111 = arith.constant 0 : i32
      %eq3A_112 = arith.cmpi eq, %arg0, %eq3A_111 : i32
      %convert_element_type3A_113 = arith.extui %eq3A_112 : i1 to i32
      %cond3A_114 = arith.constant 3 : i32
      %cond3A_115 = arith.constant 0 : i32
      %cond3A_116 = arith.cmpi ne, %convert_element_type3A_113, %cond3A_115 : i32
      scf.if %cond3A_116 {
        %dma_start3A_565 = arith.constant 0 : i32
        %dma_start3A_566 = tpu.memref_slice %arg9[%cond3A_114, %dma_start3A_565] : memref<8x125xi32, #tpu.memory_space<vmem>> -> memref<1x125xi32, #tpu.memory_space<vmem>>
        %dma_start3A_567 = tpu.memref_squeeze %dma_start3A_566 : memref<1x125xi32, #tpu.memory_space<vmem>> -> memref<125xi32, #tpu.memory_space<vmem>>
        %dma_start3A_568 = arith.constant 0 : i32
        %dma_start3A_569 = arith.constant 0 : i32
        %dma_start3A_570 = tpu.memref_slice %arg2[%dma_start3A_568, %dma_start3A_569] : memref<10000x128xf32, #tpu.memory_space<hbm>> -> memref<10000x128xf32, #tpu.memory_space<hbm>>
        tpu.enqueue_indirect_dma source(%dma_start3A_570 : memref<10000x128xf32, #tpu.memory_space<hbm>>) target(%arg14 : memref<125x128xf32, #tpu.memory_space<vmem>>) offsets(%dma_start3A_567 : memref<125xi32, #tpu.memory_space<vmem>>) semaphore(%arg17 : memref<!tpu.dma_semaphore, #tpu.memory_space<semaphore_mem>>)
      } else {
      }
      %eq3A_117 = arith.constant 1 : i32
      %eq3A_118 = arith.cmpi eq, %arg0, %eq3A_117 : i32
      %convert_element_type3A_119 = arith.extui %eq3A_118 : i1 to i32
      %cond3A_120 = arith.constant 3 : i32
      %cond3A_121 = arith.constant 0 : i32
      %cond3A_122 = arith.cmpi ne, %convert_element_type3A_119, %cond3A_121 : i32
      scf.if %cond3A_122 {
        %dma_start3A_565 = arith.constant 0 : i32
        %dma_start3A_566 = tpu.memref_slice %arg9[%cond3A_120, %dma_start3A_565] : memref<8x125xi32, #tpu.memory_space<vmem>> -> memref<1x125xi32, #tpu.memory_space<vmem>>
        %dma_start3A_567 = tpu.memref_squeeze %dma_start3A_566 : memref<1x125xi32, #tpu.memory_space<vmem>> -> memref<125xi32, #tpu.memory_space<vmem>>
        %dma_start3A_568 = arith.constant 0 : i32
        %dma_start3A_569 = arith.constant 0 : i32
        %dma_start3A_570 = tpu.memref_slice %arg3[%dma_start3A_568, %dma_start3A_569] : memref<10000x128xf32, #tpu.memory_space<hbm>> -> memref<10000x128xf32, #tpu.memory_space<hbm>>
        tpu.enqueue_indirect_dma source(%dma_start3A_570 : memref<10000x128xf32, #tpu.memory_space<hbm>>) target(%arg14 : memref<125x128xf32, #tpu.memory_space<vmem>>) offsets(%dma_start3A_567 : memref<125xi32, #tpu.memory_space<vmem>>) semaphore(%arg17 : memref<!tpu.dma_semaphore, #tpu.memory_space<semaphore_mem>>)
      } else {
      }
      %dma_wait3A_123 = arith.constant 2 : i32
      %dma_wait3A_124 = arith.constant 0 : i32
      %dma_wait3A_125 = tpu.memref_slice %arg9[%dma_wait3A_123, %dma_wait3A_124] : memref<8x125xi32, #tpu.memory_space<vmem>> -> memref<1x125xi32, #tpu.memory_space<vmem>>
      %dma_wait3A_126 = tpu.memref_squeeze %dma_wait3A_125 : memref<1x125xi32, #tpu.memory_space<vmem>> -> memref<125xi32, #tpu.memory_space<vmem>>
      %dma_wait3A_127 = arith.constant 0 : i32
      %dma_wait3A_128 = arith.constant 0 : i32
      %dma_wait3A_129 = tpu.memref_slice %arg2[%dma_wait3A_127, %dma_wait3A_128] : memref<10000x128xf32, #tpu.memory_space<hbm>> -> memref<10000x128xf32, #tpu.memory_space<hbm>>
      tpu.wait_indirect_dma semaphore(%arg16 : memref<!tpu.dma_semaphore, #tpu.memory_space<semaphore_mem>>) src(%dma_wait3A_129 : memref<10000x128xf32, #tpu.memory_space<hbm>>) dst(%arg13 : memref<125x128xf32, #tpu.memory_space<vmem>>)
      %dma_start3A_130 = arith.constant 2 : i32
      %dma_start3A_131 = arith.constant 0 : i32
      %dma_start3A_132 = tpu.memref_slice %arg11[%dma_start3A_130, %dma_start3A_131] : memref<8x125xi32, #tpu.memory_space<vmem>> -> memref<1x125xi32, #tpu.memory_space<vmem>>
      %dma_start3A_133 = tpu.memref_squeeze %dma_start3A_132 : memref<1x125xi32, #tpu.memory_space<vmem>> -> memref<125xi32, #tpu.memory_space<vmem>>
      %dma_start3A_134 = arith.constant 0 : i32
      %dma_start3A_135 = arith.constant 0 : i32
      %dma_start3A_136 = tpu.memref_slice %arg15[%dma_start3A_134, %dma_start3A_135] : memref<10000x128xf32, #tpu.memory_space<vmem_shared>> -> memref<10000x128xf32, #tpu.memory_space<vmem_shared>>
      tpu.enqueue_indirect_dma source(%arg13 : memref<125x128xf32, #tpu.memory_space<vmem>>) target(%dma_start3A_136 : memref<10000x128xf32, #tpu.memory_space<vmem_shared>>) offsets(%dma_start3A_133 : memref<125xi32, #tpu.memory_space<vmem>>) semaphore(%arg18 : memref<!tpu.dma_semaphore, #tpu.memory_space<semaphore_mem>>) {add = true}
      %dma_wait3A_137 = arith.constant 0 : i32
      %dma_wait3A_138 = arith.constant 0 : i32
      %dma_wait3A_139 = tpu.memref_slice %arg11[%dma_wait3A_137, %dma_wait3A_138] : memref<8x125xi32, #tpu.memory_space<vmem>> -> memref<1x125xi32, #tpu.memory_space<vmem>>
      %dma_wait3A_140 = tpu.memref_squeeze %dma_wait3A_139 : memref<1x125xi32, #tpu.memory_space<vmem>> -> memref<125xi32, #tpu.memory_space<vmem>>
      %dma_wait3A_141 = arith.constant 0 : i32
      %dma_wait3A_142 = arith.constant 0 : i32
      %dma_wait3A_143 = tpu.memref_slice %arg15[%dma_wait3A_141, %dma_wait3A_142] : memref<10000x128xf32, #tpu.memory_space<vmem_shared>> -> memref<10000x128xf32, #tpu.memory_space<vmem_shared>>
      tpu.wait_indirect_dma semaphore(%arg18 : memref<!tpu.dma_semaphore, #tpu.memory_space<semaphore_mem>>) src(%arg13 : memref<125x128xf32, #tpu.memory_space<vmem>>) dst(%dma_wait3A_143 : memref<10000x128xf32, #tpu.memory_space<vmem_shared>>)
      %eq3A_144 = arith.constant 0 : i32
      %eq3A_145 = arith.cmpi eq, %arg0, %eq3A_144 : i32
      %convert_element_type3A_146 = arith.extui %eq3A_145 : i1 to i32
      %cond3A_147 = arith.constant 4 : i32
      %cond3A_148 = arith.constant 0 : i32
      %cond3A_149 = arith.cmpi ne, %convert_element_type3A_146, %cond3A_148 : i32
      scf.if %cond3A_149 {
        %dma_start3A_565 = arith.constant 0 : i32
        %dma_start3A_566 = tpu.memref_slice %arg9[%cond3A_147, %dma_start3A_565] : memref<8x125xi32, #tpu.memory_space<vmem>> -> memref<1x125xi32, #tpu.memory_space<vmem>>
        %dma_start3A_567 = tpu.memref_squeeze %dma_start3A_566 : memref<1x125xi32, #tpu.memory_space<vmem>> -> memref<125xi32, #tpu.memory_space<vmem>>
        %dma_start3A_568 = arith.constant 0 : i32
        %dma_start3A_569 = arith.constant 0 : i32
        %dma_start3A_570 = tpu.memref_slice %arg2[%dma_start3A_568, %dma_start3A_569] : memref<10000x128xf32, #tpu.memory_space<hbm>> -> memref<10000x128xf32, #tpu.memory_space<hbm>>
        tpu.enqueue_indirect_dma source(%dma_start3A_570 : memref<10000x128xf32, #tpu.memory_space<hbm>>) target(%arg13 : memref<125x128xf32, #tpu.memory_space<vmem>>) offsets(%dma_start3A_567 : memref<125xi32, #tpu.memory_space<vmem>>) semaphore(%arg16 : memref<!tpu.dma_semaphore, #tpu.memory_space<semaphore_mem>>)
      } else {
      }
      %eq3A_150 = arith.constant 1 : i32
      %eq3A_151 = arith.cmpi eq, %arg0, %eq3A_150 : i32
      %convert_element_type3A_152 = arith.extui %eq3A_151 : i1 to i32
      %cond3A_153 = arith.constant 4 : i32
      %cond3A_154 = arith.constant 0 : i32
      %cond3A_155 = arith.cmpi ne, %convert_element_type3A_152, %cond3A_154 : i32
      scf.if %cond3A_155 {
        %dma_start3A_565 = arith.constant 0 : i32
        %dma_start3A_566 = tpu.memref_slice %arg9[%cond3A_153, %dma_start3A_565] : memref<8x125xi32, #tpu.memory_space<vmem>> -> memref<1x125xi32, #tpu.memory_space<vmem>>
        %dma_start3A_567 = tpu.memref_squeeze %dma_start3A_566 : memref<1x125xi32, #tpu.memory_space<vmem>> -> memref<125xi32, #tpu.memory_space<vmem>>
        %dma_start3A_568 = arith.constant 0 : i32
        %dma_start3A_569 = arith.constant 0 : i32
        %dma_start3A_570 = tpu.memref_slice %arg3[%dma_start3A_568, %dma_start3A_569] : memref<10000x128xf32, #tpu.memory_space<hbm>> -> memref<10000x128xf32, #tpu.memory_space<hbm>>
        tpu.enqueue_indirect_dma source(%dma_start3A_570 : memref<10000x128xf32, #tpu.memory_space<hbm>>) target(%arg13 : memref<125x128xf32, #tpu.memory_space<vmem>>) offsets(%dma_start3A_567 : memref<125xi32, #tpu.memory_space<vmem>>) semaphore(%arg16 : memref<!tpu.dma_semaphore, #tpu.memory_space<semaphore_mem>>)
      } else {
      }
      %dma_wait3A_156 = arith.constant 3 : i32
      %dma_wait3A_157 = arith.constant 0 : i32
      %dma_wait3A_158 = tpu.memref_slice %arg9[%dma_wait3A_156, %dma_wait3A_157] : memref<8x125xi32, #tpu.memory_space<vmem>> -> memref<1x125xi32, #tpu.memory_space<vmem>>
      %dma_wait3A_159 = tpu.memref_squeeze %dma_wait3A_158 : memref<1x125xi32, #tpu.memory_space<vmem>> -> memref<125xi32, #tpu.memory_space<vmem>>
      %dma_wait3A_160 = arith.constant 0 : i32
      %dma_wait3A_161 = arith.constant 0 : i32
      %dma_wait3A_162 = tpu.memref_slice %arg2[%dma_wait3A_160, %dma_wait3A_161] : memref<10000x128xf32, #tpu.memory_space<hbm>> -> memref<10000x128xf32, #tpu.memory_space<hbm>>
      tpu.wait_indirect_dma semaphore(%arg17 : memref<!tpu.dma_semaphore, #tpu.memory_space<semaphore_mem>>) src(%dma_wait3A_162 : memref<10000x128xf32, #tpu.memory_space<hbm>>) dst(%arg14 : memref<125x128xf32, #tpu.memory_space<vmem>>)
      %dma_start3A_163 = arith.constant 3 : i32
      %dma_start3A_164 = arith.constant 0 : i32
      %dma_start3A_165 = tpu.memref_slice %arg11[%dma_start3A_163, %dma_start3A_164] : memref<8x125xi32, #tpu.memory_space<vmem>> -> memref<1x125xi32, #tpu.memory_space<vmem>>
      %dma_start3A_166 = tpu.memref_squeeze %dma_start3A_165 : memref<1x125xi32, #tpu.memory_space<vmem>> -> memref<125xi32, #tpu.memory_space<vmem>>
      %dma_start3A_167 = arith.constant 0 : i32
      %dma_start3A_168 = arith.constant 0 : i32
      %dma_start3A_169 = tpu.memref_slice %arg15[%dma_start3A_167, %dma_start3A_168] : memref<10000x128xf32, #tpu.memory_space<vmem_shared>> -> memref<10000x128xf32, #tpu.memory_space<vmem_shared>>
      tpu.enqueue_indirect_dma source(%arg14 : memref<125x128xf32, #tpu.memory_space<vmem>>) target(%dma_start3A_169 : memref<10000x128xf32, #tpu.memory_space<vmem_shared>>) offsets(%dma_start3A_166 : memref<125xi32, #tpu.memory_space<vmem>>) semaphore(%arg19 : memref<!tpu.dma_semaphore, #tpu.memory_space<semaphore_mem>>) {add = true}
      %dma_wait3A_170 = arith.constant 0 : i32
      %dma_wait3A_171 = arith.constant 0 : i32
      %dma_wait3A_172 = tpu.memref_slice %arg11[%dma_wait3A_170, %dma_wait3A_171] : memref<8x125xi32, #tpu.memory_space<vmem>> -> memref<1x125xi32, #tpu.memory_space<vmem>>
      %dma_wait3A_173 = tpu.memref_squeeze %dma_wait3A_172 : memref<1x125xi32, #tpu.memory_space<vmem>> -> memref<125xi32, #tpu.memory_space<vmem>>
      %dma_wait3A_174 = arith.constant 0 : i32
      %dma_wait3A_175 = arith.constant 0 : i32
      %dma_wait3A_176 = tpu.memref_slice %arg15[%dma_wait3A_174, %dma_wait3A_175] : memref<10000x128xf32, #tpu.memory_space<vmem_shared>> -> memref<10000x128xf32, #tpu.memory_space<vmem_shared>>
      tpu.wait_indirect_dma semaphore(%arg19 : memref<!tpu.dma_semaphore, #tpu.memory_space<semaphore_mem>>) src(%arg14 : memref<125x128xf32, #tpu.memory_space<vmem>>) dst(%dma_wait3A_176 : memref<10000x128xf32, #tpu.memory_space<vmem_shared>>)
      %eq3A_177 = arith.constant 0 : i32
      %eq3A_178 = arith.cmpi eq, %arg0, %eq3A_177 : i32
      %convert_element_type3A_179 = arith.extui %eq3A_178 : i1 to i32
      %cond3A_180 = arith.constant 5 : i32
      %cond3A_181 = arith.constant 0 : i32
      %cond3A_182 = arith.cmpi ne, %convert_element_type3A_179, %cond3A_181 : i32
      scf.if %cond3A_182 {
        %dma_start3A_565 = arith.constant 0 : i32
        %dma_start3A_566 = tpu.memref_slice %arg9[%cond3A_180, %dma_start3A_565] : memref<8x125xi32, #tpu.memory_space<vmem>> -> memref<1x125xi32, #tpu.memory_space<vmem>>
        %dma_start3A_567 = tpu.memref_squeeze %dma_start3A_566 : memref<1x125xi32, #tpu.memory_space<vmem>> -> memref<125xi32, #tpu.memory_space<vmem>>
        %dma_start3A_568 = arith.constant 0 : i32
        %dma_start3A_569 = arith.constant 0 : i32
        %dma_start3A_570 = tpu.memref_slice %arg2[%dma_start3A_568, %dma_start3A_569] : memref<10000x128xf32, #tpu.memory_space<hbm>> -> memref<10000x128xf32, #tpu.memory_space<hbm>>
        tpu.enqueue_indirect_dma source(%dma_start3A_570 : memref<10000x128xf32, #tpu.memory_space<hbm>>) target(%arg14 : memref<125x128xf32, #tpu.memory_space<vmem>>) offsets(%dma_start3A_567 : memref<125xi32, #tpu.memory_space<vmem>>) semaphore(%arg17 : memref<!tpu.dma_semaphore, #tpu.memory_space<semaphore_mem>>)
      } else {
      }
      %eq3A_183 = arith.constant 1 : i32
      %eq3A_184 = arith.cmpi eq, %arg0, %eq3A_183 : i32
      %convert_element_type3A_185 = arith.extui %eq3A_184 : i1 to i32
      %cond3A_186 = arith.constant 5 : i32
      %cond3A_187 = arith.constant 0 : i32
      %cond3A_188 = arith.cmpi ne, %convert_element_type3A_185, %cond3A_187 : i32
      scf.if %cond3A_188 {
        %dma_start3A_565 = arith.constant 0 : i32
        %dma_start3A_566 = tpu.memref_slice %arg9[%cond3A_186, %dma_start3A_565] : memref<8x125xi32, #tpu.memory_space<vmem>> -> memref<1x125xi32, #tpu.memory_space<vmem>>
        %dma_start3A_567 = tpu.memref_squeeze %dma_start3A_566 : memref<1x125xi32, #tpu.memory_space<vmem>> -> memref<125xi32, #tpu.memory_space<vmem>>
        %dma_start3A_568 = arith.constant 0 : i32
        %dma_start3A_569 = arith.constant 0 : i32
        %dma_start3A_570 = tpu.memref_slice %arg3[%dma_start3A_568, %dma_start3A_569] : memref<10000x128xf32, #tpu.memory_space<hbm>> -> memref<10000x128xf32, #tpu.memory_space<hbm>>
        tpu.enqueue_indirect_dma source(%dma_start3A_570 : memref<10000x128xf32, #tpu.memory_space<hbm>>) target(%arg14 : memref<125x128xf32, #tpu.memory_space<vmem>>) offsets(%dma_start3A_567 : memref<125xi32, #tpu.memory_space<vmem>>) semaphore(%arg17 : memref<!tpu.dma_semaphore, #tpu.memory_space<semaphore_mem>>)
      } else {
      }
      %dma_wait3A_189 = arith.constant 4 : i32
      %dma_wait3A_190 = arith.constant 0 : i32
      %dma_wait3A_191 = tpu.memref_slice %arg9[%dma_wait3A_189, %dma_wait3A_190] : memref<8x125xi32, #tpu.memory_space<vmem>> -> memref<1x125xi32, #tpu.memory_space<vmem>>
      %dma_wait3A_192 = tpu.memref_squeeze %dma_wait3A_191 : memref<1x125xi32, #tpu.memory_space<vmem>> -> memref<125xi32, #tpu.memory_space<vmem>>
      %dma_wait3A_193 = arith.constant 0 : i32
      %dma_wait3A_194 = arith.constant 0 : i32
      %dma_wait3A_195 = tpu.memref_slice %arg2[%dma_wait3A_193, %dma_wait3A_194] : memref<10000x128xf32, #tpu.memory_space<hbm>> -> memref<10000x128xf32, #tpu.memory_space<hbm>>
      tpu.wait_indirect_dma semaphore(%arg16 : memref<!tpu.dma_semaphore, #tpu.memory_space<semaphore_mem>>) src(%dma_wait3A_195 : memref<10000x128xf32, #tpu.memory_space<hbm>>) dst(%arg13 : memref<125x128xf32, #tpu.memory_space<vmem>>)
      %dma_start3A_196 = arith.constant 4 : i32
      %dma_start3A_197 = arith.constant 0 : i32
      %dma_start3A_198 = tpu.memref_slice %arg11[%dma_start3A_196, %dma_start3A_197] : memref<8x125xi32, #tpu.memory_space<vmem>> -> memref<1x125xi32, #tpu.memory_space<vmem>>
      %dma_start3A_199 = tpu.memref_squeeze %dma_start3A_198 : memref<1x125xi32, #tpu.memory_space<vmem>> -> memref<125xi32, #tpu.memory_space<vmem>>
      %dma_start3A_200 = arith.constant 0 : i32
      %dma_start3A_201 = arith.constant 0 : i32
      %dma_start3A_202 = tpu.memref_slice %arg15[%dma_start3A_200, %dma_start3A_201] : memref<10000x128xf32, #tpu.memory_space<vmem_shared>> -> memref<10000x128xf32, #tpu.memory_space<vmem_shared>>
      tpu.enqueue_indirect_dma source(%arg13 : memref<125x128xf32, #tpu.memory_space<vmem>>) target(%dma_start3A_202 : memref<10000x128xf32, #tpu.memory_space<vmem_shared>>) offsets(%dma_start3A_199 : memref<125xi32, #tpu.memory_space<vmem>>) semaphore(%arg18 : memref<!tpu.dma_semaphore, #tpu.memory_space<semaphore_mem>>) {add = true}
      %dma_wait3A_203 = arith.constant 0 : i32
      %dma_wait3A_204 = arith.constant 0 : i32
      %dma_wait3A_205 = tpu.memref_slice %arg11[%dma_wait3A_203, %dma_wait3A_204] : memref<8x125xi32, #tpu.memory_space<vmem>> -> memref<1x125xi32, #tpu.memory_space<vmem>>
      %dma_wait3A_206 = tpu.memref_squeeze %dma_wait3A_205 : memref<1x125xi32, #tpu.memory_space<vmem>> -> memref<125xi32, #tpu.memory_space<vmem>>
      %dma_wait3A_207 = arith.constant 0 : i32
      %dma_wait3A_208 = arith.constant 0 : i32
      %dma_wait3A_209 = tpu.memref_slice %arg15[%dma_wait3A_207, %dma_wait3A_208] : memref<10000x128xf32, #tpu.memory_space<vmem_shared>> -> memref<10000x128xf32, #tpu.memory_space<vmem_shared>>
      tpu.wait_indirect_dma semaphore(%arg18 : memref<!tpu.dma_semaphore, #tpu.memory_space<semaphore_mem>>) src(%arg13 : memref<125x128xf32, #tpu.memory_space<vmem>>) dst(%dma_wait3A_209 : memref<10000x128xf32, #tpu.memory_space<vmem_shared>>)
      %eq3A_210 = arith.constant 0 : i32
      %eq3A_211 = arith.cmpi eq, %arg0, %eq3A_210 : i32
      %convert_element_type3A_212 = arith.extui %eq3A_211 : i1 to i32
      %cond3A_213 = arith.constant 6 : i32
      %cond3A_214 = arith.constant 0 : i32
      %cond3A_215 = arith.cmpi ne, %convert_element_type3A_212, %cond3A_214 : i32
      scf.if %cond3A_215 {
        %dma_start3A_565 = arith.constant 0 : i32
        %dma_start3A_566 = tpu.memref_slice %arg9[%cond3A_213, %dma_start3A_565] : memref<8x125xi32, #tpu.memory_space<vmem>> -> memref<1x125xi32, #tpu.memory_space<vmem>>
        %dma_start3A_567 = tpu.memref_squeeze %dma_start3A_566 : memref<1x125xi32, #tpu.memory_space<vmem>> -> memref<125xi32, #tpu.memory_space<vmem>>
        %dma_start3A_568 = arith.constant 0 : i32
        %dma_start3A_569 = arith.constant 0 : i32
        %dma_start3A_570 = tpu.memref_slice %arg2[%dma_start3A_568, %dma_start3A_569] : memref<10000x128xf32, #tpu.memory_space<hbm>> -> memref<10000x128xf32, #tpu.memory_space<hbm>>
        tpu.enqueue_indirect_dma source(%dma_start3A_570 : memref<10000x128xf32, #tpu.memory_space<hbm>>) target(%arg13 : memref<125x128xf32, #tpu.memory_space<vmem>>) offsets(%dma_start3A_567 : memref<125xi32, #tpu.memory_space<vmem>>) semaphore(%arg16 : memref<!tpu.dma_semaphore, #tpu.memory_space<semaphore_mem>>)
      } else {
      }
      %eq3A_216 = arith.constant 1 : i32
      %eq3A_217 = arith.cmpi eq, %arg0, %eq3A_216 : i32
      %convert_element_type3A_218 = arith.extui %eq3A_217 : i1 to i32
      %cond3A_219 = arith.constant 6 : i32
      %cond3A_220 = arith.constant 0 : i32
      %cond3A_221 = arith.cmpi ne, %convert_element_type3A_218, %cond3A_220 : i32
      scf.if %cond3A_221 {
        %dma_start3A_565 = arith.constant 0 : i32
        %dma_start3A_566 = tpu.memref_slice %arg9[%cond3A_219, %dma_start3A_565] : memref<8x125xi32, #tpu.memory_space<vmem>> -> memref<1x125xi32, #tpu.memory_space<vmem>>
        %dma_start3A_567 = tpu.memref_squeeze %dma_start3A_566 : memref<1x125xi32, #tpu.memory_space<vmem>> -> memref<125xi32, #tpu.memory_space<vmem>>
        %dma_start3A_568 = arith.constant 0 : i32
        %dma_start3A_569 = arith.constant 0 : i32
        %dma_start3A_570 = tpu.memref_slice %arg3[%dma_start3A_568, %dma_start3A_569] : memref<10000x128xf32, #tpu.memory_space<hbm>> -> memref<10000x128xf32, #tpu.memory_space<hbm>>
        tpu.enqueue_indirect_dma source(%dma_start3A_570 : memref<10000x128xf32, #tpu.memory_space<hbm>>) target(%arg13 : memref<125x128xf32, #tpu.memory_space<vmem>>) offsets(%dma_start3A_567 : memref<125xi32, #tpu.memory_space<vmem>>) semaphore(%arg16 : memref<!tpu.dma_semaphore, #tpu.memory_space<semaphore_mem>>)
      } else {
      }
      %dma_wait3A_222 = arith.constant 5 : i32
      %dma_wait3A_223 = arith.constant 0 : i32
      %dma_wait3A_224 = tpu.memref_slice %arg9[%dma_wait3A_222, %dma_wait3A_223] : memref<8x125xi32, #tpu.memory_space<vmem>> -> memref<1x125xi32, #tpu.memory_space<vmem>>
      %dma_wait3A_225 = tpu.memref_squeeze %dma_wait3A_224 : memref<1x125xi32, #tpu.memory_space<vmem>> -> memref<125xi32, #tpu.memory_space<vmem>>
      %dma_wait3A_226 = arith.constant 0 : i32
      %dma_wait3A_227 = arith.constant 0 : i32
      %dma_wait3A_228 = tpu.memref_slice %arg2[%dma_wait3A_226, %dma_wait3A_227] : memref<10000x128xf32, #tpu.memory_space<hbm>> -> memref<10000x128xf32, #tpu.memory_space<hbm>>
      tpu.wait_indirect_dma semaphore(%arg17 : memref<!tpu.dma_semaphore, #tpu.memory_space<semaphore_mem>>) src(%dma_wait3A_228 : memref<10000x128xf32, #tpu.memory_space<hbm>>) dst(%arg14 : memref<125x128xf32, #tpu.memory_space<vmem>>)
      %dma_start3A_229 = arith.constant 5 : i32
      %dma_start3A_230 = arith.constant 0 : i32
      %dma_start3A_231 = tpu.memref_slice %arg11[%dma_start3A_229, %dma_start3A_230] : memref<8x125xi32, #tpu.memory_space<vmem>> -> memref<1x125xi32, #tpu.memory_space<vmem>>
      %dma_start3A_232 = tpu.memref_squeeze %dma_start3A_231 : memref<1x125xi32, #tpu.memory_space<vmem>> -> memref<125xi32, #tpu.memory_space<vmem>>
      %dma_start3A_233 = arith.constant 0 : i32
      %dma_start3A_234 = arith.constant 0 : i32
      %dma_start3A_235 = tpu.memref_slice %arg15[%dma_start3A_233, %dma_start3A_234] : memref<10000x128xf32, #tpu.memory_space<vmem_shared>> -> memref<10000x128xf32, #tpu.memory_space<vmem_shared>>
      tpu.enqueue_indirect_dma source(%arg14 : memref<125x128xf32, #tpu.memory_space<vmem>>) target(%dma_start3A_235 : memref<10000x128xf32, #tpu.memory_space<vmem_shared>>) offsets(%dma_start3A_232 : memref<125xi32, #tpu.memory_space<vmem>>) semaphore(%arg19 : memref<!tpu.dma_semaphore, #tpu.memory_space<semaphore_mem>>) {add = true}
      %dma_wait3A_236 = arith.constant 0 : i32
      %dma_wait3A_237 = arith.constant 0 : i32
      %dma_wait3A_238 = tpu.memref_slice %arg11[%dma_wait3A_236, %dma_wait3A_237] : memref<8x125xi32, #tpu.memory_space<vmem>> -> memref<1x125xi32, #tpu.memory_space<vmem>>
      %dma_wait3A_239 = tpu.memref_squeeze %dma_wait3A_238 : memref<1x125xi32, #tpu.memory_space<vmem>> -> memref<125xi32, #tpu.memory_space<vmem>>
      %dma_wait3A_240 = arith.constant 0 : i32
      %dma_wait3A_241 = arith.constant 0 : i32
      %dma_wait3A_242 = tpu.memref_slice %arg15[%dma_wait3A_240, %dma_wait3A_241] : memref<10000x128xf32, #tpu.memory_space<vmem_shared>> -> memref<10000x128xf32, #tpu.memory_space<vmem_shared>>
      tpu.wait_indirect_dma semaphore(%arg19 : memref<!tpu.dma_semaphore, #tpu.memory_space<semaphore_mem>>) src(%arg14 : memref<125x128xf32, #tpu.memory_space<vmem>>) dst(%dma_wait3A_242 : memref<10000x128xf32, #tpu.memory_space<vmem_shared>>)
      %eq3A_243 = arith.constant 0 : i32
      %eq3A_244 = arith.cmpi eq, %arg0, %eq3A_243 : i32
      %convert_element_type3A_245 = arith.extui %eq3A_244 : i1 to i32
      %cond3A_246 = arith.constant 7 : i32
      %cond3A_247 = arith.constant 0 : i32
      %cond3A_248 = arith.cmpi ne, %convert_element_type3A_245, %cond3A_247 : i32
      scf.if %cond3A_248 {
        %dma_start3A_565 = arith.constant 0 : i32
        %dma_start3A_566 = tpu.memref_slice %arg9[%cond3A_246, %dma_start3A_565] : memref<8x125xi32, #tpu.memory_space<vmem>> -> memref<1x125xi32, #tpu.memory_space<vmem>>
        %dma_start3A_567 = tpu.memref_squeeze %dma_start3A_566 : memref<1x125xi32, #tpu.memory_space<vmem>> -> memref<125xi32, #tpu.memory_space<vmem>>
        %dma_start3A_568 = arith.constant 0 : i32
        %dma_start3A_569 = arith.constant 0 : i32
        %dma_start3A_570 = tpu.memref_slice %arg2[%dma_start3A_568, %dma_start3A_569] : memref<10000x128xf32, #tpu.memory_space<hbm>> -> memref<10000x128xf32, #tpu.memory_space<hbm>>
        tpu.enqueue_indirect_dma source(%dma_start3A_570 : memref<10000x128xf32, #tpu.memory_space<hbm>>) target(%arg14 : memref<125x128xf32, #tpu.memory_space<vmem>>) offsets(%dma_start3A_567 : memref<125xi32, #tpu.memory_space<vmem>>) semaphore(%arg17 : memref<!tpu.dma_semaphore, #tpu.memory_space<semaphore_mem>>)
      } else {
      }
      %eq3A_249 = arith.constant 1 : i32
      %eq3A_250 = arith.cmpi eq, %arg0, %eq3A_249 : i32
      %convert_element_type3A_251 = arith.extui %eq3A_250 : i1 to i32
      %cond3A_252 = arith.constant 7 : i32
      %cond3A_253 = arith.constant 0 : i32
      %cond3A_254 = arith.cmpi ne, %convert_element_type3A_251, %cond3A_253 : i32
      scf.if %cond3A_254 {
        %dma_start3A_565 = arith.constant 0 : i32
        %dma_start3A_566 = tpu.memref_slice %arg9[%cond3A_252, %dma_start3A_565] : memref<8x125xi32, #tpu.memory_space<vmem>> -> memref<1x125xi32, #tpu.memory_space<vmem>>
        %dma_start3A_567 = tpu.memref_squeeze %dma_start3A_566 : memref<1x125xi32, #tpu.memory_space<vmem>> -> memref<125xi32, #tpu.memory_space<vmem>>
        %dma_start3A_568 = arith.constant 0 : i32
        %dma_start3A_569 = arith.constant 0 : i32
        %dma_start3A_570 = tpu.memref_slice %arg3[%dma_start3A_568, %dma_start3A_569] : memref<10000x128xf32, #tpu.memory_space<hbm>> -> memref<10000x128xf32, #tpu.memory_space<hbm>>
        tpu.enqueue_indirect_dma source(%dma_start3A_570 : memref<10000x128xf32, #tpu.memory_space<hbm>>) target(%arg14 : memref<125x128xf32, #tpu.memory_space<vmem>>) offsets(%dma_start3A_567 : memref<125xi32, #tpu.memory_space<vmem>>) semaphore(%arg17 : memref<!tpu.dma_semaphore, #tpu.memory_space<semaphore_mem>>)
      } else {
      }
      %dma_wait3A_255 = arith.constant 6 : i32
      %dma_wait3A_256 = arith.constant 0 : i32
      %dma_wait3A_257 = tpu.memref_slice %arg9[%dma_wait3A_255, %dma_wait3A_256] : memref<8x125xi32, #tpu.memory_space<vmem>> -> memref<1x125xi32, #tpu.memory_space<vmem>>
      %dma_wait3A_258 = tpu.memref_squeeze %dma_wait3A_257 : memref<1x125xi32, #tpu.memory_space<vmem>> -> memref<125xi32, #tpu.memory_space<vmem>>
      %dma_wait3A_259 = arith.constant 0 : i32
      %dma_wait3A_260 = arith.constant 0 : i32
      %dma_wait3A_261 = tpu.memref_slice %arg2[%dma_wait3A_259, %dma_wait3A_260] : memref<10000x128xf32, #tpu.memory_space<hbm>> -> memref<10000x128xf32, #tpu.memory_space<hbm>>
      tpu.wait_indirect_dma semaphore(%arg16 : memref<!tpu.dma_semaphore, #tpu.memory_space<semaphore_mem>>) src(%dma_wait3A_261 : memref<10000x128xf32, #tpu.memory_space<hbm>>) dst(%arg13 : memref<125x128xf32, #tpu.memory_space<vmem>>)
      %dma_start3A_262 = arith.constant 6 : i32
      %dma_start3A_263 = arith.constant 0 : i32
      %dma_start3A_264 = tpu.memref_slice %arg11[%dma_start3A_262, %dma_start3A_263] : memref<8x125xi32, #tpu.memory_space<vmem>> -> memref<1x125xi32, #tpu.memory_space<vmem>>
      %dma_start3A_265 = tpu.memref_squeeze %dma_start3A_264 : memref<1x125xi32, #tpu.memory_space<vmem>> -> memref<125xi32, #tpu.memory_space<vmem>>
      %dma_start3A_266 = arith.constant 0 : i32
      %dma_start3A_267 = arith.constant 0 : i32
      %dma_start3A_268 = tpu.memref_slice %arg15[%dma_start3A_266, %dma_start3A_267] : memref<10000x128xf32, #tpu.memory_space<vmem_shared>> -> memref<10000x128xf32, #tpu.memory_space<vmem_shared>>
      tpu.enqueue_indirect_dma source(%arg13 : memref<125x128xf32, #tpu.memory_space<vmem>>) target(%dma_start3A_268 : memref<10000x128xf32, #tpu.memory_space<vmem_shared>>) offsets(%dma_start3A_265 : memref<125xi32, #tpu.memory_space<vmem>>) semaphore(%arg18 : memref<!tpu.dma_semaphore, #tpu.memory_space<semaphore_mem>>) {add = true}
      %dma_wait3A_269 = arith.constant 0 : i32
      %dma_wait3A_270 = arith.constant 0 : i32
      %dma_wait3A_271 = tpu.memref_slice %arg11[%dma_wait3A_269, %dma_wait3A_270] : memref<8x125xi32, #tpu.memory_space<vmem>> -> memref<1x125xi32, #tpu.memory_space<vmem>>
      %dma_wait3A_272 = tpu.memref_squeeze %dma_wait3A_271 : memref<1x125xi32, #tpu.memory_space<vmem>> -> memref<125xi32, #tpu.memory_space<vmem>>
      %dma_wait3A_273 = arith.constant 0 : i32
      %dma_wait3A_274 = arith.constant 0 : i32
      %dma_wait3A_275 = tpu.memref_slice %arg15[%dma_wait3A_273, %dma_wait3A_274] : memref<10000x128xf32, #tpu.memory_space<vmem_shared>> -> memref<10000x128xf32, #tpu.memory_space<vmem_shared>>
      tpu.wait_indirect_dma semaphore(%arg18 : memref<!tpu.dma_semaphore, #tpu.memory_space<semaphore_mem>>) src(%arg13 : memref<125x128xf32, #tpu.memory_space<vmem>>) dst(%dma_wait3A_275 : memref<10000x128xf32, #tpu.memory_space<vmem_shared>>)
      %add3A_276 = arith.constant 1 : i32
      %add3A_277 = arith.addi %add3A_35, %add3A_276 : i32
      %lt3A_278 = arith.constant 10 : i32
      %lt3A_279 = arith.cmpi slt, %add3A_277, %lt3A_278 : i32
      %convert_element_type3A_280 = arith.extui %lt3A_279 : i1 to i32
      %cond3A_281 = arith.constant 0 : i32
      %cond3A_282 = arith.cmpi ne, %convert_element_type3A_280, %cond3A_281 : i32
      scf.if %cond3A_282 {
        %dma_wait3A_565 = arith.constant 0 : i32
        %dma_wait3A_566 = arith.constant 0 : i32
        %dma_wait3A_567 = tpu.memref_slice %arg4[%arg1, %dma_wait3A_565, %dma_wait3A_566] : memref<16x80x125xi32, #tpu.memory_space<hbm>> -> memref<1x8x125xi32, #tpu.memory_space<hbm>>
        %dma_wait3A_568 = tpu.memref_squeeze %dma_wait3A_567 : memref<1x8x125xi32, #tpu.memory_space<hbm>> -> memref<8x125xi32, #tpu.memory_space<hbm>>
        %dma_wait3A_569 = arith.constant 0 : i32
        %dma_wait3A_570 = arith.constant 0 : i32
        %dma_wait3A_571 = tpu.memref_slice %arg4[%arg1, %dma_wait3A_569, %dma_wait3A_570] : memref<16x80x125xi32, #tpu.memory_space<hbm>> -> memref<1x8x125xi32, #tpu.memory_space<hbm>>
        %dma_wait3A_572 = tpu.memref_squeeze %dma_wait3A_571 : memref<1x8x125xi32, #tpu.memory_space<hbm>> -> memref<8x125xi32, #tpu.memory_space<hbm>>
        tpu.wait_dma2 semaphore(%arg21 : memref<!tpu.dma_semaphore, #tpu.memory_space<semaphore_mem>>) src(%dma_wait3A_572 : memref<8x125xi32, #tpu.memory_space<hbm>>) dst(%arg10 : memref<8x125xi32, #tpu.memory_space<vmem>>)
        %dma_wait3A_573 = arith.constant 0 : i32
        %dma_wait3A_574 = arith.constant 0 : i32
        %dma_wait3A_575 = tpu.memref_slice %arg5[%arg1, %dma_wait3A_573, %dma_wait3A_574] : memref<16x80x125xi32, #tpu.memory_space<hbm>> -> memref<1x8x125xi32, #tpu.memory_space<hbm>>
        %dma_wait3A_576 = tpu.memref_squeeze %dma_wait3A_575 : memref<1x8x125xi32, #tpu.memory_space<hbm>> -> memref<8x125xi32, #tpu.memory_space<hbm>>
        %dma_wait3A_577 = arith.constant 0 : i32
        %dma_wait3A_578 = arith.constant 0 : i32
        %dma_wait3A_579 = tpu.memref_slice %arg5[%arg1, %dma_wait3A_577, %dma_wait3A_578] : memref<16x80x125xi32, #tpu.memory_space<hbm>> -> memref<1x8x125xi32, #tpu.memory_space<hbm>>
        %dma_wait3A_580 = tpu.memref_squeeze %dma_wait3A_579 : memref<1x8x125xi32, #tpu.memory_space<hbm>> -> memref<8x125xi32, #tpu.memory_space<hbm>>
        tpu.wait_dma2 semaphore(%arg21 : memref<!tpu.dma_semaphore, #tpu.memory_space<semaphore_mem>>) src(%dma_wait3A_580 : memref<8x125xi32, #tpu.memory_space<hbm>>) dst(%arg12 : memref<8x125xi32, #tpu.memory_space<vmem>>)
        %eq3A_581 = arith.constant 0 : i32
        %eq3A_582 = arith.cmpi eq, %arg0, %eq3A_581 : i32
        %convert_element_type3A_583 = arith.extui %eq3A_582 : i1 to i32
        %cond3A_584 = arith.constant 0 : i32
        %cond3A_585 = arith.constant 0 : i32
        %cond3A_586 = arith.cmpi ne, %convert_element_type3A_583, %cond3A_585 : i32
        scf.if %cond3A_586 {
          %dma_start3A_593 = arith.constant 0 : i32
          %dma_start3A_594 = tpu.memref_slice %arg10[%cond3A_584, %dma_start3A_593] : memref<8x125xi32, #tpu.memory_space<vmem>> -> memref<1x125xi32, #tpu.memory_space<vmem>>
          %dma_start3A_595 = tpu.memref_squeeze %dma_start3A_594 : memref<1x125xi32, #tpu.memory_space<vmem>> -> memref<125xi32, #tpu.memory_space<vmem>>
          %dma_start3A_596 = arith.constant 0 : i32
          %dma_start3A_597 = arith.constant 0 : i32
          %dma_start3A_598 = tpu.memref_slice %arg2[%dma_start3A_596, %dma_start3A_597] : memref<10000x128xf32, #tpu.memory_space<hbm>> -> memref<10000x128xf32, #tpu.memory_space<hbm>>
          tpu.enqueue_indirect_dma source(%dma_start3A_598 : memref<10000x128xf32, #tpu.memory_space<hbm>>) target(%arg13 : memref<125x128xf32, #tpu.memory_space<vmem>>) offsets(%dma_start3A_595 : memref<125xi32, #tpu.memory_space<vmem>>) semaphore(%arg16 : memref<!tpu.dma_semaphore, #tpu.memory_space<semaphore_mem>>)
        } else {
        }
        %eq3A_587 = arith.constant 1 : i32
        %eq3A_588 = arith.cmpi eq, %arg0, %eq3A_587 : i32
        %convert_element_type3A_589 = arith.extui %eq3A_588 : i1 to i32
        %cond3A_590 = arith.constant 0 : i32
        %cond3A_591 = arith.constant 0 : i32
        %cond3A_592 = arith.cmpi ne, %convert_element_type3A_589, %cond3A_591 : i32
        scf.if %cond3A_592 {
          %dma_start3A_593 = arith.constant 0 : i32
          %dma_start3A_594 = tpu.memref_slice %arg10[%cond3A_590, %dma_start3A_593] : memref<8x125xi32, #tpu.memory_space<vmem>> -> memref<1x125xi32, #tpu.memory_space<vmem>>
          %dma_start3A_595 = tpu.memref_squeeze %dma_start3A_594 : memref<1x125xi32, #tpu.memory_space<vmem>> -> memref<125xi32, #tpu.memory_space<vmem>>
          %dma_start3A_596 = arith.constant 0 : i32
          %dma_start3A_597 = arith.constant 0 : i32
          %dma_start3A_598 = tpu.memref_slice %arg3[%dma_start3A_596, %dma_start3A_597] : memref<10000x128xf32, #tpu.memory_space<hbm>> -> memref<10000x128xf32, #tpu.memory_space<hbm>>
          tpu.enqueue_indirect_dma source(%dma_start3A_598 : memref<10000x128xf32, #tpu.memory_space<hbm>>) target(%arg13 : memref<125x128xf32, #tpu.memory_space<vmem>>) offsets(%dma_start3A_595 : memref<125xi32, #tpu.memory_space<vmem>>) semaphore(%arg16 : memref<!tpu.dma_semaphore, #tpu.memory_space<semaphore_mem>>)
        } else {
        }
      } else {
      }
      %dma_wait3A_283 = arith.constant 7 : i32
      %dma_wait3A_284 = arith.constant 0 : i32
      %dma_wait3A_285 = tpu.memref_slice %arg9[%dma_wait3A_283, %dma_wait3A_284] : memref<8x125xi32, #tpu.memory_space<vmem>> -> memref<1x125xi32, #tpu.memory_space<vmem>>
      %dma_wait3A_286 = tpu.memref_squeeze %dma_wait3A_285 : memref<1x125xi32, #tpu.memory_space<vmem>> -> memref<125xi32, #tpu.memory_space<vmem>>
      %dma_wait3A_287 = arith.constant 0 : i32
      %dma_wait3A_288 = arith.constant 0 : i32
      %dma_wait3A_289 = tpu.memref_slice %arg2[%dma_wait3A_287, %dma_wait3A_288] : memref<10000x128xf32, #tpu.memory_space<hbm>> -> memref<10000x128xf32, #tpu.memory_space<hbm>>
      tpu.wait_indirect_dma semaphore(%arg17 : memref<!tpu.dma_semaphore, #tpu.memory_space<semaphore_mem>>) src(%dma_wait3A_289 : memref<10000x128xf32, #tpu.memory_space<hbm>>) dst(%arg14 : memref<125x128xf32, #tpu.memory_space<vmem>>)
      %dma_start3A_290 = arith.constant 7 : i32
      %dma_start3A_291 = arith.constant 0 : i32
      %dma_start3A_292 = tpu.memref_slice %arg11[%dma_start3A_290, %dma_start3A_291] : memref<8x125xi32, #tpu.memory_space<vmem>> -> memref<1x125xi32, #tpu.memory_space<vmem>>
      %dma_start3A_293 = tpu.memref_squeeze %dma_start3A_292 : memref<1x125xi32, #tpu.memory_space<vmem>> -> memref<125xi32, #tpu.memory_space<vmem>>
      %dma_start3A_294 = arith.constant 0 : i32
      %dma_start3A_295 = arith.constant 0 : i32
      %dma_start3A_296 = tpu.memref_slice %arg15[%dma_start3A_294, %dma_start3A_295] : memref<10000x128xf32, #tpu.memory_space<vmem_shared>> -> memref<10000x128xf32, #tpu.memory_space<vmem_shared>>
      tpu.enqueue_indirect_dma source(%arg14 : memref<125x128xf32, #tpu.memory_space<vmem>>) target(%dma_start3A_296 : memref<10000x128xf32, #tpu.memory_space<vmem_shared>>) offsets(%dma_start3A_293 : memref<125xi32, #tpu.memory_space<vmem>>) semaphore(%arg19 : memref<!tpu.dma_semaphore, #tpu.memory_space<semaphore_mem>>) {add = true}
      %mul3A_297 = arith.constant 2 : i32
      %mul3A_298 = arith.muli %mul3A_297, %scan3A_32 : i32
      %add3A_299 = arith.constant 1 : i32
      %add3A_300 = arith.addi %mul3A_298, %add3A_299 : i32
      %add3A_301 = arith.constant 1 : i32
      %add3A_302 = arith.addi %add3A_300, %add3A_301 : i32
      %lt3A_303 = arith.constant 10 : i32
      %lt3A_304 = arith.cmpi slt, %add3A_302, %lt3A_303 : i32
      %convert_element_type3A_305 = arith.extui %lt3A_304 : i1 to i32
      %cond3A_306 = arith.constant 0 : i32
      %cond3A_307 = arith.cmpi ne, %convert_element_type3A_305, %cond3A_306 : i32
      scf.if %cond3A_307 {
        %add3A_565 = arith.constant 1 : i32
        %add3A_566 = arith.addi %add3A_300, %add3A_565 : i32
        %mul3A_567 = arith.constant 8 : i32
        %mul3A_568 = arith.muli %add3A_566, %mul3A_567 : i32
        %dma_start3A_569 = arith.constant 0 : i32
        %dma_start3A_570 = tpu.memref_slice %arg4[%arg1, %mul3A_568, %dma_start3A_569] : memref<16x80x125xi32, #tpu.memory_space<hbm>> -> memref<1x8x125xi32, #tpu.memory_space<hbm>>
        %dma_start3A_571 = tpu.memref_squeeze %dma_start3A_570 : memref<1x8x125xi32, #tpu.memory_space<hbm>> -> memref<8x125xi32, #tpu.memory_space<hbm>>
        %dma_start3A_572 = arith.constant 0 : i32
        %dma_start3A_573 = tpu.memref_slice %arg4[%arg1, %mul3A_568, %dma_start3A_572] : memref<16x80x125xi32, #tpu.memory_space<hbm>> -> memref<1x8x125xi32, #tpu.memory_space<hbm>>
        %dma_start3A_574 = tpu.memref_squeeze %dma_start3A_573 : memref<1x8x125xi32, #tpu.memory_space<hbm>> -> memref<8x125xi32, #tpu.memory_space<hbm>>
        tpu.enqueue_dma source(%dma_start3A_574 : memref<8x125xi32, #tpu.memory_space<hbm>>) target(%arg9 : memref<8x125xi32, #tpu.memory_space<vmem>>) target_semaphore(%arg20 : memref<!tpu.dma_semaphore, #tpu.memory_space<semaphore_mem>>)
        %dma_start3A_575 = arith.constant 0 : i32
        %dma_start3A_576 = tpu.memref_slice %arg5[%arg1, %mul3A_568, %dma_start3A_575] : memref<16x80x125xi32, #tpu.memory_space<hbm>> -> memref<1x8x125xi32, #tpu.memory_space<hbm>>
        %dma_start3A_577 = tpu.memref_squeeze %dma_start3A_576 : memref<1x8x125xi32, #tpu.memory_space<hbm>> -> memref<8x125xi32, #tpu.memory_space<hbm>>
        %dma_start3A_578 = arith.constant 0 : i32
        %dma_start3A_579 = tpu.memref_slice %arg5[%arg1, %mul3A_568, %dma_start3A_578] : memref<16x80x125xi32, #tpu.memory_space<hbm>> -> memref<1x8x125xi32, #tpu.memory_space<hbm>>
        %dma_start3A_580 = tpu.memref_squeeze %dma_start3A_579 : memref<1x8x125xi32, #tpu.memory_space<hbm>> -> memref<8x125xi32, #tpu.memory_space<hbm>>
        tpu.enqueue_dma source(%dma_start3A_580 : memref<8x125xi32, #tpu.memory_space<hbm>>) target(%arg11 : memref<8x125xi32, #tpu.memory_space<vmem>>) target_semaphore(%arg20 : memref<!tpu.dma_semaphore, #tpu.memory_space<semaphore_mem>>)
      } else {
      }
      %ge3A_308 = arith.constant 1 : i32
      %ge3A_309 = arith.cmpi sge, %add3A_300, %ge3A_308 : i32
      %convert_element_type3A_310 = arith.extui %ge3A_309 : i1 to i32
      %cond3A_311 = arith.constant 0 : i32
      %cond3A_312 = arith.cmpi ne, %convert_element_type3A_310, %cond3A_311 : i32
      scf.if %cond3A_312 {
        %dma_wait3A_565 = arith.constant 0 : i32
        %dma_wait3A_566 = arith.constant 0 : i32
        %dma_wait3A_567 = tpu.memref_slice %arg12[%dma_wait3A_565, %dma_wait3A_566] : memref<8x125xi32, #tpu.memory_space<vmem>> -> memref<1x125xi32, #tpu.memory_space<vmem>>
        %dma_wait3A_568 = tpu.memref_squeeze %dma_wait3A_567 : memref<1x125xi32, #tpu.memory_space<vmem>> -> memref<125xi32, #tpu.memory_space<vmem>>
        %dma_wait3A_569 = arith.constant 0 : i32
        %dma_wait3A_570 = arith.constant 0 : i32
        %dma_wait3A_571 = tpu.memref_slice %arg15[%dma_wait3A_569, %dma_wait3A_570] : memref<10000x128xf32, #tpu.memory_space<vmem_shared>> -> memref<10000x128xf32, #tpu.memory_space<vmem_shared>>
        tpu.wait_indirect_dma semaphore(%arg19 : memref<!tpu.dma_semaphore, #tpu.memory_space<semaphore_mem>>) src(%arg14 : memref<125x128xf32, #tpu.memory_space<vmem>>) dst(%dma_wait3A_571 : memref<10000x128xf32, #tpu.memory_space<vmem_shared>>)
      } else {
      }
      %eq3A_313 = arith.constant 0 : i32
      %eq3A_314 = arith.cmpi eq, %arg0, %eq3A_313 : i32
      %convert_element_type3A_315 = arith.extui %eq3A_314 : i1 to i32
      %cond3A_316 = arith.constant 1 : i32
      %cond3A_317 = arith.constant 0 : i32
      %cond3A_318 = arith.cmpi ne, %convert_element_type3A_315, %cond3A_317 : i32
      scf.if %cond3A_318 {
        %dma_start3A_565 = arith.constant 0 : i32
        %dma_start3A_566 = tpu.memref_slice %arg10[%cond3A_316, %dma_start3A_565] : memref<8x125xi32, #tpu.memory_space<vmem>> -> memref<1x125xi32, #tpu.memory_space<vmem>>
        %dma_start3A_567 = tpu.memref_squeeze %dma_start3A_566 : memref<1x125xi32, #tpu.memory_space<vmem>> -> memref<125xi32, #tpu.memory_space<vmem>>
        %dma_start3A_568 = arith.constant 0 : i32
        %dma_start3A_569 = arith.constant 0 : i32
        %dma_start3A_570 = tpu.memref_slice %arg2[%dma_start3A_568, %dma_start3A_569] : memref<10000x128xf32, #tpu.memory_space<hbm>> -> memref<10000x128xf32, #tpu.memory_space<hbm>>
        tpu.enqueue_indirect_dma source(%dma_start3A_570 : memref<10000x128xf32, #tpu.memory_space<hbm>>) target(%arg14 : memref<125x128xf32, #tpu.memory_space<vmem>>) offsets(%dma_start3A_567 : memref<125xi32, #tpu.memory_space<vmem>>) semaphore(%arg17 : memref<!tpu.dma_semaphore, #tpu.memory_space<semaphore_mem>>)
      } else {
      }
      %eq3A_319 = arith.constant 1 : i32
      %eq3A_320 = arith.cmpi eq, %arg0, %eq3A_319 : i32
      %convert_element_type3A_321 = arith.extui %eq3A_320 : i1 to i32
      %cond3A_322 = arith.constant 1 : i32
      %cond3A_323 = arith.constant 0 : i32
      %cond3A_324 = arith.cmpi ne, %convert_element_type3A_321, %cond3A_323 : i32
      scf.if %cond3A_324 {
        %dma_start3A_565 = arith.constant 0 : i32
        %dma_start3A_566 = tpu.memref_slice %arg10[%cond3A_322, %dma_start3A_565] : memref<8x125xi32, #tpu.memory_space<vmem>> -> memref<1x125xi32, #tpu.memory_space<vmem>>
        %dma_start3A_567 = tpu.memref_squeeze %dma_start3A_566 : memref<1x125xi32, #tpu.memory_space<vmem>> -> memref<125xi32, #tpu.memory_space<vmem>>
        %dma_start3A_568 = arith.constant 0 : i32
        %dma_start3A_569 = arith.constant 0 : i32
        %dma_start3A_570 = tpu.memref_slice %arg3[%dma_start3A_568, %dma_start3A_569] : memref<10000x128xf32, #tpu.memory_space<hbm>> -> memref<10000x128xf32, #tpu.memory_space<hbm>>
        tpu.enqueue_indirect_dma source(%dma_start3A_570 : memref<10000x128xf32, #tpu.memory_space<hbm>>) target(%arg14 : memref<125x128xf32, #tpu.memory_space<vmem>>) offsets(%dma_start3A_567 : memref<125xi32, #tpu.memory_space<vmem>>) semaphore(%arg17 : memref<!tpu.dma_semaphore, #tpu.memory_space<semaphore_mem>>)
      } else {
      }
      %dma_wait3A_325 = arith.constant 0 : i32
      %dma_wait3A_326 = arith.constant 0 : i32
      %dma_wait3A_327 = tpu.memref_slice %arg10[%dma_wait3A_325, %dma_wait3A_326] : memref<8x125xi32, #tpu.memory_space<vmem>> -> memref<1x125xi32, #tpu.memory_space<vmem>>
      %dma_wait3A_328 = tpu.memref_squeeze %dma_wait3A_327 : memref<1x125xi32, #tpu.memory_space<vmem>> -> memref<125xi32, #tpu.memory_space<vmem>>
      %dma_wait3A_329 = arith.constant 0 : i32
      %dma_wait3A_330 = arith.constant 0 : i32
      %dma_wait3A_331 = tpu.memref_slice %arg2[%dma_wait3A_329, %dma_wait3A_330] : memref<10000x128xf32, #tpu.memory_space<hbm>> -> memref<10000x128xf32, #tpu.memory_space<hbm>>
      tpu.wait_indirect_dma semaphore(%arg16 : memref<!tpu.dma_semaphore, #tpu.memory_space<semaphore_mem>>) src(%dma_wait3A_331 : memref<10000x128xf32, #tpu.memory_space<hbm>>) dst(%arg13 : memref<125x128xf32, #tpu.memory_space<vmem>>)
      %dma_start3A_332 = arith.constant 0 : i32
      %dma_start3A_333 = arith.constant 0 : i32
      %dma_start3A_334 = tpu.memref_slice %arg12[%dma_start3A_332, %dma_start3A_333] : memref<8x125xi32, #tpu.memory_space<vmem>> -> memref<1x125xi32, #tpu.memory_space<vmem>>
      %dma_start3A_335 = tpu.memref_squeeze %dma_start3A_334 : memref<1x125xi32, #tpu.memory_space<vmem>> -> memref<125xi32, #tpu.memory_space<vmem>>
      %dma_start3A_336 = arith.constant 0 : i32
      %dma_start3A_337 = arith.constant 0 : i32
      %dma_start3A_338 = tpu.memref_slice %arg15[%dma_start3A_336, %dma_start3A_337] : memref<10000x128xf32, #tpu.memory_space<vmem_shared>> -> memref<10000x128xf32, #tpu.memory_space<vmem_shared>>
      tpu.enqueue_indirect_dma source(%arg13 : memref<125x128xf32, #tpu.memory_space<vmem>>) target(%dma_start3A_338 : memref<10000x128xf32, #tpu.memory_space<vmem_shared>>) offsets(%dma_start3A_335 : memref<125xi32, #tpu.memory_space<vmem>>) semaphore(%arg18 : memref<!tpu.dma_semaphore, #tpu.memory_space<semaphore_mem>>) {add = true}
      %dma_wait3A_339 = arith.constant 0 : i32
      %dma_wait3A_340 = arith.constant 0 : i32
      %dma_wait3A_341 = tpu.memref_slice %arg12[%dma_wait3A_339, %dma_wait3A_340] : memref<8x125xi32, #tpu.memory_space<vmem>> -> memref<1x125xi32, #tpu.memory_space<vmem>>
      %dma_wait3A_342 = tpu.memref_squeeze %dma_wait3A_341 : memref<1x125xi32, #tpu.memory_space<vmem>> -> memref<125xi32, #tpu.memory_space<vmem>>
      %dma_wait3A_343 = arith.constant 0 : i32
      %dma_wait3A_344 = arith.constant 0 : i32
      %dma_wait3A_345 = tpu.memref_slice %arg15[%dma_wait3A_343, %dma_wait3A_344] : memref<10000x128xf32, #tpu.memory_space<vmem_shared>> -> memref<10000x128xf32, #tpu.memory_space<vmem_shared>>
      tpu.wait_indirect_dma semaphore(%arg18 : memref<!tpu.dma_semaphore, #tpu.memory_space<semaphore_mem>>) src(%arg13 : memref<125x128xf32, #tpu.memory_space<vmem>>) dst(%dma_wait3A_345 : memref<10000x128xf32, #tpu.memory_space<vmem_shared>>)
      %eq3A_346 = arith.constant 0 : i32
      %eq3A_347 = arith.cmpi eq, %arg0, %eq3A_346 : i32
      %convert_element_type3A_348 = arith.extui %eq3A_347 : i1 to i32
      %cond3A_349 = arith.constant 2 : i32
      %cond3A_350 = arith.constant 0 : i32
      %cond3A_351 = arith.cmpi ne, %convert_element_type3A_348, %cond3A_350 : i32
      scf.if %cond3A_351 {
        %dma_start3A_565 = arith.constant 0 : i32
        %dma_start3A_566 = tpu.memref_slice %arg10[%cond3A_349, %dma_start3A_565] : memref<8x125xi32, #tpu.memory_space<vmem>> -> memref<1x125xi32, #tpu.memory_space<vmem>>
        %dma_start3A_567 = tpu.memref_squeeze %dma_start3A_566 : memref<1x125xi32, #tpu.memory_space<vmem>> -> memref<125xi32, #tpu.memory_space<vmem>>
        %dma_start3A_568 = arith.constant 0 : i32
        %dma_start3A_569 = arith.constant 0 : i32
        %dma_start3A_570 = tpu.memref_slice %arg2[%dma_start3A_568, %dma_start3A_569] : memref<10000x128xf32, #tpu.memory_space<hbm>> -> memref<10000x128xf32, #tpu.memory_space<hbm>>
        tpu.enqueue_indirect_dma source(%dma_start3A_570 : memref<10000x128xf32, #tpu.memory_space<hbm>>) target(%arg13 : memref<125x128xf32, #tpu.memory_space<vmem>>) offsets(%dma_start3A_567 : memref<125xi32, #tpu.memory_space<vmem>>) semaphore(%arg16 : memref<!tpu.dma_semaphore, #tpu.memory_space<semaphore_mem>>)
      } else {
      }
      %eq3A_352 = arith.constant 1 : i32
      %eq3A_353 = arith.cmpi eq, %arg0, %eq3A_352 : i32
      %convert_element_type3A_354 = arith.extui %eq3A_353 : i1 to i32
      %cond3A_355 = arith.constant 2 : i32
      %cond3A_356 = arith.constant 0 : i32
      %cond3A_357 = arith.cmpi ne, %convert_element_type3A_354, %cond3A_356 : i32
      scf.if %cond3A_357 {
        %dma_start3A_565 = arith.constant 0 : i32
        %dma_start3A_566 = tpu.memref_slice %arg10[%cond3A_355, %dma_start3A_565] : memref<8x125xi32, #tpu.memory_space<vmem>> -> memref<1x125xi32, #tpu.memory_space<vmem>>
        %dma_start3A_567 = tpu.memref_squeeze %dma_start3A_566 : memref<1x125xi32, #tpu.memory_space<vmem>> -> memref<125xi32, #tpu.memory_space<vmem>>
        %dma_start3A_568 = arith.constant 0 : i32
        %dma_start3A_569 = arith.constant 0 : i32
        %dma_start3A_570 = tpu.memref_slice %arg3[%dma_start3A_568, %dma_start3A_569] : memref<10000x128xf32, #tpu.memory_space<hbm>> -> memref<10000x128xf32, #tpu.memory_space<hbm>>
        tpu.enqueue_indirect_dma source(%dma_start3A_570 : memref<10000x128xf32, #tpu.memory_space<hbm>>) target(%arg13 : memref<125x128xf32, #tpu.memory_space<vmem>>) offsets(%dma_start3A_567 : memref<125xi32, #tpu.memory_space<vmem>>) semaphore(%arg16 : memref<!tpu.dma_semaphore, #tpu.memory_space<semaphore_mem>>)
      } else {
      }
      %dma_wait3A_358 = arith.constant 1 : i32
      %dma_wait3A_359 = arith.constant 0 : i32
      %dma_wait3A_360 = tpu.memref_slice %arg10[%dma_wait3A_358, %dma_wait3A_359] : memref<8x125xi32, #tpu.memory_space<vmem>> -> memref<1x125xi32, #tpu.memory_space<vmem>>
      %dma_wait3A_361 = tpu.memref_squeeze %dma_wait3A_360 : memref<1x125xi32, #tpu.memory_space<vmem>> -> memref<125xi32, #tpu.memory_space<vmem>>
      %dma_wait3A_362 = arith.constant 0 : i32
      %dma_wait3A_363 = arith.constant 0 : i32
      %dma_wait3A_364 = tpu.memref_slice %arg2[%dma_wait3A_362, %dma_wait3A_363] : memref<10000x128xf32, #tpu.memory_space<hbm>> -> memref<10000x128xf32, #tpu.memory_space<hbm>>
      tpu.wait_indirect_dma semaphore(%arg17 : memref<!tpu.dma_semaphore, #tpu.memory_space<semaphore_mem>>) src(%dma_wait3A_364 : memref<10000x128xf32, #tpu.memory_space<hbm>>) dst(%arg14 : memref<125x128xf32, #tpu.memory_space<vmem>>)
      %dma_start3A_365 = arith.constant 1 : i32
      %dma_start3A_366 = arith.constant 0 : i32
      %dma_start3A_367 = tpu.memref_slice %arg12[%dma_start3A_365, %dma_start3A_366] : memref<8x125xi32, #tpu.memory_space<vmem>> -> memref<1x125xi32, #tpu.memory_space<vmem>>
      %dma_start3A_368 = tpu.memref_squeeze %dma_start3A_367 : memref<1x125xi32, #tpu.memory_space<vmem>> -> memref<125xi32, #tpu.memory_space<vmem>>
      %dma_start3A_369 = arith.constant 0 : i32
      %dma_start3A_370 = arith.constant 0 : i32
      %dma_start3A_371 = tpu.memref_slice %arg15[%dma_start3A_369, %dma_start3A_370] : memref<10000x128xf32, #tpu.memory_space<vmem_shared>> -> memref<10000x128xf32, #tpu.memory_space<vmem_shared>>
      tpu.enqueue_indirect_dma source(%arg14 : memref<125x128xf32, #tpu.memory_space<vmem>>) target(%dma_start3A_371 : memref<10000x128xf32, #tpu.memory_space<vmem_shared>>) offsets(%dma_start3A_368 : memref<125xi32, #tpu.memory_space<vmem>>) semaphore(%arg19 : memref<!tpu.dma_semaphore, #tpu.memory_space<semaphore_mem>>) {add = true}
      %dma_wait3A_372 = arith.constant 0 : i32
      %dma_wait3A_373 = arith.constant 0 : i32
      %dma_wait3A_374 = tpu.memref_slice %arg12[%dma_wait3A_372, %dma_wait3A_373] : memref<8x125xi32, #tpu.memory_space<vmem>> -> memref<1x125xi32, #tpu.memory_space<vmem>>
      %dma_wait3A_375 = tpu.memref_squeeze %dma_wait3A_374 : memref<1x125xi32, #tpu.memory_space<vmem>> -> memref<125xi32, #tpu.memory_space<vmem>>
      %dma_wait3A_376 = arith.constant 0 : i32
      %dma_wait3A_377 = arith.constant 0 : i32
      %dma_wait3A_378 = tpu.memref_slice %arg15[%dma_wait3A_376, %dma_wait3A_377] : memref<10000x128xf32, #tpu.memory_space<vmem_shared>> -> memref<10000x128xf32, #tpu.memory_space<vmem_shared>>
      tpu.wait_indirect_dma semaphore(%arg19 : memref<!tpu.dma_semaphore, #tpu.memory_space<semaphore_mem>>) src(%arg14 : memref<125x128xf32, #tpu.memory_space<vmem>>) dst(%dma_wait3A_378 : memref<10000x128xf32, #tpu.memory_space<vmem_shared>>)
      %eq3A_379 = arith.constant 0 : i32
      %eq3A_380 = arith.cmpi eq, %arg0, %eq3A_379 : i32
      %convert_element_type3A_381 = arith.extui %eq3A_380 : i1 to i32
      %cond3A_382 = arith.constant 3 : i32
      %cond3A_383 = arith.constant 0 : i32
      %cond3A_384 = arith.cmpi ne, %convert_element_type3A_381, %cond3A_383 : i32
      scf.if %cond3A_384 {
        %dma_start3A_565 = arith.constant 0 : i32
        %dma_start3A_566 = tpu.memref_slice %arg10[%cond3A_382, %dma_start3A_565] : memref<8x125xi32, #tpu.memory_space<vmem>> -> memref<1x125xi32, #tpu.memory_space<vmem>>
        %dma_start3A_567 = tpu.memref_squeeze %dma_start3A_566 : memref<1x125xi32, #tpu.memory_space<vmem>> -> memref<125xi32, #tpu.memory_space<vmem>>
        %dma_start3A_568 = arith.constant 0 : i32
        %dma_start3A_569 = arith.constant 0 : i32
        %dma_start3A_570 = tpu.memref_slice %arg2[%dma_start3A_568, %dma_start3A_569] : memref<10000x128xf32, #tpu.memory_space<hbm>> -> memref<10000x128xf32, #tpu.memory_space<hbm>>
        tpu.enqueue_indirect_dma source(%dma_start3A_570 : memref<10000x128xf32, #tpu.memory_space<hbm>>) target(%arg14 : memref<125x128xf32, #tpu.memory_space<vmem>>) offsets(%dma_start3A_567 : memref<125xi32, #tpu.memory_space<vmem>>) semaphore(%arg17 : memref<!tpu.dma_semaphore, #tpu.memory_space<semaphore_mem>>)
      } else {
      }
      %eq3A_385 = arith.constant 1 : i32
      %eq3A_386 = arith.cmpi eq, %arg0, %eq3A_385 : i32
      %convert_element_type3A_387 = arith.extui %eq3A_386 : i1 to i32
      %cond3A_388 = arith.constant 3 : i32
      %cond3A_389 = arith.constant 0 : i32
      %cond3A_390 = arith.cmpi ne, %convert_element_type3A_387, %cond3A_389 : i32
      scf.if %cond3A_390 {
        %dma_start3A_565 = arith.constant 0 : i32
        %dma_start3A_566 = tpu.memref_slice %arg10[%cond3A_388, %dma_start3A_565] : memref<8x125xi32, #tpu.memory_space<vmem>> -> memref<1x125xi32, #tpu.memory_space<vmem>>
        %dma_start3A_567 = tpu.memref_squeeze %dma_start3A_566 : memref<1x125xi32, #tpu.memory_space<vmem>> -> memref<125xi32, #tpu.memory_space<vmem>>
        %dma_start3A_568 = arith.constant 0 : i32
        %dma_start3A_569 = arith.constant 0 : i32
        %dma_start3A_570 = tpu.memref_slice %arg3[%dma_start3A_568, %dma_start3A_569] : memref<10000x128xf32, #tpu.memory_space<hbm>> -> memref<10000x128xf32, #tpu.memory_space<hbm>>
        tpu.enqueue_indirect_dma source(%dma_start3A_570 : memref<10000x128xf32, #tpu.memory_space<hbm>>) target(%arg14 : memref<125x128xf32, #tpu.memory_space<vmem>>) offsets(%dma_start3A_567 : memref<125xi32, #tpu.memory_space<vmem>>) semaphore(%arg17 : memref<!tpu.dma_semaphore, #tpu.memory_space<semaphore_mem>>)
      } else {
      }
      %dma_wait3A_391 = arith.constant 2 : i32
      %dma_wait3A_392 = arith.constant 0 : i32
      %dma_wait3A_393 = tpu.memref_slice %arg10[%dma_wait3A_391, %dma_wait3A_392] : memref<8x125xi32, #tpu.memory_space<vmem>> -> memref<1x125xi32, #tpu.memory_space<vmem>>
      %dma_wait3A_394 = tpu.memref_squeeze %dma_wait3A_393 : memref<1x125xi32, #tpu.memory_space<vmem>> -> memref<125xi32, #tpu.memory_space<vmem>>
      %dma_wait3A_395 = arith.constant 0 : i32
      %dma_wait3A_396 = arith.constant 0 : i32
      %dma_wait3A_397 = tpu.memref_slice %arg2[%dma_wait3A_395, %dma_wait3A_396] : memref<10000x128xf32, #tpu.memory_space<hbm>> -> memref<10000x128xf32, #tpu.memory_space<hbm>>
      tpu.wait_indirect_dma semaphore(%arg16 : memref<!tpu.dma_semaphore, #tpu.memory_space<semaphore_mem>>) src(%dma_wait3A_397 : memref<10000x128xf32, #tpu.memory_space<hbm>>) dst(%arg13 : memref<125x128xf32, #tpu.memory_space<vmem>>)
      %dma_start3A_398 = arith.constant 2 : i32
      %dma_start3A_399 = arith.constant 0 : i32
      %dma_start3A_400 = tpu.memref_slice %arg12[%dma_start3A_398, %dma_start3A_399] : memref<8x125xi32, #tpu.memory_space<vmem>> -> memref<1x125xi32, #tpu.memory_space<vmem>>
      %dma_start3A_401 = tpu.memref_squeeze %dma_start3A_400 : memref<1x125xi32, #tpu.memory_space<vmem>> -> memref<125xi32, #tpu.memory_space<vmem>>
      %dma_start3A_402 = arith.constant 0 : i32
      %dma_start3A_403 = arith.constant 0 : i32
      %dma_start3A_404 = tpu.memref_slice %arg15[%dma_start3A_402, %dma_start3A_403] : memref<10000x128xf32, #tpu.memory_space<vmem_shared>> -> memref<10000x128xf32, #tpu.memory_space<vmem_shared>>
      tpu.enqueue_indirect_dma source(%arg13 : memref<125x128xf32, #tpu.memory_space<vmem>>) target(%dma_start3A_404 : memref<10000x128xf32, #tpu.memory_space<vmem_shared>>) offsets(%dma_start3A_401 : memref<125xi32, #tpu.memory_space<vmem>>) semaphore(%arg18 : memref<!tpu.dma_semaphore, #tpu.memory_space<semaphore_mem>>) {add = true}
      %dma_wait3A_405 = arith.constant 0 : i32
      %dma_wait3A_406 = arith.constant 0 : i32
      %dma_wait3A_407 = tpu.memref_slice %arg12[%dma_wait3A_405, %dma_wait3A_406] : memref<8x125xi32, #tpu.memory_space<vmem>> -> memref<1x125xi32, #tpu.memory_space<vmem>>
      %dma_wait3A_408 = tpu.memref_squeeze %dma_wait3A_407 : memref<1x125xi32, #tpu.memory_space<vmem>> -> memref<125xi32, #tpu.memory_space<vmem>>
      %dma_wait3A_409 = arith.constant 0 : i32
      %dma_wait3A_410 = arith.constant 0 : i32
      %dma_wait3A_411 = tpu.memref_slice %arg15[%dma_wait3A_409, %dma_wait3A_410] : memref<10000x128xf32, #tpu.memory_space<vmem_shared>> -> memref<10000x128xf32, #tpu.memory_space<vmem_shared>>
      tpu.wait_indirect_dma semaphore(%arg18 : memref<!tpu.dma_semaphore, #tpu.memory_space<semaphore_mem>>) src(%arg13 : memref<125x128xf32, #tpu.memory_space<vmem>>) dst(%dma_wait3A_411 : memref<10000x128xf32, #tpu.memory_space<vmem_shared>>)
      %eq3A_412 = arith.constant 0 : i32
      %eq3A_413 = arith.cmpi eq, %arg0, %eq3A_412 : i32
      %convert_element_type3A_414 = arith.extui %eq3A_413 : i1 to i32
      %cond3A_415 = arith.constant 4 : i32
      %cond3A_416 = arith.constant 0 : i32
      %cond3A_417 = arith.cmpi ne, %convert_element_type3A_414, %cond3A_416 : i32
      scf.if %cond3A_417 {
        %dma_start3A_565 = arith.constant 0 : i32
        %dma_start3A_566 = tpu.memref_slice %arg10[%cond3A_415, %dma_start3A_565] : memref<8x125xi32, #tpu.memory_space<vmem>> -> memref<1x125xi32, #tpu.memory_space<vmem>>
        %dma_start3A_567 = tpu.memref_squeeze %dma_start3A_566 : memref<1x125xi32, #tpu.memory_space<vmem>> -> memref<125xi32, #tpu.memory_space<vmem>>
        %dma_start3A_568 = arith.constant 0 : i32
        %dma_start3A_569 = arith.constant 0 : i32
        %dma_start3A_570 = tpu.memref_slice %arg2[%dma_start3A_568, %dma_start3A_569] : memref<10000x128xf32, #tpu.memory_space<hbm>> -> memref<10000x128xf32, #tpu.memory_space<hbm>>
        tpu.enqueue_indirect_dma source(%dma_start3A_570 : memref<10000x128xf32, #tpu.memory_space<hbm>>) target(%arg13 : memref<125x128xf32, #tpu.memory_space<vmem>>) offsets(%dma_start3A_567 : memref<125xi32, #tpu.memory_space<vmem>>) semaphore(%arg16 : memref<!tpu.dma_semaphore, #tpu.memory_space<semaphore_mem>>)
      } else {
      }
      %eq3A_418 = arith.constant 1 : i32
      %eq3A_419 = arith.cmpi eq, %arg0, %eq3A_418 : i32
      %convert_element_type3A_420 = arith.extui %eq3A_419 : i1 to i32
      %cond3A_421 = arith.constant 4 : i32
      %cond3A_422 = arith.constant 0 : i32
      %cond3A_423 = arith.cmpi ne, %convert_element_type3A_420, %cond3A_422 : i32
      scf.if %cond3A_423 {
        %dma_start3A_565 = arith.constant 0 : i32
        %dma_start3A_566 = tpu.memref_slice %arg10[%cond3A_421, %dma_start3A_565] : memref<8x125xi32, #tpu.memory_space<vmem>> -> memref<1x125xi32, #tpu.memory_space<vmem>>
        %dma_start3A_567 = tpu.memref_squeeze %dma_start3A_566 : memref<1x125xi32, #tpu.memory_space<vmem>> -> memref<125xi32, #tpu.memory_space<vmem>>
        %dma_start3A_568 = arith.constant 0 : i32
        %dma_start3A_569 = arith.constant 0 : i32
        %dma_start3A_570 = tpu.memref_slice %arg3[%dma_start3A_568, %dma_start3A_569] : memref<10000x128xf32, #tpu.memory_space<hbm>> -> memref<10000x128xf32, #tpu.memory_space<hbm>>
        tpu.enqueue_indirect_dma source(%dma_start3A_570 : memref<10000x128xf32, #tpu.memory_space<hbm>>) target(%arg13 : memref<125x128xf32, #tpu.memory_space<vmem>>) offsets(%dma_start3A_567 : memref<125xi32, #tpu.memory_space<vmem>>) semaphore(%arg16 : memref<!tpu.dma_semaphore, #tpu.memory_space<semaphore_mem>>)
      } else {
      }
      %dma_wait3A_424 = arith.constant 3 : i32
      %dma_wait3A_425 = arith.constant 0 : i32
      %dma_wait3A_426 = tpu.memref_slice %arg10[%dma_wait3A_424, %dma_wait3A_425] : memref<8x125xi32, #tpu.memory_space<vmem>> -> memref<1x125xi32, #tpu.memory_space<vmem>>
      %dma_wait3A_427 = tpu.memref_squeeze %dma_wait3A_426 : memref<1x125xi32, #tpu.memory_space<vmem>> -> memref<125xi32, #tpu.memory_space<vmem>>
      %dma_wait3A_428 = arith.constant 0 : i32
      %dma_wait3A_429 = arith.constant 0 : i32
      %dma_wait3A_430 = tpu.memref_slice %arg2[%dma_wait3A_428, %dma_wait3A_429] : memref<10000x128xf32, #tpu.memory_space<hbm>> -> memref<10000x128xf32, #tpu.memory_space<hbm>>
      tpu.wait_indirect_dma semaphore(%arg17 : memref<!tpu.dma_semaphore, #tpu.memory_space<semaphore_mem>>) src(%dma_wait3A_430 : memref<10000x128xf32, #tpu.memory_space<hbm>>) dst(%arg14 : memref<125x128xf32, #tpu.memory_space<vmem>>)
      %dma_start3A_431 = arith.constant 3 : i32
      %dma_start3A_432 = arith.constant 0 : i32
      %dma_start3A_433 = tpu.memref_slice %arg12[%dma_start3A_431, %dma_start3A_432] : memref<8x125xi32, #tpu.memory_space<vmem>> -> memref<1x125xi32, #tpu.memory_space<vmem>>
      %dma_start3A_434 = tpu.memref_squeeze %dma_start3A_433 : memref<1x125xi32, #tpu.memory_space<vmem>> -> memref<125xi32, #tpu.memory_space<vmem>>
      %dma_start3A_435 = arith.constant 0 : i32
      %dma_start3A_436 = arith.constant 0 : i32
      %dma_start3A_437 = tpu.memref_slice %arg15[%dma_start3A_435, %dma_start3A_436] : memref<10000x128xf32, #tpu.memory_space<vmem_shared>> -> memref<10000x128xf32, #tpu.memory_space<vmem_shared>>
      tpu.enqueue_indirect_dma source(%arg14 : memref<125x128xf32, #tpu.memory_space<vmem>>) target(%dma_start3A_437 : memref<10000x128xf32, #tpu.memory_space<vmem_shared>>) offsets(%dma_start3A_434 : memref<125xi32, #tpu.memory_space<vmem>>) semaphore(%arg19 : memref<!tpu.dma_semaphore, #tpu.memory_space<semaphore_mem>>) {add = true}
      %dma_wait3A_438 = arith.constant 0 : i32
      %dma_wait3A_439 = arith.constant 0 : i32
      %dma_wait3A_440 = tpu.memref_slice %arg12[%dma_wait3A_438, %dma_wait3A_439] : memref<8x125xi32, #tpu.memory_space<vmem>> -> memref<1x125xi32, #tpu.memory_space<vmem>>
      %dma_wait3A_441 = tpu.memref_squeeze %dma_wait3A_440 : memref<1x125xi32, #tpu.memory_space<vmem>> -> memref<125xi32, #tpu.memory_space<vmem>>
      %dma_wait3A_442 = arith.constant 0 : i32
      %dma_wait3A_443 = arith.constant 0 : i32
      %dma_wait3A_444 = tpu.memref_slice %arg15[%dma_wait3A_442, %dma_wait3A_443] : memref<10000x128xf32, #tpu.memory_space<vmem_shared>> -> memref<10000x128xf32, #tpu.memory_space<vmem_shared>>
      tpu.wait_indirect_dma semaphore(%arg19 : memref<!tpu.dma_semaphore, #tpu.memory_space<semaphore_mem>>) src(%arg14 : memref<125x128xf32, #tpu.memory_space<vmem>>) dst(%dma_wait3A_444 : memref<10000x128xf32, #tpu.memory_space<vmem_shared>>)
      %eq3A_445 = arith.constant 0 : i32
      %eq3A_446 = arith.cmpi eq, %arg0, %eq3A_445 : i32
      %convert_element_type3A_447 = arith.extui %eq3A_446 : i1 to i32
      %cond3A_448 = arith.constant 5 : i32
      %cond3A_449 = arith.constant 0 : i32
      %cond3A_450 = arith.cmpi ne, %convert_element_type3A_447, %cond3A_449 : i32
      scf.if %cond3A_450 {
        %dma_start3A_565 = arith.constant 0 : i32
        %dma_start3A_566 = tpu.memref_slice %arg10[%cond3A_448, %dma_start3A_565] : memref<8x125xi32, #tpu.memory_space<vmem>> -> memref<1x125xi32, #tpu.memory_space<vmem>>
        %dma_start3A_567 = tpu.memref_squeeze %dma_start3A_566 : memref<1x125xi32, #tpu.memory_space<vmem>> -> memref<125xi32, #tpu.memory_space<vmem>>
        %dma_start3A_568 = arith.constant 0 : i32
        %dma_start3A_569 = arith.constant 0 : i32
        %dma_start3A_570 = tpu.memref_slice %arg2[%dma_start3A_568, %dma_start3A_569] : memref<10000x128xf32, #tpu.memory_space<hbm>> -> memref<10000x128xf32, #tpu.memory_space<hbm>>
        tpu.enqueue_indirect_dma source(%dma_start3A_570 : memref<10000x128xf32, #tpu.memory_space<hbm>>) target(%arg14 : memref<125x128xf32, #tpu.memory_space<vmem>>) offsets(%dma_start3A_567 : memref<125xi32, #tpu.memory_space<vmem>>) semaphore(%arg17 : memref<!tpu.dma_semaphore, #tpu.memory_space<semaphore_mem>>)
      } else {
      }
      %eq3A_451 = arith.constant 1 : i32
      %eq3A_452 = arith.cmpi eq, %arg0, %eq3A_451 : i32
      %convert_element_type3A_453 = arith.extui %eq3A_452 : i1 to i32
      %cond3A_454 = arith.constant 5 : i32
      %cond3A_455 = arith.constant 0 : i32
      %cond3A_456 = arith.cmpi ne, %convert_element_type3A_453, %cond3A_455 : i32
      scf.if %cond3A_456 {
        %dma_start3A_565 = arith.constant 0 : i32
        %dma_start3A_566 = tpu.memref_slice %arg10[%cond3A_454, %dma_start3A_565] : memref<8x125xi32, #tpu.memory_space<vmem>> -> memref<1x125xi32, #tpu.memory_space<vmem>>
        %dma_start3A_567 = tpu.memref_squeeze %dma_start3A_566 : memref<1x125xi32, #tpu.memory_space<vmem>> -> memref<125xi32, #tpu.memory_space<vmem>>
        %dma_start3A_568 = arith.constant 0 : i32
        %dma_start3A_569 = arith.constant 0 : i32
        %dma_start3A_570 = tpu.memref_slice %arg3[%dma_start3A_568, %dma_start3A_569] : memref<10000x128xf32, #tpu.memory_space<hbm>> -> memref<10000x128xf32, #tpu.memory_space<hbm>>
        tpu.enqueue_indirect_dma source(%dma_start3A_570 : memref<10000x128xf32, #tpu.memory_space<hbm>>) target(%arg14 : memref<125x128xf32, #tpu.memory_space<vmem>>) offsets(%dma_start3A_567 : memref<125xi32, #tpu.memory_space<vmem>>) semaphore(%arg17 : memref<!tpu.dma_semaphore, #tpu.memory_space<semaphore_mem>>)
      } else {
      }
      %dma_wait3A_457 = arith.constant 4 : i32
      %dma_wait3A_458 = arith.constant 0 : i32
      %dma_wait3A_459 = tpu.memref_slice %arg10[%dma_wait3A_457, %dma_wait3A_458] : memref<8x125xi32, #tpu.memory_space<vmem>> -> memref<1x125xi32, #tpu.memory_space<vmem>>
      %dma_wait3A_460 = tpu.memref_squeeze %dma_wait3A_459 : memref<1x125xi32, #tpu.memory_space<vmem>> -> memref<125xi32, #tpu.memory_space<vmem>>
      %dma_wait3A_461 = arith.constant 0 : i32
      %dma_wait3A_462 = arith.constant 0 : i32
      %dma_wait3A_463 = tpu.memref_slice %arg2[%dma_wait3A_461, %dma_wait3A_462] : memref<10000x128xf32, #tpu.memory_space<hbm>> -> memref<10000x128xf32, #tpu.memory_space<hbm>>
      tpu.wait_indirect_dma semaphore(%arg16 : memref<!tpu.dma_semaphore, #tpu.memory_space<semaphore_mem>>) src(%dma_wait3A_463 : memref<10000x128xf32, #tpu.memory_space<hbm>>) dst(%arg13 : memref<125x128xf32, #tpu.memory_space<vmem>>)
      %dma_start3A_464 = arith.constant 4 : i32
      %dma_start3A_465 = arith.constant 0 : i32
      %dma_start3A_466 = tpu.memref_slice %arg12[%dma_start3A_464, %dma_start3A_465] : memref<8x125xi32, #tpu.memory_space<vmem>> -> memref<1x125xi32, #tpu.memory_space<vmem>>
      %dma_start3A_467 = tpu.memref_squeeze %dma_start3A_466 : memref<1x125xi32, #tpu.memory_space<vmem>> -> memref<125xi32, #tpu.memory_space<vmem>>
      %dma_start3A_468 = arith.constant 0 : i32
      %dma_start3A_469 = arith.constant 0 : i32
      %dma_start3A_470 = tpu.memref_slice %arg15[%dma_start3A_468, %dma_start3A_469] : memref<10000x128xf32, #tpu.memory_space<vmem_shared>> -> memref<10000x128xf32, #tpu.memory_space<vmem_shared>>
      tpu.enqueue_indirect_dma source(%arg13 : memref<125x128xf32, #tpu.memory_space<vmem>>) target(%dma_start3A_470 : memref<10000x128xf32, #tpu.memory_space<vmem_shared>>) offsets(%dma_start3A_467 : memref<125xi32, #tpu.memory_space<vmem>>) semaphore(%arg18 : memref<!tpu.dma_semaphore, #tpu.memory_space<semaphore_mem>>) {add = true}
      %dma_wait3A_471 = arith.constant 0 : i32
      %dma_wait3A_472 = arith.constant 0 : i32
      %dma_wait3A_473 = tpu.memref_slice %arg12[%dma_wait3A_471, %dma_wait3A_472] : memref<8x125xi32, #tpu.memory_space<vmem>> -> memref<1x125xi32, #tpu.memory_space<vmem>>
      %dma_wait3A_474 = tpu.memref_squeeze %dma_wait3A_473 : memref<1x125xi32, #tpu.memory_space<vmem>> -> memref<125xi32, #tpu.memory_space<vmem>>
      %dma_wait3A_475 = arith.constant 0 : i32
      %dma_wait3A_476 = arith.constant 0 : i32
      %dma_wait3A_477 = tpu.memref_slice %arg15[%dma_wait3A_475, %dma_wait3A_476] : memref<10000x128xf32, #tpu.memory_space<vmem_shared>> -> memref<10000x128xf32, #tpu.memory_space<vmem_shared>>
      tpu.wait_indirect_dma semaphore(%arg18 : memref<!tpu.dma_semaphore, #tpu.memory_space<semaphore_mem>>) src(%arg13 : memref<125x128xf32, #tpu.memory_space<vmem>>) dst(%dma_wait3A_477 : memref<10000x128xf32, #tpu.memory_space<vmem_shared>>)
      %eq3A_478 = arith.constant 0 : i32
      %eq3A_479 = arith.cmpi eq, %arg0, %eq3A_478 : i32
      %convert_element_type3A_480 = arith.extui %eq3A_479 : i1 to i32
      %cond3A_481 = arith.constant 6 : i32
      %cond3A_482 = arith.constant 0 : i32
      %cond3A_483 = arith.cmpi ne, %convert_element_type3A_480, %cond3A_482 : i32
      scf.if %cond3A_483 {
        %dma_start3A_565 = arith.constant 0 : i32
        %dma_start3A_566 = tpu.memref_slice %arg10[%cond3A_481, %dma_start3A_565] : memref<8x125xi32, #tpu.memory_space<vmem>> -> memref<1x125xi32, #tpu.memory_space<vmem>>
        %dma_start3A_567 = tpu.memref_squeeze %dma_start3A_566 : memref<1x125xi32, #tpu.memory_space<vmem>> -> memref<125xi32, #tpu.memory_space<vmem>>
        %dma_start3A_568 = arith.constant 0 : i32
        %dma_start3A_569 = arith.constant 0 : i32
        %dma_start3A_570 = tpu.memref_slice %arg2[%dma_start3A_568, %dma_start3A_569] : memref<10000x128xf32, #tpu.memory_space<hbm>> -> memref<10000x128xf32, #tpu.memory_space<hbm>>
        tpu.enqueue_indirect_dma source(%dma_start3A_570 : memref<10000x128xf32, #tpu.memory_space<hbm>>) target(%arg13 : memref<125x128xf32, #tpu.memory_space<vmem>>) offsets(%dma_start3A_567 : memref<125xi32, #tpu.memory_space<vmem>>) semaphore(%arg16 : memref<!tpu.dma_semaphore, #tpu.memory_space<semaphore_mem>>)
      } else {
      }
      %eq3A_484 = arith.constant 1 : i32
      %eq3A_485 = arith.cmpi eq, %arg0, %eq3A_484 : i32
      %convert_element_type3A_486 = arith.extui %eq3A_485 : i1 to i32
      %cond3A_487 = arith.constant 6 : i32
      %cond3A_488 = arith.constant 0 : i32
      %cond3A_489 = arith.cmpi ne, %convert_element_type3A_486, %cond3A_488 : i32
      scf.if %cond3A_489 {
        %dma_start3A_565 = arith.constant 0 : i32
        %dma_start3A_566 = tpu.memref_slice %arg10[%cond3A_487, %dma_start3A_565] : memref<8x125xi32, #tpu.memory_space<vmem>> -> memref<1x125xi32, #tpu.memory_space<vmem>>
        %dma_start3A_567 = tpu.memref_squeeze %dma_start3A_566 : memref<1x125xi32, #tpu.memory_space<vmem>> -> memref<125xi32, #tpu.memory_space<vmem>>
        %dma_start3A_568 = arith.constant 0 : i32
        %dma_start3A_569 = arith.constant 0 : i32
        %dma_start3A_570 = tpu.memref_slice %arg3[%dma_start3A_568, %dma_start3A_569] : memref<10000x128xf32, #tpu.memory_space<hbm>> -> memref<10000x128xf32, #tpu.memory_space<hbm>>
        tpu.enqueue_indirect_dma source(%dma_start3A_570 : memref<10000x128xf32, #tpu.memory_space<hbm>>) target(%arg13 : memref<125x128xf32, #tpu.memory_space<vmem>>) offsets(%dma_start3A_567 : memref<125xi32, #tpu.memory_space<vmem>>) semaphore(%arg16 : memref<!tpu.dma_semaphore, #tpu.memory_space<semaphore_mem>>)
      } else {
      }
      %dma_wait3A_490 = arith.constant 5 : i32
      %dma_wait3A_491 = arith.constant 0 : i32
      %dma_wait3A_492 = tpu.memref_slice %arg10[%dma_wait3A_490, %dma_wait3A_491] : memref<8x125xi32, #tpu.memory_space<vmem>> -> memref<1x125xi32, #tpu.memory_space<vmem>>
      %dma_wait3A_493 = tpu.memref_squeeze %dma_wait3A_492 : memref<1x125xi32, #tpu.memory_space<vmem>> -> memref<125xi32, #tpu.memory_space<vmem>>
      %dma_wait3A_494 = arith.constant 0 : i32
      %dma_wait3A_495 = arith.constant 0 : i32
      %dma_wait3A_496 = tpu.memref_slice %arg2[%dma_wait3A_494, %dma_wait3A_495] : memref<10000x128xf32, #tpu.memory_space<hbm>> -> memref<10000x128xf32, #tpu.memory_space<hbm>>
      tpu.wait_indirect_dma semaphore(%arg17 : memref<!tpu.dma_semaphore, #tpu.memory_space<semaphore_mem>>) src(%dma_wait3A_496 : memref<10000x128xf32, #tpu.memory_space<hbm>>) dst(%arg14 : memref<125x128xf32, #tpu.memory_space<vmem>>)
      %dma_start3A_497 = arith.constant 5 : i32
      %dma_start3A_498 = arith.constant 0 : i32
      %dma_start3A_499 = tpu.memref_slice %arg12[%dma_start3A_497, %dma_start3A_498] : memref<8x125xi32, #tpu.memory_space<vmem>> -> memref<1x125xi32, #tpu.memory_space<vmem>>
      %dma_start3A_500 = tpu.memref_squeeze %dma_start3A_499 : memref<1x125xi32, #tpu.memory_space<vmem>> -> memref<125xi32, #tpu.memory_space<vmem>>
      %dma_start3A_501 = arith.constant 0 : i32
      %dma_start3A_502 = arith.constant 0 : i32
      %dma_start3A_503 = tpu.memref_slice %arg15[%dma_start3A_501, %dma_start3A_502] : memref<10000x128xf32, #tpu.memory_space<vmem_shared>> -> memref<10000x128xf32, #tpu.memory_space<vmem_shared>>
      tpu.enqueue_indirect_dma source(%arg14 : memref<125x128xf32, #tpu.memory_space<vmem>>) target(%dma_start3A_503 : memref<10000x128xf32, #tpu.memory_space<vmem_shared>>) offsets(%dma_start3A_500 : memref<125xi32, #tpu.memory_space<vmem>>) semaphore(%arg19 : memref<!tpu.dma_semaphore, #tpu.memory_space<semaphore_mem>>) {add = true}
      %dma_wait3A_504 = arith.constant 0 : i32
      %dma_wait3A_505 = arith.constant 0 : i32
      %dma_wait3A_506 = tpu.memref_slice %arg12[%dma_wait3A_504, %dma_wait3A_505] : memref<8x125xi32, #tpu.memory_space<vmem>> -> memref<1x125xi32, #tpu.memory_space<vmem>>
      %dma_wait3A_507 = tpu.memref_squeeze %dma_wait3A_506 : memref<1x125xi32, #tpu.memory_space<vmem>> -> memref<125xi32, #tpu.memory_space<vmem>>
      %dma_wait3A_508 = arith.constant 0 : i32
      %dma_wait3A_509 = arith.constant 0 : i32
      %dma_wait3A_510 = tpu.memref_slice %arg15[%dma_wait3A_508, %dma_wait3A_509] : memref<10000x128xf32, #tpu.memory_space<vmem_shared>> -> memref<10000x128xf32, #tpu.memory_space<vmem_shared>>
      tpu.wait_indirect_dma semaphore(%arg19 : memref<!tpu.dma_semaphore, #tpu.memory_space<semaphore_mem>>) src(%arg14 : memref<125x128xf32, #tpu.memory_space<vmem>>) dst(%dma_wait3A_510 : memref<10000x128xf32, #tpu.memory_space<vmem_shared>>)
      %eq3A_511 = arith.constant 0 : i32
      %eq3A_512 = arith.cmpi eq, %arg0, %eq3A_511 : i32
      %convert_element_type3A_513 = arith.extui %eq3A_512 : i1 to i32
      %cond3A_514 = arith.constant 7 : i32
      %cond3A_515 = arith.constant 0 : i32
      %cond3A_516 = arith.cmpi ne, %convert_element_type3A_513, %cond3A_515 : i32
      scf.if %cond3A_516 {
        %dma_start3A_565 = arith.constant 0 : i32
        %dma_start3A_566 = tpu.memref_slice %arg10[%cond3A_514, %dma_start3A_565] : memref<8x125xi32, #tpu.memory_space<vmem>> -> memref<1x125xi32, #tpu.memory_space<vmem>>
        %dma_start3A_567 = tpu.memref_squeeze %dma_start3A_566 : memref<1x125xi32, #tpu.memory_space<vmem>> -> memref<125xi32, #tpu.memory_space<vmem>>
        %dma_start3A_568 = arith.constant 0 : i32
        %dma_start3A_569 = arith.constant 0 : i32
        %dma_start3A_570 = tpu.memref_slice %arg2[%dma_start3A_568, %dma_start3A_569] : memref<10000x128xf32, #tpu.memory_space<hbm>> -> memref<10000x128xf32, #tpu.memory_space<hbm>>
        tpu.enqueue_indirect_dma source(%dma_start3A_570 : memref<10000x128xf32, #tpu.memory_space<hbm>>) target(%arg14 : memref<125x128xf32, #tpu.memory_space<vmem>>) offsets(%dma_start3A_567 : memref<125xi32, #tpu.memory_space<vmem>>) semaphore(%arg17 : memref<!tpu.dma_semaphore, #tpu.memory_space<semaphore_mem>>)
      } else {
      }
      %eq3A_517 = arith.constant 1 : i32
      %eq3A_518 = arith.cmpi eq, %arg0, %eq3A_517 : i32
      %convert_element_type3A_519 = arith.extui %eq3A_518 : i1 to i32
      %cond3A_520 = arith.constant 7 : i32
      %cond3A_521 = arith.constant 0 : i32
      %cond3A_522 = arith.cmpi ne, %convert_element_type3A_519, %cond3A_521 : i32
      scf.if %cond3A_522 {
        %dma_start3A_565 = arith.constant 0 : i32
        %dma_start3A_566 = tpu.memref_slice %arg10[%cond3A_520, %dma_start3A_565] : memref<8x125xi32, #tpu.memory_space<vmem>> -> memref<1x125xi32, #tpu.memory_space<vmem>>
        %dma_start3A_567 = tpu.memref_squeeze %dma_start3A_566 : memref<1x125xi32, #tpu.memory_space<vmem>> -> memref<125xi32, #tpu.memory_space<vmem>>
        %dma_start3A_568 = arith.constant 0 : i32
        %dma_start3A_569 = arith.constant 0 : i32
        %dma_start3A_570 = tpu.memref_slice %arg3[%dma_start3A_568, %dma_start3A_569] : memref<10000x128xf32, #tpu.memory_space<hbm>> -> memref<10000x128xf32, #tpu.memory_space<hbm>>
        tpu.enqueue_indirect_dma source(%dma_start3A_570 : memref<10000x128xf32, #tpu.memory_space<hbm>>) target(%arg14 : memref<125x128xf32, #tpu.memory_space<vmem>>) offsets(%dma_start3A_567 : memref<125xi32, #tpu.memory_space<vmem>>) semaphore(%arg17 : memref<!tpu.dma_semaphore, #tpu.memory_space<semaphore_mem>>)
      } else {
      }
      %dma_wait3A_523 = arith.constant 6 : i32
      %dma_wait3A_524 = arith.constant 0 : i32
      %dma_wait3A_525 = tpu.memref_slice %arg10[%dma_wait3A_523, %dma_wait3A_524] : memref<8x125xi32, #tpu.memory_space<vmem>> -> memref<1x125xi32, #tpu.memory_space<vmem>>
      %dma_wait3A_526 = tpu.memref_squeeze %dma_wait3A_525 : memref<1x125xi32, #tpu.memory_space<vmem>> -> memref<125xi32, #tpu.memory_space<vmem>>
      %dma_wait3A_527 = arith.constant 0 : i32
      %dma_wait3A_528 = arith.constant 0 : i32
      %dma_wait3A_529 = tpu.memref_slice %arg2[%dma_wait3A_527, %dma_wait3A_528] : memref<10000x128xf32, #tpu.memory_space<hbm>> -> memref<10000x128xf32, #tpu.memory_space<hbm>>
      tpu.wait_indirect_dma semaphore(%arg16 : memref<!tpu.dma_semaphore, #tpu.memory_space<semaphore_mem>>) src(%dma_wait3A_529 : memref<10000x128xf32, #tpu.memory_space<hbm>>) dst(%arg13 : memref<125x128xf32, #tpu.memory_space<vmem>>)
      %dma_start3A_530 = arith.constant 6 : i32
      %dma_start3A_531 = arith.constant 0 : i32
      %dma_start3A_532 = tpu.memref_slice %arg12[%dma_start3A_530, %dma_start3A_531] : memref<8x125xi32, #tpu.memory_space<vmem>> -> memref<1x125xi32, #tpu.memory_space<vmem>>
      %dma_start3A_533 = tpu.memref_squeeze %dma_start3A_532 : memref<1x125xi32, #tpu.memory_space<vmem>> -> memref<125xi32, #tpu.memory_space<vmem>>
      %dma_start3A_534 = arith.constant 0 : i32
      %dma_start3A_535 = arith.constant 0 : i32
      %dma_start3A_536 = tpu.memref_slice %arg15[%dma_start3A_534, %dma_start3A_535] : memref<10000x128xf32, #tpu.memory_space<vmem_shared>> -> memref<10000x128xf32, #tpu.memory_space<vmem_shared>>
      tpu.enqueue_indirect_dma source(%arg13 : memref<125x128xf32, #tpu.memory_space<vmem>>) target(%dma_start3A_536 : memref<10000x128xf32, #tpu.memory_space<vmem_shared>>) offsets(%dma_start3A_533 : memref<125xi32, #tpu.memory_space<vmem>>) semaphore(%arg18 : memref<!tpu.dma_semaphore, #tpu.memory_space<semaphore_mem>>) {add = true}
      %dma_wait3A_537 = arith.constant 0 : i32
      %dma_wait3A_538 = arith.constant 0 : i32
      %dma_wait3A_539 = tpu.memref_slice %arg12[%dma_wait3A_537, %dma_wait3A_538] : memref<8x125xi32, #tpu.memory_space<vmem>> -> memref<1x125xi32, #tpu.memory_space<vmem>>
      %dma_wait3A_540 = tpu.memref_squeeze %dma_wait3A_539 : memref<1x125xi32, #tpu.memory_space<vmem>> -> memref<125xi32, #tpu.memory_space<vmem>>
      %dma_wait3A_541 = arith.constant 0 : i32
      %dma_wait3A_542 = arith.constant 0 : i32
      %dma_wait3A_543 = tpu.memref_slice %arg15[%dma_wait3A_541, %dma_wait3A_542] : memref<10000x128xf32, #tpu.memory_space<vmem_shared>> -> memref<10000x128xf32, #tpu.memory_space<vmem_shared>>
      tpu.wait_indirect_dma semaphore(%arg18 : memref<!tpu.dma_semaphore, #tpu.memory_space<semaphore_mem>>) src(%arg13 : memref<125x128xf32, #tpu.memory_space<vmem>>) dst(%dma_wait3A_543 : memref<10000x128xf32, #tpu.memory_space<vmem_shared>>)
      %add3A_544 = arith.constant 1 : i32
      %add3A_545 = arith.addi %add3A_300, %add3A_544 : i32
      %lt3A_546 = arith.constant 10 : i32
      %lt3A_547 = arith.cmpi slt, %add3A_545, %lt3A_546 : i32
      %convert_element_type3A_548 = arith.extui %lt3A_547 : i1 to i32
      %cond3A_549 = arith.constant 0 : i32
      %cond3A_550 = arith.cmpi ne, %convert_element_type3A_548, %cond3A_549 : i32
      scf.if %cond3A_550 {
        %dma_wait3A_565 = arith.constant 0 : i32
        %dma_wait3A_566 = arith.constant 0 : i32
        %dma_wait3A_567 = tpu.memref_slice %arg4[%arg1, %dma_wait3A_565, %dma_wait3A_566] : memref<16x80x125xi32, #tpu.memory_space<hbm>> -> memref<1x8x125xi32, #tpu.memory_space<hbm>>
        %dma_wait3A_568 = tpu.memref_squeeze %dma_wait3A_567 : memref<1x8x125xi32, #tpu.memory_space<hbm>> -> memref<8x125xi32, #tpu.memory_space<hbm>>
        %dma_wait3A_569 = arith.constant 0 : i32
        %dma_wait3A_570 = arith.constant 0 : i32
        %dma_wait3A_571 = tpu.memref_slice %arg4[%arg1, %dma_wait3A_569, %dma_wait3A_570] : memref<16x80x125xi32, #tpu.memory_space<hbm>> -> memref<1x8x125xi32, #tpu.memory_space<hbm>>
        %dma_wait3A_572 = tpu.memref_squeeze %dma_wait3A_571 : memref<1x8x125xi32, #tpu.memory_space<hbm>> -> memref<8x125xi32, #tpu.memory_space<hbm>>
        tpu.wait_dma2 semaphore(%arg20 : memref<!tpu.dma_semaphore, #tpu.memory_space<semaphore_mem>>) src(%dma_wait3A_572 : memref<8x125xi32, #tpu.memory_space<hbm>>) dst(%arg9 : memref<8x125xi32, #tpu.memory_space<vmem>>)
        %dma_wait3A_573 = arith.constant 0 : i32
        %dma_wait3A_574 = arith.constant 0 : i32
        %dma_wait3A_575 = tpu.memref_slice %arg5[%arg1, %dma_wait3A_573, %dma_wait3A_574] : memref<16x80x125xi32, #tpu.memory_space<hbm>> -> memref<1x8x125xi32, #tpu.memory_space<hbm>>
        %dma_wait3A_576 = tpu.memref_squeeze %dma_wait3A_575 : memref<1x8x125xi32, #tpu.memory_space<hbm>> -> memref<8x125xi32, #tpu.memory_space<hbm>>
        %dma_wait3A_577 = arith.constant 0 : i32
        %dma_wait3A_578 = arith.constant 0 : i32
        %dma_wait3A_579 = tpu.memref_slice %arg5[%arg1, %dma_wait3A_577, %dma_wait3A_578] : memref<16x80x125xi32, #tpu.memory_space<hbm>> -> memref<1x8x125xi32, #tpu.memory_space<hbm>>
        %dma_wait3A_580 = tpu.memref_squeeze %dma_wait3A_579 : memref<1x8x125xi32, #tpu.memory_space<hbm>> -> memref<8x125xi32, #tpu.memory_space<hbm>>
        tpu.wait_dma2 semaphore(%arg20 : memref<!tpu.dma_semaphore, #tpu.memory_space<semaphore_mem>>) src(%dma_wait3A_580 : memref<8x125xi32, #tpu.memory_space<hbm>>) dst(%arg11 : memref<8x125xi32, #tpu.memory_space<vmem>>)
        %eq3A_581 = arith.constant 0 : i32
        %eq3A_582 = arith.cmpi eq, %arg0, %eq3A_581 : i32
        %convert_element_type3A_583 = arith.extui %eq3A_582 : i1 to i32
        %cond3A_584 = arith.constant 0 : i32
        %cond3A_585 = arith.constant 0 : i32
        %cond3A_586 = arith.cmpi ne, %convert_element_type3A_583, %cond3A_585 : i32
        scf.if %cond3A_586 {
          %dma_start3A_593 = arith.constant 0 : i32
          %dma_start3A_594 = tpu.memref_slice %arg9[%cond3A_584, %dma_start3A_593] : memref<8x125xi32, #tpu.memory_space<vmem>> -> memref<1x125xi32, #tpu.memory_space<vmem>>
          %dma_start3A_595 = tpu.memref_squeeze %dma_start3A_594 : memref<1x125xi32, #tpu.memory_space<vmem>> -> memref<125xi32, #tpu.memory_space<vmem>>
          %dma_start3A_596 = arith.constant 0 : i32
          %dma_start3A_597 = arith.constant 0 : i32
          %dma_start3A_598 = tpu.memref_slice %arg2[%dma_start3A_596, %dma_start3A_597] : memref<10000x128xf32, #tpu.memory_space<hbm>> -> memref<10000x128xf32, #tpu.memory_space<hbm>>
          tpu.enqueue_indirect_dma source(%dma_start3A_598 : memref<10000x128xf32, #tpu.memory_space<hbm>>) target(%arg13 : memref<125x128xf32, #tpu.memory_space<vmem>>) offsets(%dma_start3A_595 : memref<125xi32, #tpu.memory_space<vmem>>) semaphore(%arg16 : memref<!tpu.dma_semaphore, #tpu.memory_space<semaphore_mem>>)
        } else {
        }
        %eq3A_587 = arith.constant 1 : i32
        %eq3A_588 = arith.cmpi eq, %arg0, %eq3A_587 : i32
        %convert_element_type3A_589 = arith.extui %eq3A_588 : i1 to i32
        %cond3A_590 = arith.constant 0 : i32
        %cond3A_591 = arith.constant 0 : i32
        %cond3A_592 = arith.cmpi ne, %convert_element_type3A_589, %cond3A_591 : i32
        scf.if %cond3A_592 {
          %dma_start3A_593 = arith.constant 0 : i32
          %dma_start3A_594 = tpu.memref_slice %arg9[%cond3A_590, %dma_start3A_593] : memref<8x125xi32, #tpu.memory_space<vmem>> -> memref<1x125xi32, #tpu.memory_space<vmem>>
          %dma_start3A_595 = tpu.memref_squeeze %dma_start3A_594 : memref<1x125xi32, #tpu.memory_space<vmem>> -> memref<125xi32, #tpu.memory_space<vmem>>
          %dma_start3A_596 = arith.constant 0 : i32
          %dma_start3A_597 = arith.constant 0 : i32
          %dma_start3A_598 = tpu.memref_slice %arg3[%dma_start3A_596, %dma_start3A_597] : memref<10000x128xf32, #tpu.memory_space<hbm>> -> memref<10000x128xf32, #tpu.memory_space<hbm>>
          tpu.enqueue_indirect_dma source(%dma_start3A_598 : memref<10000x128xf32, #tpu.memory_space<hbm>>) target(%arg13 : memref<125x128xf32, #tpu.memory_space<vmem>>) offsets(%dma_start3A_595 : memref<125xi32, #tpu.memory_space<vmem>>) semaphore(%arg16 : memref<!tpu.dma_semaphore, #tpu.memory_space<semaphore_mem>>)
        } else {
        }
      } else {
      }
      %dma_wait3A_551 = arith.constant 7 : i32
      %dma_wait3A_552 = arith.constant 0 : i32
      %dma_wait3A_553 = tpu.memref_slice %arg10[%dma_wait3A_551, %dma_wait3A_552] : memref<8x125xi32, #tpu.memory_space<vmem>> -> memref<1x125xi32, #tpu.memory_space<vmem>>
      %dma_wait3A_554 = tpu.memref_squeeze %dma_wait3A_553 : memref<1x125xi32, #tpu.memory_space<vmem>> -> memref<125xi32, #tpu.memory_space<vmem>>
      %dma_wait3A_555 = arith.constant 0 : i32
      %dma_wait3A_556 = arith.constant 0 : i32
      %dma_wait3A_557 = tpu.memref_slice %arg2[%dma_wait3A_555, %dma_wait3A_556] : memref<10000x128xf32, #tpu.memory_space<hbm>> -> memref<10000x128xf32, #tpu.memory_space<hbm>>
      tpu.wait_indirect_dma semaphore(%arg17 : memref<!tpu.dma_semaphore, #tpu.memory_space<semaphore_mem>>) src(%dma_wait3A_557 : memref<10000x128xf32, #tpu.memory_space<hbm>>) dst(%arg14 : memref<125x128xf32, #tpu.memory_space<vmem>>)
      %dma_start3A_558 = arith.constant 7 : i32
      %dma_start3A_559 = arith.constant 0 : i32
      %dma_start3A_560 = tpu.memref_slice %arg12[%dma_start3A_558, %dma_start3A_559] : memref<8x125xi32, #tpu.memory_space<vmem>> -> memref<1x125xi32, #tpu.memory_space<vmem>>
      %dma_start3A_561 = tpu.memref_squeeze %dma_start3A_560 : memref<1x125xi32, #tpu.memory_space<vmem>> -> memref<125xi32, #tpu.memory_space<vmem>>
      %dma_start3A_562 = arith.constant 0 : i32
      %dma_start3A_563 = arith.constant 0 : i32
      %dma_start3A_564 = tpu.memref_slice %arg15[%dma_start3A_562, %dma_start3A_563] : memref<10000x128xf32, #tpu.memory_space<vmem_shared>> -> memref<10000x128xf32, #tpu.memory_space<vmem_shared>>
      tpu.enqueue_indirect_dma source(%arg14 : memref<125x128xf32, #tpu.memory_space<vmem>>) target(%dma_start3A_564 : memref<10000x128xf32, #tpu.memory_space<vmem_shared>>) offsets(%dma_start3A_561 : memref<125xi32, #tpu.memory_space<vmem>>) semaphore(%arg19 : memref<!tpu.dma_semaphore, #tpu.memory_space<semaphore_mem>>) {add = true}
    }
    %scan3A_14 = arith.constant 5 : i32
    %dma_wait3A = arith.constant 0 : i32
    %dma_wait3A_15 = arith.constant 0 : i32
    %dma_wait3A_16 = tpu.memref_slice %arg12[%dma_wait3A, %dma_wait3A_15] : memref<8x125xi32, #tpu.memory_space<vmem>> -> memref<1x125xi32, #tpu.memory_space<vmem>>
    %dma_wait3A_17 = tpu.memref_squeeze %dma_wait3A_16 : memref<1x125xi32, #tpu.memory_space<vmem>> -> memref<125xi32, #tpu.memory_space<vmem>>
    %dma_wait3A_18 = arith.constant 0 : i32
    %dma_wait3A_19 = arith.constant 0 : i32
    %dma_wait3A_20 = tpu.memref_slice %arg15[%dma_wait3A_18, %dma_wait3A_19] : memref<10000x128xf32, #tpu.memory_space<vmem_shared>> -> memref<10000x128xf32, #tpu.memory_space<vmem_shared>>
    tpu.wait_indirect_dma semaphore(%arg19 : memref<!tpu.dma_semaphore, #tpu.memory_space<semaphore_mem>>) src(%arg14 : memref<125x128xf32, #tpu.memory_space<vmem>>) dst(%dma_wait3A_20 : memref<10000x128xf32, #tpu.memory_space<vmem_shared>>)
    %barrier3A_21 = arith.constant 0 : index
    tpu.barrier barrier_id(%barrier3A_21)
    %eq3A_22 = arith.constant 0 : i32
    %eq3A_23 = arith.cmpi eq, %arg0, %eq3A_22 : i32
    %convert_element_type3A_24 = arith.extui %eq3A_23 : i1 to i32
    %cond3A_25 = arith.constant 0 : i32
    %cond3A_26 = arith.cmpi ne, %convert_element_type3A_24, %cond3A_25 : i32
    scf.if %cond3A_26 {
      "tpu.region"() ({
        %run_scoped3A = tpu.sem_alloc : memref<!tpu.dma_semaphore, #tpu.memory_space<semaphore_mem>>
        %dma_start3A = arith.constant 0 : i32
        %dma_start3A_32 = tpu.memref_slice %arg7[%mul3A_0, %dma_start3A] : memref<10000x128xf32, #tpu.memory_space<hbm>> -> memref<640x128xf32, #tpu.memory_space<hbm>>
        %dma_start3A_33 = arith.constant 0 : i32
        %dma_start3A_34 = tpu.memref_slice %arg15[%mul3A_0, %dma_start3A_33] : memref<10000x128xf32, #tpu.memory_space<vmem_shared>> -> memref<640x128xf32, #tpu.memory_space<vmem_shared>>
        tpu.enqueue_dma source(%dma_start3A_34 : memref<640x128xf32, #tpu.memory_space<vmem_shared>>) target(%dma_start3A_32 : memref<640x128xf32, #tpu.memory_space<hbm>>) target_semaphore(%run_scoped3A : memref<!tpu.dma_semaphore, #tpu.memory_space<semaphore_mem>>)
        %dma_wait3A_35 = arith.constant 0 : i32
        %dma_wait3A_36 = tpu.memref_slice %arg7[%mul3A_0, %dma_wait3A_35] : memref<10000x128xf32, #tpu.memory_space<hbm>> -> memref<640x128xf32, #tpu.memory_space<hbm>>
        %dma_wait3A_37 = arith.constant 0 : i32
        %dma_wait3A_38 = tpu.memref_slice %arg15[%mul3A_0, %dma_wait3A_37] : memref<10000x128xf32, #tpu.memory_space<vmem_shared>> -> memref<640x128xf32, #tpu.memory_space<vmem_shared>>
        tpu.wait_dma2 semaphore(%run_scoped3A : memref<!tpu.dma_semaphore, #tpu.memory_space<semaphore_mem>>) src(%dma_wait3A_38 : memref<640x128xf32, #tpu.memory_space<vmem_shared>>) dst(%dma_wait3A_36 : memref<640x128xf32, #tpu.memory_space<hbm>>)
        tpu.yield
      }) : () -> ()
    } else {
    }
    %eq3A_27 = arith.constant 1 : i32
    %eq3A_28 = arith.cmpi eq, %arg0, %eq3A_27 : i32
    %convert_element_type3A_29 = arith.extui %eq3A_28 : i1 to i32
    %cond3A_30 = arith.constant 0 : i32
    %cond3A_31 = arith.cmpi ne, %convert_element_type3A_29, %cond3A_30 : i32
    scf.if %cond3A_31 {
      "tpu.region"() ({
        %run_scoped3A = tpu.sem_alloc : memref<!tpu.dma_semaphore, #tpu.memory_space<semaphore_mem>>
        %dma_start3A = arith.constant 0 : i32
        %dma_start3A_32 = tpu.memref_slice %arg8[%mul3A_0, %dma_start3A] : memref<10000x128xf32, #tpu.memory_space<hbm>> -> memref<640x128xf32, #tpu.memory_space<hbm>>
        %dma_start3A_33 = arith.constant 0 : i32
        %dma_start3A_34 = tpu.memref_slice %arg15[%mul3A_0, %dma_start3A_33] : memref<10000x128xf32, #tpu.memory_space<vmem_shared>> -> memref<640x128xf32, #tpu.memory_space<vmem_shared>>
        tpu.enqueue_dma source(%dma_start3A_34 : memref<640x128xf32, #tpu.memory_space<vmem_shared>>) target(%dma_start3A_32 : memref<640x128xf32, #tpu.memory_space<hbm>>) target_semaphore(%run_scoped3A : memref<!tpu.dma_semaphore, #tpu.memory_space<semaphore_mem>>)
        %dma_wait3A_35 = arith.constant 0 : i32
        %dma_wait3A_36 = tpu.memref_slice %arg8[%mul3A_0, %dma_wait3A_35] : memref<10000x128xf32, #tpu.memory_space<hbm>> -> memref<640x128xf32, #tpu.memory_space<hbm>>
        %dma_wait3A_37 = arith.constant 0 : i32
        %dma_wait3A_38 = tpu.memref_slice %arg15[%mul3A_0, %dma_wait3A_37] : memref<10000x128xf32, #tpu.memory_space<vmem_shared>> -> memref<640x128xf32, #tpu.memory_space<vmem_shared>>
        tpu.wait_dma2 semaphore(%run_scoped3A : memref<!tpu.dma_semaphore, #tpu.memory_space<semaphore_mem>>) src(%dma_wait3A_38 : memref<640x128xf32, #tpu.memory_space<vmem_shared>>) dst(%dma_wait3A_36 : memref<640x128xf32, #tpu.memory_space<hbm>>)
        tpu.yield
      }) : () -> ()
    } else {
    }
    return
  }
}

#map = affine_map<(d0, d1) -> (0, 0, 0)>
#map1 = affine_map<(d0, d1) -> (0, 0)>
module attributes {stable_mosaic.version = 14 : i64} {
  func.func @_deg_kernel_body(%arg0: i32, %arg1: i32, %arg2: memref<32x40x125xi32, #tpu.memory_space<hbm>>, %arg3: memref<125x128xf32, #tpu.memory_space<hbm>>, %arg4: memref<640x128xf32, #tpu.memory_space<hbm>>, %arg5: memref<2x10000x128xf32, #tpu.memory_space<hbm>>, %arg6: memref<40x125xi32, #tpu.memory_space<vmem>>, %arg7: memref<125x128xf32, #tpu.memory_space<vmem>>, %arg8: memref<10000x128xf32, #tpu.memory_space<vmem_shared>>, %arg9: memref<!tpu.dma_semaphore, #tpu.memory_space<semaphore_mem>>, %arg10: memref<!tpu.dma_semaphore, #tpu.memory_space<semaphore_mem>>, %arg11: memref<!tpu.dma_semaphore, #tpu.memory_space<semaphore_mem>>, %arg12: memref<!tpu.dma_semaphore, #tpu.memory_space<semaphore_mem>>) attributes {dimension_semantics = [#tpu.dimension_semantics<core_parallel>, #tpu.dimension_semantics<subcore_parallel>], iteration_bounds = array<i64: 2, 16>, scalar_prefetch = 0 : i64, scratch_operands = 7 : i64, tpu.core_type = #tpu.core_type<sc_vector_subcore>, window_params = [{transform_indices = #map}, {transform_indices = #map1}, {transform_indices = #map1}, {transform_indices = #map}]} {
    %mul3A = arith.constant 16 : i32
    %mul3A_0 = arith.muli %arg0, %mul3A : i32
    %add3A = arith.addi %mul3A_0, %arg1 : i32
    %mul3A_1 = arith.constant 624 : i32
    %mul3A_2 = arith.muli %arg1, %mul3A_1 : i32
    "tpu.region"() ({
      %run_scoped3A = tpu.sem_alloc : memref<!tpu.dma_semaphore, #tpu.memory_space<semaphore_mem>>
      %dma_start3A = arith.constant 0 : i32
      %dma_start3A_36 = tpu.memref_slice %arg8[%mul3A_2, %dma_start3A] : memref<10000x128xf32, #tpu.memory_space<vmem_shared>> -> memref<640x128xf32, #tpu.memory_space<vmem_shared>>
      tpu.enqueue_dma source(%arg4 : memref<640x128xf32, #tpu.memory_space<hbm>>) target(%dma_start3A_36 : memref<640x128xf32, #tpu.memory_space<vmem_shared>>) target_semaphore(%run_scoped3A : memref<!tpu.dma_semaphore, #tpu.memory_space<semaphore_mem>>)
      %dma_wait3A_37 = arith.constant 0 : i32
      %dma_wait3A_38 = tpu.memref_slice %arg8[%mul3A_2, %dma_wait3A_37] : memref<10000x128xf32, #tpu.memory_space<vmem_shared>> -> memref<640x128xf32, #tpu.memory_space<vmem_shared>>
      tpu.wait_dma2 semaphore(%run_scoped3A : memref<!tpu.dma_semaphore, #tpu.memory_space<semaphore_mem>>) src(%arg4 : memref<640x128xf32, #tpu.memory_space<hbm>>) dst(%dma_wait3A_38 : memref<640x128xf32, #tpu.memory_space<vmem_shared>>)
      tpu.yield
    }) : () -> ()
    "tpu.region"() ({
      %run_scoped3A = tpu.sem_alloc : memref<!tpu.dma_semaphore, #tpu.memory_space<semaphore_mem>>
      %dma_start3A = arith.constant 0 : i32
      %dma_start3A_36 = arith.constant 0 : i32
      %dma_start3A_37 = tpu.memref_slice %arg2[%add3A, %dma_start3A, %dma_start3A_36] : memref<32x40x125xi32, #tpu.memory_space<hbm>> -> memref<1x40x125xi32, #tpu.memory_space<hbm>>
      %dma_start3A_38 = tpu.memref_squeeze %dma_start3A_37 : memref<1x40x125xi32, #tpu.memory_space<hbm>> -> memref<40x125xi32, #tpu.memory_space<hbm>>
      %dma_start3A_39 = arith.constant 0 : i32
      %dma_start3A_40 = arith.constant 0 : i32
      %dma_start3A_41 = tpu.memref_slice %arg2[%add3A, %dma_start3A_39, %dma_start3A_40] : memref<32x40x125xi32, #tpu.memory_space<hbm>> -> memref<1x40x125xi32, #tpu.memory_space<hbm>>
      %dma_start3A_42 = tpu.memref_squeeze %dma_start3A_41 : memref<1x40x125xi32, #tpu.memory_space<hbm>> -> memref<40x125xi32, #tpu.memory_space<hbm>>
      tpu.enqueue_dma source(%dma_start3A_42 : memref<40x125xi32, #tpu.memory_space<hbm>>) target(%arg6 : memref<40x125xi32, #tpu.memory_space<vmem>>) target_semaphore(%run_scoped3A : memref<!tpu.dma_semaphore, #tpu.memory_space<semaphore_mem>>)
      %dma_wait3A_43 = arith.constant 0 : i32
      %dma_wait3A_44 = arith.constant 0 : i32
      %dma_wait3A_45 = tpu.memref_slice %arg2[%add3A, %dma_wait3A_43, %dma_wait3A_44] : memref<32x40x125xi32, #tpu.memory_space<hbm>> -> memref<1x40x125xi32, #tpu.memory_space<hbm>>
      %dma_wait3A_46 = tpu.memref_squeeze %dma_wait3A_45 : memref<1x40x125xi32, #tpu.memory_space<hbm>> -> memref<40x125xi32, #tpu.memory_space<hbm>>
      %dma_wait3A_47 = arith.constant 0 : i32
      %dma_wait3A_48 = arith.constant 0 : i32
      %dma_wait3A_49 = tpu.memref_slice %arg2[%add3A, %dma_wait3A_47, %dma_wait3A_48] : memref<32x40x125xi32, #tpu.memory_space<hbm>> -> memref<1x40x125xi32, #tpu.memory_space<hbm>>
      %dma_wait3A_50 = tpu.memref_squeeze %dma_wait3A_49 : memref<1x40x125xi32, #tpu.memory_space<hbm>> -> memref<40x125xi32, #tpu.memory_space<hbm>>
      tpu.wait_dma2 semaphore(%run_scoped3A : memref<!tpu.dma_semaphore, #tpu.memory_space<semaphore_mem>>) src(%dma_wait3A_50 : memref<40x125xi32, #tpu.memory_space<hbm>>) dst(%arg6 : memref<40x125xi32, #tpu.memory_space<vmem>>)
      tpu.yield
    }) : () -> ()
    "tpu.region"() ({
      %run_scoped3A = tpu.sem_alloc : memref<!tpu.dma_semaphore, #tpu.memory_space<semaphore_mem>>
      tpu.enqueue_dma source(%arg3 : memref<125x128xf32, #tpu.memory_space<hbm>>) target(%arg7 : memref<125x128xf32, #tpu.memory_space<vmem>>) target_semaphore(%run_scoped3A : memref<!tpu.dma_semaphore, #tpu.memory_space<semaphore_mem>>)
      tpu.wait_dma2 semaphore(%run_scoped3A : memref<!tpu.dma_semaphore, #tpu.memory_space<semaphore_mem>>) src(%arg3 : memref<125x128xf32, #tpu.memory_space<hbm>>) dst(%arg7 : memref<125x128xf32, #tpu.memory_space<vmem>>)
      tpu.yield
    }) : () -> ()
    %barrier3A = arith.constant 0 : index
    tpu.barrier barrier_id(%barrier3A)
    %scan3A = arith.constant 0 : i32
    %scan3A_3 = arith.constant 0 : i32
    %scan3A_4 = arith.constant 10 : i32
    %scan3A_5 = arith.addi %scan3A_3, %scan3A_4 : i32
    %scan3A_6 = arith.constant 1 : i32
    scf.for %scan3A_36 = %scan3A_3 to %scan3A_5 step %scan3A_6  : i32 {
      %mul3A_37 = arith.constant 4 : i32
      %mul3A_38 = arith.muli %mul3A_37, %scan3A_36 : i32
      %add3A_39 = arith.constant 0 : i32
      %add3A_40 = arith.addi %mul3A_38, %add3A_39 : i32
      %ge3A = arith.constant 4 : i32
      %ge3A_41 = arith.cmpi sge, %add3A_40, %ge3A : i32
      %convert_element_type3A = arith.extui %ge3A_41 : i1 to i32
      %cond3A = arith.constant 0 : i32
      %cond3A_42 = arith.cmpi ne, %convert_element_type3A, %cond3A : i32
      scf.if %cond3A_42 {
        %sub3A = arith.constant 4 : i32
        %sub3A_93 = arith.subi %add3A_40, %sub3A : i32
        %dma_wait3A_94 = arith.constant 0 : i32
        %dma_wait3A_95 = tpu.memref_slice %arg6[%sub3A_93, %dma_wait3A_94] : memref<40x125xi32, #tpu.memory_space<vmem>> -> memref<1x125xi32, #tpu.memory_space<vmem>>
        %dma_wait3A_96 = tpu.memref_squeeze %dma_wait3A_95 : memref<1x125xi32, #tpu.memory_space<vmem>> -> memref<125xi32, #tpu.memory_space<vmem>>
        %dma_wait3A_97 = arith.constant 0 : i32
        %dma_wait3A_98 = arith.constant 0 : i32
        %dma_wait3A_99 = tpu.memref_slice %arg8[%dma_wait3A_97, %dma_wait3A_98] : memref<10000x128xf32, #tpu.memory_space<vmem_shared>> -> memref<10000x128xf32, #tpu.memory_space<vmem_shared>>
        tpu.wait_indirect_dma semaphore(%arg9 : memref<!tpu.dma_semaphore, #tpu.memory_space<semaphore_mem>>) src(%arg7 : memref<125x128xf32, #tpu.memory_space<vmem>>) dst(%dma_wait3A_99 : memref<10000x128xf32, #tpu.memory_space<vmem_shared>>)
      } else {
      }
      %dma_start3A = arith.constant 0 : i32
      %dma_start3A_43 = tpu.memref_slice %arg6[%add3A_40, %dma_start3A] : memref<40x125xi32, #tpu.memory_space<vmem>> -> memref<1x125xi32, #tpu.memory_space<vmem>>
      %dma_start3A_44 = tpu.memref_squeeze %dma_start3A_43 : memref<1x125xi32, #tpu.memory_space<vmem>> -> memref<125xi32, #tpu.memory_space<vmem>>
      %dma_start3A_45 = arith.constant 0 : i32
      %dma_start3A_46 = arith.constant 0 : i32
      %dma_start3A_47 = tpu.memref_slice %arg8[%dma_start3A_45, %dma_start3A_46] : memref<10000x128xf32, #tpu.memory_space<vmem_shared>> -> memref<10000x128xf32, #tpu.memory_space<vmem_shared>>
      tpu.enqueue_indirect_dma source(%arg7 : memref<125x128xf32, #tpu.memory_space<vmem>>) target(%dma_start3A_47 : memref<10000x128xf32, #tpu.memory_space<vmem_shared>>) offsets(%dma_start3A_44 : memref<125xi32, #tpu.memory_space<vmem>>) semaphore(%arg9 : memref<!tpu.dma_semaphore, #tpu.memory_space<semaphore_mem>>) {add = true}
      %mul3A_48 = arith.constant 4 : i32
      %mul3A_49 = arith.muli %mul3A_48, %scan3A_36 : i32
      %add3A_50 = arith.constant 1 : i32
      %add3A_51 = arith.addi %mul3A_49, %add3A_50 : i32
      %ge3A_52 = arith.constant 4 : i32
      %ge3A_53 = arith.cmpi sge, %add3A_51, %ge3A_52 : i32
      %convert_element_type3A_54 = arith.extui %ge3A_53 : i1 to i32
      %cond3A_55 = arith.constant 0 : i32
      %cond3A_56 = arith.cmpi ne, %convert_element_type3A_54, %cond3A_55 : i32
      scf.if %cond3A_56 {
        %sub3A = arith.constant 4 : i32
        %sub3A_93 = arith.subi %add3A_51, %sub3A : i32
        %dma_wait3A_94 = arith.constant 0 : i32
        %dma_wait3A_95 = tpu.memref_slice %arg6[%sub3A_93, %dma_wait3A_94] : memref<40x125xi32, #tpu.memory_space<vmem>> -> memref<1x125xi32, #tpu.memory_space<vmem>>
        %dma_wait3A_96 = tpu.memref_squeeze %dma_wait3A_95 : memref<1x125xi32, #tpu.memory_space<vmem>> -> memref<125xi32, #tpu.memory_space<vmem>>
        %dma_wait3A_97 = arith.constant 0 : i32
        %dma_wait3A_98 = arith.constant 0 : i32
        %dma_wait3A_99 = tpu.memref_slice %arg8[%dma_wait3A_97, %dma_wait3A_98] : memref<10000x128xf32, #tpu.memory_space<vmem_shared>> -> memref<10000x128xf32, #tpu.memory_space<vmem_shared>>
        tpu.wait_indirect_dma semaphore(%arg10 : memref<!tpu.dma_semaphore, #tpu.memory_space<semaphore_mem>>) src(%arg7 : memref<125x128xf32, #tpu.memory_space<vmem>>) dst(%dma_wait3A_99 : memref<10000x128xf32, #tpu.memory_space<vmem_shared>>)
      } else {
      }
      %dma_start3A_57 = arith.constant 0 : i32
      %dma_start3A_58 = tpu.memref_slice %arg6[%add3A_51, %dma_start3A_57] : memref<40x125xi32, #tpu.memory_space<vmem>> -> memref<1x125xi32, #tpu.memory_space<vmem>>
      %dma_start3A_59 = tpu.memref_squeeze %dma_start3A_58 : memref<1x125xi32, #tpu.memory_space<vmem>> -> memref<125xi32, #tpu.memory_space<vmem>>
      %dma_start3A_60 = arith.constant 0 : i32
      %dma_start3A_61 = arith.constant 0 : i32
      %dma_start3A_62 = tpu.memref_slice %arg8[%dma_start3A_60, %dma_start3A_61] : memref<10000x128xf32, #tpu.memory_space<vmem_shared>> -> memref<10000x128xf32, #tpu.memory_space<vmem_shared>>
      tpu.enqueue_indirect_dma source(%arg7 : memref<125x128xf32, #tpu.memory_space<vmem>>) target(%dma_start3A_62 : memref<10000x128xf32, #tpu.memory_space<vmem_shared>>) offsets(%dma_start3A_59 : memref<125xi32, #tpu.memory_space<vmem>>) semaphore(%arg10 : memref<!tpu.dma_semaphore, #tpu.memory_space<semaphore_mem>>) {add = true}
      %mul3A_63 = arith.constant 4 : i32
      %mul3A_64 = arith.muli %mul3A_63, %scan3A_36 : i32
      %add3A_65 = arith.constant 2 : i32
      %add3A_66 = arith.addi %mul3A_64, %add3A_65 : i32
      %ge3A_67 = arith.constant 4 : i32
      %ge3A_68 = arith.cmpi sge, %add3A_66, %ge3A_67 : i32
      %convert_element_type3A_69 = arith.extui %ge3A_68 : i1 to i32
      %cond3A_70 = arith.constant 0 : i32
      %cond3A_71 = arith.cmpi ne, %convert_element_type3A_69, %cond3A_70 : i32
      scf.if %cond3A_71 {
        %sub3A = arith.constant 4 : i32
        %sub3A_93 = arith.subi %add3A_66, %sub3A : i32
        %dma_wait3A_94 = arith.constant 0 : i32
        %dma_wait3A_95 = tpu.memref_slice %arg6[%sub3A_93, %dma_wait3A_94] : memref<40x125xi32, #tpu.memory_space<vmem>> -> memref<1x125xi32, #tpu.memory_space<vmem>>
        %dma_wait3A_96 = tpu.memref_squeeze %dma_wait3A_95 : memref<1x125xi32, #tpu.memory_space<vmem>> -> memref<125xi32, #tpu.memory_space<vmem>>
        %dma_wait3A_97 = arith.constant 0 : i32
        %dma_wait3A_98 = arith.constant 0 : i32
        %dma_wait3A_99 = tpu.memref_slice %arg8[%dma_wait3A_97, %dma_wait3A_98] : memref<10000x128xf32, #tpu.memory_space<vmem_shared>> -> memref<10000x128xf32, #tpu.memory_space<vmem_shared>>
        tpu.wait_indirect_dma semaphore(%arg11 : memref<!tpu.dma_semaphore, #tpu.memory_space<semaphore_mem>>) src(%arg7 : memref<125x128xf32, #tpu.memory_space<vmem>>) dst(%dma_wait3A_99 : memref<10000x128xf32, #tpu.memory_space<vmem_shared>>)
      } else {
      }
      %dma_start3A_72 = arith.constant 0 : i32
      %dma_start3A_73 = tpu.memref_slice %arg6[%add3A_66, %dma_start3A_72] : memref<40x125xi32, #tpu.memory_space<vmem>> -> memref<1x125xi32, #tpu.memory_space<vmem>>
      %dma_start3A_74 = tpu.memref_squeeze %dma_start3A_73 : memref<1x125xi32, #tpu.memory_space<vmem>> -> memref<125xi32, #tpu.memory_space<vmem>>
      %dma_start3A_75 = arith.constant 0 : i32
      %dma_start3A_76 = arith.constant 0 : i32
      %dma_start3A_77 = tpu.memref_slice %arg8[%dma_start3A_75, %dma_start3A_76] : memref<10000x128xf32, #tpu.memory_space<vmem_shared>> -> memref<10000x128xf32, #tpu.memory_space<vmem_shared>>
      tpu.enqueue_indirect_dma source(%arg7 : memref<125x128xf32, #tpu.memory_space<vmem>>) target(%dma_start3A_77 : memref<10000x128xf32, #tpu.memory_space<vmem_shared>>) offsets(%dma_start3A_74 : memref<125xi32, #tpu.memory_space<vmem>>) semaphore(%arg11 : memref<!tpu.dma_semaphore, #tpu.memory_space<semaphore_mem>>) {add = true}
      %mul3A_78 = arith.constant 4 : i32
      %mul3A_79 = arith.muli %mul3A_78, %scan3A_36 : i32
      %add3A_80 = arith.constant 3 : i32
      %add3A_81 = arith.addi %mul3A_79, %add3A_80 : i32
      %ge3A_82 = arith.constant 4 : i32
      %ge3A_83 = arith.cmpi sge, %add3A_81, %ge3A_82 : i32
      %convert_element_type3A_84 = arith.extui %ge3A_83 : i1 to i32
      %cond3A_85 = arith.constant 0 : i32
      %cond3A_86 = arith.cmpi ne, %convert_element_type3A_84, %cond3A_85 : i32
      scf.if %cond3A_86 {
        %sub3A = arith.constant 4 : i32
        %sub3A_93 = arith.subi %add3A_81, %sub3A : i32
        %dma_wait3A_94 = arith.constant 0 : i32
        %dma_wait3A_95 = tpu.memref_slice %arg6[%sub3A_93, %dma_wait3A_94] : memref<40x125xi32, #tpu.memory_space<vmem>> -> memref<1x125xi32, #tpu.memory_space<vmem>>
        %dma_wait3A_96 = tpu.memref_squeeze %dma_wait3A_95 : memref<1x125xi32, #tpu.memory_space<vmem>> -> memref<125xi32, #tpu.memory_space<vmem>>
        %dma_wait3A_97 = arith.constant 0 : i32
        %dma_wait3A_98 = arith.constant 0 : i32
        %dma_wait3A_99 = tpu.memref_slice %arg8[%dma_wait3A_97, %dma_wait3A_98] : memref<10000x128xf32, #tpu.memory_space<vmem_shared>> -> memref<10000x128xf32, #tpu.memory_space<vmem_shared>>
        tpu.wait_indirect_dma semaphore(%arg12 : memref<!tpu.dma_semaphore, #tpu.memory_space<semaphore_mem>>) src(%arg7 : memref<125x128xf32, #tpu.memory_space<vmem>>) dst(%dma_wait3A_99 : memref<10000x128xf32, #tpu.memory_space<vmem_shared>>)
      } else {
      }
      %dma_start3A_87 = arith.constant 0 : i32
      %dma_start3A_88 = tpu.memref_slice %arg6[%add3A_81, %dma_start3A_87] : memref<40x125xi32, #tpu.memory_space<vmem>> -> memref<1x125xi32, #tpu.memory_space<vmem>>
      %dma_start3A_89 = tpu.memref_squeeze %dma_start3A_88 : memref<1x125xi32, #tpu.memory_space<vmem>> -> memref<125xi32, #tpu.memory_space<vmem>>
      %dma_start3A_90 = arith.constant 0 : i32
      %dma_start3A_91 = arith.constant 0 : i32
      %dma_start3A_92 = tpu.memref_slice %arg8[%dma_start3A_90, %dma_start3A_91] : memref<10000x128xf32, #tpu.memory_space<vmem_shared>> -> memref<10000x128xf32, #tpu.memory_space<vmem_shared>>
      tpu.enqueue_indirect_dma source(%arg7 : memref<125x128xf32, #tpu.memory_space<vmem>>) target(%dma_start3A_92 : memref<10000x128xf32, #tpu.memory_space<vmem_shared>>) offsets(%dma_start3A_89 : memref<125xi32, #tpu.memory_space<vmem>>) semaphore(%arg12 : memref<!tpu.dma_semaphore, #tpu.memory_space<semaphore_mem>>) {add = true}
    }
    %scan3A_7 = arith.constant 10 : i32
    %dma_wait3A = arith.constant 36 : i32
    %dma_wait3A_8 = arith.constant 0 : i32
    %dma_wait3A_9 = tpu.memref_slice %arg6[%dma_wait3A, %dma_wait3A_8] : memref<40x125xi32, #tpu.memory_space<vmem>> -> memref<1x125xi32, #tpu.memory_space<vmem>>
    %dma_wait3A_10 = tpu.memref_squeeze %dma_wait3A_9 : memref<1x125xi32, #tpu.memory_space<vmem>> -> memref<125xi32, #tpu.memory_space<vmem>>
    %dma_wait3A_11 = arith.constant 0 : i32
    %dma_wait3A_12 = arith.constant 0 : i32
    %dma_wait3A_13 = tpu.memref_slice %arg8[%dma_wait3A_11, %dma_wait3A_12] : memref<10000x128xf32, #tpu.memory_space<vmem_shared>> -> memref<10000x128xf32, #tpu.memory_space<vmem_shared>>
    tpu.wait_indirect_dma semaphore(%arg9 : memref<!tpu.dma_semaphore, #tpu.memory_space<semaphore_mem>>) src(%arg7 : memref<125x128xf32, #tpu.memory_space<vmem>>) dst(%dma_wait3A_13 : memref<10000x128xf32, #tpu.memory_space<vmem_shared>>)
    %dma_wait3A_14 = arith.constant 37 : i32
    %dma_wait3A_15 = arith.constant 0 : i32
    %dma_wait3A_16 = tpu.memref_slice %arg6[%dma_wait3A_14, %dma_wait3A_15] : memref<40x125xi32, #tpu.memory_space<vmem>> -> memref<1x125xi32, #tpu.memory_space<vmem>>
    %dma_wait3A_17 = tpu.memref_squeeze %dma_wait3A_16 : memref<1x125xi32, #tpu.memory_space<vmem>> -> memref<125xi32, #tpu.memory_space<vmem>>
    %dma_wait3A_18 = arith.constant 0 : i32
    %dma_wait3A_19 = arith.constant 0 : i32
    %dma_wait3A_20 = tpu.memref_slice %arg8[%dma_wait3A_18, %dma_wait3A_19] : memref<10000x128xf32, #tpu.memory_space<vmem_shared>> -> memref<10000x128xf32, #tpu.memory_space<vmem_shared>>
    tpu.wait_indirect_dma semaphore(%arg10 : memref<!tpu.dma_semaphore, #tpu.memory_space<semaphore_mem>>) src(%arg7 : memref<125x128xf32, #tpu.memory_space<vmem>>) dst(%dma_wait3A_20 : memref<10000x128xf32, #tpu.memory_space<vmem_shared>>)
    %dma_wait3A_21 = arith.constant 38 : i32
    %dma_wait3A_22 = arith.constant 0 : i32
    %dma_wait3A_23 = tpu.memref_slice %arg6[%dma_wait3A_21, %dma_wait3A_22] : memref<40x125xi32, #tpu.memory_space<vmem>> -> memref<1x125xi32, #tpu.memory_space<vmem>>
    %dma_wait3A_24 = tpu.memref_squeeze %dma_wait3A_23 : memref<1x125xi32, #tpu.memory_space<vmem>> -> memref<125xi32, #tpu.memory_space<vmem>>
    %dma_wait3A_25 = arith.constant 0 : i32
    %dma_wait3A_26 = arith.constant 0 : i32
    %dma_wait3A_27 = tpu.memref_slice %arg8[%dma_wait3A_25, %dma_wait3A_26] : memref<10000x128xf32, #tpu.memory_space<vmem_shared>> -> memref<10000x128xf32, #tpu.memory_space<vmem_shared>>
    tpu.wait_indirect_dma semaphore(%arg11 : memref<!tpu.dma_semaphore, #tpu.memory_space<semaphore_mem>>) src(%arg7 : memref<125x128xf32, #tpu.memory_space<vmem>>) dst(%dma_wait3A_27 : memref<10000x128xf32, #tpu.memory_space<vmem_shared>>)
    %dma_wait3A_28 = arith.constant 39 : i32
    %dma_wait3A_29 = arith.constant 0 : i32
    %dma_wait3A_30 = tpu.memref_slice %arg6[%dma_wait3A_28, %dma_wait3A_29] : memref<40x125xi32, #tpu.memory_space<vmem>> -> memref<1x125xi32, #tpu.memory_space<vmem>>
    %dma_wait3A_31 = tpu.memref_squeeze %dma_wait3A_30 : memref<1x125xi32, #tpu.memory_space<vmem>> -> memref<125xi32, #tpu.memory_space<vmem>>
    %dma_wait3A_32 = arith.constant 0 : i32
    %dma_wait3A_33 = arith.constant 0 : i32
    %dma_wait3A_34 = tpu.memref_slice %arg8[%dma_wait3A_32, %dma_wait3A_33] : memref<10000x128xf32, #tpu.memory_space<vmem_shared>> -> memref<10000x128xf32, #tpu.memory_space<vmem_shared>>
    tpu.wait_indirect_dma semaphore(%arg12 : memref<!tpu.dma_semaphore, #tpu.memory_space<semaphore_mem>>) src(%arg7 : memref<125x128xf32, #tpu.memory_space<vmem>>) dst(%dma_wait3A_34 : memref<10000x128xf32, #tpu.memory_space<vmem_shared>>)
    %barrier3A_35 = arith.constant 0 : index
    tpu.barrier barrier_id(%barrier3A_35)
    "tpu.region"() ({
      %run_scoped3A = tpu.sem_alloc : memref<!tpu.dma_semaphore, #tpu.memory_space<semaphore_mem>>
      %dma_start3A = arith.constant 0 : i32
      %dma_start3A_36 = tpu.memref_slice %arg5[%arg0, %mul3A_2, %dma_start3A] : memref<2x10000x128xf32, #tpu.memory_space<hbm>> -> memref<1x640x128xf32, #tpu.memory_space<hbm>>
      %dma_start3A_37 = tpu.memref_squeeze %dma_start3A_36 : memref<1x640x128xf32, #tpu.memory_space<hbm>> -> memref<640x128xf32, #tpu.memory_space<hbm>>
      %dma_start3A_38 = arith.constant 0 : i32
      %dma_start3A_39 = tpu.memref_slice %arg8[%mul3A_2, %dma_start3A_38] : memref<10000x128xf32, #tpu.memory_space<vmem_shared>> -> memref<640x128xf32, #tpu.memory_space<vmem_shared>>
      tpu.enqueue_dma source(%dma_start3A_39 : memref<640x128xf32, #tpu.memory_space<vmem_shared>>) target(%dma_start3A_37 : memref<640x128xf32, #tpu.memory_space<hbm>>) target_semaphore(%run_scoped3A : memref<!tpu.dma_semaphore, #tpu.memory_space<semaphore_mem>>)
      %dma_wait3A_40 = arith.constant 0 : i32
      %dma_wait3A_41 = tpu.memref_slice %arg5[%arg0, %mul3A_2, %dma_wait3A_40] : memref<2x10000x128xf32, #tpu.memory_space<hbm>> -> memref<1x640x128xf32, #tpu.memory_space<hbm>>
      %dma_wait3A_42 = tpu.memref_squeeze %dma_wait3A_41 : memref<1x640x128xf32, #tpu.memory_space<hbm>> -> memref<640x128xf32, #tpu.memory_space<hbm>>
      %dma_wait3A_43 = arith.constant 0 : i32
      %dma_wait3A_44 = tpu.memref_slice %arg8[%mul3A_2, %dma_wait3A_43] : memref<10000x128xf32, #tpu.memory_space<vmem_shared>> -> memref<640x128xf32, #tpu.memory_space<vmem_shared>>
      tpu.wait_dma2 semaphore(%run_scoped3A : memref<!tpu.dma_semaphore, #tpu.memory_space<semaphore_mem>>) src(%dma_wait3A_44 : memref<640x128xf32, #tpu.memory_space<vmem_shared>>) dst(%dma_wait3A_42 : memref<640x128xf32, #tpu.memory_space<hbm>>)
      tpu.yield
    }) : () -> ()
    return
  }
}

#map = affine_map<(d0, d1) -> (0, 0)>
#map1 = affine_map<(d0, d1) -> (0, 0, 0)>
module attributes {stable_mosaic.version = 14 : i64} {
  func.func @body(%arg0: i32, %arg1: i32, %arg2: memref<10000x128xf32, #tpu.memory_space<hbm>>, %arg3: memref<10000x128xf32, #tpu.memory_space<hbm>>, %arg4: memref<32x40x125xi32, #tpu.memory_space<hbm>>, %arg5: memref<32x40x125xi32, #tpu.memory_space<hbm>>, %arg6: memref<640x128xf32, #tpu.memory_space<hbm>>, %arg7: memref<2x10000x128xf32, #tpu.memory_space<hbm>>, %arg8: memref<4x125xi32, #tpu.memory_space<vmem>>, %arg9: memref<4x125xi32, #tpu.memory_space<vmem>>, %arg10: memref<4x125xi32, #tpu.memory_space<vmem>>, %arg11: memref<4x125xi32, #tpu.memory_space<vmem>>, %arg12: memref<125x128xf32, #tpu.memory_space<vmem>>, %arg13: memref<125x128xf32, #tpu.memory_space<vmem>>, %arg14: memref<10000x128xf32, #tpu.memory_space<vmem_shared>>, %arg15: memref<!tpu.dma_semaphore, #tpu.memory_space<semaphore_mem>>, %arg16: memref<!tpu.dma_semaphore, #tpu.memory_space<semaphore_mem>>, %arg17: memref<!tpu.dma_semaphore, #tpu.memory_space<semaphore_mem>>, %arg18: memref<!tpu.dma_semaphore, #tpu.memory_space<semaphore_mem>>, %arg19: memref<!tpu.dma_semaphore, #tpu.memory_space<semaphore_mem>>, %arg20: memref<!tpu.dma_semaphore, #tpu.memory_space<semaphore_mem>>) attributes {dimension_semantics = [#tpu.dimension_semantics<core_parallel>, #tpu.dimension_semantics<subcore_parallel>], iteration_bounds = array<i64: 2, 16>, scalar_prefetch = 0 : i64, scratch_operands = 13 : i64, tpu.core_type = #tpu.core_type<sc_vector_subcore>, window_params = [{transform_indices = #map}, {transform_indices = #map}, {transform_indices = #map1}, {transform_indices = #map1}, {transform_indices = #map}, {transform_indices = #map1}]} {
    %mul3A = arith.constant 16 : i32
    %mul3A_0 = arith.muli %arg0, %mul3A : i32
    %add3A = arith.addi %mul3A_0, %arg1 : i32
    %mul3A_1 = arith.constant 624 : i32
    %mul3A_2 = arith.muli %arg1, %mul3A_1 : i32
    "tpu.region"() ({
      %run_scoped3A = tpu.sem_alloc : memref<!tpu.dma_semaphore, #tpu.memory_space<semaphore_mem>>
      %dma_start3A_21 = arith.constant 0 : i32
      %dma_start3A_22 = arith.constant 0 : i32
      %dma_start3A_23 = tpu.memref_slice %arg4[%add3A, %dma_start3A_21, %dma_start3A_22] : memref<32x40x125xi32, #tpu.memory_space<hbm>> -> memref<1x4x125xi32, #tpu.memory_space<hbm>>
      %dma_start3A_24 = tpu.memref_squeeze %dma_start3A_23 : memref<1x4x125xi32, #tpu.memory_space<hbm>> -> memref<4x125xi32, #tpu.memory_space<hbm>>
      %dma_start3A_25 = arith.constant 0 : i32
      %dma_start3A_26 = arith.constant 0 : i32
      %dma_start3A_27 = tpu.memref_slice %arg4[%add3A, %dma_start3A_25, %dma_start3A_26] : memref<32x40x125xi32, #tpu.memory_space<hbm>> -> memref<1x4x125xi32, #tpu.memory_space<hbm>>
      %dma_start3A_28 = tpu.memref_squeeze %dma_start3A_27 : memref<1x4x125xi32, #tpu.memory_space<hbm>> -> memref<4x125xi32, #tpu.memory_space<hbm>>
      tpu.enqueue_dma source(%dma_start3A_28 : memref<4x125xi32, #tpu.memory_space<hbm>>) target(%arg8 : memref<4x125xi32, #tpu.memory_space<vmem>>) target_semaphore(%run_scoped3A : memref<!tpu.dma_semaphore, #tpu.memory_space<semaphore_mem>>)
      %dma_wait3A_29 = arith.constant 0 : i32
      %dma_wait3A_30 = arith.constant 0 : i32
      %dma_wait3A_31 = tpu.memref_slice %arg4[%add3A, %dma_wait3A_29, %dma_wait3A_30] : memref<32x40x125xi32, #tpu.memory_space<hbm>> -> memref<1x4x125xi32, #tpu.memory_space<hbm>>
      %dma_wait3A_32 = tpu.memref_squeeze %dma_wait3A_31 : memref<1x4x125xi32, #tpu.memory_space<hbm>> -> memref<4x125xi32, #tpu.memory_space<hbm>>
      %dma_wait3A_33 = arith.constant 0 : i32
      %dma_wait3A_34 = arith.constant 0 : i32
      %dma_wait3A_35 = tpu.memref_slice %arg4[%add3A, %dma_wait3A_33, %dma_wait3A_34] : memref<32x40x125xi32, #tpu.memory_space<hbm>> -> memref<1x4x125xi32, #tpu.memory_space<hbm>>
      %dma_wait3A_36 = tpu.memref_squeeze %dma_wait3A_35 : memref<1x4x125xi32, #tpu.memory_space<hbm>> -> memref<4x125xi32, #tpu.memory_space<hbm>>
      tpu.wait_dma2 semaphore(%run_scoped3A : memref<!tpu.dma_semaphore, #tpu.memory_space<semaphore_mem>>) src(%dma_wait3A_36 : memref<4x125xi32, #tpu.memory_space<hbm>>) dst(%arg8 : memref<4x125xi32, #tpu.memory_space<vmem>>)
      tpu.yield
    }) : () -> ()
    "tpu.region"() ({
      %run_scoped3A = tpu.sem_alloc : memref<!tpu.dma_semaphore, #tpu.memory_space<semaphore_mem>>
      %dma_start3A_21 = arith.constant 0 : i32
      %dma_start3A_22 = arith.constant 0 : i32
      %dma_start3A_23 = tpu.memref_slice %arg5[%add3A, %dma_start3A_21, %dma_start3A_22] : memref<32x40x125xi32, #tpu.memory_space<hbm>> -> memref<1x4x125xi32, #tpu.memory_space<hbm>>
      %dma_start3A_24 = tpu.memref_squeeze %dma_start3A_23 : memref<1x4x125xi32, #tpu.memory_space<hbm>> -> memref<4x125xi32, #tpu.memory_space<hbm>>
      %dma_start3A_25 = arith.constant 0 : i32
      %dma_start3A_26 = arith.constant 0 : i32
      %dma_start3A_27 = tpu.memref_slice %arg5[%add3A, %dma_start3A_25, %dma_start3A_26] : memref<32x40x125xi32, #tpu.memory_space<hbm>> -> memref<1x4x125xi32, #tpu.memory_space<hbm>>
      %dma_start3A_28 = tpu.memref_squeeze %dma_start3A_27 : memref<1x4x125xi32, #tpu.memory_space<hbm>> -> memref<4x125xi32, #tpu.memory_space<hbm>>
      tpu.enqueue_dma source(%dma_start3A_28 : memref<4x125xi32, #tpu.memory_space<hbm>>) target(%arg10 : memref<4x125xi32, #tpu.memory_space<vmem>>) target_semaphore(%run_scoped3A : memref<!tpu.dma_semaphore, #tpu.memory_space<semaphore_mem>>)
      %dma_wait3A_29 = arith.constant 0 : i32
      %dma_wait3A_30 = arith.constant 0 : i32
      %dma_wait3A_31 = tpu.memref_slice %arg5[%add3A, %dma_wait3A_29, %dma_wait3A_30] : memref<32x40x125xi32, #tpu.memory_space<hbm>> -> memref<1x4x125xi32, #tpu.memory_space<hbm>>
      %dma_wait3A_32 = tpu.memref_squeeze %dma_wait3A_31 : memref<1x4x125xi32, #tpu.memory_space<hbm>> -> memref<4x125xi32, #tpu.memory_space<hbm>>
      %dma_wait3A_33 = arith.constant 0 : i32
      %dma_wait3A_34 = arith.constant 0 : i32
      %dma_wait3A_35 = tpu.memref_slice %arg5[%add3A, %dma_wait3A_33, %dma_wait3A_34] : memref<32x40x125xi32, #tpu.memory_space<hbm>> -> memref<1x4x125xi32, #tpu.memory_space<hbm>>
      %dma_wait3A_36 = tpu.memref_squeeze %dma_wait3A_35 : memref<1x4x125xi32, #tpu.memory_space<hbm>> -> memref<4x125xi32, #tpu.memory_space<hbm>>
      tpu.wait_dma2 semaphore(%run_scoped3A : memref<!tpu.dma_semaphore, #tpu.memory_space<semaphore_mem>>) src(%dma_wait3A_36 : memref<4x125xi32, #tpu.memory_space<hbm>>) dst(%arg10 : memref<4x125xi32, #tpu.memory_space<vmem>>)
      tpu.yield
    }) : () -> ()
    %dma_start3A = arith.constant 0 : i32
    %dma_start3A_3 = arith.constant 0 : i32
    %dma_start3A_4 = tpu.memref_slice %arg8[%dma_start3A, %dma_start3A_3] : memref<4x125xi32, #tpu.memory_space<vmem>> -> memref<1x125xi32, #tpu.memory_space<vmem>>
    %dma_start3A_5 = tpu.memref_squeeze %dma_start3A_4 : memref<1x125xi32, #tpu.memory_space<vmem>> -> memref<125xi32, #tpu.memory_space<vmem>>
    %dma_start3A_6 = arith.constant 0 : i32
    %dma_start3A_7 = arith.constant 0 : i32
    %dma_start3A_8 = tpu.memref_slice %arg2[%dma_start3A_6, %dma_start3A_7] : memref<10000x128xf32, #tpu.memory_space<hbm>> -> memref<10000x128xf32, #tpu.memory_space<hbm>>
    tpu.enqueue_indirect_dma source(%dma_start3A_8 : memref<10000x128xf32, #tpu.memory_space<hbm>>) target(%arg12 : memref<125x128xf32, #tpu.memory_space<vmem>>) offsets(%dma_start3A_5 : memref<125xi32, #tpu.memory_space<vmem>>) semaphore(%arg15 : memref<!tpu.dma_semaphore, #tpu.memory_space<semaphore_mem>>)
    "tpu.region"() ({
      %run_scoped3A = tpu.sem_alloc : memref<!tpu.dma_semaphore, #tpu.memory_space<semaphore_mem>>
      %dma_start3A_21 = arith.constant 0 : i32
      %dma_start3A_22 = tpu.memref_slice %arg14[%mul3A_2, %dma_start3A_21] : memref<10000x128xf32, #tpu.memory_space<vmem_shared>> -> memref<640x128xf32, #tpu.memory_space<vmem_shared>>
      tpu.enqueue_dma source(%arg6 : memref<640x128xf32, #tpu.memory_space<hbm>>) target(%dma_start3A_22 : memref<640x128xf32, #tpu.memory_space<vmem_shared>>) target_semaphore(%run_scoped3A : memref<!tpu.dma_semaphore, #tpu.memory_space<semaphore_mem>>)
      %dma_wait3A_23 = arith.constant 0 : i32
      %dma_wait3A_24 = tpu.memref_slice %arg14[%mul3A_2, %dma_wait3A_23] : memref<10000x128xf32, #tpu.memory_space<vmem_shared>> -> memref<640x128xf32, #tpu.memory_space<vmem_shared>>
      tpu.wait_dma2 semaphore(%run_scoped3A : memref<!tpu.dma_semaphore, #tpu.memory_space<semaphore_mem>>) src(%arg6 : memref<640x128xf32, #tpu.memory_space<hbm>>) dst(%dma_wait3A_24 : memref<640x128xf32, #tpu.memory_space<vmem_shared>>)
      tpu.yield
    }) : () -> ()
    %barrier3A = arith.constant 0 : index
    tpu.barrier barrier_id(%barrier3A)
    %scan3A = arith.constant 0 : i32
    %scan3A_9 = arith.constant 0 : i32
    %scan3A_10 = arith.constant 5 : i32
    %scan3A_11 = arith.addi %scan3A_9, %scan3A_10 : i32
    %scan3A_12 = arith.constant 1 : i32
    scf.for %scan3A_21 = %scan3A_9 to %scan3A_11 step %scan3A_12  : i32 {
      %mul3A_22 = arith.constant 2 : i32
      %mul3A_23 = arith.muli %mul3A_22, %scan3A_21 : i32
      %add3A_24 = arith.constant 0 : i32
      %add3A_25 = arith.addi %mul3A_23, %add3A_24 : i32
      %add3A_26 = arith.constant 1 : i32
      %add3A_27 = arith.addi %add3A_25, %add3A_26 : i32
      %lt3A = arith.constant 10 : i32
      %lt3A_28 = arith.cmpi slt, %add3A_27, %lt3A : i32
      %convert_element_type3A = arith.extui %lt3A_28 : i1 to i32
      %cond3A = arith.constant 0 : i32
      %cond3A_29 = arith.cmpi ne, %convert_element_type3A, %cond3A : i32
      scf.if %cond3A_29 {
        %add3A_260 = arith.constant 1 : i32
        %add3A_261 = arith.addi %add3A_25, %add3A_260 : i32
        %mul3A_262 = arith.constant 4 : i32
        %mul3A_263 = arith.muli %add3A_261, %mul3A_262 : i32
        %dma_start3A_264 = arith.constant 0 : i32
        %dma_start3A_265 = tpu.memref_slice %arg4[%add3A, %mul3A_263, %dma_start3A_264] : memref<32x40x125xi32, #tpu.memory_space<hbm>> -> memref<1x4x125xi32, #tpu.memory_space<hbm>>
        %dma_start3A_266 = tpu.memref_squeeze %dma_start3A_265 : memref<1x4x125xi32, #tpu.memory_space<hbm>> -> memref<4x125xi32, #tpu.memory_space<hbm>>
        %dma_start3A_267 = arith.constant 0 : i32
        %dma_start3A_268 = tpu.memref_slice %arg4[%add3A, %mul3A_263, %dma_start3A_267] : memref<32x40x125xi32, #tpu.memory_space<hbm>> -> memref<1x4x125xi32, #tpu.memory_space<hbm>>
        %dma_start3A_269 = tpu.memref_squeeze %dma_start3A_268 : memref<1x4x125xi32, #tpu.memory_space<hbm>> -> memref<4x125xi32, #tpu.memory_space<hbm>>
        tpu.enqueue_dma source(%dma_start3A_269 : memref<4x125xi32, #tpu.memory_space<hbm>>) target(%arg9 : memref<4x125xi32, #tpu.memory_space<vmem>>) target_semaphore(%arg20 : memref<!tpu.dma_semaphore, #tpu.memory_space<semaphore_mem>>)
        %dma_start3A_270 = arith.constant 0 : i32
        %dma_start3A_271 = tpu.memref_slice %arg5[%add3A, %mul3A_263, %dma_start3A_270] : memref<32x40x125xi32, #tpu.memory_space<hbm>> -> memref<1x4x125xi32, #tpu.memory_space<hbm>>
        %dma_start3A_272 = tpu.memref_squeeze %dma_start3A_271 : memref<1x4x125xi32, #tpu.memory_space<hbm>> -> memref<4x125xi32, #tpu.memory_space<hbm>>
        %dma_start3A_273 = arith.constant 0 : i32
        %dma_start3A_274 = tpu.memref_slice %arg5[%add3A, %mul3A_263, %dma_start3A_273] : memref<32x40x125xi32, #tpu.memory_space<hbm>> -> memref<1x4x125xi32, #tpu.memory_space<hbm>>
        %dma_start3A_275 = tpu.memref_squeeze %dma_start3A_274 : memref<1x4x125xi32, #tpu.memory_space<hbm>> -> memref<4x125xi32, #tpu.memory_space<hbm>>
        tpu.enqueue_dma source(%dma_start3A_275 : memref<4x125xi32, #tpu.memory_space<hbm>>) target(%arg11 : memref<4x125xi32, #tpu.memory_space<vmem>>) target_semaphore(%arg20 : memref<!tpu.dma_semaphore, #tpu.memory_space<semaphore_mem>>)
      } else {
      }
      %ge3A = arith.constant 1 : i32
      %ge3A_30 = arith.cmpi sge, %add3A_25, %ge3A : i32
      %convert_element_type3A_31 = arith.extui %ge3A_30 : i1 to i32
      %cond3A_32 = arith.constant 0 : i32
      %cond3A_33 = arith.cmpi ne, %convert_element_type3A_31, %cond3A_32 : i32
      scf.if %cond3A_33 {
        %dma_wait3A_260 = arith.constant 0 : i32
        %dma_wait3A_261 = arith.constant 0 : i32
        %dma_wait3A_262 = tpu.memref_slice %arg10[%dma_wait3A_260, %dma_wait3A_261] : memref<4x125xi32, #tpu.memory_space<vmem>> -> memref<1x125xi32, #tpu.memory_space<vmem>>
        %dma_wait3A_263 = tpu.memref_squeeze %dma_wait3A_262 : memref<1x125xi32, #tpu.memory_space<vmem>> -> memref<125xi32, #tpu.memory_space<vmem>>
        %dma_wait3A_264 = arith.constant 0 : i32
        %dma_wait3A_265 = arith.constant 0 : i32
        %dma_wait3A_266 = tpu.memref_slice %arg14[%dma_wait3A_264, %dma_wait3A_265] : memref<10000x128xf32, #tpu.memory_space<vmem_shared>> -> memref<10000x128xf32, #tpu.memory_space<vmem_shared>>
        tpu.wait_indirect_dma semaphore(%arg18 : memref<!tpu.dma_semaphore, #tpu.memory_space<semaphore_mem>>) src(%arg13 : memref<125x128xf32, #tpu.memory_space<vmem>>) dst(%dma_wait3A_266 : memref<10000x128xf32, #tpu.memory_space<vmem_shared>>)
      } else {
      }
      %dma_start3A_34 = arith.constant 1 : i32
      %dma_start3A_35 = arith.constant 0 : i32
      %dma_start3A_36 = tpu.memref_slice %arg8[%dma_start3A_34, %dma_start3A_35] : memref<4x125xi32, #tpu.memory_space<vmem>> -> memref<1x125xi32, #tpu.memory_space<vmem>>
      %dma_start3A_37 = tpu.memref_squeeze %dma_start3A_36 : memref<1x125xi32, #tpu.memory_space<vmem>> -> memref<125xi32, #tpu.memory_space<vmem>>
      %dma_start3A_38 = arith.constant 0 : i32
      %dma_start3A_39 = arith.constant 0 : i32
      %dma_start3A_40 = tpu.memref_slice %arg2[%dma_start3A_38, %dma_start3A_39] : memref<10000x128xf32, #tpu.memory_space<hbm>> -> memref<10000x128xf32, #tpu.memory_space<hbm>>
      tpu.enqueue_indirect_dma source(%dma_start3A_40 : memref<10000x128xf32, #tpu.memory_space<hbm>>) target(%arg13 : memref<125x128xf32, #tpu.memory_space<vmem>>) offsets(%dma_start3A_37 : memref<125xi32, #tpu.memory_space<vmem>>) semaphore(%arg16 : memref<!tpu.dma_semaphore, #tpu.memory_space<semaphore_mem>>)
      %dma_wait3A_41 = arith.constant 0 : i32
      %dma_wait3A_42 = arith.constant 0 : i32
      %dma_wait3A_43 = tpu.memref_slice %arg8[%dma_wait3A_41, %dma_wait3A_42] : memref<4x125xi32, #tpu.memory_space<vmem>> -> memref<1x125xi32, #tpu.memory_space<vmem>>
      %dma_wait3A_44 = tpu.memref_squeeze %dma_wait3A_43 : memref<1x125xi32, #tpu.memory_space<vmem>> -> memref<125xi32, #tpu.memory_space<vmem>>
      %dma_wait3A_45 = arith.constant 0 : i32
      %dma_wait3A_46 = arith.constant 0 : i32
      %dma_wait3A_47 = tpu.memref_slice %arg2[%dma_wait3A_45, %dma_wait3A_46] : memref<10000x128xf32, #tpu.memory_space<hbm>> -> memref<10000x128xf32, #tpu.memory_space<hbm>>
      tpu.wait_indirect_dma semaphore(%arg15 : memref<!tpu.dma_semaphore, #tpu.memory_space<semaphore_mem>>) src(%dma_wait3A_47 : memref<10000x128xf32, #tpu.memory_space<hbm>>) dst(%arg12 : memref<125x128xf32, #tpu.memory_space<vmem>>)
      %dma_start3A_48 = arith.constant 0 : i32
      %dma_start3A_49 = arith.constant 0 : i32
      %dma_start3A_50 = tpu.memref_slice %arg10[%dma_start3A_48, %dma_start3A_49] : memref<4x125xi32, #tpu.memory_space<vmem>> -> memref<1x125xi32, #tpu.memory_space<vmem>>
      %dma_start3A_51 = tpu.memref_squeeze %dma_start3A_50 : memref<1x125xi32, #tpu.memory_space<vmem>> -> memref<125xi32, #tpu.memory_space<vmem>>
      %dma_start3A_52 = arith.constant 0 : i32
      %dma_start3A_53 = arith.constant 0 : i32
      %dma_start3A_54 = tpu.memref_slice %arg14[%dma_start3A_52, %dma_start3A_53] : memref<10000x128xf32, #tpu.memory_space<vmem_shared>> -> memref<10000x128xf32, #tpu.memory_space<vmem_shared>>
      tpu.enqueue_indirect_dma source(%arg12 : memref<125x128xf32, #tpu.memory_space<vmem>>) target(%dma_start3A_54 : memref<10000x128xf32, #tpu.memory_space<vmem_shared>>) offsets(%dma_start3A_51 : memref<125xi32, #tpu.memory_space<vmem>>) semaphore(%arg17 : memref<!tpu.dma_semaphore, #tpu.memory_space<semaphore_mem>>) {add = true}
      %dma_wait3A_55 = arith.constant 0 : i32
      %dma_wait3A_56 = arith.constant 0 : i32
      %dma_wait3A_57 = tpu.memref_slice %arg10[%dma_wait3A_55, %dma_wait3A_56] : memref<4x125xi32, #tpu.memory_space<vmem>> -> memref<1x125xi32, #tpu.memory_space<vmem>>
      %dma_wait3A_58 = tpu.memref_squeeze %dma_wait3A_57 : memref<1x125xi32, #tpu.memory_space<vmem>> -> memref<125xi32, #tpu.memory_space<vmem>>
      %dma_wait3A_59 = arith.constant 0 : i32
      %dma_wait3A_60 = arith.constant 0 : i32
      %dma_wait3A_61 = tpu.memref_slice %arg14[%dma_wait3A_59, %dma_wait3A_60] : memref<10000x128xf32, #tpu.memory_space<vmem_shared>> -> memref<10000x128xf32, #tpu.memory_space<vmem_shared>>
      tpu.wait_indirect_dma semaphore(%arg17 : memref<!tpu.dma_semaphore, #tpu.memory_space<semaphore_mem>>) src(%arg12 : memref<125x128xf32, #tpu.memory_space<vmem>>) dst(%dma_wait3A_61 : memref<10000x128xf32, #tpu.memory_space<vmem_shared>>)
      %dma_start3A_62 = arith.constant 2 : i32
      %dma_start3A_63 = arith.constant 0 : i32
      %dma_start3A_64 = tpu.memref_slice %arg8[%dma_start3A_62, %dma_start3A_63] : memref<4x125xi32, #tpu.memory_space<vmem>> -> memref<1x125xi32, #tpu.memory_space<vmem>>
      %dma_start3A_65 = tpu.memref_squeeze %dma_start3A_64 : memref<1x125xi32, #tpu.memory_space<vmem>> -> memref<125xi32, #tpu.memory_space<vmem>>
      %dma_start3A_66 = arith.constant 0 : i32
      %dma_start3A_67 = arith.constant 0 : i32
      %dma_start3A_68 = tpu.memref_slice %arg2[%dma_start3A_66, %dma_start3A_67] : memref<10000x128xf32, #tpu.memory_space<hbm>> -> memref<10000x128xf32, #tpu.memory_space<hbm>>
      tpu.enqueue_indirect_dma source(%dma_start3A_68 : memref<10000x128xf32, #tpu.memory_space<hbm>>) target(%arg12 : memref<125x128xf32, #tpu.memory_space<vmem>>) offsets(%dma_start3A_65 : memref<125xi32, #tpu.memory_space<vmem>>) semaphore(%arg15 : memref<!tpu.dma_semaphore, #tpu.memory_space<semaphore_mem>>)
      %dma_wait3A_69 = arith.constant 1 : i32
      %dma_wait3A_70 = arith.constant 0 : i32
      %dma_wait3A_71 = tpu.memref_slice %arg8[%dma_wait3A_69, %dma_wait3A_70] : memref<4x125xi32, #tpu.memory_space<vmem>> -> memref<1x125xi32, #tpu.memory_space<vmem>>
      %dma_wait3A_72 = tpu.memref_squeeze %dma_wait3A_71 : memref<1x125xi32, #tpu.memory_space<vmem>> -> memref<125xi32, #tpu.memory_space<vmem>>
      %dma_wait3A_73 = arith.constant 0 : i32
      %dma_wait3A_74 = arith.constant 0 : i32
      %dma_wait3A_75 = tpu.memref_slice %arg2[%dma_wait3A_73, %dma_wait3A_74] : memref<10000x128xf32, #tpu.memory_space<hbm>> -> memref<10000x128xf32, #tpu.memory_space<hbm>>
      tpu.wait_indirect_dma semaphore(%arg16 : memref<!tpu.dma_semaphore, #tpu.memory_space<semaphore_mem>>) src(%dma_wait3A_75 : memref<10000x128xf32, #tpu.memory_space<hbm>>) dst(%arg13 : memref<125x128xf32, #tpu.memory_space<vmem>>)
      %dma_start3A_76 = arith.constant 1 : i32
      %dma_start3A_77 = arith.constant 0 : i32
      %dma_start3A_78 = tpu.memref_slice %arg10[%dma_start3A_76, %dma_start3A_77] : memref<4x125xi32, #tpu.memory_space<vmem>> -> memref<1x125xi32, #tpu.memory_space<vmem>>
      %dma_start3A_79 = tpu.memref_squeeze %dma_start3A_78 : memref<1x125xi32, #tpu.memory_space<vmem>> -> memref<125xi32, #tpu.memory_space<vmem>>
      %dma_start3A_80 = arith.constant 0 : i32
      %dma_start3A_81 = arith.constant 0 : i32
      %dma_start3A_82 = tpu.memref_slice %arg14[%dma_start3A_80, %dma_start3A_81] : memref<10000x128xf32, #tpu.memory_space<vmem_shared>> -> memref<10000x128xf32, #tpu.memory_space<vmem_shared>>
      tpu.enqueue_indirect_dma source(%arg13 : memref<125x128xf32, #tpu.memory_space<vmem>>) target(%dma_start3A_82 : memref<10000x128xf32, #tpu.memory_space<vmem_shared>>) offsets(%dma_start3A_79 : memref<125xi32, #tpu.memory_space<vmem>>) semaphore(%arg18 : memref<!tpu.dma_semaphore, #tpu.memory_space<semaphore_mem>>) {add = true}
      %dma_wait3A_83 = arith.constant 0 : i32
      %dma_wait3A_84 = arith.constant 0 : i32
      %dma_wait3A_85 = tpu.memref_slice %arg10[%dma_wait3A_83, %dma_wait3A_84] : memref<4x125xi32, #tpu.memory_space<vmem>> -> memref<1x125xi32, #tpu.memory_space<vmem>>
      %dma_wait3A_86 = tpu.memref_squeeze %dma_wait3A_85 : memref<1x125xi32, #tpu.memory_space<vmem>> -> memref<125xi32, #tpu.memory_space<vmem>>
      %dma_wait3A_87 = arith.constant 0 : i32
      %dma_wait3A_88 = arith.constant 0 : i32
      %dma_wait3A_89 = tpu.memref_slice %arg14[%dma_wait3A_87, %dma_wait3A_88] : memref<10000x128xf32, #tpu.memory_space<vmem_shared>> -> memref<10000x128xf32, #tpu.memory_space<vmem_shared>>
      tpu.wait_indirect_dma semaphore(%arg18 : memref<!tpu.dma_semaphore, #tpu.memory_space<semaphore_mem>>) src(%arg13 : memref<125x128xf32, #tpu.memory_space<vmem>>) dst(%dma_wait3A_89 : memref<10000x128xf32, #tpu.memory_space<vmem_shared>>)
      %dma_start3A_90 = arith.constant 3 : i32
      %dma_start3A_91 = arith.constant 0 : i32
      %dma_start3A_92 = tpu.memref_slice %arg8[%dma_start3A_90, %dma_start3A_91] : memref<4x125xi32, #tpu.memory_space<vmem>> -> memref<1x125xi32, #tpu.memory_space<vmem>>
      %dma_start3A_93 = tpu.memref_squeeze %dma_start3A_92 : memref<1x125xi32, #tpu.memory_space<vmem>> -> memref<125xi32, #tpu.memory_space<vmem>>
      %dma_start3A_94 = arith.constant 0 : i32
      %dma_start3A_95 = arith.constant 0 : i32
      %dma_start3A_96 = tpu.memref_slice %arg2[%dma_start3A_94, %dma_start3A_95] : memref<10000x128xf32, #tpu.memory_space<hbm>> -> memref<10000x128xf32, #tpu.memory_space<hbm>>
      tpu.enqueue_indirect_dma source(%dma_start3A_96 : memref<10000x128xf32, #tpu.memory_space<hbm>>) target(%arg13 : memref<125x128xf32, #tpu.memory_space<vmem>>) offsets(%dma_start3A_93 : memref<125xi32, #tpu.memory_space<vmem>>) semaphore(%arg16 : memref<!tpu.dma_semaphore, #tpu.memory_space<semaphore_mem>>)
      %dma_wait3A_97 = arith.constant 2 : i32
      %dma_wait3A_98 = arith.constant 0 : i32
      %dma_wait3A_99 = tpu.memref_slice %arg8[%dma_wait3A_97, %dma_wait3A_98] : memref<4x125xi32, #tpu.memory_space<vmem>> -> memref<1x125xi32, #tpu.memory_space<vmem>>
      %dma_wait3A_100 = tpu.memref_squeeze %dma_wait3A_99 : memref<1x125xi32, #tpu.memory_space<vmem>> -> memref<125xi32, #tpu.memory_space<vmem>>
      %dma_wait3A_101 = arith.constant 0 : i32
      %dma_wait3A_102 = arith.constant 0 : i32
      %dma_wait3A_103 = tpu.memref_slice %arg2[%dma_wait3A_101, %dma_wait3A_102] : memref<10000x128xf32, #tpu.memory_space<hbm>> -> memref<10000x128xf32, #tpu.memory_space<hbm>>
      tpu.wait_indirect_dma semaphore(%arg15 : memref<!tpu.dma_semaphore, #tpu.memory_space<semaphore_mem>>) src(%dma_wait3A_103 : memref<10000x128xf32, #tpu.memory_space<hbm>>) dst(%arg12 : memref<125x128xf32, #tpu.memory_space<vmem>>)
      %dma_start3A_104 = arith.constant 2 : i32
      %dma_start3A_105 = arith.constant 0 : i32
      %dma_start3A_106 = tpu.memref_slice %arg10[%dma_start3A_104, %dma_start3A_105] : memref<4x125xi32, #tpu.memory_space<vmem>> -> memref<1x125xi32, #tpu.memory_space<vmem>>
      %dma_start3A_107 = tpu.memref_squeeze %dma_start3A_106 : memref<1x125xi32, #tpu.memory_space<vmem>> -> memref<125xi32, #tpu.memory_space<vmem>>
      %dma_start3A_108 = arith.constant 0 : i32
      %dma_start3A_109 = arith.constant 0 : i32
      %dma_start3A_110 = tpu.memref_slice %arg14[%dma_start3A_108, %dma_start3A_109] : memref<10000x128xf32, #tpu.memory_space<vmem_shared>> -> memref<10000x128xf32, #tpu.memory_space<vmem_shared>>
      tpu.enqueue_indirect_dma source(%arg12 : memref<125x128xf32, #tpu.memory_space<vmem>>) target(%dma_start3A_110 : memref<10000x128xf32, #tpu.memory_space<vmem_shared>>) offsets(%dma_start3A_107 : memref<125xi32, #tpu.memory_space<vmem>>) semaphore(%arg17 : memref<!tpu.dma_semaphore, #tpu.memory_space<semaphore_mem>>) {add = true}
      %dma_wait3A_111 = arith.constant 0 : i32
      %dma_wait3A_112 = arith.constant 0 : i32
      %dma_wait3A_113 = tpu.memref_slice %arg10[%dma_wait3A_111, %dma_wait3A_112] : memref<4x125xi32, #tpu.memory_space<vmem>> -> memref<1x125xi32, #tpu.memory_space<vmem>>
      %dma_wait3A_114 = tpu.memref_squeeze %dma_wait3A_113 : memref<1x125xi32, #tpu.memory_space<vmem>> -> memref<125xi32, #tpu.memory_space<vmem>>
      %dma_wait3A_115 = arith.constant 0 : i32
      %dma_wait3A_116 = arith.constant 0 : i32
      %dma_wait3A_117 = tpu.memref_slice %arg14[%dma_wait3A_115, %dma_wait3A_116] : memref<10000x128xf32, #tpu.memory_space<vmem_shared>> -> memref<10000x128xf32, #tpu.memory_space<vmem_shared>>
      tpu.wait_indirect_dma semaphore(%arg17 : memref<!tpu.dma_semaphore, #tpu.memory_space<semaphore_mem>>) src(%arg12 : memref<125x128xf32, #tpu.memory_space<vmem>>) dst(%dma_wait3A_117 : memref<10000x128xf32, #tpu.memory_space<vmem_shared>>)
      %add3A_118 = arith.constant 1 : i32
      %add3A_119 = arith.addi %add3A_25, %add3A_118 : i32
      %lt3A_120 = arith.constant 10 : i32
      %lt3A_121 = arith.cmpi slt, %add3A_119, %lt3A_120 : i32
      %convert_element_type3A_122 = arith.extui %lt3A_121 : i1 to i32
      %cond3A_123 = arith.constant 0 : i32
      %cond3A_124 = arith.cmpi ne, %convert_element_type3A_122, %cond3A_123 : i32
      scf.if %cond3A_124 {
        %dma_wait3A_260 = arith.constant 0 : i32
        %dma_wait3A_261 = arith.constant 0 : i32
        %dma_wait3A_262 = tpu.memref_slice %arg4[%add3A, %dma_wait3A_260, %dma_wait3A_261] : memref<32x40x125xi32, #tpu.memory_space<hbm>> -> memref<1x4x125xi32, #tpu.memory_space<hbm>>
        %dma_wait3A_263 = tpu.memref_squeeze %dma_wait3A_262 : memref<1x4x125xi32, #tpu.memory_space<hbm>> -> memref<4x125xi32, #tpu.memory_space<hbm>>
        %dma_wait3A_264 = arith.constant 0 : i32
        %dma_wait3A_265 = arith.constant 0 : i32
        %dma_wait3A_266 = tpu.memref_slice %arg4[%add3A, %dma_wait3A_264, %dma_wait3A_265] : memref<32x40x125xi32, #tpu.memory_space<hbm>> -> memref<1x4x125xi32, #tpu.memory_space<hbm>>
        %dma_wait3A_267 = tpu.memref_squeeze %dma_wait3A_266 : memref<1x4x125xi32, #tpu.memory_space<hbm>> -> memref<4x125xi32, #tpu.memory_space<hbm>>
        tpu.wait_dma2 semaphore(%arg20 : memref<!tpu.dma_semaphore, #tpu.memory_space<semaphore_mem>>) src(%dma_wait3A_267 : memref<4x125xi32, #tpu.memory_space<hbm>>) dst(%arg9 : memref<4x125xi32, #tpu.memory_space<vmem>>)
        %dma_wait3A_268 = arith.constant 0 : i32
        %dma_wait3A_269 = arith.constant 0 : i32
        %dma_wait3A_270 = tpu.memref_slice %arg5[%add3A, %dma_wait3A_268, %dma_wait3A_269] : memref<32x40x125xi32, #tpu.memory_space<hbm>> -> memref<1x4x125xi32, #tpu.memory_space<hbm>>
        %dma_wait3A_271 = tpu.memref_squeeze %dma_wait3A_270 : memref<1x4x125xi32, #tpu.memory_space<hbm>> -> memref<4x125xi32, #tpu.memory_space<hbm>>
        %dma_wait3A_272 = arith.constant 0 : i32
        %dma_wait3A_273 = arith.constant 0 : i32
        %dma_wait3A_274 = tpu.memref_slice %arg5[%add3A, %dma_wait3A_272, %dma_wait3A_273] : memref<32x40x125xi32, #tpu.memory_space<hbm>> -> memref<1x4x125xi32, #tpu.memory_space<hbm>>
        %dma_wait3A_275 = tpu.memref_squeeze %dma_wait3A_274 : memref<1x4x125xi32, #tpu.memory_space<hbm>> -> memref<4x125xi32, #tpu.memory_space<hbm>>
        tpu.wait_dma2 semaphore(%arg20 : memref<!tpu.dma_semaphore, #tpu.memory_space<semaphore_mem>>) src(%dma_wait3A_275 : memref<4x125xi32, #tpu.memory_space<hbm>>) dst(%arg11 : memref<4x125xi32, #tpu.memory_space<vmem>>)
        %dma_start3A_276 = arith.constant 0 : i32
        %dma_start3A_277 = arith.constant 0 : i32
        %dma_start3A_278 = tpu.memref_slice %arg9[%dma_start3A_276, %dma_start3A_277] : memref<4x125xi32, #tpu.memory_space<vmem>> -> memref<1x125xi32, #tpu.memory_space<vmem>>
        %dma_start3A_279 = tpu.memref_squeeze %dma_start3A_278 : memref<1x125xi32, #tpu.memory_space<vmem>> -> memref<125xi32, #tpu.memory_space<vmem>>
        %dma_start3A_280 = arith.constant 0 : i32
        %dma_start3A_281 = arith.constant 0 : i32
        %dma_start3A_282 = tpu.memref_slice %arg2[%dma_start3A_280, %dma_start3A_281] : memref<10000x128xf32, #tpu.memory_space<hbm>> -> memref<10000x128xf32, #tpu.memory_space<hbm>>
        tpu.enqueue_indirect_dma source(%dma_start3A_282 : memref<10000x128xf32, #tpu.memory_space<hbm>>) target(%arg12 : memref<125x128xf32, #tpu.memory_space<vmem>>) offsets(%dma_start3A_279 : memref<125xi32, #tpu.memory_space<vmem>>) semaphore(%arg15 : memref<!tpu.dma_semaphore, #tpu.memory_space<semaphore_mem>>)
      } else {
      }
      %dma_wait3A_125 = arith.constant 3 : i32
      %dma_wait3A_126 = arith.constant 0 : i32
      %dma_wait3A_127 = tpu.memref_slice %arg8[%dma_wait3A_125, %dma_wait3A_126] : memref<4x125xi32, #tpu.memory_space<vmem>> -> memref<1x125xi32, #tpu.memory_space<vmem>>
      %dma_wait3A_128 = tpu.memref_squeeze %dma_wait3A_127 : memref<1x125xi32, #tpu.memory_space<vmem>> -> memref<125xi32, #tpu.memory_space<vmem>>
      %dma_wait3A_129 = arith.constant 0 : i32
      %dma_wait3A_130 = arith.constant 0 : i32
      %dma_wait3A_131 = tpu.memref_slice %arg2[%dma_wait3A_129, %dma_wait3A_130] : memref<10000x128xf32, #tpu.memory_space<hbm>> -> memref<10000x128xf32, #tpu.memory_space<hbm>>
      tpu.wait_indirect_dma semaphore(%arg16 : memref<!tpu.dma_semaphore, #tpu.memory_space<semaphore_mem>>) src(%dma_wait3A_131 : memref<10000x128xf32, #tpu.memory_space<hbm>>) dst(%arg13 : memref<125x128xf32, #tpu.memory_space<vmem>>)
      %dma_start3A_132 = arith.constant 3 : i32
      %dma_start3A_133 = arith.constant 0 : i32
      %dma_start3A_134 = tpu.memref_slice %arg10[%dma_start3A_132, %dma_start3A_133] : memref<4x125xi32, #tpu.memory_space<vmem>> -> memref<1x125xi32, #tpu.memory_space<vmem>>
      %dma_start3A_135 = tpu.memref_squeeze %dma_start3A_134 : memref<1x125xi32, #tpu.memory_space<vmem>> -> memref<125xi32, #tpu.memory_space<vmem>>
      %dma_start3A_136 = arith.constant 0 : i32
      %dma_start3A_137 = arith.constant 0 : i32
      %dma_start3A_138 = tpu.memref_slice %arg14[%dma_start3A_136, %dma_start3A_137] : memref<10000x128xf32, #tpu.memory_space<vmem_shared>> -> memref<10000x128xf32, #tpu.memory_space<vmem_shared>>
      tpu.enqueue_indirect_dma source(%arg13 : memref<125x128xf32, #tpu.memory_space<vmem>>) target(%dma_start3A_138 : memref<10000x128xf32, #tpu.memory_space<vmem_shared>>) offsets(%dma_start3A_135 : memref<125xi32, #tpu.memory_space<vmem>>) semaphore(%arg18 : memref<!tpu.dma_semaphore, #tpu.memory_space<semaphore_mem>>) {add = true}
      %mul3A_139 = arith.constant 2 : i32
      %mul3A_140 = arith.muli %mul3A_139, %scan3A_21 : i32
      %add3A_141 = arith.constant 1 : i32
      %add3A_142 = arith.addi %mul3A_140, %add3A_141 : i32
      %add3A_143 = arith.constant 1 : i32
      %add3A_144 = arith.addi %add3A_142, %add3A_143 : i32
      %lt3A_145 = arith.constant 10 : i32
      %lt3A_146 = arith.cmpi slt, %add3A_144, %lt3A_145 : i32
      %convert_element_type3A_147 = arith.extui %lt3A_146 : i1 to i32
      %cond3A_148 = arith.constant 0 : i32
      %cond3A_149 = arith.cmpi ne, %convert_element_type3A_147, %cond3A_148 : i32
      scf.if %cond3A_149 {
        %add3A_260 = arith.constant 1 : i32
        %add3A_261 = arith.addi %add3A_142, %add3A_260 : i32
        %mul3A_262 = arith.constant 4 : i32
        %mul3A_263 = arith.muli %add3A_261, %mul3A_262 : i32
        %dma_start3A_264 = arith.constant 0 : i32
        %dma_start3A_265 = tpu.memref_slice %arg4[%add3A, %mul3A_263, %dma_start3A_264] : memref<32x40x125xi32, #tpu.memory_space<hbm>> -> memref<1x4x125xi32, #tpu.memory_space<hbm>>
        %dma_start3A_266 = tpu.memref_squeeze %dma_start3A_265 : memref<1x4x125xi32, #tpu.memory_space<hbm>> -> memref<4x125xi32, #tpu.memory_space<hbm>>
        %dma_start3A_267 = arith.constant 0 : i32
        %dma_start3A_268 = tpu.memref_slice %arg4[%add3A, %mul3A_263, %dma_start3A_267] : memref<32x40x125xi32, #tpu.memory_space<hbm>> -> memref<1x4x125xi32, #tpu.memory_space<hbm>>
        %dma_start3A_269 = tpu.memref_squeeze %dma_start3A_268 : memref<1x4x125xi32, #tpu.memory_space<hbm>> -> memref<4x125xi32, #tpu.memory_space<hbm>>
        tpu.enqueue_dma source(%dma_start3A_269 : memref<4x125xi32, #tpu.memory_space<hbm>>) target(%arg8 : memref<4x125xi32, #tpu.memory_space<vmem>>) target_semaphore(%arg19 : memref<!tpu.dma_semaphore, #tpu.memory_space<semaphore_mem>>)
        %dma_start3A_270 = arith.constant 0 : i32
        %dma_start3A_271 = tpu.memref_slice %arg5[%add3A, %mul3A_263, %dma_start3A_270] : memref<32x40x125xi32, #tpu.memory_space<hbm>> -> memref<1x4x125xi32, #tpu.memory_space<hbm>>
        %dma_start3A_272 = tpu.memref_squeeze %dma_start3A_271 : memref<1x4x125xi32, #tpu.memory_space<hbm>> -> memref<4x125xi32, #tpu.memory_space<hbm>>
        %dma_start3A_273 = arith.constant 0 : i32
        %dma_start3A_274 = tpu.memref_slice %arg5[%add3A, %mul3A_263, %dma_start3A_273] : memref<32x40x125xi32, #tpu.memory_space<hbm>> -> memref<1x4x125xi32, #tpu.memory_space<hbm>>
        %dma_start3A_275 = tpu.memref_squeeze %dma_start3A_274 : memref<1x4x125xi32, #tpu.memory_space<hbm>> -> memref<4x125xi32, #tpu.memory_space<hbm>>
        tpu.enqueue_dma source(%dma_start3A_275 : memref<4x125xi32, #tpu.memory_space<hbm>>) target(%arg10 : memref<4x125xi32, #tpu.memory_space<vmem>>) target_semaphore(%arg19 : memref<!tpu.dma_semaphore, #tpu.memory_space<semaphore_mem>>)
      } else {
      }
      %ge3A_150 = arith.constant 1 : i32
      %ge3A_151 = arith.cmpi sge, %add3A_142, %ge3A_150 : i32
      %convert_element_type3A_152 = arith.extui %ge3A_151 : i1 to i32
      %cond3A_153 = arith.constant 0 : i32
      %cond3A_154 = arith.cmpi ne, %convert_element_type3A_152, %cond3A_153 : i32
      scf.if %cond3A_154 {
        %dma_wait3A_260 = arith.constant 0 : i32
        %dma_wait3A_261 = arith.constant 0 : i32
        %dma_wait3A_262 = tpu.memref_slice %arg11[%dma_wait3A_260, %dma_wait3A_261] : memref<4x125xi32, #tpu.memory_space<vmem>> -> memref<1x125xi32, #tpu.memory_space<vmem>>
        %dma_wait3A_263 = tpu.memref_squeeze %dma_wait3A_262 : memref<1x125xi32, #tpu.memory_space<vmem>> -> memref<125xi32, #tpu.memory_space<vmem>>
        %dma_wait3A_264 = arith.constant 0 : i32
        %dma_wait3A_265 = arith.constant 0 : i32
        %dma_wait3A_266 = tpu.memref_slice %arg14[%dma_wait3A_264, %dma_wait3A_265] : memref<10000x128xf32, #tpu.memory_space<vmem_shared>> -> memref<10000x128xf32, #tpu.memory_space<vmem_shared>>
        tpu.wait_indirect_dma semaphore(%arg18 : memref<!tpu.dma_semaphore, #tpu.memory_space<semaphore_mem>>) src(%arg13 : memref<125x128xf32, #tpu.memory_space<vmem>>) dst(%dma_wait3A_266 : memref<10000x128xf32, #tpu.memory_space<vmem_shared>>)
      } else {
      }
      %dma_start3A_155 = arith.constant 1 : i32
      %dma_start3A_156 = arith.constant 0 : i32
      %dma_start3A_157 = tpu.memref_slice %arg9[%dma_start3A_155, %dma_start3A_156] : memref<4x125xi32, #tpu.memory_space<vmem>> -> memref<1x125xi32, #tpu.memory_space<vmem>>
      %dma_start3A_158 = tpu.memref_squeeze %dma_start3A_157 : memref<1x125xi32, #tpu.memory_space<vmem>> -> memref<125xi32, #tpu.memory_space<vmem>>
      %dma_start3A_159 = arith.constant 0 : i32
      %dma_start3A_160 = arith.constant 0 : i32
      %dma_start3A_161 = tpu.memref_slice %arg2[%dma_start3A_159, %dma_start3A_160] : memref<10000x128xf32, #tpu.memory_space<hbm>> -> memref<10000x128xf32, #tpu.memory_space<hbm>>
      tpu.enqueue_indirect_dma source(%dma_start3A_161 : memref<10000x128xf32, #tpu.memory_space<hbm>>) target(%arg13 : memref<125x128xf32, #tpu.memory_space<vmem>>) offsets(%dma_start3A_158 : memref<125xi32, #tpu.memory_space<vmem>>) semaphore(%arg16 : memref<!tpu.dma_semaphore, #tpu.memory_space<semaphore_mem>>)
      %dma_wait3A_162 = arith.constant 0 : i32
      %dma_wait3A_163 = arith.constant 0 : i32
      %dma_wait3A_164 = tpu.memref_slice %arg9[%dma_wait3A_162, %dma_wait3A_163] : memref<4x125xi32, #tpu.memory_space<vmem>> -> memref<1x125xi32, #tpu.memory_space<vmem>>
      %dma_wait3A_165 = tpu.memref_squeeze %dma_wait3A_164 : memref<1x125xi32, #tpu.memory_space<vmem>> -> memref<125xi32, #tpu.memory_space<vmem>>
      %dma_wait3A_166 = arith.constant 0 : i32
      %dma_wait3A_167 = arith.constant 0 : i32
      %dma_wait3A_168 = tpu.memref_slice %arg2[%dma_wait3A_166, %dma_wait3A_167] : memref<10000x128xf32, #tpu.memory_space<hbm>> -> memref<10000x128xf32, #tpu.memory_space<hbm>>
      tpu.wait_indirect_dma semaphore(%arg15 : memref<!tpu.dma_semaphore, #tpu.memory_space<semaphore_mem>>) src(%dma_wait3A_168 : memref<10000x128xf32, #tpu.memory_space<hbm>>) dst(%arg12 : memref<125x128xf32, #tpu.memory_space<vmem>>)
      %dma_start3A_169 = arith.constant 0 : i32
      %dma_start3A_170 = arith.constant 0 : i32
      %dma_start3A_171 = tpu.memref_slice %arg11[%dma_start3A_169, %dma_start3A_170] : memref<4x125xi32, #tpu.memory_space<vmem>> -> memref<1x125xi32, #tpu.memory_space<vmem>>
      %dma_start3A_172 = tpu.memref_squeeze %dma_start3A_171 : memref<1x125xi32, #tpu.memory_space<vmem>> -> memref<125xi32, #tpu.memory_space<vmem>>
      %dma_start3A_173 = arith.constant 0 : i32
      %dma_start3A_174 = arith.constant 0 : i32
      %dma_start3A_175 = tpu.memref_slice %arg14[%dma_start3A_173, %dma_start3A_174] : memref<10000x128xf32, #tpu.memory_space<vmem_shared>> -> memref<10000x128xf32, #tpu.memory_space<vmem_shared>>
      tpu.enqueue_indirect_dma source(%arg12 : memref<125x128xf32, #tpu.memory_space<vmem>>) target(%dma_start3A_175 : memref<10000x128xf32, #tpu.memory_space<vmem_shared>>) offsets(%dma_start3A_172 : memref<125xi32, #tpu.memory_space<vmem>>) semaphore(%arg17 : memref<!tpu.dma_semaphore, #tpu.memory_space<semaphore_mem>>) {add = true}
      %dma_wait3A_176 = arith.constant 0 : i32
      %dma_wait3A_177 = arith.constant 0 : i32
      %dma_wait3A_178 = tpu.memref_slice %arg11[%dma_wait3A_176, %dma_wait3A_177] : memref<4x125xi32, #tpu.memory_space<vmem>> -> memref<1x125xi32, #tpu.memory_space<vmem>>
      %dma_wait3A_179 = tpu.memref_squeeze %dma_wait3A_178 : memref<1x125xi32, #tpu.memory_space<vmem>> -> memref<125xi32, #tpu.memory_space<vmem>>
      %dma_wait3A_180 = arith.constant 0 : i32
      %dma_wait3A_181 = arith.constant 0 : i32
      %dma_wait3A_182 = tpu.memref_slice %arg14[%dma_wait3A_180, %dma_wait3A_181] : memref<10000x128xf32, #tpu.memory_space<vmem_shared>> -> memref<10000x128xf32, #tpu.memory_space<vmem_shared>>
      tpu.wait_indirect_dma semaphore(%arg17 : memref<!tpu.dma_semaphore, #tpu.memory_space<semaphore_mem>>) src(%arg12 : memref<125x128xf32, #tpu.memory_space<vmem>>) dst(%dma_wait3A_182 : memref<10000x128xf32, #tpu.memory_space<vmem_shared>>)
      %dma_start3A_183 = arith.constant 2 : i32
      %dma_start3A_184 = arith.constant 0 : i32
      %dma_start3A_185 = tpu.memref_slice %arg9[%dma_start3A_183, %dma_start3A_184] : memref<4x125xi32, #tpu.memory_space<vmem>> -> memref<1x125xi32, #tpu.memory_space<vmem>>
      %dma_start3A_186 = tpu.memref_squeeze %dma_start3A_185 : memref<1x125xi32, #tpu.memory_space<vmem>> -> memref<125xi32, #tpu.memory_space<vmem>>
      %dma_start3A_187 = arith.constant 0 : i32
      %dma_start3A_188 = arith.constant 0 : i32
      %dma_start3A_189 = tpu.memref_slice %arg2[%dma_start3A_187, %dma_start3A_188] : memref<10000x128xf32, #tpu.memory_space<hbm>> -> memref<10000x128xf32, #tpu.memory_space<hbm>>
      tpu.enqueue_indirect_dma source(%dma_start3A_189 : memref<10000x128xf32, #tpu.memory_space<hbm>>) target(%arg12 : memref<125x128xf32, #tpu.memory_space<vmem>>) offsets(%dma_start3A_186 : memref<125xi32, #tpu.memory_space<vmem>>) semaphore(%arg15 : memref<!tpu.dma_semaphore, #tpu.memory_space<semaphore_mem>>)
      %dma_wait3A_190 = arith.constant 1 : i32
      %dma_wait3A_191 = arith.constant 0 : i32
      %dma_wait3A_192 = tpu.memref_slice %arg9[%dma_wait3A_190, %dma_wait3A_191] : memref<4x125xi32, #tpu.memory_space<vmem>> -> memref<1x125xi32, #tpu.memory_space<vmem>>
      %dma_wait3A_193 = tpu.memref_squeeze %dma_wait3A_192 : memref<1x125xi32, #tpu.memory_space<vmem>> -> memref<125xi32, #tpu.memory_space<vmem>>
      %dma_wait3A_194 = arith.constant 0 : i32
      %dma_wait3A_195 = arith.constant 0 : i32
      %dma_wait3A_196 = tpu.memref_slice %arg2[%dma_wait3A_194, %dma_wait3A_195] : memref<10000x128xf32, #tpu.memory_space<hbm>> -> memref<10000x128xf32, #tpu.memory_space<hbm>>
      tpu.wait_indirect_dma semaphore(%arg16 : memref<!tpu.dma_semaphore, #tpu.memory_space<semaphore_mem>>) src(%dma_wait3A_196 : memref<10000x128xf32, #tpu.memory_space<hbm>>) dst(%arg13 : memref<125x128xf32, #tpu.memory_space<vmem>>)
      %dma_start3A_197 = arith.constant 1 : i32
      %dma_start3A_198 = arith.constant 0 : i32
      %dma_start3A_199 = tpu.memref_slice %arg11[%dma_start3A_197, %dma_start3A_198] : memref<4x125xi32, #tpu.memory_space<vmem>> -> memref<1x125xi32, #tpu.memory_space<vmem>>
      %dma_start3A_200 = tpu.memref_squeeze %dma_start3A_199 : memref<1x125xi32, #tpu.memory_space<vmem>> -> memref<125xi32, #tpu.memory_space<vmem>>
      %dma_start3A_201 = arith.constant 0 : i32
      %dma_start3A_202 = arith.constant 0 : i32
      %dma_start3A_203 = tpu.memref_slice %arg14[%dma_start3A_201, %dma_start3A_202] : memref<10000x128xf32, #tpu.memory_space<vmem_shared>> -> memref<10000x128xf32, #tpu.memory_space<vmem_shared>>
      tpu.enqueue_indirect_dma source(%arg13 : memref<125x128xf32, #tpu.memory_space<vmem>>) target(%dma_start3A_203 : memref<10000x128xf32, #tpu.memory_space<vmem_shared>>) offsets(%dma_start3A_200 : memref<125xi32, #tpu.memory_space<vmem>>) semaphore(%arg18 : memref<!tpu.dma_semaphore, #tpu.memory_space<semaphore_mem>>) {add = true}
      %dma_wait3A_204 = arith.constant 0 : i32
      %dma_wait3A_205 = arith.constant 0 : i32
      %dma_wait3A_206 = tpu.memref_slice %arg11[%dma_wait3A_204, %dma_wait3A_205] : memref<4x125xi32, #tpu.memory_space<vmem>> -> memref<1x125xi32, #tpu.memory_space<vmem>>
      %dma_wait3A_207 = tpu.memref_squeeze %dma_wait3A_206 : memref<1x125xi32, #tpu.memory_space<vmem>> -> memref<125xi32, #tpu.memory_space<vmem>>
      %dma_wait3A_208 = arith.constant 0 : i32
      %dma_wait3A_209 = arith.constant 0 : i32
      %dma_wait3A_210 = tpu.memref_slice %arg14[%dma_wait3A_208, %dma_wait3A_209] : memref<10000x128xf32, #tpu.memory_space<vmem_shared>> -> memref<10000x128xf32, #tpu.memory_space<vmem_shared>>
      tpu.wait_indirect_dma semaphore(%arg18 : memref<!tpu.dma_semaphore, #tpu.memory_space<semaphore_mem>>) src(%arg13 : memref<125x128xf32, #tpu.memory_space<vmem>>) dst(%dma_wait3A_210 : memref<10000x128xf32, #tpu.memory_space<vmem_shared>>)
      %dma_start3A_211 = arith.constant 3 : i32
      %dma_start3A_212 = arith.constant 0 : i32
      %dma_start3A_213 = tpu.memref_slice %arg9[%dma_start3A_211, %dma_start3A_212] : memref<4x125xi32, #tpu.memory_space<vmem>> -> memref<1x125xi32, #tpu.memory_space<vmem>>
      %dma_start3A_214 = tpu.memref_squeeze %dma_start3A_213 : memref<1x125xi32, #tpu.memory_space<vmem>> -> memref<125xi32, #tpu.memory_space<vmem>>
      %dma_start3A_215 = arith.constant 0 : i32
      %dma_start3A_216 = arith.constant 0 : i32
      %dma_start3A_217 = tpu.memref_slice %arg2[%dma_start3A_215, %dma_start3A_216] : memref<10000x128xf32, #tpu.memory_space<hbm>> -> memref<10000x128xf32, #tpu.memory_space<hbm>>
      tpu.enqueue_indirect_dma source(%dma_start3A_217 : memref<10000x128xf32, #tpu.memory_space<hbm>>) target(%arg13 : memref<125x128xf32, #tpu.memory_space<vmem>>) offsets(%dma_start3A_214 : memref<125xi32, #tpu.memory_space<vmem>>) semaphore(%arg16 : memref<!tpu.dma_semaphore, #tpu.memory_space<semaphore_mem>>)
      %dma_wait3A_218 = arith.constant 2 : i32
      %dma_wait3A_219 = arith.constant 0 : i32
      %dma_wait3A_220 = tpu.memref_slice %arg9[%dma_wait3A_218, %dma_wait3A_219] : memref<4x125xi32, #tpu.memory_space<vmem>> -> memref<1x125xi32, #tpu.memory_space<vmem>>
      %dma_wait3A_221 = tpu.memref_squeeze %dma_wait3A_220 : memref<1x125xi32, #tpu.memory_space<vmem>> -> memref<125xi32, #tpu.memory_space<vmem>>
      %dma_wait3A_222 = arith.constant 0 : i32
      %dma_wait3A_223 = arith.constant 0 : i32
      %dma_wait3A_224 = tpu.memref_slice %arg2[%dma_wait3A_222, %dma_wait3A_223] : memref<10000x128xf32, #tpu.memory_space<hbm>> -> memref<10000x128xf32, #tpu.memory_space<hbm>>
      tpu.wait_indirect_dma semaphore(%arg15 : memref<!tpu.dma_semaphore, #tpu.memory_space<semaphore_mem>>) src(%dma_wait3A_224 : memref<10000x128xf32, #tpu.memory_space<hbm>>) dst(%arg12 : memref<125x128xf32, #tpu.memory_space<vmem>>)
      %dma_start3A_225 = arith.constant 2 : i32
      %dma_start3A_226 = arith.constant 0 : i32
      %dma_start3A_227 = tpu.memref_slice %arg11[%dma_start3A_225, %dma_start3A_226] : memref<4x125xi32, #tpu.memory_space<vmem>> -> memref<1x125xi32, #tpu.memory_space<vmem>>
      %dma_start3A_228 = tpu.memref_squeeze %dma_start3A_227 : memref<1x125xi32, #tpu.memory_space<vmem>> -> memref<125xi32, #tpu.memory_space<vmem>>
      %dma_start3A_229 = arith.constant 0 : i32
      %dma_start3A_230 = arith.constant 0 : i32
      %dma_start3A_231 = tpu.memref_slice %arg14[%dma_start3A_229, %dma_start3A_230] : memref<10000x128xf32, #tpu.memory_space<vmem_shared>> -> memref<10000x128xf32, #tpu.memory_space<vmem_shared>>
      tpu.enqueue_indirect_dma source(%arg12 : memref<125x128xf32, #tpu.memory_space<vmem>>) target(%dma_start3A_231 : memref<10000x128xf32, #tpu.memory_space<vmem_shared>>) offsets(%dma_start3A_228 : memref<125xi32, #tpu.memory_space<vmem>>) semaphore(%arg17 : memref<!tpu.dma_semaphore, #tpu.memory_space<semaphore_mem>>) {add = true}
      %dma_wait3A_232 = arith.constant 0 : i32
      %dma_wait3A_233 = arith.constant 0 : i32
      %dma_wait3A_234 = tpu.memref_slice %arg11[%dma_wait3A_232, %dma_wait3A_233] : memref<4x125xi32, #tpu.memory_space<vmem>> -> memref<1x125xi32, #tpu.memory_space<vmem>>
      %dma_wait3A_235 = tpu.memref_squeeze %dma_wait3A_234 : memref<1x125xi32, #tpu.memory_space<vmem>> -> memref<125xi32, #tpu.memory_space<vmem>>
      %dma_wait3A_236 = arith.constant 0 : i32
      %dma_wait3A_237 = arith.constant 0 : i32
      %dma_wait3A_238 = tpu.memref_slice %arg14[%dma_wait3A_236, %dma_wait3A_237] : memref<10000x128xf32, #tpu.memory_space<vmem_shared>> -> memref<10000x128xf32, #tpu.memory_space<vmem_shared>>
      tpu.wait_indirect_dma semaphore(%arg17 : memref<!tpu.dma_semaphore, #tpu.memory_space<semaphore_mem>>) src(%arg12 : memref<125x128xf32, #tpu.memory_space<vmem>>) dst(%dma_wait3A_238 : memref<10000x128xf32, #tpu.memory_space<vmem_shared>>)
      %add3A_239 = arith.constant 1 : i32
      %add3A_240 = arith.addi %add3A_142, %add3A_239 : i32
      %lt3A_241 = arith.constant 10 : i32
      %lt3A_242 = arith.cmpi slt, %add3A_240, %lt3A_241 : i32
      %convert_element_type3A_243 = arith.extui %lt3A_242 : i1 to i32
      %cond3A_244 = arith.constant 0 : i32
      %cond3A_245 = arith.cmpi ne, %convert_element_type3A_243, %cond3A_244 : i32
      scf.if %cond3A_245 {
        %dma_wait3A_260 = arith.constant 0 : i32
        %dma_wait3A_261 = arith.constant 0 : i32
        %dma_wait3A_262 = tpu.memref_slice %arg4[%add3A, %dma_wait3A_260, %dma_wait3A_261] : memref<32x40x125xi32, #tpu.memory_space<hbm>> -> memref<1x4x125xi32, #tpu.memory_space<hbm>>
        %dma_wait3A_263 = tpu.memref_squeeze %dma_wait3A_262 : memref<1x4x125xi32, #tpu.memory_space<hbm>> -> memref<4x125xi32, #tpu.memory_space<hbm>>
        %dma_wait3A_264 = arith.constant 0 : i32
        %dma_wait3A_265 = arith.constant 0 : i32
        %dma_wait3A_266 = tpu.memref_slice %arg4[%add3A, %dma_wait3A_264, %dma_wait3A_265] : memref<32x40x125xi32, #tpu.memory_space<hbm>> -> memref<1x4x125xi32, #tpu.memory_space<hbm>>
        %dma_wait3A_267 = tpu.memref_squeeze %dma_wait3A_266 : memref<1x4x125xi32, #tpu.memory_space<hbm>> -> memref<4x125xi32, #tpu.memory_space<hbm>>
        tpu.wait_dma2 semaphore(%arg19 : memref<!tpu.dma_semaphore, #tpu.memory_space<semaphore_mem>>) src(%dma_wait3A_267 : memref<4x125xi32, #tpu.memory_space<hbm>>) dst(%arg8 : memref<4x125xi32, #tpu.memory_space<vmem>>)
        %dma_wait3A_268 = arith.constant 0 : i32
        %dma_wait3A_269 = arith.constant 0 : i32
        %dma_wait3A_270 = tpu.memref_slice %arg5[%add3A, %dma_wait3A_268, %dma_wait3A_269] : memref<32x40x125xi32, #tpu.memory_space<hbm>> -> memref<1x4x125xi32, #tpu.memory_space<hbm>>
        %dma_wait3A_271 = tpu.memref_squeeze %dma_wait3A_270 : memref<1x4x125xi32, #tpu.memory_space<hbm>> -> memref<4x125xi32, #tpu.memory_space<hbm>>
        %dma_wait3A_272 = arith.constant 0 : i32
        %dma_wait3A_273 = arith.constant 0 : i32
        %dma_wait3A_274 = tpu.memref_slice %arg5[%add3A, %dma_wait3A_272, %dma_wait3A_273] : memref<32x40x125xi32, #tpu.memory_space<hbm>> -> memref<1x4x125xi32, #tpu.memory_space<hbm>>
        %dma_wait3A_275 = tpu.memref_squeeze %dma_wait3A_274 : memref<1x4x125xi32, #tpu.memory_space<hbm>> -> memref<4x125xi32, #tpu.memory_space<hbm>>
        tpu.wait_dma2 semaphore(%arg19 : memref<!tpu.dma_semaphore, #tpu.memory_space<semaphore_mem>>) src(%dma_wait3A_275 : memref<4x125xi32, #tpu.memory_space<hbm>>) dst(%arg10 : memref<4x125xi32, #tpu.memory_space<vmem>>)
        %dma_start3A_276 = arith.constant 0 : i32
        %dma_start3A_277 = arith.constant 0 : i32
        %dma_start3A_278 = tpu.memref_slice %arg8[%dma_start3A_276, %dma_start3A_277] : memref<4x125xi32, #tpu.memory_space<vmem>> -> memref<1x125xi32, #tpu.memory_space<vmem>>
        %dma_start3A_279 = tpu.memref_squeeze %dma_start3A_278 : memref<1x125xi32, #tpu.memory_space<vmem>> -> memref<125xi32, #tpu.memory_space<vmem>>
        %dma_start3A_280 = arith.constant 0 : i32
        %dma_start3A_281 = arith.constant 0 : i32
        %dma_start3A_282 = tpu.memref_slice %arg2[%dma_start3A_280, %dma_start3A_281] : memref<10000x128xf32, #tpu.memory_space<hbm>> -> memref<10000x128xf32, #tpu.memory_space<hbm>>
        tpu.enqueue_indirect_dma source(%dma_start3A_282 : memref<10000x128xf32, #tpu.memory_space<hbm>>) target(%arg12 : memref<125x128xf32, #tpu.memory_space<vmem>>) offsets(%dma_start3A_279 : memref<125xi32, #tpu.memory_space<vmem>>) semaphore(%arg15 : memref<!tpu.dma_semaphore, #tpu.memory_space<semaphore_mem>>)
      } else {
      }
      %dma_wait3A_246 = arith.constant 3 : i32
      %dma_wait3A_247 = arith.constant 0 : i32
      %dma_wait3A_248 = tpu.memref_slice %arg9[%dma_wait3A_246, %dma_wait3A_247] : memref<4x125xi32, #tpu.memory_space<vmem>> -> memref<1x125xi32, #tpu.memory_space<vmem>>
      %dma_wait3A_249 = tpu.memref_squeeze %dma_wait3A_248 : memref<1x125xi32, #tpu.memory_space<vmem>> -> memref<125xi32, #tpu.memory_space<vmem>>
      %dma_wait3A_250 = arith.constant 0 : i32
      %dma_wait3A_251 = arith.constant 0 : i32
      %dma_wait3A_252 = tpu.memref_slice %arg2[%dma_wait3A_250, %dma_wait3A_251] : memref<10000x128xf32, #tpu.memory_space<hbm>> -> memref<10000x128xf32, #tpu.memory_space<hbm>>
      tpu.wait_indirect_dma semaphore(%arg16 : memref<!tpu.dma_semaphore, #tpu.memory_space<semaphore_mem>>) src(%dma_wait3A_252 : memref<10000x128xf32, #tpu.memory_space<hbm>>) dst(%arg13 : memref<125x128xf32, #tpu.memory_space<vmem>>)
      %dma_start3A_253 = arith.constant 3 : i32
      %dma_start3A_254 = arith.constant 0 : i32
      %dma_start3A_255 = tpu.memref_slice %arg11[%dma_start3A_253, %dma_start3A_254] : memref<4x125xi32, #tpu.memory_space<vmem>> -> memref<1x125xi32, #tpu.memory_space<vmem>>
      %dma_start3A_256 = tpu.memref_squeeze %dma_start3A_255 : memref<1x125xi32, #tpu.memory_space<vmem>> -> memref<125xi32, #tpu.memory_space<vmem>>
      %dma_start3A_257 = arith.constant 0 : i32
      %dma_start3A_258 = arith.constant 0 : i32
      %dma_start3A_259 = tpu.memref_slice %arg14[%dma_start3A_257, %dma_start3A_258] : memref<10000x128xf32, #tpu.memory_space<vmem_shared>> -> memref<10000x128xf32, #tpu.memory_space<vmem_shared>>
      tpu.enqueue_indirect_dma source(%arg13 : memref<125x128xf32, #tpu.memory_space<vmem>>) target(%dma_start3A_259 : memref<10000x128xf32, #tpu.memory_space<vmem_shared>>) offsets(%dma_start3A_256 : memref<125xi32, #tpu.memory_space<vmem>>) semaphore(%arg18 : memref<!tpu.dma_semaphore, #tpu.memory_space<semaphore_mem>>) {add = true}
    }
    %scan3A_13 = arith.constant 5 : i32
    %dma_wait3A = arith.constant 0 : i32
    %dma_wait3A_14 = arith.constant 0 : i32
    %dma_wait3A_15 = tpu.memref_slice %arg11[%dma_wait3A, %dma_wait3A_14] : memref<4x125xi32, #tpu.memory_space<vmem>> -> memref<1x125xi32, #tpu.memory_space<vmem>>
    %dma_wait3A_16 = tpu.memref_squeeze %dma_wait3A_15 : memref<1x125xi32, #tpu.memory_space<vmem>> -> memref<125xi32, #tpu.memory_space<vmem>>
    %dma_wait3A_17 = arith.constant 0 : i32
    %dma_wait3A_18 = arith.constant 0 : i32
    %dma_wait3A_19 = tpu.memref_slice %arg14[%dma_wait3A_17, %dma_wait3A_18] : memref<10000x128xf32, #tpu.memory_space<vmem_shared>> -> memref<10000x128xf32, #tpu.memory_space<vmem_shared>>
    tpu.wait_indirect_dma semaphore(%arg18 : memref<!tpu.dma_semaphore, #tpu.memory_space<semaphore_mem>>) src(%arg13 : memref<125x128xf32, #tpu.memory_space<vmem>>) dst(%dma_wait3A_19 : memref<10000x128xf32, #tpu.memory_space<vmem_shared>>)
    %barrier3A_20 = arith.constant 0 : index
    tpu.barrier barrier_id(%barrier3A_20)
    "tpu.region"() ({
      %run_scoped3A = tpu.sem_alloc : memref<!tpu.dma_semaphore, #tpu.memory_space<semaphore_mem>>
      %dma_start3A_21 = arith.constant 0 : i32
      %dma_start3A_22 = tpu.memref_slice %arg7[%arg0, %mul3A_2, %dma_start3A_21] : memref<2x10000x128xf32, #tpu.memory_space<hbm>> -> memref<1x640x128xf32, #tpu.memory_space<hbm>>
      %dma_start3A_23 = tpu.memref_squeeze %dma_start3A_22 : memref<1x640x128xf32, #tpu.memory_space<hbm>> -> memref<640x128xf32, #tpu.memory_space<hbm>>
      %dma_start3A_24 = arith.constant 0 : i32
      %dma_start3A_25 = tpu.memref_slice %arg14[%mul3A_2, %dma_start3A_24] : memref<10000x128xf32, #tpu.memory_space<vmem_shared>> -> memref<640x128xf32, #tpu.memory_space<vmem_shared>>
      tpu.enqueue_dma source(%dma_start3A_25 : memref<640x128xf32, #tpu.memory_space<vmem_shared>>) target(%dma_start3A_23 : memref<640x128xf32, #tpu.memory_space<hbm>>) target_semaphore(%run_scoped3A : memref<!tpu.dma_semaphore, #tpu.memory_space<semaphore_mem>>)
      %dma_wait3A_26 = arith.constant 0 : i32
      %dma_wait3A_27 = tpu.memref_slice %arg7[%arg0, %mul3A_2, %dma_wait3A_26] : memref<2x10000x128xf32, #tpu.memory_space<hbm>> -> memref<1x640x128xf32, #tpu.memory_space<hbm>>
      %dma_wait3A_28 = tpu.memref_squeeze %dma_wait3A_27 : memref<1x640x128xf32, #tpu.memory_space<hbm>> -> memref<640x128xf32, #tpu.memory_space<hbm>>
      %dma_wait3A_29 = arith.constant 0 : i32
      %dma_wait3A_30 = tpu.memref_slice %arg14[%mul3A_2, %dma_wait3A_29] : memref<10000x128xf32, #tpu.memory_space<vmem_shared>> -> memref<640x128xf32, #tpu.memory_space<vmem_shared>>
      tpu.wait_dma2 semaphore(%run_scoped3A : memref<!tpu.dma_semaphore, #tpu.memory_space<semaphore_mem>>) src(%dma_wait3A_30 : memref<640x128xf32, #tpu.memory_space<vmem_shared>>) dst(%dma_wait3A_28 : memref<640x128xf32, #tpu.memory_space<hbm>>)
      tpu.yield
    }) : () -> ()
    return
  }
}

module attributes {stable_mosaic.version = 14 : i64} {
  func.func @_mm0_body(%arg0: i32, %arg1: memref<400x256xf32, #tpu.memory_space<vmem>>, %arg2: memref<256x256xf32, #tpu.memory_space<vmem>>, %arg3: memref<400x256xf32, #tpu.memory_space<vmem>>) attributes {dimension_semantics = [#tpu.dimension_semantics<arbitrary>], iteration_bounds = array<i64: 25>, scalar_prefetch = 0 : i64, scratch_operands = 0 : i64, tpu.core_type = #tpu.core_type<tc>, window_params = [{transform_indices = @transform_0, window_bounds = array<i64: 400, 256>}, {pipeline_mode = #tpu.pipeline_mode<synchronous>, transform_indices = @transform_1, window_bounds = array<i64: 256, 256>}, {transform_indices = @transform_2, window_bounds = array<i64: 400, 256>}]} {
    %get3A = arith.constant 0 : index
    %get3A_0 = arith.constant 0 : index
    %get3A_1 = vector.load %arg1[%get3A, %get3A_0] : memref<400x256xf32, #tpu.memory_space<vmem>>, vector<400x256xf32>
    %get3A_2 = arith.constant 0 : index
    %get3A_3 = arith.constant 0 : index
    %get3A_4 = vector.load %arg2[%get3A_2, %get3A_3] : memref<256x256xf32, #tpu.memory_space<vmem>>, vector<256x256xf32>
    %dot_general3A = arith.constant dense<0.000000e+00> : vector<400x256xf32>
    %dot_general3A_5 = tpu.matmul %get3A_1, %get3A_4, %dot_general3A {dimension_numbers = #tpu.dot_dimension_numbers<[1], [0], [0], [1], [0, 0, 1, 1], [], []>, transpose_lhs_hint = false} : vector<400x256xf32>, vector<256x256xf32>, vector<400x256xf32> -> vector<400x256xf32>
    %swap3A = arith.constant 0 : index
    %swap3A_6 = arith.constant 0 : index
    %swap3A_7 = vector.load %arg3[%swap3A, %swap3A_6] : memref<400x256xf32, #tpu.memory_space<vmem>>, vector<400x256xf32>
    tpu.vector_store %arg3[%swap3A, %swap3A_6], %dot_general3A_5 {strides = array<i32>} : memref<400x256xf32, #tpu.memory_space<vmem>>, vector<400x256xf32>,
    return
  }
  func.func @transform_0(%arg0: i32) -> (i32, i32) {
    %c0_i32 = arith.constant 0 : i32
    %c0_i32_0 = arith.constant 0 : i32
    return %arg0, %c0_i32 : i32, i32
  }
  func.func @transform_1(%arg0: i32) -> (i32, i32) {
    %c0_i32 = arith.constant 0 : i32
    %c0_i32_0 = arith.constant 0 : i32
    %c0_i32_1 = arith.constant 0 : i32
    return %c0_i32, %c0_i32_0 : i32, i32
  }
  func.func @transform_2(%arg0: i32) -> (i32, i32) {
    %c0_i32 = arith.constant 0 : i32
    %c0_i32_0 = arith.constant 0 : i32
    return %arg0, %c0_i32 : i32, i32
  }
}

module attributes {stable_mosaic.version = 14 : i64} {
  func.func @_scale_body(%arg0: i32, %arg1: memref<400x256xf32, #tpu.memory_space<vmem>>, %arg2: memref<2x400x1xf32, #tpu.memory_space<vmem>>, %arg3: memref<400x128xf32, #tpu.memory_space<vmem>>, %arg4: memref<400x128xf32, #tpu.memory_space<vmem>>, %arg5: memref<400x1xf32, #tpu.memory_space<vmem>>) attributes {dimension_semantics = [#tpu.dimension_semantics<arbitrary>], iteration_bounds = array<i64: 25>, scalar_prefetch = 0 : i64, scratch_operands = 0 : i64, tpu.core_type = #tpu.core_type<tc>, window_params = [{transform_indices = @transform_0, window_bounds = array<i64: 400, 256>}, {transform_indices = @transform_1, window_bounds = array<i64: 2, 400, 1>}, {transform_indices = @transform_2, window_bounds = array<i64: 400, 128>}, {transform_indices = @transform_3, window_bounds = array<i64: 400, 128>}, {transform_indices = @transform_4, window_bounds = array<i64: 400, 1>}]} {
    %get3A = arith.constant 0 : index
    %get3A_0 = arith.constant 0 : index
    %get3A_1 = arith.constant 0 : index
    %get3A_2 = vector.load %arg2[%get3A, %get3A_0, %get3A_1] : memref<2x400x1xf32, #tpu.memory_space<vmem>>, vector<1x400x1xf32>
    %get3A_3 = vector.shape_cast %get3A_2 : vector<1x400x1xf32> to vector<400xf32>
    %get3A_4 = arith.constant 1 : index
    %get3A_5 = arith.constant 0 : index
    %get3A_6 = arith.constant 0 : index
    %get3A_7 = vector.load %arg2[%get3A_4, %get3A_5, %get3A_6] : memref<2x400x1xf32, #tpu.memory_space<vmem>>, vector<1x400x1xf32>
    %get3A_8 = vector.shape_cast %get3A_7 : vector<1x400x1xf32> to vector<400xf32>
    %add3A = arith.addf %get3A_3, %get3A_8 : vector<400xf32>
    %add3A_9 = arith.constant 1.000000e+00 : f32
    %add3A_10 = vector.broadcast %add3A_9 : f32 to vector<400xf32>
    %add3A_11 = arith.addf %add3A, %add3A_10 : vector<400xf32>
    %rsqrt3A = math.rsqrt %add3A_11 : vector<400xf32>
    %get3A_12 = arith.constant 0 : index
    %get3A_13 = arith.constant 0 : index
    %get3A_14 = vector.load %arg1[%get3A_12, %get3A_13] : memref<400x256xf32, #tpu.memory_space<vmem>>, vector<400x256xf32>
    %broadcast_in_dim3A = vector.shape_cast %rsqrt3A : vector<400xf32> to vector<400x1xf32>
    %mul3A = vector.broadcast %broadcast_in_dim3A : vector<400x1xf32> to vector<400x256xf32>
    %mul3A_15 = arith.mulf %get3A_14, %mul3A : vector<400x256xf32>
    %slice3A = vector.extract_strided_slice %mul3A_15 {offsets = [0, 0], sizes = [400, 128], strides = [1, 1]} : vector<400x256xf32> to vector<400x128xf32>
    %swap3A = arith.constant 0 : index
    %swap3A_16 = arith.constant 0 : index
    %swap3A_17 = vector.load %arg3[%swap3A, %swap3A_16] : memref<400x128xf32, #tpu.memory_space<vmem>>, vector<400x128xf32>
    tpu.vector_store %arg3[%swap3A, %swap3A_16], %slice3A {strides = array<i32>} : memref<400x128xf32, #tpu.memory_space<vmem>>, vector<400x128xf32>,
    %slice3A_18 = vector.extract_strided_slice %mul3A_15 {offsets = [0, 128], sizes = [400, 128], strides = [1, 1]} : vector<400x256xf32> to vector<400x128xf32>
    %swap3A_19 = arith.constant 0 : index
    %swap3A_20 = arith.constant 0 : index
    %swap3A_21 = vector.load %arg4[%swap3A_19, %swap3A_20] : memref<400x128xf32, #tpu.memory_space<vmem>>, vector<400x128xf32>
    tpu.vector_store %arg4[%swap3A_19, %swap3A_20], %slice3A_18 {strides = array<i32>} : memref<400x128xf32, #tpu.memory_space<vmem>>, vector<400x128xf32>,
    %broadcast_in_dim3A_22 = vector.shape_cast %rsqrt3A : vector<400xf32> to vector<400x1xf32>
    %swap3A_23 = arith.constant 0 : index
    %swap3A_24 = arith.constant 0 : index
    %swap3A_25 = vector.load %arg5[%swap3A_23, %swap3A_24] : memref<400x1xf32, #tpu.memory_space<vmem>>, vector<400x1xf32>
    tpu.vector_store %arg5[%swap3A_23, %swap3A_24], %broadcast_in_dim3A_22 {strides = array<i32>} : memref<400x1xf32, #tpu.memory_space<vmem>>, vector<400x1xf32>,
    return
  }
  func.func @transform_0(%arg0: i32) -> (i32, i32) {
    %c0_i32 = arith.constant 0 : i32
    %c0_i32_0 = arith.constant 0 : i32
    return %arg0, %c0_i32 : i32, i32
  }
  func.func @transform_1(%arg0: i32) -> (i32, i32, i32) {
    %c0_i32 = arith.constant 0 : i32
    %c0_i32_0 = arith.constant 0 : i32
    %c0_i32_1 = arith.constant 0 : i32
    return %c0_i32, %arg0, %c0_i32_0 : i32, i32, i32
  }
  func.func @transform_2(%arg0: i32) -> (i32, i32) {
    %c0_i32 = arith.constant 0 : i32
    %c0_i32_0 = arith.constant 0 : i32
    return %arg0, %c0_i32 : i32, i32
  }
  func.func @transform_3(%arg0: i32) -> (i32, i32) {
    %c0_i32 = arith.constant 0 : i32
    %c0_i32_0 = arith.constant 0 : i32
    return %arg0, %c0_i32 : i32, i32
  }
  func.func @transform_4(%arg0: i32) -> (i32, i32) {
    %c0_i32 = arith.constant 0 : i32
    %c0_i32_0 = arith.constant 0 : i32
    return %arg0, %c0_i32 : i32, i32
  }
}

module attributes {stable_mosaic.version = 14 : i64} {
  func.func @_mm2_body(%arg0: i32, %arg1: memref<400x128xf32, #tpu.memory_space<vmem>>, %arg2: memref<400x128xf32, #tpu.memory_space<vmem>>, %arg3: memref<400x128xf32, #tpu.memory_space<vmem>>, %arg4: memref<400x128xf32, #tpu.memory_space<vmem>>, %arg5: memref<400x1xf32, #tpu.memory_space<vmem>>, %arg6: memref<1x256xf32, #tpu.memory_space<vmem>>, %arg7: memref<256x128xf32, #tpu.memory_space<vmem>>, %arg8: memref<400x128xf32, #tpu.memory_space<vmem>>) attributes {dimension_semantics = [#tpu.dimension_semantics<arbitrary>], iteration_bounds = array<i64: 25>, scalar_prefetch = 0 : i64, scratch_operands = 0 : i64, tpu.core_type = #tpu.core_type<tc>, window_params = [{transform_indices = @transform_0, window_bounds = array<i64: 400, 128>}, {transform_indices = @transform_1, window_bounds = array<i64: 400, 128>}, {transform_indices = @transform_2, window_bounds = array<i64: 400, 128>}, {transform_indices = @transform_3, window_bounds = array<i64: 400, 128>}, {transform_indices = @transform_4, window_bounds = array<i64: 400, 1>}, {pipeline_mode = #tpu.pipeline_mode<synchronous>, transform_indices = @transform_5, window_bounds = array<i64: 1, 256>}, {pipeline_mode = #tpu.pipeline_mode<synchronous>, transform_indices = @transform_6, window_bounds = array<i64: 256, 128>}, {transform_indices = @transform_7, window_bounds = array<i64: 400, 128>}]} {
    %get3A = arith.constant 0 : index
    %get3A_0 = arith.constant 0 : index
    %get3A_1 = vector.load %arg5[%get3A, %get3A_0] : memref<400x1xf32, #tpu.memory_space<vmem>>, vector<400x1xf32>
    %get3A_2 = arith.constant 0 : index
    %get3A_3 = arith.constant 0 : index
    %get3A_4 = vector.load %arg6[%get3A_2, %get3A_3] : memref<1x256xf32, #tpu.memory_space<vmem>>, vector<1x256xf32>
    %get3A_5 = arith.constant 0 : index
    %get3A_6 = arith.constant 0 : index
    %get3A_7 = vector.load %arg1[%get3A_5, %get3A_6] : memref<400x128xf32, #tpu.memory_space<vmem>>, vector<400x128xf32>
    %get3A_8 = arith.constant 0 : index
    %get3A_9 = arith.constant 0 : index
    %get3A_10 = vector.load %arg3[%get3A_8, %get3A_9] : memref<400x128xf32, #tpu.memory_space<vmem>>, vector<400x128xf32>
    %add3A = arith.addf %get3A_7, %get3A_10 : vector<400x128xf32>
    %mul3A = vector.broadcast %get3A_1 : vector<400x1xf32> to vector<400x128xf32>
    %mul3A_11 = arith.mulf %mul3A, %add3A : vector<400x128xf32>
    %slice3A = vector.extract_strided_slice %get3A_4 {offsets = [0, 0], sizes = [1, 128], strides = [1, 1]} : vector<1x256xf32> to vector<1x128xf32>
    %add3A_12 = vector.broadcast %slice3A : vector<1x128xf32> to vector<400x128xf32>
    %add3A_13 = arith.addf %mul3A_11, %add3A_12 : vector<400x128xf32>
    %max3A = arith.constant 0.000000e+00 : f32
    %max3A_14 = vector.broadcast %max3A : f32 to vector<400x128xf32>
    %max3A_15 = arith.maximumf %add3A_13, %max3A_14 : vector<400x128xf32>
    %get3A_16 = arith.constant 0 : index
    %get3A_17 = arith.constant 0 : index
    %get3A_18 = vector.load %arg2[%get3A_16, %get3A_17] : memref<400x128xf32, #tpu.memory_space<vmem>>, vector<400x128xf32>
    %get3A_19 = arith.constant 0 : index
    %get3A_20 = arith.constant 0 : index
    %get3A_21 = vector.load %arg4[%get3A_19, %get3A_20] : memref<400x128xf32, #tpu.memory_space<vmem>>, vector<400x128xf32>
    %add3A_22 = arith.addf %get3A_18, %get3A_21 : vector<400x128xf32>
    %mul3A_23 = vector.broadcast %get3A_1 : vector<400x1xf32> to vector<400x128xf32>
    %mul3A_24 = arith.mulf %mul3A_23, %add3A_22 : vector<400x128xf32>
    %slice3A_25 = vector.extract_strided_slice %get3A_4 {offsets = [0, 128], sizes = [1, 128], strides = [1, 1]} : vector<1x256xf32> to vector<1x128xf32>
    %add3A_26 = vector.broadcast %slice3A_25 : vector<1x128xf32> to vector<400x128xf32>
    %add3A_27 = arith.addf %mul3A_24, %add3A_26 : vector<400x128xf32>
    %max3A_28 = arith.constant 0.000000e+00 : f32
    %max3A_29 = vector.broadcast %max3A_28 : f32 to vector<400x128xf32>
    %max3A_30 = arith.maximumf %add3A_27, %max3A_29 : vector<400x128xf32>
    %concatenate3A = tpu.concatenate %max3A_15, %max3A_30 in 1 : vector<400x128xf32>, vector<400x128xf32> -> vector<400x256xf32>
    %get3A_31 = arith.constant 0 : index
    %get3A_32 = arith.constant 0 : index
    %get3A_33 = vector.load %arg7[%get3A_31, %get3A_32] : memref<256x128xf32, #tpu.memory_space<vmem>>, vector<256x128xf32>
    %dot_general3A = arith.constant dense<0.000000e+00> : vector<400x128xf32>
    %dot_general3A_34 = tpu.matmul %concatenate3A, %get3A_33, %dot_general3A {dimension_numbers = #tpu.dot_dimension_numbers<[1], [0], [0], [1], [0, 0, 1, 1], [], []>, transpose_lhs_hint = false} : vector<400x256xf32>, vector<256x128xf32>, vector<400x128xf32> -> vector<400x128xf32>
    %mul3A_35 = vector.broadcast %get3A_1 : vector<400x1xf32> to vector<400x128xf32>
    %mul3A_36 = arith.mulf %dot_general3A_34, %mul3A_35 : vector<400x128xf32>
    %swap3A = arith.constant 0 : index
    %swap3A_37 = arith.constant 0 : index
    %swap3A_38 = vector.load %arg8[%swap3A, %swap3A_37] : memref<400x128xf32, #tpu.memory_space<vmem>>, vector<400x128xf32>
    tpu.vector_store %arg8[%swap3A, %swap3A_37], %mul3A_36 {strides = array<i32>} : memref<400x128xf32, #tpu.memory_space<vmem>>, vector<400x128xf32>,
    return
  }
  func.func @transform_0(%arg0: i32) -> (i32, i32) {
    %c0_i32 = arith.constant 0 : i32
    %c0_i32_0 = arith.constant 0 : i32
    return %arg0, %c0_i32 : i32, i32
  }
  func.func @transform_1(%arg0: i32) -> (i32, i32) {
    %c0_i32 = arith.constant 0 : i32
    %c0_i32_0 = arith.constant 0 : i32
    return %arg0, %c0_i32 : i32, i32
  }
  func.func @transform_2(%arg0: i32) -> (i32, i32) {
    %c0_i32 = arith.constant 0 : i32
    %c0_i32_0 = arith.constant 0 : i32
    return %arg0, %c0_i32 : i32, i32
  }
  func.func @transform_3(%arg0: i32) -> (i32, i32) {
    %c0_i32 = arith.constant 0 : i32
    %c0_i32_0 = arith.constant 0 : i32
    return %arg0, %c0_i32 : i32, i32
  }
  func.func @transform_4(%arg0: i32) -> (i32, i32) {
    %c0_i32 = arith.constant 0 : i32
    %c0_i32_0 = arith.constant 0 : i32
    return %arg0, %c0_i32 : i32, i32
  }
  func.func @transform_5(%arg0: i32) -> (i32, i32) {
    %c0_i32 = arith.constant 0 : i32
    %c0_i32_0 = arith.constant 0 : i32
    %c0_i32_1 = arith.constant 0 : i32
    return %c0_i32, %c0_i32_0 : i32, i32
  }
  func.func @transform_6(%arg0: i32) -> (i32, i32) {
    %c0_i32 = arith.constant 0 : i32
    %c0_i32_0 = arith.constant 0 : i32
    %c0_i32_1 = arith.constant 0 : i32
    return %c0_i32, %c0_i32_0 : i32, i32
  }
  func.func @transform_7(%arg0: i32) -> (i32, i32) {
    %c0_i32 = arith.constant 0 : i32
    %c0_i32_0 = arith.constant 0 : i32
    return %arg0, %c0_i32 : i32, i32
  }
}

module attributes {stable_mosaic.version = 14 : i64} {
  func.func @_final_body(%arg0: i32, %arg1: memref<2x400x128xf32, #tpu.memory_space<vmem>>, %arg2: memref<400x128xf32, #tpu.memory_space<vmem>>, %arg3: memref<400x1xf32, #tpu.memory_space<vmem>>, %arg4: memref<1x128xf32, #tpu.memory_space<vmem>>, %arg5: memref<400x128xf32, #tpu.memory_space<vmem>>) attributes {dimension_semantics = [#tpu.dimension_semantics<arbitrary>], iteration_bounds = array<i64: 25>, scalar_prefetch = 0 : i64, scratch_operands = 0 : i64, tpu.core_type = #tpu.core_type<tc>, window_params = [{transform_indices = @transform_0, window_bounds = array<i64: 2, 400, 128>}, {transform_indices = @transform_1, window_bounds = array<i64: 400, 128>}, {transform_indices = @transform_2, window_bounds = array<i64: 400, 1>}, {pipeline_mode = #tpu.pipeline_mode<synchronous>, transform_indices = @transform_3, window_bounds = array<i64: 1, 128>}, {transform_indices = @transform_4, window_bounds = array<i64: 400, 128>}]} {
    %get3A = arith.constant 0 : index
    %get3A_0 = arith.constant 0 : index
    %get3A_1 = vector.load %arg3[%get3A, %get3A_0] : memref<400x1xf32, #tpu.memory_space<vmem>>, vector<400x1xf32>
    %get3A_2 = arith.constant 0 : index
    %get3A_3 = arith.constant 0 : index
    %get3A_4 = arith.constant 0 : index
    %get3A_5 = vector.load %arg1[%get3A_2, %get3A_3, %get3A_4] : memref<2x400x128xf32, #tpu.memory_space<vmem>>, vector<1x400x128xf32>
    %get3A_6 = vector.shape_cast %get3A_5 : vector<1x400x128xf32> to vector<400x128xf32>
    %get3A_7 = arith.constant 1 : index
    %get3A_8 = arith.constant 0 : index
    %get3A_9 = arith.constant 0 : index
    %get3A_10 = vector.load %arg1[%get3A_7, %get3A_8, %get3A_9] : memref<2x400x128xf32, #tpu.memory_space<vmem>>, vector<1x400x128xf32>
    %get3A_11 = vector.shape_cast %get3A_10 : vector<1x400x128xf32> to vector<400x128xf32>
    %add3A = arith.addf %get3A_6, %get3A_11 : vector<400x128xf32>
    %get3A_12 = arith.constant 0 : index
    %get3A_13 = arith.constant 0 : index
    %get3A_14 = vector.load %arg2[%get3A_12, %get3A_13] : memref<400x128xf32, #tpu.memory_space<vmem>>, vector<400x128xf32>
    %add3A_15 = arith.addf %add3A, %get3A_14 : vector<400x128xf32>
    %mul3A = vector.broadcast %get3A_1 : vector<400x1xf32> to vector<400x128xf32>
    %mul3A_16 = arith.mulf %mul3A, %add3A_15 : vector<400x128xf32>
    %get3A_17 = arith.constant 0 : index
    %get3A_18 = arith.constant 0 : index
    %get3A_19 = vector.load %arg4[%get3A_17, %get3A_18] : memref<1x128xf32, #tpu.memory_space<vmem>>, vector<1x128xf32>
    %add3A_20 = vector.broadcast %get3A_19 : vector<1x128xf32> to vector<400x128xf32>
    %add3A_21 = arith.addf %mul3A_16, %add3A_20 : vector<400x128xf32>
    %swap3A = arith.constant 0 : index
    %swap3A_22 = arith.constant 0 : index
    %swap3A_23 = vector.load %arg5[%swap3A, %swap3A_22] : memref<400x128xf32, #tpu.memory_space<vmem>>, vector<400x128xf32>
    tpu.vector_store %arg5[%swap3A, %swap3A_22], %add3A_21 {strides = array<i32>} : memref<400x128xf32, #tpu.memory_space<vmem>>, vector<400x128xf32>,
    return
  }
  func.func @transform_0(%arg0: i32) -> (i32, i32, i32) {
    %c0_i32 = arith.constant 0 : i32
    %c0_i32_0 = arith.constant 0 : i32
    %c0_i32_1 = arith.constant 0 : i32
    return %c0_i32, %arg0, %c0_i32_0 : i32, i32, i32
  }
  func.func @transform_1(%arg0: i32) -> (i32, i32) {
    %c0_i32 = arith.constant 0 : i32
    %c0_i32_0 = arith.constant 0 : i32
    return %arg0, %c0_i32 : i32, i32
  }
  func.func @transform_2(%arg0: i32) -> (i32, i32) {
    %c0_i32 = arith.constant 0 : i32
    %c0_i32_0 = arith.constant 0 : i32
    return %arg0, %c0_i32 : i32, i32
  }
  func.func @transform_3(%arg0: i32) -> (i32, i32) {
    %c0_i32 = arith.constant 0 : i32
    %c0_i32_0 = arith.constant 0 : i32
    %c0_i32_1 = arith.constant 0 : i32
    return %c0_i32, %c0_i32_0 : i32, i32
  }
  func.func @transform_4(%arg0: i32) -> (i32, i32) {
    %c0_i32 = arith.constant 0 : i32
    %c0_i32_0 = arith.constant 0 : i32
    return %arg0, %c0_i32 : i32, i32
  }
}

</mosaic_0001>

<sc_bundles>
// kernel: kernel.12.cloned.1.call-start
scs
__scs_entry_jumppad:
0x0: {  	(pc) =	sbr.rel $0x88, $3  }
0x1: {  	(tag) =	ssettag $0x0;
	lr =	simm.s32 $0x1  }
0x2: {  	[smem:$0x3F9B] =	sst lr;
	_ =	strace $0xD0000000  }
0x3: {  	_ = 	snop  }
0x4: {  	_ = 	snop  }
0x5: {  	_ = 	snop  }
0x6: {  	_ = 	snop  }
0x7: {  	_ = 	snop  }
__scs_overlays_trampoline_lowered:
0x8: {  	[smem:$0x3FAA] =	sst s0  }
0x9: {  	[smem:$0x3FAB] =	sst s1  }
0xa: {  	[smem:$0x3FAC] =	sst s2  }
0xb: {  	[smem:$0x3FAD] =	sst s3  }
0xc: {  	[smem:$0x3FAE] =	sst s4  }
0xd: {  	[smem:$0x3FAF] =	sst s5  }
0xe: {  	[smem:$0x3FB0] =	sst s6  }
0xf: {  	[smem:$0x3FB1] =	sst s7  }
0x10: {  	[smem:$0x3FB2] =	sst s8  }
0x11: {  	[smem:$0x3FB3] =	sst s9;
	s0 =	simm.s32 @!p0 $0x0  }
0x12: {  	s1 =	sld [smem:$0x3F99];
	s0 =	simm.s32 @p0 $0x1  }
0x13: {  	[smem:$0x3FB4] =	sst s0;
	s0 =	simm.s32 @!p1 $0x0  }
0x14: {  	s2 =	sld [smem:$0x3F98];
	s0 =	simm.s32 @p1 $0x1  }
0x15: {  	[smem:$0x3FB5] =	sst s0;
	s0 =	simm.s32 @!p2 $0x0  }
0x16: {  	s3 =	sld [smem:$0x3FDB];
	s0 =	simm.s32 @p2 $0x1  }
0x17: {  	s4 =	simm.s32 $0x1BF5;
	[smem:$0x3FB7] =	sst s0  }
0x18: {  	s0 =	sld [smem:$0x3F9A];
	_ =	swait.ge [sflag:s4], $0x0  }
0x19: {  	s7 =	sld [smem:$0x3F9B]  }
0x1a: {  	s8 =	sadd.s32 $0xFFFFE003, lr  }
0x1b: {  	s9 =	sadd.s32 $0xFFFFFEF7, lr;
	s5 =	simm.s32 $0xFFFFFFFF;
	p2 =	slt.u32 s8, $0xFFFFF086  }
0x1c: {  	p1 =	slt.u32 s9, $0xF7A;
	s5 =	simm.s32 @!p2 $0x0  }
0x1d: {  	s5 =	simm.s32 @p1 $0x1;
	p0 =	seq.s32 s7, s2  }
0x1e: {  	s7 =	smul.u32 @!p0 $0xF7A, s2;
	p2 =	seq.s32 @!p0 s5, $0x0  }
0x1f: {  	s9 =	smul.u32 $0xF7A, s1;
	s8 =	simm.s32 @!p0 $0x1BF5;
	p2 =	por !p2, p0  }
0x20: {  	[sflag:s8] =	ssyncset.s32 @!p0 $0xFFFFF086;
	s6 =	sadd.s32 @!p0 s3, s7;
	s7 =	simm.s32 @!p0 $0x108  }
0x21: {  	s3 =	sadd.s32 s3, s9;
	s6 =	sadd.s32 @!p0 $0x88, s6;
	s7 =	simm.s32 @p2 $0x1082  }
0x22: {  	[simem:s7], [sflag:s8] =	dma.local @!p0 [hbm:s6], $0xF7A  }
0x23: {  	s9 =	sor.u32 $0xD0000000, s2;
	s6 =	simm.s32 $0x108;
	_ =	swait.ge @!p0 [sflag:s8], $0x0  }
0x24: {  	s3 =	sadd.s32 $0x88, s3;
	s6 =	simm.s32 @!p1 $0x1082;
	[sflag:s4] =	ssyncset.s32 $0xFFFFF086  }
0x25: {  	[simem:s6], [sflag:s4] =	dma.local [hbm:s3], $0xF7A  }
0x26: {  	[smem:$0x3F9B] =	sst s1;
	(tag) =	ssettag s2;
	_ =	strace s9  }
0x27: {  	s1 =	sld [smem:$0x3FAB]  }
0x28: {  	s2 =	sld [smem:$0x3FAC]  }
0x29: {  	s4 =	sld [smem:$0x3FAE]  }
0x2a: {  	p0 =	seq.s32 s5, $0x0;
	s5 =	sld [smem:$0x3FAF]  }
0x2b: {  	s6 =	sld [smem:$0x3FB0]  }
0x2c: {  	s7 =	sld [smem:$0x3FB1]  }
0x2d: {  	s3 =	simm.s32 $0x108;
	s8 =	sld [smem:$0x3FB2]  }
0x2e: {  	s3 =	simm.s32 @!p0 $0x1082;
	s9 =	sld [smem:$0x3FB3]  }
0x2f: {  	lr =	sadd.s32 s0, s3;
	s0 =	sld [smem:$0x3FAA]  }
0x30: {  	s3 =	sld [smem:$0x3FAD]  }
0x31: {  	[smem:$0x3FB6] =	sst s10  }
0x32: {  	s10 =	sld [smem:$0x3FB4];
	_ =	sdelay $0x3  }
0x33: {  	p0 =	seq.s32 s10, $0x1;
	s10 =	sld [smem:$0x3FB6];
	_ =	sdelay $0x3  }
0x34: {  	[smem:$0x3FB6] =	sst s10  }
0x35: {  	s10 =	sld [smem:$0x3FB5];
	_ =	sdelay $0x3  }
0x36: {  	p1 =	seq.s32 s10, $0x1;
	s10 =	sld [smem:$0x3FB6];
	_ =	sdelay $0x3  }
0x37: {  	[smem:$0x3FB6] =	sst s10  }
0x38: {  	s10 =	sld [smem:$0x3FB7]  }
0x39: {  	_ = 	snop;
	(pc) =	sbr.ind lr, $3  }
0x3a: {  	_ = 	snop  }
0x3b: {  	_ = 	snop  }
0x3c: {  	p2 =	seq.s32 s10, $0x1;
	s10 =	sld [smem:$0x3FB6]  }
0x3d: {  	_ =	shalt  }
0x3e: {  	_ =	shalt  }
0x3f: {  	_ =	shalt  }
0x40: {  	_ =	shalt  }
0x41: {  	_ =	shalt  }
0x42: {  	_ =	shalt  }
0x43: {  	_ =	shalt  }
0x44: {  	_ =	shalt  }
0x45: {  	_ =	shalt  }
0x46: {  	_ =	shalt  }
0x47: {  	_ =	shalt  }
0x48: {  	_ =	shalt  }
0x49: {  	_ =	shalt  }
0x4a: {  	_ =	shalt  }
0x4b: {  	_ =	shalt  }
0x4c: {  	_ =	shalt  }
0x4d: {  	_ =	shalt  }
0x4e: {  	_ =	shalt  }
0x4f: {  	_ =	shalt  }
0x50: {  	_ =	shalt  }
0x51: {  	_ =	shalt  }
0x52: {  	_ =	shalt  }
0x53: {  	_ =	shalt  }
0x54: {  	_ =	shalt  }
0x55: {  	_ =	shalt  }
0x56: {  	_ =	shalt  }
0x57: {  	_ =	shalt  }
0x58: {  	_ =	shalt  }
0x59: {  	_ =	shalt  }
0x5a: {  	_ =	shalt  }
0x5b: {  	_ =	shalt  }
0x5c: {  	_ =	shalt  }
0x5d: {  	_ =	shalt  }
0x5e: {  	_ =	shalt  }
0x5f: {  	_ =	shalt  }
0x60: {  	_ =	shalt  }
0x61: {  	_ =	shalt  }
0x62: {  	_ =	shalt  }
0x63: {  	_ =	shalt  }
0x64: {  	_ =	shalt  }
0x65: {  	_ =	shalt  }
0x66: {  	_ =	shalt  }
0x67: {  	_ =	shalt  }
0x68: {  	_ =	shalt  }
0x69: {  	_ =	shalt  }
0x6a: {  	_ =	shalt  }
0x6b: {  	_ =	shalt  }
0x6c: {  	_ =	shalt  }
0x6d: {  	_ =	shalt  }
0x6e: {  	_ =	shalt  }
0x6f: {  	_ =	shalt  }
0x70: {  	_ =	shalt  }
0x71: {  	_ =	shalt  }
0x72: {  	_ =	shalt  }
0x73: {  	_ =	shalt  }
0x74: {  	_ =	shalt  }
0x75: {  	_ =	shalt  }
0x76: {  	_ =	shalt  }
0x77: {  	_ =	shalt  }
0x78: {  	_ =	shalt  }
0x79: {  	_ =	shalt  }
0x7a: {  	_ =	shalt  }
0x7b: {  	_ =	shalt  }
0x7c: {  	_ =	shalt  }
0x7d: {  	_ =	shalt  }
0x7e: {  	_ =	shalt  }
0x7f: {  	_ =	shalt  }
0x80: {  	_ =	shalt  }
0x81: {  	_ =	shalt  }
0x82: {  	_ =	shalt  }
0x83: {  	_ =	shalt  }
0x84: {  	_ =	shalt  }
0x85: {  	_ =	shalt  }
0x86: {  	_ =	shalt  }
0x87: {  	_ =	shalt  }
.Lfunc_end0:
.L_simem_size_0:
called_computation.1_lowered:
.L_overlay_start_0:
0x88: {  	s2 =	sld [smem:$0x3FD9]  }
0x89: {  	s3 =	sld [smem:$0x3FFE];
	_ =	sdelay $0x1  }
0x8a: {  	s1 =	srdreg.scid  }
0x8b: {  	s0 =	sand.u32 $0x1, s1  }
0x8c: {  	s17 =	sshll.u32 s0, $0xA;
	s2 =	sadd.s32 s3, s2  }
0x8d: {  	s2 =	sadd.s32 s2, s17  }
0x8e: {  	[smem:$0x3FC2] =	sst s2  }
0x8f: {  	_ = 	snop  }
0x90: {  	s2 =	sld [smem:$0x3FD0];
	(tm) =	ssettm $0x1  }
0x91: {  	s18 =	sld [smem:$0x3FFB];
	_ =	sdelay $0x3  }
0x92: {  	_ =	strace s18  }
0x93: {  	s3 =	sld [smem:$0x3FFC];
	_ =	sdelay $0x3  }
0x94: {  	_ =	strace s3  }
0x95: {  	s3 =	sld [smem:$0x3FFD];
	_ =	sdelay $0x3  }
0x96: {  	_ =	strace s3  }
0x97: {  	_ =	strace $0x8FFFFFFF  }
0x98: {  	s19 =	sld [smem:$0x3FDB];
	_ =	sdelay $0x1  }
0x99: {  	s4 =	simm.s32 $_scs_section_size  }
0x9a: {  	s5 =	simm.s32 $_size__tile_overlayer_lowered;
	s6 =	simm.s32 $_tile_overlayer_lowered  }
0x9b: {  	s22 =	simm.s32 $0x1BFF;
	s21 =	sshll.u32 s6, $0x1;
	s3 =	sadd.s32 s4, s19  }
0x9c: {  	s7 =	simm.s32 $0x0;
	s20 =	sshll.u32 s5, $0x1;
	s5 =	sadd.s32 s21, s3  }
0x9d: {  	[timem:s7], [sflag:s22] =	dma.local [hbm:s5], s20  }
0x9e: {  	_ =	swait.ge [sflag:s22], s20  }
0x9f: {  	s4 =	ssub.s32 $0x0, s20;
	[sflag:s22] =	ssyncset.done $0x0  }
0xa0: {  	[sflag:s22] =	ssyncadd.s32 s4;
	_ =	sdelay $0x1  }
0xa1: {  	s23 =	simm.s32 $0x1B8B  }
0xa2: {  	_ =	swait.ge [sflag:s23], $0x1  }
0xa3: {  	[sflag:s23] =	ssyncset.done $0x0  }
0xa4: {  	s25 =	simm.s32 $0x1B8E;
	s24 =	sld [smem:$0x3FFE];
	[sflag:s23] =	ssyncadd.s32 $0xFFFFFFFF  }
0xa5: {  	s26 =	simm.s32 $execute0_lowered;
	[smem:$0x3FD2] =	sst s25  }
0xa6: {  	s5 =	sshll.u32 s26, $0x1;
	_ =	strace $0x80000049;
	[dreg:$0x1] =	wrdreg $0xFFFFFFFF  }
0xa7: {  	s28 =	simm.s32 $_size_execute0_lowered;
	s3 =	sadd.s32 s3, s5;
	[dreg:$0x0] =	wrdreg $0x0  }
0xa8: {  	s5 =	sshll.u32 s28, $0x1;
	[dreg:$0x2] =	wrdreg s3  }
0xa9: {  	[dreg:$0x3] =	wrdreg s5  }
0xaa: {  	[dreg:$0x4] =	wrdreg $0xC0  }
0xab: {  	_ =	task [dreg:s7], $0x5FFFF  }
0xac: {  	[dreg:$0x1] =	wrdreg $0xFFFFFFFF  }
0xad: {  	[dreg:$0x0] =	wrdreg $0x60  }
0xae: {  	[dreg:$0x2] =	wrdreg s2  }
0xaf: {  	[dreg:$0x3] =	wrdreg s24  }
0xb0: {  	[dreg:$0x4] =	wrdreg $0x90000  }
0xb1: {  	[dreg:$0x5] =	wrdreg $0x9  }
0xb2: {  	_ =	task.clear_ibuf [dreg:s7], $0x6FFFF;
	_ =	strace $0x90000049  }
0xb3: {  	s29 =	simm.s32 $0x9;
	_ =	strace $0x8000004B  }
0xb4: {  	_ =	swait.ge [sflag:s29], $0x1  }
0xb5: {  	[sflag:s29] =	ssyncadd.s32 $0xFFFFFFFF  }
0xb6: {  	_ =	strace $0x9000004B  }
0xb7: {  	_ =	sfence  }
0xb8: {  	s30 =	sld [smem:$0x0];
	_ =	sdelay $0x2  }
0xb9: {  	s31 =	sshll.u32 s1, $0xD;
	s1 =	sshrl.u32 s1, $0x2  }
0xba: {  	s3 =	sand.u32 $0x4000, s31;
	s1 =	sadd.s32 s1, s30  }
0xbb: {  	s0 =	sor.u32 s3, s0;
	s1 =	sshll.u32 s1, $0x11  }
0xbc: {  	s0 =	sor.u32 s1, s0  }
0xbd: {  	s0 =	sadd.s32 $0x8F2B, s0  }
0xbe: {  	[sflag:s0] =	ssyncadd.remote.s32 $0x1  }
0xbf: {  	_ =	sfence.sel $0xFFFF  }
0xc0: {  	[dreg:$0x0] =	wrdreg $0xFFFFFFFF;
	(pc) =	sbr.abs _section_cstart, $3  }
0xc1: {  	[dreg:$0x1] =	wrdreg $0xFFFFFFFF  }
0xc2: {  	_ =	task.clear_ibuf [dreg:s7], $0x2FFFF;
	_ =	strace $0x9FFFFFFF  }
0xc3: {  	(tm) =	ssettm $0x7FFFFFFF  }
tec
execute0_lowered:
.L_overlay_start_1:
0x0: {  	(tag) =	ssettag $0x1  }
0x1: {  	s9 =	rddreg [dreg:$0x0]  }
0x2: {  	s6 =	rddreg [dreg:$0x1]  }
0x3: {  	s1 =	rddreg [dreg:$0x2]  }
0x4: {  	s2 =	simm.s32 $0x0;
	s5 =	srdreg.scid;
	s0 =	stileid.u32  }
0x5: {  	s20 =	simm.s32 $0x80;
	s21 =	simm.s32 $0x100;
	s22 =	simm.s32 $0x880  }
0x6: {  	s23 =	simm.s32 $0x180;
	s24 =	simm.s32 $0x900;
	[smem:$0x7FF] =	sst s2  }
0x7: {  	s26 =	simm.s32 $0x200;
	_ =	strace $0x8000004A;
	[dreg:$0x4] =	wrdreg s20  }
0x8: {  	s29 =	simm.s32 $0x980;
	s31 =	simm.s32 $0x280;
	[dreg:$0x5] =	wrdreg s21  }
0x9: {  	s3 =	simm.s32 $0xA00;
	s28 =	simm.s32 $0x0;
	[dreg:$0x6] =	wrdreg s22  }
0xa: {  	s4 =	sadd.s32 $0xB200, s6;
	s11 =	sadd.s32 $0x5E400, s6;
	[dreg:$0x7] =	wrdreg s23  }
0xb: {  	s10 =	sadd.s32 $0x59400, s6;
	s8 =	sand.u32 $0x1, s5;
	[dreg:$0x8] =	wrdreg s24  }
0xc: {  	s5 =	sadd.s32 $0x8A00, s6;
	s12 =	smul.u32 $0x2800, s0;
	[dreg:$0x9] =	wrdreg s26  }
0xd: {  	s13 =	sadd.s32 $0x8A600, s6;
	s16 =	smul.u32 $0x4E000, s0;
	[dreg:$0xa] =	wrdreg s29  }
0xe: {  	s14 =	sadd.s32 $0xB1800, s6;
	s30 =	smul.u32 $0x2700, s0;
	[dreg:$0xb] =	wrdreg s31  }
0xf: {  	s7 =	ssub.s32 $0x2, s8;
	[dreg:$0xc] =	wrdreg s3;
	s20 =	simm.s32 $0x380  }
0x10: {  	p0 =	seq.s32 s8, $0x0;
	s21 =	simm.s32 $0xB00;
	[dreg:$0xf] =	wrdreg s20  }
0x11: {  	s22 =	simm.s32 $0xB80;
	s23 =	simm.s32 $0x480;
	[dreg:$0x10] =	wrdreg s21  }
0x12: {  	s24 =	simm.s32 $0x500;
	s26 =	simm.s32 $0x580;
	[dreg:$0x11] =	wrdreg s22  }
0x13: {  	s29 =	simm.s32 $0xD00;
	s31 =	simm.s32 $0x680;
	[dreg:$0x12] =	wrdreg s23  }
0x14: {  	s18 =	sshrl.u32 s7, $0x1;
	s19 =	sshrl.u32 s12, $0x3;
	[dreg:$0x13] =	wrdreg s24  }
0x15: {  	s25 =	sshrl.u32 s16, $0x2;
	s4 =	smov.u32 @p0 s9;
	[dreg:$0x15] =	wrdreg s26  }
0x16: {  	s16 =	simm.s32 $0x300;
	s14 =	smov.u32 @p0 s13;
	[dreg:$0x16] =	wrdreg s29  }
0x17: {  	s12 =	simm.s32 $0x7;
	s13 =	simm.s32 $0x800;
	[dreg:$0x19] =	wrdreg s31  }
0x18: {  	s20 =	simm.s32 $0xE00;
	s21 =	simm.s32 $0x700;
	s22 =	simm.s32 $0xE80  }
0x19: {  	s23 =	simm.s32 $0x780;
	s24 =	simm.s32 $0x4;
	s26 =	simm.s32 $0xF80  }
0x1a: {  	s15 =	ssub.s32 s7, s18;
	s6 =	sadd.s32 s11, s19;
	s7 =	sadd.s32 s10, s19  }
0x1b: {  	s17 =	sadd.s32 s25, s1;
	[dreg:$0xd] =	wrdreg s16;
	s18 =	simm.s32 $0xA80  }
0x1c: {  	s19 =	smul.u32 $0x500, s0;
	s9 =	sadd.s32 s14, s30;
	[dreg:$0x1a] =	wrdreg s20  }
0x1d: {  	s25 =	simm.s32 $0xC80;
	s14 =	simm.s32 $0x7D;
	[dreg:$0x1b] =	wrdreg s21  }
0x1e: {  	s30 =	simm.s32 $0xD80;
	s20 =	simm.s32 $0x5000;
	[dreg:$0x1c] =	wrdreg s22  }
0x1f: {  	s21 =	simm.s32 $0x1;
	s22 =	simm.s32 $0x3;
	[dreg:$0x1d] =	wrdreg s23  }
0x20: {  	s23 =	simm.s32 $0x2;
	s8 =	smax.u32 s15, $0x1;
	[dreg:$0xe] =	wrdreg s18  }
0x21: {  	[dreg:$0x14] =	wrdreg s25;
	s15 =	simm.s32 $0x1000;
	s18 =	sshll.u32 s0, $0x6  }
0x22: {  	s17 =	sshrl.u32 s17, $0x3;
	[dreg:$0x18] =	wrdreg s30;
	s25 =	simm.s32 $0xF00  }
0x23: {  	s10 =	sadd.s32 s19, s10;
	s11 =	sadd.s32 s19, s11;
	s19 =	simm.s32 $0x600  }
0x24: {  	s16 =	sor.u32 $0x1C07, s18;
	s18 =	simm.s32 $0x400;
	[dreg:$0x1e] =	wrdreg s25  }
0x25: {  	s25 =	simm.s32 $0x6;
	[dreg:$0x17] =	wrdreg s19;
	s19 =	simm.s32 $0xC00  }
.LBB2_1:
0x26: {  	[tilespmem:s2], [sflag:$0x7] =	stream.linear.gather [hbm4b:s6+s2], $0x400, $0x38;
	[tilespmem:$0x1C880] =	vst v63  }
0x27: {  	_ =	swait.ge [sflag:s12], $0x400  }
0x28: {  	[sflag:s12] =	ssyncset.done $0x0  }
0x29: {  	[sflag:s12] =	ssyncadd.s32 $0xFFFFFC00  }
0x2a: {  	[tilespmem:s13], [sflag:$0x7] =	stream.linear.gather [hbm4b:s7+s2], $0x400, $0x38;
	[tilespmem:$0x1C880] =	vst v63  }
0x2b: {  	_ =	swait.ge [sflag:s12], $0x400  }
0x2c: {  	[sflag:s12] =	ssyncset.done $0x0  }
0x2d: {  	[sflag:s12] =	ssyncadd.s32 $0xFFFFFC00  }
0x2e: {  	[tilespmem:s15], [sflag:$0x1] =	stream.indirect.gather [hbm4b:s4+s14], $0x80, s2, s14, $0xb8;
	[tilespmem:$0x1C880] =	vst v63  }
0x2f: {  	[spmem:s17], [sflag:s16] =	dma.local [hbm:s5], $0x2800  }
0x30: {  	_ =	swait.ge [sflag:s12], $0x2800  }
0x31: {  	[sflag:s12] =	ssyncset.done $0x0  }
0x32: {  	s29 =	sadd.s32 $0x0, s11;
	[sflag:s12] =	ssyncadd.s32 $0xFFFFD800  }
0x33: {  	s30 =	sadd.s32 $0x0, s10;
	s29 =	sadd.s32 $0x80, s29;
	[bflag:$0x0] =	sbarrier.arrive $0xFFFF  }
0x34: {  	[tilespmem:s18], [sflag:$0x6] =	stream.linear.gather [hbm4b:s29+s2], $0x400, $0x38;
	[tilespmem:$0x1C880] =	vst v63  }
0x35: {  	p0 =	por $0x1, $0x1;
	s29 =	sadd.s32 $0x80, s30  }
0x36: {  	[tilespmem:s19], [sflag:$0x6] =	stream.linear.gather [hbm4b:s29+s2], $0x400, $0x38;
	[tilespmem:$0x1C880] =	vst v63  }
0x37: {  	s29 =	simm.s32 @!p0 $0x4  }
0x38: {  	_ =	swait.ge @!p0 [sflag:s29], $0x3E80  }
0x39: {  	[sflag:s29] =	ssyncset.done @!p0 $0x0  }
0x3a: {  	s3 =	rddreg [dreg:$0x4];
	[sflag:s29] =	ssyncadd.s32 @!p0 $0xFFFFC180  }
0x3b: {  	[tilespmem:s20], [sflag:$0x2] =	stream.indirect.gather [hbm4b:s4+s14], $0x80, s3, s14, $0xb8;
	[tilespmem:$0x1C880] =	vst v63  }
0x3c: {  	_ =	swait.ge [sflag:s21], $0x3E80  }
0x3d: {  	[sflag:s21] =	ssyncset.done $0x0  }
0x3e: {  	[sflag:s21] =	ssyncadd.s32 $0xFFFFC180  }
0x3f: {  	[spmem:s1] =	stream.indirect.scatter.add.f32 [tilespmem:s15], [sflag:$0x3], $0x80, s13, s14, $0xb8;
	[tilespmem:$0x1C880] =	vst v63  }
0x40: {  	_ =	swait.ge [sflag:s22], $0x3E80  }
0x41: {  	[sflag:s22] =	ssyncset.done $0x0  }
0x42: {  	s29 =	rddreg [dreg:$0x5];
	[sflag:s22] =	ssyncadd.s32 $0xFFFFC180  }
0x43: {  	[tilespmem:s15], [sflag:$0x1] =	stream.indirect.gather [hbm4b:s4+s14], $0x80, s29, s14, $0xb8;
	[tilespmem:$0x1C880] =	vst v63  }
0x44: {  	_ =	swait.ge [sflag:s23], $0x3E80  }
0x45: {  	[sflag:s23] =	ssyncset.done $0x0  }
0x46: {  	s29 =	rddreg [dreg:$0x6];
	[sflag:s23] =	ssyncadd.s32 $0xFFFFC180  }
0x47: {  	[spmem:s1] =	stream.indirect.scatter.add.f32 [tilespmem:s20], [sflag:$0x4], $0x80, s29, s14, $0xb8;
	[tilespmem:$0x1C880] =	vst v63  }
0x48: {  	_ =	swait.ge [sflag:s24], $0x3E80  }
0x49: {  	[sflag:s24] =	ssyncset.done $0x0  }
0x4a: {  	s29 =	rddreg [dreg:$0x7];
	[sflag:s24] =	ssyncadd.s32 $0xFFFFC180  }
0x4b: {  	[tilespmem:s20], [sflag:$0x2] =	stream.indirect.gather [hbm4b:s4+s14], $0x80, s29, s14, $0xb8;
	[tilespmem:$0x1C880] =	vst v63  }
0x4c: {  	_ =	swait.ge [sflag:s21], $0x3E80  }
0x4d: {  	[sflag:s21] =	ssyncset.done $0x0  }
0x4e: {  	s29 =	rddreg [dreg:$0x8];
	[sflag:s21] =	ssyncadd.s32 $0xFFFFC180  }
0x4f: {  	[spmem:s1] =	stream.indirect.scatter.add.f32 [tilespmem:s15], [sflag:$0x3], $0x80, s29, s14, $0xb8;
	[tilespmem:$0x1C880] =	vst v63  }
0x50: {  	_ =	swait.ge [sflag:s22], $0x3E80  }
0x51: {  	[sflag:s22] =	ssyncset.done $0x0  }
0x52: {  	s29 =	rddreg [dreg:$0x9];
	[sflag:s22] =	ssyncadd.s32 $0xFFFFC180  }
0x53: {  	[tilespmem:s15], [sflag:$0x1] =	stream.indirect.gather [hbm4b:s4+s14], $0x80, s29, s14, $0xb8;
	[tilespmem:$0x1C880] =	vst v63  }
0x54: {  	_ =	swait.ge [sflag:s23], $0x3E80  }
0x55: {  	[sflag:s23] =	ssyncset.done $0x0  }
0x56: {  	s29 =	rddreg [dreg:$0xa];
	[sflag:s23] =	ssyncadd.s32 $0xFFFFC180  }
0x57: {  	[spmem:s1] =	stream.indirect.scatter.add.f32 [tilespmem:s20], [sflag:$0x4], $0x80, s29, s14, $0xb8;
	[tilespmem:$0x1C880] =	vst v63  }
0x58: {  	_ =	swait.ge [sflag:s24], $0x3E80  }
0x59: {  	[sflag:s24] =	ssyncset.done $0x0  }
0x5a: {  	s29 =	rddreg [dreg:$0xb];
	[sflag:s24] =	ssyncadd.s32 $0xFFFFC180  }
0x5b: {  	[tilespmem:s20], [sflag:$0x2] =	stream.indirect.gather [hbm4b:s4+s14], $0x80, s29, s14, $0xb8;
	[tilespmem:$0x1C880] =	vst v63  }
0x5c: {  	_ =	swait.ge [sflag:s21], $0x3E80  }
0x5d: {  	[sflag:s21] =	ssyncset.done $0x0  }
0x5e: {  	s29 =	rddreg [dreg:$0xc];
	[sflag:s21] =	ssyncadd.s32 $0xFFFFC180  }
0x5f: {  	[spmem:s1] =	stream.indirect.scatter.add.f32 [tilespmem:s15], [sflag:$0x3], $0x80, s29, s14, $0xb8;
	[tilespmem:$0x1C880] =	vst v63  }
0x60: {  	_ =	swait.ge [sflag:s22], $0x3E80  }
0x61: {  	[sflag:s22] =	ssyncset.done $0x0  }
0x62: {  	s29 =	rddreg [dreg:$0xd];
	[sflag:s22] =	ssyncadd.s32 $0xFFFFC180  }
0x63: {  	[tilespmem:s15], [sflag:$0x1] =	stream.indirect.gather [hbm4b:s4+s14], $0x80, s29, s14, $0xb8;
	[tilespmem:$0x1C880] =	vst v63  }
0x64: {  	_ =	swait.ge [sflag:s23], $0x3E80  }
0x65: {  	[sflag:s23] =	ssyncset.done $0x0  }
0x66: {  	s29 =	rddreg [dreg:$0xe];
	[sflag:s23] =	ssyncadd.s32 $0xFFFFC180  }
0x67: {  	[spmem:s1] =	stream.indirect.scatter.add.f32 [tilespmem:s20], [sflag:$0x4], $0x80, s29, s14, $0xb8;
	[tilespmem:$0x1C880] =	vst v63  }
0x68: {  	_ =	swait.ge [sflag:s24], $0x3E80  }
0x69: {  	[sflag:s24] =	ssyncset.done $0x0  }
0x6a: {  	s29 =	rddreg [dreg:$0xf];
	[sflag:s24] =	ssyncadd.s32 $0xFFFFC180  }
0x6b: {  	[tilespmem:s20], [sflag:$0x2] =	stream.indirect.gather [hbm4b:s4+s14], $0x80, s29, s14, $0xb8;
	[tilespmem:$0x1C880] =	vst v63  }
0x6c: {  	_ =	swait.ge [sflag:s21], $0x3E80  }
0x6d: {  	[sflag:s21] =	ssyncset.done $0x0  }
0x6e: {  	s29 =	rddreg [dreg:$0x10];
	[sflag:s21] =	ssyncadd.s32 $0xFFFFC180  }
0x6f: {  	[spmem:s1] =	stream.indirect.scatter.add.f32 [tilespmem:s15], [sflag:$0x3], $0x80, s29, s14, $0xb8;
	[tilespmem:$0x1C880] =	vst v63  }
0x70: {  	_ =	swait.ge [sflag:s22], $0x3E80  }
0x71: {  	[sflag:s22] =	ssyncset.done $0x0  }
0x72: {  	[sflag:s22] =	ssyncadd.s32 $0xFFFFC180  }
0x73: {  	_ =	swait.ge [sflag:s25], $0x400  }
0x74: {  	[sflag:s25] =	ssyncset.done $0x0  }
0x75: {  	[sflag:s25] =	ssyncadd.s32 $0xFFFFFC00  }
0x76: {  	_ =	swait.ge [sflag:s25], $0x400  }
0x77: {  	[sflag:s25] =	ssyncset.done $0x0  }
0x78: {  	[sflag:s25] =	ssyncadd.s32 $0xFFFFFC00  }
0x79: {  	[tilespmem:s15], [sflag:$0x1] =	stream.indirect.gather [hbm4b:s4+s14], $0x80, s18, s14, $0xb8;
	[tilespmem:$0x1C880] =	vst v63  }
0x7a: {  	_ =	swait.ge [sflag:s23], $0x3E80  }
0x7b: {  	p0 =	por $0x0, $0x0;
	[sflag:s23] =	ssyncset.done $0x0  }
0x7c: {  	s30 =	sadd.s32 @!p0 $0x0, s11;
	s29 =	rddreg [dreg:$0x11];
	[sflag:s23] =	ssyncadd.s32 $0xFFFFC180  }
0x7d: {  	[spmem:s1] =	stream.indirect.scatter.add.f32 [tilespmem:s20], [sflag:$0x4], $0x80, s29, s14, $0xb8;
	[tilespmem:$0x1C880] =	vst v63  }
0x7e: {  	s31 =	sadd.s32 @!p0 $0x0, s10;
	s30 =	sadd.s32 @!p0 $0x100, s30;
	s29 =	simm.s32 @!p0 $0x0  }
0x7f: {  	[tilespmem:s29], [sflag:$0x5] =	stream.linear.gather @!p0 [hbm4b:s30+s29], $0x400, $0x38;
	[tilespmem:$0x1C880] =	vst v63  }
0x80: {  	s30 =	sadd.s32 @!p0 $0x100, s31;
	s31 =	simm.s32 @!p0 $0x800  }
0x81: {  	[tilespmem:s31], [sflag:$0x5] =	stream.linear.gather @!p0 [hbm4b:s30+s29], $0x400, $0x38;
	[tilespmem:$0x1C880] =	vst v63  }
0x82: {  	_ =	swait.ge [sflag:s24], $0x3E80  }
0x83: {  	[sflag:s24] =	ssyncset.done $0x0  }
0x84: {  	s31 =	rddreg [dreg:$0x12];
	[sflag:s24] =	ssyncadd.s32 $0xFFFFC180  }
0x85: {  	[tilespmem:s20], [sflag:$0x2] =	stream.indirect.gather [hbm4b:s4+s14], $0x80, s31, s14, $0xb8;
	[tilespmem:$0x1C880] =	vst v63  }
0x86: {  	_ =	swait.ge [sflag:s21], $0x3E80  }
0x87: {  	[sflag:s21] =	ssyncset.done $0x0  }
0x88: {  	[sflag:s21] =	ssyncadd.s32 $0xFFFFC180  }
0x89: {  	[spmem:s1] =	stream.indirect.scatter.add.f32 [tilespmem:s15], [sflag:$0x3], $0x80, s19, s14, $0xb8;
	[tilespmem:$0x1C880] =	vst v63  }
0x8a: {  	_ =	swait.ge [sflag:s22], $0x3E80  }
0x8b: {  	[sflag:s22] =	ssyncset.done $0x0  }
0x8c: {  	s0 =	rddreg [dreg:$0x13];
	[sflag:s22] =	ssyncadd.s32 $0xFFFFC180  }
0x8d: {  	[tilespmem:s15], [sflag:$0x1] =	stream.indirect.gather [hbm4b:s4+s14], $0x80, s0, s14, $0xb8;
	[tilespmem:$0x1C880] =	vst v63  }
0x8e: {  	_ =	swait.ge [sflag:s23], $0x3E80  }
0x8f: {  	[sflag:s23] =	ssyncset.done $0x0  }
0x90: {  	s3 =	rddreg [dreg:$0x14];
	[sflag:s23] =	ssyncadd.s32 $0xFFFFC180  }
0x91: {  	[spmem:s1] =	stream.indirect.scatter.add.f32 [tilespmem:s20], [sflag:$0x4], $0x80, s3, s14, $0xb8;
	[tilespmem:$0x1C880] =	vst v63  }
0x92: {  	_ =	swait.ge [sflag:s24], $0x3E80  }
0x93: {  	[sflag:s24] =	ssyncset.done $0x0  }
0x94: {  	s31 =	rddreg [dreg:$0x15];
	[sflag:s24] =	ssyncadd.s32 $0xFFFFC180  }
0x95: {  	[tilespmem:s20], [sflag:$0x2] =	stream.indirect.gather [hbm4b:s4+s14], $0x80, s31, s14, $0xb8;
	[tilespmem:$0x1C880] =	vst v63  }
0x96: {  	_ =	swait.ge [sflag:s21], $0x3E80  }
0x97: {  	[sflag:s21] =	ssyncset.done $0x0  }
0x98: {  	s0 =	rddreg [dreg:$0x16];
	[sflag:s21] =	ssyncadd.s32 $0xFFFFC180  }
0x99: {  	[spmem:s1] =	stream.indirect.scatter.add.f32 [tilespmem:s15], [sflag:$0x3], $0x80, s0, s14, $0xb8;
	[tilespmem:$0x1C880] =	vst v63  }
0x9a: {  	_ =	swait.ge [sflag:s22], $0x3E80  }
0x9b: {  	[sflag:s22] =	ssyncset.done $0x0  }
0x9c: {  	s3 =	rddreg [dreg:$0x17];
	[sflag:s22] =	ssyncadd.s32 $0xFFFFC180  }
0x9d: {  	[tilespmem:s15], [sflag:$0x1] =	stream.indirect.gather [hbm4b:s4+s14], $0x80, s3, s14, $0xb8;
	[tilespmem:$0x1C880] =	vst v63  }
0x9e: {  	_ =	swait.ge [sflag:s23], $0x3E80  }
0x9f: {  	[sflag:s23] =	ssyncset.done $0x0  }
0xa0: {  	s31 =	rddreg [dreg:$0x18];
	[sflag:s23] =	ssyncadd.s32 $0xFFFFC180  }
0xa1: {  	[spmem:s1] =	stream.indirect.scatter.add.f32 [tilespmem:s20], [sflag:$0x4], $0x80, s31, s14, $0xb8;
	[tilespmem:$0x1C880] =	vst v63  }
0xa2: {  	_ =	swait.ge [sflag:s24], $0x3E80  }
0xa3: {  	[sflag:s24] =	ssyncset.done $0x0  }
0xa4: {  	s0 =	rddreg [dreg:$0x19];
	[sflag:s24] =	ssyncadd.s32 $0xFFFFC180  }
0xa5: {  	[tilespmem:s20], [sflag:$0x2] =	stream.indirect.gather [hbm4b:s4+s14], $0x80, s0, s14, $0xb8;
	[tilespmem:$0x1C880] =	vst v63  }
0xa6: {  	_ =	swait.ge [sflag:s21], $0x3E80  }
0xa7: {  	[sflag:s21] =	ssyncset.done $0x0  }
0xa8: {  	s3 =	rddreg [dreg:$0x1a];
	[sflag:s21] =	ssyncadd.s32 $0xFFFFC180  }
0xa9: {  	[spmem:s1] =	stream.indirect.scatter.add.f32 [tilespmem:s15], [sflag:$0x3], $0x80, s3, s14, $0xb8;
	[tilespmem:$0x1C880] =	vst v63  }
0xaa: {  	_ =	swait.ge [sflag:s22], $0x3E80  }
0xab: {  	[sflag:s22] =	ssyncset.done $0x0  }
0xac: {  	s31 =	rddreg [dreg:$0x1b];
	[sflag:s22] =	ssyncadd.s32 $0xFFFFC180  }
0xad: {  	[tilespmem:s15], [sflag:$0x1] =	stream.indirect.gather [hbm4b:s4+s14], $0x80, s31, s14, $0xb8;
	[tilespmem:$0x1C880] =	vst v63  }
0xae: {  	_ =	swait.ge [sflag:s23], $0x3E80  }
0xaf: {  	[sflag:s23] =	ssyncset.done $0x0  }
0xb0: {  	s0 =	rddreg [dreg:$0x1c];
	[sflag:s23] =	ssyncadd.s32 $0xFFFFC180  }
0xb1: {  	[spmem:s1] =	stream.indirect.scatter.add.f32 [tilespmem:s20], [sflag:$0x4], $0x80, s0, s14, $0xb8;
	[tilespmem:$0x1C880] =	vst v63  }
0xb2: {  	_ =	swait.ge [sflag:s24], $0x3E80  }
0xb3: {  	[sflag:s24] =	ssyncset.done $0x0  }
0xb4: {  	s3 =	rddreg [dreg:$0x1d];
	[sflag:s24] =	ssyncadd.s32 $0xFFFFC180  }
0xb5: {  	[tilespmem:s20], [sflag:$0x2] =	stream.indirect.gather [hbm4b:s4+s14], $0x80, s3, s14, $0xb8;
	[tilespmem:$0x1C880] =	vst v63  }
0xb6: {  	_ =	swait.ge [sflag:s21], $0x3E80  }
0xb7: {  	[sflag:s21] =	ssyncset.done $0x0  }
0xb8: {  	s31 =	rddreg [dreg:$0x1e];
	[sflag:s21] =	ssyncadd.s32 $0xFFFFC180  }
0xb9: {  	[spmem:s1] =	stream.indirect.scatter.add.f32 [tilespmem:s15], [sflag:$0x3], $0x80, s31, s14, $0xb8;
	[tilespmem:$0x1C880] =	vst v63  }
0xba: {  	_ =	swait.ge [sflag:s22], $0x3E80  }
0xbb: {  	[sflag:s22] =	ssyncset.done $0x0  }
0xbc: {  	s30 =	simm.s32 @!p0 $0x5;
	[sflag:s22] =	ssyncadd.s32 $0xFFFFC180  }
0xbd: {  	_ =	swait.ge @!p0 [sflag:s30], $0x400  }
0xbe: {  	[sflag:s30] =	ssyncset.done @!p0 $0x0  }
0xbf: {  	[sflag:s30] =	ssyncadd.s32 @!p0 $0xFFFFFC00  }
0xc0: {  	_ =	swait.ge @!p0 [sflag:s30], $0x400  }
0xc1: {  	[sflag:s30] =	ssyncset.done @!p0 $0x0  }
0xc2: {  	s31 =	simm.s32 @!p0 $0x7D;
	[sflag:s30] =	ssyncadd.s32 @!p0 $0xFFFFFC00;
	s30 =	simm.s32 @!p0 $0x1000  }
0xc3: {  	[tilespmem:s30], [sflag:$0x1] =	stream.indirect.gather @!p0 [hbm4b:s4+s31], $0x80, s29, s31, $0xb8;
	[tilespmem:$0x1C880] =	vst v63  }
0xc4: {  	_ =	swait.ge [sflag:s23], $0x3E80  }
0xc5: {  	s29 =	simm.s32 $0x100;
	[sflag:s23] =	ssyncset.done $0x0  }
.LBB2_2:
0xc6: {  	s31 =	sadd.s32 s29, s11;
	[sflag:s23] =	ssyncadd.s32 $0xFFFFC180;
	s30 =	smov.u32 s29  }
0xc7: {  	[spmem:s1] =	stream.indirect.scatter.add.f32 [tilespmem:s20], [sflag:$0x4], $0x80, s26, s14, $0xb8;
	[tilespmem:$0x1C880] =	vst v63  }
0xc8: {  	s31 =	sadd.s32 $0x80, s31;
	s0 =	sadd.s32 s30, s10  }
0xc9: {  	[tilespmem:s18], [sflag:$0x6] =	stream.linear.gather [hbm4b:s31+s2], $0x400, $0x38;
	[tilespmem:$0x1C880] =	vst v63  }
0xca: {  	p1 =	seq.s32 s30, $0x0;
	s0 =	sadd.s32 $0x80, s0  }
0xcb: {  	[tilespmem:s19], [sflag:$0x6] =	stream.linear.gather [hbm4b:s0+s2], $0x400, $0x38;
	[tilespmem:$0x1C880] =	vst v63  }
0xcc: {  	s0 =	simm.s32 @!p1 $0x4  }
0xcd: {  	_ =	swait.ge @!p1 [sflag:s0], $0x3E80  }
0xce: {  	[sflag:s0] =	ssyncset.done @!p1 $0x0  }
0xcf: {  	s3 =	rddreg [dreg:$0x4];
	[sflag:s0] =	ssyncadd.s32 @!p1 $0xFFFFC180  }
0xd0: {  	[tilespmem:s20], [sflag:$0x2] =	stream.indirect.gather [hbm4b:s4+s14], $0x80, s3, s14, $0xb8;
	[tilespmem:$0x1C880] =	vst v63  }
0xd1: {  	_ =	swait.ge [sflag:s21], $0x3E80  }
0xd2: {  	[sflag:s21] =	ssyncset.done $0x0  }
0xd3: {  	[sflag:s21] =	ssyncadd.s32 $0xFFFFC180  }
0xd4: {  	[spmem:s1] =	stream.indirect.scatter.add.f32 [tilespmem:s15], [sflag:$0x3], $0x80, s13, s14, $0xb8;
	[tilespmem:$0x1C880] =	vst v63  }
0xd5: {  	_ =	swait.ge [sflag:s22], $0x3E80  }
0xd6: {  	[sflag:s22] =	ssyncset.done $0x0  }
0xd7: {  	s31 =	rddreg [dreg:$0x5];
	[sflag:s22] =	ssyncadd.s32 $0xFFFFC180  }
0xd8: {  	[tilespmem:s15], [sflag:$0x1] =	stream.indirect.gather [hbm4b:s4+s14], $0x80, s31, s14, $0xb8;
	[tilespmem:$0x1C880] =	vst v63  }
0xd9: {  	_ =	swait.ge [sflag:s23], $0x3E80  }
0xda: {  	[sflag:s23] =	ssyncset.done $0x0  }
0xdb: {  	s3 =	rddreg [dreg:$0x6];
	[sflag:s23] =	ssyncadd.s32 $0xFFFFC180  }
0xdc: {  	[spmem:s1] =	stream.indirect.scatter.add.f32 [tilespmem:s20], [sflag:$0x4], $0x80, s3, s14, $0xb8;
	[tilespmem:$0x1C880] =	vst v63  }
0xdd: {  	_ =	swait.ge [sflag:s24], $0x3E80  }
0xde: {  	[sflag:s24] =	ssyncset.done $0x0  }
0xdf: {  	s31 =	rddreg [dreg:$0x7];
	[sflag:s24] =	ssyncadd.s32 $0xFFFFC180  }
0xe0: {  	[tilespmem:s20], [sflag:$0x2] =	stream.indirect.gather [hbm4b:s4+s14], $0x80, s31, s14, $0xb8;
	[tilespmem:$0x1C880] =	vst v63  }
0xe1: {  	_ =	swait.ge [sflag:s21], $0x3E80  }
0xe2: {  	[sflag:s21] =	ssyncset.done $0x0  }
0xe3: {  	s3 =	rddreg [dreg:$0x8];
	[sflag:s21] =	ssyncadd.s32 $0xFFFFC180  }
0xe4: {  	[spmem:s1] =	stream.indirect.scatter.add.f32 [tilespmem:s15], [sflag:$0x3], $0x80, s3, s14, $0xb8;
	[tilespmem:$0x1C880] =	vst v63  }
0xe5: {  	_ =	swait.ge [sflag:s22], $0x3E80  }
0xe6: {  	[sflag:s22] =	ssyncset.done $0x0  }
0xe7: {  	s31 =	rddreg [dreg:$0x9];
	[sflag:s22] =	ssyncadd.s32 $0xFFFFC180  }
0xe8: {  	[tilespmem:s15], [sflag:$0x1] =	stream.indirect.gather [hbm4b:s4+s14], $0x80, s31, s14, $0xb8;
	[tilespmem:$0x1C880] =	vst v63  }
0xe9: {  	_ =	swait.ge [sflag:s23], $0x3E80  }
0xea: {  	[sflag:s23] =	ssyncset.done $0x0  }
0xeb: {  	s3 =	rddreg [dreg:$0xa];
	[sflag:s23] =	ssyncadd.s32 $0xFFFFC180  }
0xec: {  	[spmem:s1] =	stream.indirect.scatter.add.f32 [tilespmem:s20], [sflag:$0x4], $0x80, s3, s14, $0xb8;
	[tilespmem:$0x1C880] =	vst v63  }
0xed: {  	_ =	swait.ge [sflag:s24], $0x3E80  }
0xee: {  	[sflag:s24] =	ssyncset.done $0x0  }
0xef: {  	s31 =	rddreg [dreg:$0xb];
	[sflag:s24] =	ssyncadd.s32 $0xFFFFC180  }
0xf0: {  	[tilespmem:s20], [sflag:$0x2] =	stream.indirect.gather [hbm4b:s4+s14], $0x80, s31, s14, $0xb8;
	[tilespmem:$0x1C880] =	vst v63  }
0xf1: {  	_ =	swait.ge [sflag:s21], $0x3E80  }
0xf2: {  	[sflag:s21] =	ssyncset.done $0x0  }
0xf3: {  	s3 =	rddreg [dreg:$0xc];
	[sflag:s21] =	ssyncadd.s32 $0xFFFFC180  }
0xf4: {  	[spmem:s1] =	stream.indirect.scatter.add.f32 [tilespmem:s15], [sflag:$0x3], $0x80, s3, s14, $0xb8;
	[tilespmem:$0x1C880] =	vst v63  }
0xf5: {  	_ =	swait.ge [sflag:s22], $0x3E80  }
0xf6: {  	[sflag:s22] =	ssyncset.done $0x0  }
0xf7: {  	s31 =	rddreg [dreg:$0xd];
	[sflag:s22] =	ssyncadd.s32 $0xFFFFC180  }
0xf8: {  	[tilespmem:s15], [sflag:$0x1] =	stream.indirect.gather [hbm4b:s4+s14], $0x80, s31, s14, $0xb8;
	[tilespmem:$0x1C880] =	vst v63  }
0xf9: {  	_ =	swait.ge [sflag:s23], $0x3E80  }
0xfa: {  	[sflag:s23] =	ssyncset.done $0x0  }
0xfb: {  	s3 =	rddreg [dreg:$0xe];
	[sflag:s23] =	ssyncadd.s32 $0xFFFFC180  }
0xfc: {  	[spmem:s1] =	stream.indirect.scatter.add.f32 [tilespmem:s20], [sflag:$0x4], $0x80, s3, s14, $0xb8;
	[tilespmem:$0x1C880] =	vst v63  }
0xfd: {  	_ =	swait.ge [sflag:s24], $0x3E80  }
0xfe: {  	[sflag:s24] =	ssyncset.done $0x0  }
0xff: {  	s31 =	rddreg [dreg:$0xf];
	[sflag:s24] =	ssyncadd.s32 $0xFFFFC180  }
0x100: {  	[tilespmem:s20], [sflag:$0x2] =	stream.indirect.gather [hbm4b:s4+s14], $0x80, s31, s14, $0xb8;
	[tilespmem:$0x1C880] =	vst v63  }
0x101: {  	_ =	swait.ge [sflag:s21], $0x3E80  }
0x102: {  	[sflag:s21] =	ssyncset.done $0x0  }
0x103: {  	s3 =	rddreg [dreg:$0x10];
	[sflag:s21] =	ssyncadd.s32 $0xFFFFC180  }
0x104: {  	[spmem:s1] =	stream.indirect.scatter.add.f32 [tilespmem:s15], [sflag:$0x3], $0x80, s3, s14, $0xb8;
	[tilespmem:$0x1C880] =	vst v63  }
0x105: {  	_ =	swait.ge [sflag:s22], $0x3E80  }
0x106: {  	[sflag:s22] =	ssyncset.done $0x0  }
0x107: {  	[sflag:s22] =	ssyncadd.s32 $0xFFFFC180  }
0x108: {  	_ =	swait.ge [sflag:s25], $0x400  }
0x109: {  	[sflag:s25] =	ssyncset.done $0x0  }
0x10a: {  	[sflag:s25] =	ssyncadd.s32 $0xFFFFFC00  }
0x10b: {  	_ =	swait.ge [sflag:s25], $0x400  }
0x10c: {  	[sflag:s25] =	ssyncset.done $0x0  }
0x10d: {  	[sflag:s25] =	ssyncadd.s32 $0xFFFFFC00  }
0x10e: {  	[tilespmem:s15], [sflag:$0x1] =	stream.indirect.gather [hbm4b:s4+s14], $0x80, s18, s14, $0xb8;
	[tilespmem:$0x1C880] =	vst v63  }
0x10f: {  	_ =	swait.ge [sflag:s23], $0x3E80  }
0x110: {  	p1 =	seq.s32 s30, $0x400;
	[sflag:s23] =	ssyncset.done $0x0  }
0x111: {  	s3 =	sadd.s32 @!p1 s30, s11;
	s0 =	rddreg [dreg:$0x11];
	[sflag:s23] =	ssyncadd.s32 $0xFFFFC180  }
0x112: {  	[spmem:s1] =	stream.indirect.scatter.add.f32 [tilespmem:s20], [sflag:$0x4], $0x80, s0, s14, $0xb8;
	[tilespmem:$0x1C880] =	vst v63  }
0x113: {  	s31 =	simm.s32 @!p1 $0x0;
	s30 =	sadd.s32 @!p1 s30, s10;
	s0 =	sadd.s32 @!p1 $0x100, s3  }
0x114: {  	[tilespmem:s31], [sflag:$0x5] =	stream.linear.gather @!p1 [hbm4b:s0+s31], $0x400, $0x38;
	[tilespmem:$0x1C880] =	vst v63  }
0x115: {  	s3 =	sadd.s32 @!p1 $0x100, s30;
	s30 =	simm.s32 @!p1 $0x800  }
0x116: {  	[tilespmem:s30], [sflag:$0x5] =	stream.linear.gather @!p1 [hbm4b:s3+s31], $0x400, $0x38;
	[tilespmem:$0x1C880] =	vst v63  }
0x117: {  	_ =	swait.ge [sflag:s24], $0x3E80  }
0x118: {  	[sflag:s24] =	ssyncset.done $0x0  }
0x119: {  	s30 =	rddreg [dreg:$0x12];
	[sflag:s24] =	ssyncadd.s32 $0xFFFFC180  }
0x11a: {  	[tilespmem:s20], [sflag:$0x2] =	stream.indirect.gather [hbm4b:s4+s14], $0x80, s30, s14, $0xb8;
	[tilespmem:$0x1C880] =	vst v63  }
0x11b: {  	_ =	swait.ge [sflag:s21], $0x3E80  }
0x11c: {  	[sflag:s21] =	ssyncset.done $0x0  }
0x11d: {  	[sflag:s21] =	ssyncadd.s32 $0xFFFFC180  }
0x11e: {  	[spmem:s1] =	stream.indirect.scatter.add.f32 [tilespmem:s15], [sflag:$0x3], $0x80, s19, s14, $0xb8;
	[tilespmem:$0x1C880] =	vst v63  }
0x11f: {  	_ =	swait.ge [sflag:s22], $0x3E80  }
0x120: {  	[sflag:s22] =	ssyncset.done $0x0  }
0x121: {  	s3 =	rddreg [dreg:$0x13];
	[sflag:s22] =	ssyncadd.s32 $0xFFFFC180  }
0x122: {  	[tilespmem:s15], [sflag:$0x1] =	stream.indirect.gather [hbm4b:s4+s14], $0x80, s3, s14, $0xb8;
	[tilespmem:$0x1C880] =	vst v63  }
0x123: {  	_ =	swait.ge [sflag:s23], $0x3E80  }
0x124: {  	[sflag:s23] =	ssyncset.done $0x0  }
0x125: {  	s30 =	rddreg [dreg:$0x14];
	[sflag:s23] =	ssyncadd.s32 $0xFFFFC180  }
0x126: {  	[spmem:s1] =	stream.indirect.scatter.add.f32 [tilespmem:s20], [sflag:$0x4], $0x80, s30, s14, $0xb8;
	[tilespmem:$0x1C880] =	vst v63  }
0x127: {  	_ =	swait.ge [sflag:s24], $0x3E80  }
0x128: {  	[sflag:s24] =	ssyncset.done $0x0  }
0x129: {  	s3 =	rddreg [dreg:$0x15];
	[sflag:s24] =	ssyncadd.s32 $0xFFFFC180  }
0x12a: {  	[tilespmem:s20], [sflag:$0x2] =	stream.indirect.gather [hbm4b:s4+s14], $0x80, s3, s14, $0xb8;
	[tilespmem:$0x1C880] =	vst v63  }
0x12b: {  	_ =	swait.ge [sflag:s21], $0x3E80  }
0x12c: {  	[sflag:s21] =	ssyncset.done $0x0  }
0x12d: {  	s30 =	rddreg [dreg:$0x16];
	[sflag:s21] =	ssyncadd.s32 $0xFFFFC180  }
0x12e: {  	[spmem:s1] =	stream.indirect.scatter.add.f32 [tilespmem:s15], [sflag:$0x3], $0x80, s30, s14, $0xb8;
	[tilespmem:$0x1C880] =	vst v63  }
0x12f: {  	_ =	swait.ge [sflag:s22], $0x3E80  }
0x130: {  	[sflag:s22] =	ssyncset.done $0x0  }
0x131: {  	s3 =	rddreg [dreg:$0x17];
	[sflag:s22] =	ssyncadd.s32 $0xFFFFC180  }
0x132: {  	[tilespmem:s15], [sflag:$0x1] =	stream.indirect.gather [hbm4b:s4+s14], $0x80, s3, s14, $0xb8;
	[tilespmem:$0x1C880] =	vst v63  }
0x133: {  	_ =	swait.ge [sflag:s23], $0x3E80  }
0x134: {  	[sflag:s23] =	ssyncset.done $0x0  }
0x135: {  	s30 =	rddreg [dreg:$0x18];
	[sflag:s23] =	ssyncadd.s32 $0xFFFFC180  }
0x136: {  	[spmem:s1] =	stream.indirect.scatter.add.f32 [tilespmem:s20], [sflag:$0x4], $0x80, s30, s14, $0xb8;
	[tilespmem:$0x1C880] =	vst v63  }
0x137: {  	_ =	swait.ge [sflag:s24], $0x3E80  }
0x138: {  	[sflag:s24] =	ssyncset.done $0x0  }
0x139: {  	s3 =	rddreg [dreg:$0x19];
	[sflag:s24] =	ssyncadd.s32 $0xFFFFC180  }
0x13a: {  	[tilespmem:s20], [sflag:$0x2] =	stream.indirect.gather [hbm4b:s4+s14], $0x80, s3, s14, $0xb8;
	[tilespmem:$0x1C880] =	vst v63  }
0x13b: {  	_ =	swait.ge [sflag:s21], $0x3E80  }
0x13c: {  	[sflag:s21] =	ssyncset.done $0x0  }
0x13d: {  	s30 =	rddreg [dreg:$0x1a];
	[sflag:s21] =	ssyncadd.s32 $0xFFFFC180  }
0x13e: {  	[spmem:s1] =	stream.indirect.scatter.add.f32 [tilespmem:s15], [sflag:$0x3], $0x80, s30, s14, $0xb8;
	[tilespmem:$0x1C880] =	vst v63  }
0x13f: {  	_ =	swait.ge [sflag:s22], $0x3E80  }
0x140: {  	[sflag:s22] =	ssyncset.done $0x0  }
0x141: {  	s3 =	rddreg [dreg:$0x1b];
	[sflag:s22] =	ssyncadd.s32 $0xFFFFC180  }
0x142: {  	[tilespmem:s15], [sflag:$0x1] =	stream.indirect.gather [hbm4b:s4+s14], $0x80, s3, s14, $0xb8;
	[tilespmem:$0x1C880] =	vst v63  }
0x143: {  	_ =	swait.ge [sflag:s23], $0x3E80  }
0x144: {  	[sflag:s23] =	ssyncset.done $0x0  }
0x145: {  	s30 =	rddreg [dreg:$0x1c];
	[sflag:s23] =	ssyncadd.s32 $0xFFFFC180  }
0x146: {  	[spmem:s1] =	stream.indirect.scatter.add.f32 [tilespmem:s20], [sflag:$0x4], $0x80, s30, s14, $0xb8;
	[tilespmem:$0x1C880] =	vst v63  }
0x147: {  	_ =	swait.ge [sflag:s24], $0x3E80  }
0x148: {  	[sflag:s24] =	ssyncset.done $0x0  }
0x149: {  	s3 =	rddreg [dreg:$0x1d];
	[sflag:s24] =	ssyncadd.s32 $0xFFFFC180  }
0x14a: {  	[tilespmem:s20], [sflag:$0x2] =	stream.indirect.gather [hbm4b:s4+s14], $0x80, s3, s14, $0xb8;
	[tilespmem:$0x1C880] =	vst v63  }
0x14b: {  	_ =	swait.ge [sflag:s21], $0x3E80  }
0x14c: {  	[sflag:s21] =	ssyncset.done $0x0  }
0x14d: {  	s30 =	rddreg [dreg:$0x1e];
	[sflag:s21] =	ssyncadd.s32 $0xFFFFC180  }
0x14e: {  	[spmem:s1] =	stream.indirect.scatter.add.f32 [tilespmem:s15], [sflag:$0x3], $0x80, s30, s14, $0xb8;
	[tilespmem:$0x1C880] =	vst v63  }
0x14f: {  	_ =	swait.ge [sflag:s22], $0x3E80  }
0x150: {  	[sflag:s22] =	ssyncset.done $0x0  }
0x151: {  	s0 =	simm.s32 @!p1 $0x5;
	[sflag:s22] =	ssyncadd.s32 $0xFFFFC180  }
0x152: {  	_ =	swait.ge @!p1 [sflag:s0], $0x400  }
0x153: {  	[sflag:s0] =	ssyncset.done @!p1 $0x0  }
0x154: {  	s29 =	sadd.s32 $0x100, s29;
	[sflag:s0] =	ssyncadd.s32 @!p1 $0xFFFFFC00  }
0x155: {  	p0 =	sne.s32 s29, $0x500;
	_ =	swait.ge @!p1 [sflag:s0], $0x400  }
.Ltmp0:
0x156: {  	[sflag:s0] =	ssyncset.done @!p1 $0x0;
	(pc) =	sbr.rel @p0 .LBB2_2-.Ltmp0, $4  }
0x157: {  	s3 =	simm.s32 @!p1 $0x7D;
	s30 =	simm.s32 @!p1 $0x1000;
	[sflag:s0] =	ssyncadd.s32 @!p1 $0xFFFFFC00  }
0x158: {  	[tilespmem:s30], [sflag:$0x1] =	stream.indirect.gather @!p1 [hbm4b:s4+s3], $0x80, s31, s3, $0xb8;
	[tilespmem:$0x1C880] =	vst v63  }
0x159: {  	_ =	swait.ge [sflag:s23], $0x3E80  }
0x15a: {  	[sflag:s23] =	ssyncset.done $0x0  }
0x15b: {  	[sflag:s23] =	ssyncadd.s32 $0xFFFFC180  }
0x15c: {  	[spmem:s1] =	stream.indirect.scatter.add.f32 [tilespmem:s20], [sflag:$0x4], $0x80, s26, s14, $0xb8;
	[tilespmem:$0x1C880] =	vst v63  }
0x15d: {  	_ =	swait.ge [sflag:s24], $0x3E80  }
0x15e: {  	s28 =	sadd.s32 $0x1, s28;
	[sflag:s24] =	ssyncset.done $0x0  }
0x15f: {  	p0 =	sne.s32 s28, s8;
	[sflag:s24] =	ssyncadd.s32 $0xFFFFC180  }
.Ltmp1:
0x160: {  	[bflag:$0x0] =	sbarrier.arrive $0xFFFF;
	(pc) =	sbr.rel @p0 .LBB2_1-.Ltmp1, $4  }
0x161: {  	[hbm:s9], [sflag:s16] =	dma.local [spmem:s17], $0x2800  }
0x162: {  	_ =	swait.ge [sflag:s12], $0x2800  }
0x163: {  	[sflag:s12] =	ssyncset.done $0x0  }
0x164: {  	[sflag:s12] =	ssyncadd.s32 $0xFFFFD800  }
0x165: {  	_ =	sfence.sel $0x180000  }
0x166: {  	[bflag:$0x0] =	sbarrier.arrive $0xFFFF  }
0x167: {  	_ =	strace $0x9000004A  }
0x168: {  	s0 =	stileid.u32;
	[bflag:$0x2] =	sbarrier.arrive $0xFFFF  }
0x169: {  	p0 =	sne.s32 s0, $0x0;
	s0 =	rddreg [dreg:$0x3]  }
0x16a: {  	s0 =	sadd.s32 @!p0 $0x100000, s0  }
0x16b: {  	[sflag:s0] =	ssyncadd.tile.s32 @!p0 $0x1;
	_ =	shalt  }
.Lfunc_end2:
_tile_overlayer_lowered:
.L_overlay_start_2:
0x16c: {  	(tag) =	ssettag $0x2  }
0x16d: {  	s0 =	rddreg [dreg:$0x0];
	s2 =	stileid.u32  }
0x16e: {  	s1 =	rddreg [dreg:$0x1];
	p0 =	sne.s32 s2, $0x0  }
0x16f: {  	s3 =	rddreg [dreg:$0x2];
	[bflag:$0x3] =	sbarrier.arrive $0xFFFF;
	s2 =	simm.s32 @!p0 $0x1C07  }
0x170: {  	[timem:s3], [sflag:s2] =	dma.local @!p0 [hbm:s0], s1  }
0x171: {  	s0 =	simm.s32 @!p0 $0x7  }
0x172: {  	_ =	swait.ge @!p0 [sflag:s0], s1  }
0x173: {  	s1 =	ssub.s32 @!p0 $0x0, s1;
	[sflag:s0] =	ssyncset.done @!p0 $0x0  }
0x174: {  	[sflag:s0] =	ssyncadd.s32 @!p0 s1  }
0x175: {  	[bflag:$0x3] =	sbarrier.arrive $0xFFFF  }
0x176: {  	_ =	shalt  }

// kernel: kernel.15.cloned.1.call-start
scs
__scs_entry_jumppad:
0x0: {  	(pc) =	sbr.rel $0x88, $3  }
0x1: {  	(tag) =	ssettag $0x0;
	lr =	simm.s32 $0x1  }
0x2: {  	[smem:$0x3F9B] =	sst lr;
	_ =	strace $0xD0000000  }
0x3: {  	_ = 	snop  }
0x4: {  	_ = 	snop  }
0x5: {  	_ = 	snop  }
0x6: {  	_ = 	snop  }
0x7: {  	_ = 	snop  }
__scs_overlays_trampoline_lowered:
0x8: {  	[smem:$0x3FAA] =	sst s0  }
0x9: {  	[smem:$0x3FAB] =	sst s1  }
0xa: {  	[smem:$0x3FAC] =	sst s2  }
0xb: {  	[smem:$0x3FAD] =	sst s3  }
0xc: {  	[smem:$0x3FAE] =	sst s4  }
0xd: {  	[smem:$0x3FAF] =	sst s5  }
0xe: {  	[smem:$0x3FB0] =	sst s6  }
0xf: {  	[smem:$0x3FB1] =	sst s7  }
0x10: {  	[smem:$0x3FB2] =	sst s8  }
0x11: {  	[smem:$0x3FB3] =	sst s9;
	s0 =	simm.s32 @!p0 $0x0  }
0x12: {  	s1 =	sld [smem:$0x3F99];
	s0 =	simm.s32 @p0 $0x1  }
0x13: {  	[smem:$0x3FB4] =	sst s0;
	s0 =	simm.s32 @!p1 $0x0  }
0x14: {  	s2 =	sld [smem:$0x3F98];
	s0 =	simm.s32 @p1 $0x1  }
0x15: {  	[smem:$0x3FB5] =	sst s0;
	s0 =	simm.s32 @!p2 $0x0  }
0x16: {  	s3 =	sld [smem:$0x3FDB];
	s0 =	simm.s32 @p2 $0x1  }
0x17: {  	s4 =	simm.s32 $0x1BF5;
	[smem:$0x3FB7] =	sst s0  }
0x18: {  	s0 =	sld [smem:$0x3F9A];
	_ =	swait.ge [sflag:s4], $0x0  }
0x19: {  	s7 =	sld [smem:$0x3F9B]  }
0x1a: {  	s8 =	sadd.s32 $0xFFFFE003, lr  }
0x1b: {  	s9 =	sadd.s32 $0xFFFFFEF7, lr;
	s5 =	simm.s32 $0xFFFFFFFF;
	p2 =	slt.u32 s8, $0xFFFFF086  }
0x1c: {  	p1 =	slt.u32 s9, $0xF7A;
	s5 =	simm.s32 @!p2 $0x0  }
0x1d: {  	s5 =	simm.s32 @p1 $0x1;
	p0 =	seq.s32 s7, s2  }
0x1e: {  	s7 =	smul.u32 @!p0 $0xF7A, s2;
	p2 =	seq.s32 @!p0 s5, $0x0  }
0x1f: {  	s9 =	smul.u32 $0xF7A, s1;
	s8 =	simm.s32 @!p0 $0x1BF5;
	p2 =	por !p2, p0  }
0x20: {  	[sflag:s8] =	ssyncset.s32 @!p0 $0xFFFFF086;
	s6 =	sadd.s32 @!p0 s3, s7;
	s7 =	simm.s32 @!p0 $0x108  }
0x21: {  	s3 =	sadd.s32 s3, s9;
	s6 =	sadd.s32 @!p0 $0x88, s6;
	s7 =	simm.s32 @p2 $0x1082  }
0x22: {  	[simem:s7], [sflag:s8] =	dma.local @!p0 [hbm:s6], $0xF7A  }
0x23: {  	s9 =	sor.u32 $0xD0000000, s2;
	s6 =	simm.s32 $0x108;
	_ =	swait.ge @!p0 [sflag:s8], $0x0  }
0x24: {  	s3 =	sadd.s32 $0x88, s3;
	s6 =	simm.s32 @!p1 $0x1082;
	[sflag:s4] =	ssyncset.s32 $0xFFFFF086  }
0x25: {  	[simem:s6], [sflag:s4] =	dma.local [hbm:s3], $0xF7A  }
0x26: {  	[smem:$0x3F9B] =	sst s1;
	(tag) =	ssettag s2;
	_ =	strace s9  }
0x27: {  	s1 =	sld [smem:$0x3FAB]  }
0x28: {  	s2 =	sld [smem:$0x3FAC]  }
0x29: {  	s4 =	sld [smem:$0x3FAE]  }
0x2a: {  	p0 =	seq.s32 s5, $0x0;
	s5 =	sld [smem:$0x3FAF]  }
0x2b: {  	s6 =	sld [smem:$0x3FB0]  }
0x2c: {  	s7 =	sld [smem:$0x3FB1]  }
0x2d: {  	s3 =	simm.s32 $0x108;
	s8 =	sld [smem:$0x3FB2]  }
0x2e: {  	s3 =	simm.s32 @!p0 $0x1082;
	s9 =	sld [smem:$0x3FB3]  }
0x2f: {  	lr =	sadd.s32 s0, s3;
	s0 =	sld [smem:$0x3FAA]  }
0x30: {  	s3 =	sld [smem:$0x3FAD]  }
0x31: {  	[smem:$0x3FB6] =	sst s10  }
0x32: {  	s10 =	sld [smem:$0x3FB4];
	_ =	sdelay $0x3  }
0x33: {  	p0 =	seq.s32 s10, $0x1;
	s10 =	sld [smem:$0x3FB6];
	_ =	sdelay $0x3  }
0x34: {  	[smem:$0x3FB6] =	sst s10  }
0x35: {  	s10 =	sld [smem:$0x3FB5];
	_ =	sdelay $0x3  }
0x36: {  	p1 =	seq.s32 s10, $0x1;
	s10 =	sld [smem:$0x3FB6];
	_ =	sdelay $0x3  }
0x37: {  	[smem:$0x3FB6] =	sst s10  }
0x38: {  	s10 =	sld [smem:$0x3FB7]  }
0x39: {  	_ = 	snop;
	(pc) =	sbr.ind lr, $3  }
0x3a: {  	_ = 	snop  }
0x3b: {  	_ = 	snop  }
0x3c: {  	p2 =	seq.s32 s10, $0x1;
	s10 =	sld [smem:$0x3FB6]  }
0x3d: {  	_ =	shalt  }
0x3e: {  	_ =	shalt  }
0x3f: {  	_ =	shalt  }
0x40: {  	_ =	shalt  }
0x41: {  	_ =	shalt  }
0x42: {  	_ =	shalt  }
0x43: {  	_ =	shalt  }
0x44: {  	_ =	shalt  }
0x45: {  	_ =	shalt  }
0x46: {  	_ =	shalt  }
0x47: {  	_ =	shalt  }
0x48: {  	_ =	shalt  }
0x49: {  	_ =	shalt  }
0x4a: {  	_ =	shalt  }
0x4b: {  	_ =	shalt  }
0x4c: {  	_ =	shalt  }
0x4d: {  	_ =	shalt  }
0x4e: {  	_ =	shalt  }
0x4f: {  	_ =	shalt  }
0x50: {  	_ =	shalt  }
0x51: {  	_ =	shalt  }
0x52: {  	_ =	shalt  }
0x53: {  	_ =	shalt  }
0x54: {  	_ =	shalt  }
0x55: {  	_ =	shalt  }
0x56: {  	_ =	shalt  }
0x57: {  	_ =	shalt  }
0x58: {  	_ =	shalt  }
0x59: {  	_ =	shalt  }
0x5a: {  	_ =	shalt  }
0x5b: {  	_ =	shalt  }
0x5c: {  	_ =	shalt  }
0x5d: {  	_ =	shalt  }
0x5e: {  	_ =	shalt  }
0x5f: {  	_ =	shalt  }
0x60: {  	_ =	shalt  }
0x61: {  	_ =	shalt  }
0x62: {  	_ =	shalt  }
0x63: {  	_ =	shalt  }
0x64: {  	_ =	shalt  }
0x65: {  	_ =	shalt  }
0x66: {  	_ =	shalt  }
0x67: {  	_ =	shalt  }
0x68: {  	_ =	shalt  }
0x69: {  	_ =	shalt  }
0x6a: {  	_ =	shalt  }
0x6b: {  	_ =	shalt  }
0x6c: {  	_ =	shalt  }
0x6d: {  	_ =	shalt  }
0x6e: {  	_ =	shalt  }
0x6f: {  	_ =	shalt  }
0x70: {  	_ =	shalt  }
0x71: {  	_ =	shalt  }
0x72: {  	_ =	shalt  }
0x73: {  	_ =	shalt  }
0x74: {  	_ =	shalt  }
0x75: {  	_ =	shalt  }
0x76: {  	_ =	shalt  }
0x77: {  	_ =	shalt  }
0x78: {  	_ =	shalt  }
0x79: {  	_ =	shalt  }
0x7a: {  	_ =	shalt  }
0x7b: {  	_ =	shalt  }
0x7c: {  	_ =	shalt  }
0x7d: {  	_ =	shalt  }
0x7e: {  	_ =	shalt  }
0x7f: {  	_ =	shalt  }
0x80: {  	_ =	shalt  }
0x81: {  	_ =	shalt  }
0x82: {  	_ =	shalt  }
0x83: {  	_ =	shalt  }
0x84: {  	_ =	shalt  }
0x85: {  	_ =	shalt  }
0x86: {  	_ =	shalt  }
0x87: {  	_ =	shalt  }
.Lfunc_end0:
.L_simem_size_0:
called_computation.2_lowered:
.L_overlay_start_0:
0x88: {  	s2 =	sld [smem:$0x3FD9]  }
0x89: {  	s3 =	sld [smem:$0x3FFE];
	_ =	sdelay $0x1  }
0x8a: {  	s1 =	srdreg.scid  }
0x8b: {  	s0 =	sand.u32 $0x1, s1  }
0x8c: {  	s17 =	sshll.u32 s0, $0xA;
	s2 =	sadd.s32 s3, s2  }
0x8d: {  	s2 =	sadd.s32 s2, s17  }
0x8e: {  	[smem:$0x3FC2] =	sst s2  }
0x8f: {  	_ = 	snop  }
0x90: {  	s2 =	sld [smem:$0x3FD0];
	(tm) =	ssettm $0x1  }
0x91: {  	s18 =	sld [smem:$0x3FFB];
	_ =	sdelay $0x3  }
0x92: {  	_ =	strace s18  }
0x93: {  	s3 =	sld [smem:$0x3FFC];
	_ =	sdelay $0x3  }
0x94: {  	_ =	strace s3  }
0x95: {  	s3 =	sld [smem:$0x3FFD];
	_ =	sdelay $0x3  }
0x96: {  	_ =	strace s3  }
0x97: {  	_ =	strace $0x8FFFFFFF  }
0x98: {  	s19 =	sld [smem:$0x3FDB];
	_ =	sdelay $0x1  }
0x99: {  	s4 =	simm.s32 $_scs_section_size  }
0x9a: {  	s5 =	simm.s32 $_size__tile_overlayer_lowered;
	s6 =	simm.s32 $_tile_overlayer_lowered  }
0x9b: {  	s22 =	simm.s32 $0x1BFF;
	s21 =	sshll.u32 s6, $0x1;
	s3 =	sadd.s32 s4, s19  }
0x9c: {  	s7 =	simm.s32 $0x0;
	s20 =	sshll.u32 s5, $0x1;
	s5 =	sadd.s32 s21, s3  }
0x9d: {  	[timem:s7], [sflag:s22] =	dma.local [hbm:s5], s20  }
0x9e: {  	_ =	swait.ge [sflag:s22], s20  }
0x9f: {  	s4 =	ssub.s32 $0x0, s20;
	[sflag:s22] =	ssyncset.done $0x0  }
0xa0: {  	[sflag:s22] =	ssyncadd.s32 s4;
	_ =	sdelay $0x1  }
0xa1: {  	s23 =	simm.s32 $0x1B8B  }
0xa2: {  	_ =	swait.ge [sflag:s23], $0x1  }
0xa3: {  	[sflag:s23] =	ssyncset.done $0x0  }
0xa4: {  	s25 =	simm.s32 $0x1B8E;
	s24 =	sld [smem:$0x3FFE];
	[sflag:s23] =	ssyncadd.s32 $0xFFFFFFFF  }
0xa5: {  	s26 =	simm.s32 $execute0_lowered;
	[smem:$0x3FD2] =	sst s25  }
0xa6: {  	s5 =	sshll.u32 s26, $0x1;
	_ =	strace $0x8000004C;
	[dreg:$0x1] =	wrdreg $0xFFFFFFFF  }
0xa7: {  	s28 =	simm.s32 $_size_execute0_lowered;
	s3 =	sadd.s32 s3, s5;
	[dreg:$0x0] =	wrdreg $0x0  }
0xa8: {  	s5 =	sshll.u32 s28, $0x1;
	[dreg:$0x2] =	wrdreg s3  }
0xa9: {  	[dreg:$0x3] =	wrdreg s5  }
0xaa: {  	[dreg:$0x4] =	wrdreg $0xC0  }
0xab: {  	_ =	task [dreg:s7], $0x5FFFF  }
0xac: {  	[dreg:$0x1] =	wrdreg $0xFFFFFFFF  }
0xad: {  	[dreg:$0x0] =	wrdreg $0x60  }
0xae: {  	[dreg:$0x2] =	wrdreg s2  }
0xaf: {  	[dreg:$0x3] =	wrdreg s24  }
0xb0: {  	[dreg:$0x4] =	wrdreg $0x88000  }
0xb1: {  	[dreg:$0x5] =	wrdreg $0x9  }
0xb2: {  	_ =	task.clear_ibuf [dreg:s7], $0x6FFFF;
	_ =	strace $0x9000004C  }
0xb3: {  	s29 =	simm.s32 $0x9;
	_ =	strace $0x8000004E  }
0xb4: {  	_ =	swait.ge [sflag:s29], $0x1  }
0xb5: {  	[sflag:s29] =	ssyncadd.s32 $0xFFFFFFFF  }
0xb6: {  	_ =	strace $0x9000004E  }
0xb7: {  	_ =	sfence  }
0xb8: {  	s30 =	sld [smem:$0x0];
	_ =	sdelay $0x2  }
0xb9: {  	s31 =	sshll.u32 s1, $0xD;
	s1 =	sshrl.u32 s1, $0x2  }
0xba: {  	s3 =	sand.u32 $0x4000, s31;
	s1 =	sadd.s32 s1, s30  }
0xbb: {  	s0 =	sor.u32 s3, s0;
	s1 =	sshll.u32 s1, $0x11  }
0xbc: {  	s0 =	sor.u32 s1, s0  }
0xbd: {  	s0 =	sadd.s32 $0x8F2B, s0  }
0xbe: {  	[sflag:s0] =	ssyncadd.remote.s32 $0x1  }
0xbf: {  	_ =	sfence.sel $0xFFFF  }
0xc0: {  	[dreg:$0x0] =	wrdreg $0xFFFFFFFF;
	(pc) =	sbr.abs _section_cstart, $3  }
0xc1: {  	[dreg:$0x1] =	wrdreg $0xFFFFFFFF  }
0xc2: {  	_ =	task.clear_ibuf [dreg:s7], $0x2FFFF;
	_ =	strace $0x9FFFFFFF  }
0xc3: {  	(tm) =	ssettm $0x7FFFFFFF  }
tec
execute0_lowered:
.L_overlay_start_1:
0x0: {  	(tag) =	ssettag $0x1  }
0x1: {  	s1 =	rddreg [dreg:$0x0]  }
0x2: {  	s0 =	rddreg [dreg:$0x1]  }
0x3: {  	s2 =	rddreg [dreg:$0x2]  }
0x4: {  	s3 =	srdreg.scid;
	s4 =	simm.s32 $0x0;
	s17 =	stileid.u32  }
0x5: {  	s13 =	simm.s32 $0x7;
	s14 =	simm.s32 $0x400;
	s15 =	simm.s32 $0x7D  }
0x6: {  	s16 =	simm.s32 $0x800;
	s19 =	simm.s32 $0x100;
	s28 =	simm.s32 $0x700  }
0x7: {  	s29 =	simm.s32 $0x780;
	s30 =	simm.s32 $0x0;
	s8 =	smul.u32 $0x13800, s17  }
0x8: {  	s3 =	sand.u32 $0x1, s3;
	[smem:$0x7FF] =	sst s4;
	s23 =	smul.u32 $0x1400, s17  }
0x9: {  	s5 =	sadd.s32 $0x32400, s0;
	s21 =	sadd.s32 $0x8A00, s0;
	s11 =	smul.u32 $0x4E000, s17  }
0xa: {  	s18 =	sshll.u32 s17, $0x6;
	s7 =	smul.u32 $0x138800, s3;
	s6 =	sshll.u32 s3, $0x4  }
0xb: {  	_ =	strace $0x8000004D;
	[dreg:$0x10] =	wrdreg s21;
	s22 =	smul.u32 $0x14000, s3  }
0xc: {  	s3 =	ssub.s32 $0x2, s3;
	[dreg:$0x7] =	wrdreg s19;
	s21 =	simm.s32 $0x180  }
0xd: {  	s19 =	simm.s32 $0x200;
	s9 =	sor.u32 s17, s6;
	s6 =	sadd.s32 $0x3A00, s0  }
0xe: {  	s10 =	sshrl.u32 s3, $0x1;
	s25 =	sshrl.u32 s11, $0x2;
	s17 =	sor.u32 $0x1C07, s18  }
0xf: {  	[dreg:$0x9] =	wrdreg s21;
	s21 =	simm.s32 $0x4800;
	s7 =	sadd.s32 s8, s7  }
0x10: {  	s20 =	smul.u32 $0x1400, s9;
	s3 =	ssub.s32 s3, s10;
	s10 =	simm.s32 $0x80  }
0x11: {  	s7 =	sshrl.u32 s7, $0x3;
	s11 =	smax.u32 s3, $0x1;
	[dreg:$0x6] =	wrdreg s10  }
0x12: {  	s0 =	sadd.s32 s7, s0;
	s8 =	sshrl.u32 s20, $0x3;
	s20 =	simm.s32 $0x480  }
0x13: {  	s7 =	sadd.s32 s23, s22;
	s22 =	simm.s32 $0x500;
	[dreg:$0x8] =	wrdreg s20  }
0x14: {  	s23 =	simm.s32 $0x580;
	s24 =	sadd.s32 s5, s8;
	[dreg:$0xa] =	wrdreg s22  }
0x15: {  	s8 =	sadd.s32 s6, s8;
	s12 =	sshrl.u32 s7, $0x3;
	[dreg:$0xb] =	wrdreg s23  }
0x16: {  	s0 =	sadd.s32 $0x8A600, s0;
	s20 =	simm.s32 $0x600;
	[dreg:$0x11] =	wrdreg s24  }
0x17: {  	s22 =	simm.s32 $0x1;
	s23 =	simm.s32 $0x3;
	[dreg:$0x12] =	wrdreg s8  }
0x18: {  	s8 =	sadd.s32 s25, s2;
	[dreg:$0x13] =	wrdreg s0;
	s24 =	simm.s32 $0x280  }
0x19: {  	s26 =	sadd.s32 s12, s5;
	s25 =	simm.s32 $0x300;
	[dreg:$0xc] =	wrdreg s24  }
0x1a: {  	s31 =	sadd.s32 s12, s6;
	s0 =	sadd.s32 $0x40, s26;
	[dreg:$0xd] =	wrdreg s25  }
0x1b: {  	s12 =	sadd.s32 $0x400, s7;
	s9 =	sadd.s32 $0x40, s31;
	[dreg:$0x4] =	wrdreg s0  }
0x1c: {  	s18 =	sshrl.u32 s8, $0x3;
	s26 =	simm.s32 $0x680;
	[dreg:$0x5] =	wrdreg s9  }
0x1d: {  	s24 =	simm.s32 $0x2;
	s31 =	simm.s32 $0x380;
	[dreg:$0xe] =	wrdreg s26  }
0x1e: {  	s25 =	simm.s32 $0x4;
	[dreg:$0xf] =	wrdreg s31;
	s26 =	simm.s32 $0x6  }
.LBB2_1:
0x1f: {  	s0 =	rddreg [dreg:$0x11]  }
0x20: {  	[tilespmem:s4], [sflag:$0x7] =	stream.linear.gather [hbm4b:s0+s4], $0x200, $0x38;
	[tilespmem:$0x1C080] =	vst v63  }
0x21: {  	_ =	swait.ge [sflag:s13], $0x200  }
0x22: {  	[sflag:s13] =	ssyncset.done $0x0  }
0x23: {  	s3 =	rddreg [dreg:$0x12];
	[sflag:s13] =	ssyncadd.s32 $0xFFFFFE00  }
0x24: {  	[tilespmem:s14], [sflag:$0x7] =	stream.linear.gather [hbm4b:s3+s4], $0x200, $0x38;
	[tilespmem:$0x1C080] =	vst v63  }
0x25: {  	_ =	swait.ge [sflag:s13], $0x200  }
0x26: {  	[sflag:s13] =	ssyncset.done $0x0  }
0x27: {  	s7 =	rddreg [dreg:$0x10];
	[sflag:s13] =	ssyncadd.s32 $0xFFFFFE00  }
0x28: {  	[tilespmem:s16], [sflag:$0x1] =	stream.indirect.gather [hbm4b:s1+s15], $0x80, s4, s15, $0xb8;
	[tilespmem:$0x1C080] =	vst v63  }
0x29: {  	[spmem:s18], [sflag:s17] =	dma.local [hbm:s7], $0x2800  }
0x2a: {  	_ =	swait.ge [sflag:s13], $0x2800  }
0x2b: {  	[sflag:s13] =	ssyncset.done $0x0  }
0x2c: {  	[sflag:s13] =	ssyncadd.s32 $0xFFFFD800  }
0x2d: {  	[bflag:$0x0] =	sbarrier.arrive $0xFFFF  }
0x2e: {  	s8 =	rddreg [dreg:$0x4]  }
0x2f: {  	p0 =	por $0x1, $0x1;
	s3 =	rddreg [dreg:$0x5];
	s0 =	sadd.s32 $0x0, s8  }
0x30: {  	[tilespmem:s19], [sflag:$0x6] =	stream.linear.gather [hbm4b:s0+s4], $0x200, $0x38;
	[tilespmem:$0x1C080] =	vst v63  }
0x31: {  	s9 =	sadd.s32 $0x0, s3;
	s0 =	simm.s32 @!p0 $0x4  }
0x32: {  	[tilespmem:s20], [sflag:$0x6] =	stream.linear.gather [hbm4b:s9+s4], $0x200, $0x38;
	[tilespmem:$0x1C080] =	vst v63  }
0x33: {  	_ =	swait.ge @!p0 [sflag:s0], $0x3E80  }
0x34: {  	[sflag:s0] =	ssyncset.done @!p0 $0x0  }
0x35: {  	s10 =	rddreg [dreg:$0x6];
	[sflag:s0] =	ssyncadd.s32 @!p0 $0xFFFFC180  }
0x36: {  	[tilespmem:s21], [sflag:$0x2] =	stream.indirect.gather [hbm4b:s1+s15], $0x80, s10, s15, $0xb8;
	[tilespmem:$0x1C080] =	vst v63  }
0x37: {  	_ =	swait.ge [sflag:s22], $0x3E80  }
0x38: {  	[sflag:s22] =	ssyncset.done $0x0  }
0x39: {  	[sflag:s22] =	ssyncadd.s32 $0xFFFFC180  }
0x3a: {  	[spmem:s2] =	stream.indirect.scatter.add.f32 [tilespmem:s16], [sflag:$0x3], $0x80, s14, s15, $0xb8;
	[tilespmem:$0x1C080] =	vst v63  }
0x3b: {  	_ =	swait.ge [sflag:s23], $0x3E80  }
0x3c: {  	[sflag:s23] =	ssyncset.done $0x0  }
0x3d: {  	s3 =	rddreg [dreg:$0x7];
	[sflag:s23] =	ssyncadd.s32 $0xFFFFC180  }
0x3e: {  	[tilespmem:s16], [sflag:$0x1] =	stream.indirect.gather [hbm4b:s1+s15], $0x80, s3, s15, $0xb8;
	[tilespmem:$0x1C080] =	vst v63  }
0x3f: {  	_ =	swait.ge [sflag:s24], $0x3E80  }
0x40: {  	[sflag:s24] =	ssyncset.done $0x0  }
0x41: {  	s7 =	rddreg [dreg:$0x8];
	[sflag:s24] =	ssyncadd.s32 $0xFFFFC180  }
0x42: {  	[spmem:s2] =	stream.indirect.scatter.add.f32 [tilespmem:s21], [sflag:$0x4], $0x80, s7, s15, $0xb8;
	[tilespmem:$0x1C080] =	vst v63  }
0x43: {  	_ =	swait.ge [sflag:s25], $0x3E80  }
0x44: {  	[sflag:s25] =	ssyncset.done $0x0  }
0x45: {  	s8 =	rddreg [dreg:$0x9];
	[sflag:s25] =	ssyncadd.s32 $0xFFFFC180  }
0x46: {  	[tilespmem:s21], [sflag:$0x2] =	stream.indirect.gather [hbm4b:s1+s15], $0x80, s8, s15, $0xb8;
	[tilespmem:$0x1C080] =	vst v63  }
0x47: {  	_ =	swait.ge [sflag:s22], $0x3E80  }
0x48: {  	[sflag:s22] =	ssyncset.done $0x0  }
0x49: {  	s9 =	rddreg [dreg:$0xa];
	[sflag:s22] =	ssyncadd.s32 $0xFFFFC180  }
0x4a: {  	[spmem:s2] =	stream.indirect.scatter.add.f32 [tilespmem:s16], [sflag:$0x3], $0x80, s9, s15, $0xb8;
	[tilespmem:$0x1C080] =	vst v63  }
0x4b: {  	_ =	swait.ge [sflag:s23], $0x3E80  }
0x4c: {  	[sflag:s23] =	ssyncset.done $0x0  }
0x4d: {  	[sflag:s23] =	ssyncadd.s32 $0xFFFFC180  }
0x4e: {  	_ =	swait.ge [sflag:s26], $0x200  }
0x4f: {  	[sflag:s26] =	ssyncset.done $0x0  }
0x50: {  	[sflag:s26] =	ssyncadd.s32 $0xFFFFFE00  }
0x51: {  	_ =	swait.ge [sflag:s26], $0x200  }
0x52: {  	[sflag:s26] =	ssyncset.done $0x0  }
0x53: {  	[sflag:s26] =	ssyncadd.s32 $0xFFFFFE00  }
0x54: {  	[tilespmem:s16], [sflag:$0x1] =	stream.indirect.gather [hbm4b:s1+s15], $0x80, s19, s15, $0xb8;
	[tilespmem:$0x1C080] =	vst v63  }
0x55: {  	_ =	swait.ge [sflag:s24], $0x3E80  }
0x56: {  	p0 =	por $0x0, $0x0;
	[sflag:s24] =	ssyncset.done $0x0  }
0x57: {  	s3 =	sshrl.u32 @!p0 s12, $0x3;
	s10 =	rddreg [dreg:$0xb];
	[sflag:s24] =	ssyncadd.s32 $0xFFFFC180  }
0x58: {  	[spmem:s2] =	stream.indirect.scatter.add.f32 [tilespmem:s21], [sflag:$0x4], $0x80, s10, s15, $0xb8;
	[tilespmem:$0x1C080] =	vst v63  }
0x59: {  	s0 =	simm.s32 @!p0 $0x0;
	s7 =	sadd.s32 @!p0 s5, s3  }
0x5a: {  	[tilespmem:s0], [sflag:$0x5] =	stream.linear.gather @!p0 [hbm4b:s7+s0], $0x200, $0x38;
	[tilespmem:$0x1C080] =	vst v63  }
0x5b: {  	s3 =	sadd.s32 @!p0 s6, s3;
	s7 =	simm.s32 @!p0 $0x400  }
0x5c: {  	[tilespmem:s7], [sflag:$0x5] =	stream.linear.gather @!p0 [hbm4b:s3+s0], $0x200, $0x38;
	[tilespmem:$0x1C080] =	vst v63  }
0x5d: {  	_ =	swait.ge [sflag:s25], $0x3E80  }
0x5e: {  	[sflag:s25] =	ssyncset.done $0x0  }
0x5f: {  	s7 =	rddreg [dreg:$0xc];
	[sflag:s25] =	ssyncadd.s32 $0xFFFFC180  }
0x60: {  	[tilespmem:s21], [sflag:$0x2] =	stream.indirect.gather [hbm4b:s1+s15], $0x80, s7, s15, $0xb8;
	[tilespmem:$0x1C080] =	vst v63  }
0x61: {  	_ =	swait.ge [sflag:s22], $0x3E80  }
0x62: {  	[sflag:s22] =	ssyncset.done $0x0  }
0x63: {  	[sflag:s22] =	ssyncadd.s32 $0xFFFFC180  }
0x64: {  	[spmem:s2] =	stream.indirect.scatter.add.f32 [tilespmem:s16], [sflag:$0x3], $0x80, s20, s15, $0xb8;
	[tilespmem:$0x1C080] =	vst v63  }
0x65: {  	_ =	swait.ge [sflag:s23], $0x3E80  }
0x66: {  	[sflag:s23] =	ssyncset.done $0x0  }
0x67: {  	s8 =	rddreg [dreg:$0xd];
	[sflag:s23] =	ssyncadd.s32 $0xFFFFC180  }
0x68: {  	[tilespmem:s16], [sflag:$0x1] =	stream.indirect.gather [hbm4b:s1+s15], $0x80, s8, s15, $0xb8;
	[tilespmem:$0x1C080] =	vst v63  }
0x69: {  	_ =	swait.ge [sflag:s24], $0x3E80  }
0x6a: {  	[sflag:s24] =	ssyncset.done $0x0  }
0x6b: {  	s9 =	rddreg [dreg:$0xe];
	[sflag:s24] =	ssyncadd.s32 $0xFFFFC180  }
0x6c: {  	[spmem:s2] =	stream.indirect.scatter.add.f32 [tilespmem:s21], [sflag:$0x4], $0x80, s9, s15, $0xb8;
	[tilespmem:$0x1C080] =	vst v63  }
0x6d: {  	_ =	swait.ge [sflag:s25], $0x3E80  }
0x6e: {  	[sflag:s25] =	ssyncset.done $0x0  }
0x6f: {  	s10 =	rddreg [dreg:$0xf];
	[sflag:s25] =	ssyncadd.s32 $0xFFFFC180  }
0x70: {  	[tilespmem:s21], [sflag:$0x2] =	stream.indirect.gather [hbm4b:s1+s15], $0x80, s10, s15, $0xb8;
	[tilespmem:$0x1C080] =	vst v63  }
0x71: {  	_ =	swait.ge [sflag:s22], $0x3E80  }
0x72: {  	[sflag:s22] =	ssyncset.done $0x0  }
0x73: {  	[sflag:s22] =	ssyncadd.s32 $0xFFFFC180  }
0x74: {  	[spmem:s2] =	stream.indirect.scatter.add.f32 [tilespmem:s16], [sflag:$0x3], $0x80, s28, s15, $0xb8;
	[tilespmem:$0x1C080] =	vst v63  }
0x75: {  	_ =	swait.ge [sflag:s23], $0x3E80  }
0x76: {  	[sflag:s23] =	ssyncset.done $0x0  }
0x77: {  	s3 =	simm.s32 @!p0 $0x5;
	[sflag:s23] =	ssyncadd.s32 $0xFFFFC180  }
0x78: {  	_ =	swait.ge @!p0 [sflag:s3], $0x200  }
0x79: {  	[sflag:s3] =	ssyncset.done @!p0 $0x0  }
0x7a: {  	[sflag:s3] =	ssyncadd.s32 @!p0 $0xFFFFFE00  }
0x7b: {  	_ =	swait.ge @!p0 [sflag:s3], $0x200  }
0x7c: {  	[sflag:s3] =	ssyncset.done @!p0 $0x0  }
0x7d: {  	s7 =	simm.s32 @!p0 $0x7D;
	s8 =	simm.s32 @!p0 $0x800;
	[sflag:s3] =	ssyncadd.s32 @!p0 $0xFFFFFE00  }
0x7e: {  	[tilespmem:s8], [sflag:$0x1] =	stream.indirect.gather @!p0 [hbm4b:s1+s7], $0x80, s0, s7, $0xb8;
	[tilespmem:$0x1C080] =	vst v63  }
0x7f: {  	s31 =	simm.s32 $0x80;
	s3 =	simm.s32 $0x100;
	_ =	swait.ge [sflag:s24], $0x3E80  }
0x80: {  	s0 =	sadd.s32 $0x400, s12;
	s8 =	rddreg [dreg:$0x4];
	[sflag:s24] =	ssyncset.done $0x0  }
.LBB2_2:
0x81: {  	[sflag:s24] =	ssyncadd.s32 $0xFFFFC180  }
0x82: {  	[spmem:s2] =	stream.indirect.scatter.add.f32 [tilespmem:s21], [sflag:$0x4], $0x80, s29, s15, $0xb8;
	[tilespmem:$0x1C080] =	vst v63  }
0x83: {  	s9 =	rddreg [dreg:$0x5];
	s8 =	sadd.s32 s31, s8;
	p1 =	seq.s32 s31, $0x0  }
0x84: {  	[tilespmem:s19], [sflag:$0x6] =	stream.linear.gather [hbm4b:s8+s4], $0x200, $0x38;
	[tilespmem:$0x1C080] =	vst v63  }
0x85: {  	s9 =	sadd.s32 s31, s9;
	s8 =	simm.s32 @!p1 $0x4  }
0x86: {  	[tilespmem:s20], [sflag:$0x6] =	stream.linear.gather [hbm4b:s9+s4], $0x200, $0x38;
	[tilespmem:$0x1C080] =	vst v63  }
0x87: {  	_ =	swait.ge @!p1 [sflag:s8], $0x3E80  }
0x88: {  	[sflag:s8] =	ssyncset.done @!p1 $0x0  }
0x89: {  	s10 =	rddreg [dreg:$0x6];
	[sflag:s8] =	ssyncadd.s32 @!p1 $0xFFFFC180  }
0x8a: {  	[tilespmem:s21], [sflag:$0x2] =	stream.indirect.gather [hbm4b:s1+s15], $0x80, s10, s15, $0xb8;
	[tilespmem:$0x1C080] =	vst v63  }
0x8b: {  	_ =	swait.ge [sflag:s22], $0x3E80  }
0x8c: {  	[sflag:s22] =	ssyncset.done $0x0  }
0x8d: {  	[sflag:s22] =	ssyncadd.s32 $0xFFFFC180  }
0x8e: {  	[spmem:s2] =	stream.indirect.scatter.add.f32 [tilespmem:s16], [sflag:$0x3], $0x80, s14, s15, $0xb8;
	[tilespmem:$0x1C080] =	vst v63  }
0x8f: {  	_ =	swait.ge [sflag:s23], $0x3E80  }
0x90: {  	[sflag:s23] =	ssyncset.done $0x0  }
0x91: {  	s10 =	rddreg [dreg:$0x7];
	[sflag:s23] =	ssyncadd.s32 $0xFFFFC180  }
0x92: {  	[tilespmem:s16], [sflag:$0x1] =	stream.indirect.gather [hbm4b:s1+s15], $0x80, s10, s15, $0xb8;
	[tilespmem:$0x1C080] =	vst v63  }
0x93: {  	_ =	swait.ge [sflag:s24], $0x3E80  }
0x94: {  	[sflag:s24] =	ssyncset.done $0x0  }
0x95: {  	s9 =	rddreg [dreg:$0x8];
	[sflag:s24] =	ssyncadd.s32 $0xFFFFC180  }
0x96: {  	[spmem:s2] =	stream.indirect.scatter.add.f32 [tilespmem:s21], [sflag:$0x4], $0x80, s9, s15, $0xb8;
	[tilespmem:$0x1C080] =	vst v63  }
0x97: {  	_ =	swait.ge [sflag:s25], $0x3E80  }
0x98: {  	[sflag:s25] =	ssyncset.done $0x0  }
0x99: {  	s10 =	rddreg [dreg:$0x9];
	[sflag:s25] =	ssyncadd.s32 $0xFFFFC180  }
0x9a: {  	[tilespmem:s21], [sflag:$0x2] =	stream.indirect.gather [hbm4b:s1+s15], $0x80, s10, s15, $0xb8;
	[tilespmem:$0x1C080] =	vst v63  }
0x9b: {  	_ =	swait.ge [sflag:s22], $0x3E80  }
0x9c: {  	[sflag:s22] =	ssyncset.done $0x0  }
0x9d: {  	s9 =	rddreg [dreg:$0xa];
	[sflag:s22] =	ssyncadd.s32 $0xFFFFC180  }
0x9e: {  	[spmem:s2] =	stream.indirect.scatter.add.f32 [tilespmem:s16], [sflag:$0x3], $0x80, s9, s15, $0xb8;
	[tilespmem:$0x1C080] =	vst v63  }
0x9f: {  	_ =	swait.ge [sflag:s23], $0x3E80  }
0xa0: {  	[sflag:s23] =	ssyncset.done $0x0  }
0xa1: {  	[sflag:s23] =	ssyncadd.s32 $0xFFFFC180  }
0xa2: {  	_ =	swait.ge [sflag:s26], $0x200  }
0xa3: {  	[sflag:s26] =	ssyncset.done $0x0  }
0xa4: {  	[sflag:s26] =	ssyncadd.s32 $0xFFFFFE00  }
0xa5: {  	_ =	swait.ge [sflag:s26], $0x200  }
0xa6: {  	[sflag:s26] =	ssyncset.done $0x0  }
0xa7: {  	[sflag:s26] =	ssyncadd.s32 $0xFFFFFE00  }
0xa8: {  	[tilespmem:s16], [sflag:$0x1] =	stream.indirect.gather [hbm4b:s1+s15], $0x80, s19, s15, $0xb8;
	[tilespmem:$0x1C080] =	vst v63  }
0xa9: {  	_ =	swait.ge [sflag:s24], $0x3E80  }
0xaa: {  	s7 =	smov.u32 s3;
	p1 =	seq.s32 s31, $0x200;
	[sflag:s24] =	ssyncset.done $0x0  }
0xab: {  	s9 =	sshrl.u32 @!p1 s0, $0x3;
	s10 =	rddreg [dreg:$0xb];
	[sflag:s24] =	ssyncadd.s32 $0xFFFFC180  }
0xac: {  	[spmem:s2] =	stream.indirect.scatter.add.f32 [tilespmem:s21], [sflag:$0x4], $0x80, s10, s15, $0xb8;
	[tilespmem:$0x1C080] =	vst v63  }
0xad: {  	s31 =	smov.u32 s7;
	s7 =	simm.s32 @!p1 $0x0;
	s8 =	sadd.s32 @!p1 s5, s9  }
0xae: {  	[tilespmem:s7], [sflag:$0x5] =	stream.linear.gather @!p1 [hbm4b:s8+s7], $0x200, $0x38;
	[tilespmem:$0x1C080] =	vst v63  }
0xaf: {  	s9 =	sadd.s32 @!p1 s6, s9;
	s10 =	simm.s32 @!p1 $0x400  }
0xb0: {  	[tilespmem:s10], [sflag:$0x5] =	stream.linear.gather @!p1 [hbm4b:s9+s7], $0x200, $0x38;
	[tilespmem:$0x1C080] =	vst v63  }
0xb1: {  	_ =	swait.ge [sflag:s25], $0x3E80  }
0xb2: {  	[sflag:s25] =	ssyncset.done $0x0  }
0xb3: {  	s9 =	rddreg [dreg:$0xc];
	[sflag:s25] =	ssyncadd.s32 $0xFFFFC180  }
0xb4: {  	[tilespmem:s21], [sflag:$0x2] =	stream.indirect.gather [hbm4b:s1+s15], $0x80, s9, s15, $0xb8;
	[tilespmem:$0x1C080] =	vst v63  }
0xb5: {  	_ =	swait.ge [sflag:s22], $0x3E80  }
0xb6: {  	[sflag:s22] =	ssyncset.done $0x0  }
0xb7: {  	[sflag:s22] =	ssyncadd.s32 $0xFFFFC180  }
0xb8: {  	[spmem:s2] =	stream.indirect.scatter.add.f32 [tilespmem:s16], [sflag:$0x3], $0x80, s20, s15, $0xb8;
	[tilespmem:$0x1C080] =	vst v63  }
0xb9: {  	_ =	swait.ge [sflag:s23], $0x3E80  }
0xba: {  	[sflag:s23] =	ssyncset.done $0x0  }
0xbb: {  	s10 =	rddreg [dreg:$0xd];
	[sflag:s23] =	ssyncadd.s32 $0xFFFFC180  }
0xbc: {  	[tilespmem:s16], [sflag:$0x1] =	stream.indirect.gather [hbm4b:s1+s15], $0x80, s10, s15, $0xb8;
	[tilespmem:$0x1C080] =	vst v63  }
0xbd: {  	_ =	swait.ge [sflag:s24], $0x3E80  }
0xbe: {  	[sflag:s24] =	ssyncset.done $0x0  }
0xbf: {  	s9 =	rddreg [dreg:$0xe];
	[sflag:s24] =	ssyncadd.s32 $0xFFFFC180  }
0xc0: {  	[spmem:s2] =	stream.indirect.scatter.add.f32 [tilespmem:s21], [sflag:$0x4], $0x80, s9, s15, $0xb8;
	[tilespmem:$0x1C080] =	vst v63  }
0xc1: {  	_ =	swait.ge [sflag:s25], $0x3E80  }
0xc2: {  	[sflag:s25] =	ssyncset.done $0x0  }
0xc3: {  	s10 =	rddreg [dreg:$0xf];
	[sflag:s25] =	ssyncadd.s32 $0xFFFFC180  }
0xc4: {  	[tilespmem:s21], [sflag:$0x2] =	stream.indirect.gather [hbm4b:s1+s15], $0x80, s10, s15, $0xb8;
	[tilespmem:$0x1C080] =	vst v63  }
0xc5: {  	_ =	swait.ge [sflag:s22], $0x3E80  }
0xc6: {  	[sflag:s22] =	ssyncset.done $0x0  }
0xc7: {  	[sflag:s22] =	ssyncadd.s32 $0xFFFFC180  }
0xc8: {  	[spmem:s2] =	stream.indirect.scatter.add.f32 [tilespmem:s16], [sflag:$0x3], $0x80, s28, s15, $0xb8;
	[tilespmem:$0x1C080] =	vst v63  }
0xc9: {  	_ =	swait.ge [sflag:s23], $0x3E80  }
0xca: {  	[sflag:s23] =	ssyncset.done $0x0  }
0xcb: {  	s8 =	simm.s32 @!p1 $0x5;
	[sflag:s23] =	ssyncadd.s32 $0xFFFFC180  }
0xcc: {  	_ =	swait.ge @!p1 [sflag:s8], $0x200  }
0xcd: {  	[sflag:s8] =	ssyncset.done @!p1 $0x0  }
0xce: {  	s3 =	sadd.s32 $0x80, s3;
	[sflag:s8] =	ssyncadd.s32 @!p1 $0xFFFFFE00  }
0xcf: {  	p0 =	sne.s32 s3, $0x280;
	_ =	swait.ge @!p1 [sflag:s8], $0x200  }
.Ltmp0:
0xd0: {  	[sflag:s8] =	ssyncset.done @!p1 $0x0;
	(pc) =	sbr.rel @p0 .LBB2_2-.Ltmp0, $4  }
0xd1: {  	s9 =	simm.s32 @!p1 $0x7D;
	s10 =	simm.s32 @!p1 $0x800;
	[sflag:s8] =	ssyncadd.s32 @!p1 $0xFFFFFE00  }
0xd2: {  	[tilespmem:s10], [sflag:$0x1] =	stream.indirect.gather @!p1 [hbm4b:s1+s9], $0x80, s7, s9, $0xb8;
	[tilespmem:$0x1C080] =	vst v63  }
0xd3: {  	_ =	swait.ge [sflag:s24], $0x3E80  }
0xd4: {  	s0 =	sadd.s32 $0x400, s0;
	s8 =	rddreg [dreg:$0x4];
	[sflag:s24] =	ssyncset.done $0x0  }
0xd5: {  	[sflag:s24] =	ssyncadd.s32 $0xFFFFC180  }
0xd6: {  	[spmem:s2] =	stream.indirect.scatter.add.f32 [tilespmem:s21], [sflag:$0x4], $0x80, s29, s15, $0xb8;
	[tilespmem:$0x1C080] =	vst v63  }
0xd7: {  	s3 =	rddreg [dreg:$0x5];
	s7 =	sadd.s32 s31, s8  }
0xd8: {  	[tilespmem:s19], [sflag:$0x6] =	stream.linear.gather [hbm4b:s7+s4], $0x200, $0x38;
	[tilespmem:$0x1C080] =	vst v63  }
0xd9: {  	p0 =	seq.s32 s31, $0x0;
	s3 =	sadd.s32 s31, s3  }
0xda: {  	[tilespmem:s20], [sflag:$0x6] =	stream.linear.gather [hbm4b:s3+s4], $0x200, $0x38;
	[tilespmem:$0x1C080] =	vst v63  }
0xdb: {  	s3 =	simm.s32 @!p0 $0x4  }
0xdc: {  	_ =	swait.ge @!p0 [sflag:s3], $0x3E80  }
0xdd: {  	[sflag:s3] =	ssyncset.done @!p0 $0x0  }
0xde: {  	s9 =	rddreg [dreg:$0x6];
	[sflag:s3] =	ssyncadd.s32 @!p0 $0xFFFFC180  }
0xdf: {  	[tilespmem:s21], [sflag:$0x2] =	stream.indirect.gather [hbm4b:s1+s15], $0x80, s9, s15, $0xb8;
	[tilespmem:$0x1C080] =	vst v63  }
0xe0: {  	_ =	swait.ge [sflag:s22], $0x3E80  }
0xe1: {  	[sflag:s22] =	ssyncset.done $0x0  }
0xe2: {  	[sflag:s22] =	ssyncadd.s32 $0xFFFFC180  }
0xe3: {  	[spmem:s2] =	stream.indirect.scatter.add.f32 [tilespmem:s16], [sflag:$0x3], $0x80, s14, s15, $0xb8;
	[tilespmem:$0x1C080] =	vst v63  }
0xe4: {  	_ =	swait.ge [sflag:s23], $0x3E80  }
0xe5: {  	[sflag:s23] =	ssyncset.done $0x0  }
0xe6: {  	s10 =	rddreg [dreg:$0x7];
	[sflag:s23] =	ssyncadd.s32 $0xFFFFC180  }
0xe7: {  	[tilespmem:s16], [sflag:$0x1] =	stream.indirect.gather [hbm4b:s1+s15], $0x80, s10, s15, $0xb8;
	[tilespmem:$0x1C080] =	vst v63  }
0xe8: {  	_ =	swait.ge [sflag:s24], $0x3E80  }
0xe9: {  	[sflag:s24] =	ssyncset.done $0x0  }
0xea: {  	s7 =	rddreg [dreg:$0x8];
	[sflag:s24] =	ssyncadd.s32 $0xFFFFC180  }
0xeb: {  	[spmem:s2] =	stream.indirect.scatter.add.f32 [tilespmem:s21], [sflag:$0x4], $0x80, s7, s15, $0xb8;
	[tilespmem:$0x1C080] =	vst v63  }
0xec: {  	_ =	swait.ge [sflag:s25], $0x3E80  }
0xed: {  	[sflag:s25] =	ssyncset.done $0x0  }
0xee: {  	s8 =	rddreg [dreg:$0x9];
	[sflag:s25] =	ssyncadd.s32 $0xFFFFC180  }
0xef: {  	[tilespmem:s21], [sflag:$0x2] =	stream.indirect.gather [hbm4b:s1+s15], $0x80, s8, s15, $0xb8;
	[tilespmem:$0x1C080] =	vst v63  }
0xf0: {  	_ =	swait.ge [sflag:s22], $0x3E80  }
0xf1: {  	[sflag:s22] =	ssyncset.done $0x0  }
0xf2: {  	s9 =	rddreg [dreg:$0xa];
	[sflag:s22] =	ssyncadd.s32 $0xFFFFC180  }
0xf3: {  	[spmem:s2] =	stream.indirect.scatter.add.f32 [tilespmem:s16], [sflag:$0x3], $0x80, s9, s15, $0xb8;
	[tilespmem:$0x1C080] =	vst v63  }
0xf4: {  	_ =	swait.ge [sflag:s23], $0x3E80  }
0xf5: {  	[sflag:s23] =	ssyncset.done $0x0  }
0xf6: {  	[sflag:s23] =	ssyncadd.s32 $0xFFFFC180  }
0xf7: {  	_ =	swait.ge [sflag:s26], $0x200  }
0xf8: {  	[sflag:s26] =	ssyncset.done $0x0  }
0xf9: {  	[sflag:s26] =	ssyncadd.s32 $0xFFFFFE00  }
0xfa: {  	_ =	swait.ge [sflag:s26], $0x200  }
0xfb: {  	[sflag:s26] =	ssyncset.done $0x0  }
0xfc: {  	[sflag:s26] =	ssyncadd.s32 $0xFFFFFE00  }
0xfd: {  	[tilespmem:s16], [sflag:$0x1] =	stream.indirect.gather [hbm4b:s1+s15], $0x80, s19, s15, $0xb8;
	[tilespmem:$0x1C080] =	vst v63  }
0xfe: {  	_ =	swait.ge [sflag:s24], $0x3E80  }
0xff: {  	p0 =	seq.s32 s31, $0x200;
	[sflag:s24] =	ssyncset.done $0x0  }
0x100: {  	s0 =	sshrl.u32 @!p0 s0, $0x3;
	s10 =	rddreg [dreg:$0xb];
	[sflag:s24] =	ssyncadd.s32 $0xFFFFC180  }
0x101: {  	[spmem:s2] =	stream.indirect.scatter.add.f32 [tilespmem:s21], [sflag:$0x4], $0x80, s10, s15, $0xb8;
	[tilespmem:$0x1C080] =	vst v63  }
0x102: {  	s3 =	simm.s32 @!p0 $0x0;
	s7 =	sadd.s32 @!p0 s5, s0  }
0x103: {  	[tilespmem:s3], [sflag:$0x5] =	stream.linear.gather @!p0 [hbm4b:s7+s3], $0x200, $0x38;
	[tilespmem:$0x1C080] =	vst v63  }
0x104: {  	s0 =	sadd.s32 @!p0 s6, s0;
	s7 =	simm.s32 @!p0 $0x400  }
0x105: {  	[tilespmem:s7], [sflag:$0x5] =	stream.linear.gather @!p0 [hbm4b:s0+s3], $0x200, $0x38;
	[tilespmem:$0x1C080] =	vst v63  }
0x106: {  	_ =	swait.ge [sflag:s25], $0x3E80  }
0x107: {  	[sflag:s25] =	ssyncset.done $0x0  }
0x108: {  	s7 =	rddreg [dreg:$0xc];
	[sflag:s25] =	ssyncadd.s32 $0xFFFFC180  }
0x109: {  	[tilespmem:s21], [sflag:$0x2] =	stream.indirect.gather [hbm4b:s1+s15], $0x80, s7, s15, $0xb8;
	[tilespmem:$0x1C080] =	vst v63  }
0x10a: {  	_ =	swait.ge [sflag:s22], $0x3E80  }
0x10b: {  	[sflag:s22] =	ssyncset.done $0x0  }
0x10c: {  	[sflag:s22] =	ssyncadd.s32 $0xFFFFC180  }
0x10d: {  	[spmem:s2] =	stream.indirect.scatter.add.f32 [tilespmem:s16], [sflag:$0x3], $0x80, s20, s15, $0xb8;
	[tilespmem:$0x1C080] =	vst v63  }
0x10e: {  	_ =	swait.ge [sflag:s23], $0x3E80  }
0x10f: {  	[sflag:s23] =	ssyncset.done $0x0  }
0x110: {  	s8 =	rddreg [dreg:$0xd];
	[sflag:s23] =	ssyncadd.s32 $0xFFFFC180  }
0x111: {  	[tilespmem:s16], [sflag:$0x1] =	stream.indirect.gather [hbm4b:s1+s15], $0x80, s8, s15, $0xb8;
	[tilespmem:$0x1C080] =	vst v63  }
0x112: {  	_ =	swait.ge [sflag:s24], $0x3E80  }
0x113: {  	[sflag:s24] =	ssyncset.done $0x0  }
0x114: {  	s9 =	rddreg [dreg:$0xe];
	[sflag:s24] =	ssyncadd.s32 $0xFFFFC180  }
0x115: {  	[spmem:s2] =	stream.indirect.scatter.add.f32 [tilespmem:s21], [sflag:$0x4], $0x80, s9, s15, $0xb8;
	[tilespmem:$0x1C080] =	vst v63  }
0x116: {  	_ =	swait.ge [sflag:s25], $0x3E80  }
0x117: {  	[sflag:s25] =	ssyncset.done $0x0  }
0x118: {  	s10 =	rddreg [dreg:$0xf];
	[sflag:s25] =	ssyncadd.s32 $0xFFFFC180  }
0x119: {  	[tilespmem:s21], [sflag:$0x2] =	stream.indirect.gather [hbm4b:s1+s15], $0x80, s10, s15, $0xb8;
	[tilespmem:$0x1C080] =	vst v63  }
0x11a: {  	_ =	swait.ge [sflag:s22], $0x3E80  }
0x11b: {  	[sflag:s22] =	ssyncset.done $0x0  }
0x11c: {  	[sflag:s22] =	ssyncadd.s32 $0xFFFFC180  }
0x11d: {  	[spmem:s2] =	stream.indirect.scatter.add.f32 [tilespmem:s16], [sflag:$0x3], $0x80, s28, s15, $0xb8;
	[tilespmem:$0x1C080] =	vst v63  }
0x11e: {  	_ =	swait.ge [sflag:s23], $0x3E80  }
0x11f: {  	[sflag:s23] =	ssyncset.done $0x0  }
0x120: {  	s0 =	simm.s32 @!p0 $0x5;
	[sflag:s23] =	ssyncadd.s32 $0xFFFFC180  }
0x121: {  	_ =	swait.ge @!p0 [sflag:s0], $0x200  }
0x122: {  	[sflag:s0] =	ssyncset.done @!p0 $0x0  }
0x123: {  	[sflag:s0] =	ssyncadd.s32 @!p0 $0xFFFFFE00  }
0x124: {  	_ =	swait.ge @!p0 [sflag:s0], $0x200  }
0x125: {  	[sflag:s0] =	ssyncset.done @!p0 $0x0  }
0x126: {  	s7 =	simm.s32 @!p0 $0x7D;
	[sflag:s0] =	ssyncadd.s32 @!p0 $0xFFFFFE00;
	s0 =	simm.s32 @!p0 $0x800  }
0x127: {  	[tilespmem:s0], [sflag:$0x1] =	stream.indirect.gather @!p0 [hbm4b:s1+s7], $0x80, s3, s7, $0xb8;
	[tilespmem:$0x1C080] =	vst v63  }
0x128: {  	_ =	swait.ge [sflag:s24], $0x3E80  }
0x129: {  	[sflag:s24] =	ssyncset.done $0x0  }
0x12a: {  	[sflag:s24] =	ssyncadd.s32 $0xFFFFC180  }
0x12b: {  	[spmem:s2] =	stream.indirect.scatter.add.f32 [tilespmem:s21], [sflag:$0x4], $0x80, s29, s15, $0xb8;
	[tilespmem:$0x1C080] =	vst v63  }
0x12c: {  	_ =	swait.ge [sflag:s25], $0x3E80  }
0x12d: {  	[sflag:s25] =	ssyncset.done $0x0  }
0x12e: {  	s30 =	sadd.s32 $0x1, s30;
	[sflag:s25] =	ssyncadd.s32 $0xFFFFC180  }
0x12f: {  	p0 =	sne.s32 s30, s11;
	[bflag:$0x0] =	sbarrier.arrive $0xFFFF  }
.Ltmp1:
0x130: {  	s31 =	rddreg [dreg:$0x13];
	(pc) =	sbr.rel @p0 .LBB2_1-.Ltmp1, $4  }
0x131: {  	[hbm:s31], [sflag:s17] =	dma.local [spmem:s18], $0x2800  }
0x132: {  	_ =	swait.ge [sflag:s13], $0x2800  }
0x133: {  	[sflag:s13] =	ssyncset.done $0x0  }
0x134: {  	[sflag:s13] =	ssyncadd.s32 $0xFFFFD800  }
0x135: {  	_ =	sfence.sel $0x180000  }
0x136: {  	[bflag:$0x0] =	sbarrier.arrive $0xFFFF  }
0x137: {  	_ =	strace $0x9000004D  }
0x138: {  	s0 =	stileid.u32;
	[bflag:$0x2] =	sbarrier.arrive $0xFFFF  }
0x139: {  	p0 =	sne.s32 s0, $0x0;
	s0 =	rddreg [dreg:$0x3]  }
0x13a: {  	s0 =	sadd.s32 @!p0 $0x100000, s0  }
0x13b: {  	[sflag:s0] =	ssyncadd.tile.s32 @!p0 $0x1;
	_ =	shalt  }
.Lfunc_end2:
_tile_overlayer_lowered:
.L_overlay_start_2:
0x13c: {  	(tag) =	ssettag $0x2  }
0x13d: {  	s0 =	rddreg [dreg:$0x0];
	s2 =	stileid.u32  }
0x13e: {  	s1 =	rddreg [dreg:$0x1];
	p0 =	sne.s32 s2, $0x0  }
0x13f: {  	s3 =	rddreg [dreg:$0x2];
	[bflag:$0x3] =	sbarrier.arrive $0xFFFF;
	s2 =	simm.s32 @!p0 $0x1C07  }
0x140: {  	[timem:s3], [sflag:s2] =	dma.local @!p0 [hbm:s0], s1  }
0x141: {  	s0 =	simm.s32 @!p0 $0x7  }
0x142: {  	_ =	swait.ge @!p0 [sflag:s0], s1  }
0x143: {  	s1 =	ssub.s32 @!p0 $0x0, s1;
	[sflag:s0] =	ssyncset.done @!p0 $0x0  }
0x144: {  	[sflag:s0] =	ssyncadd.s32 @!p0 s1  }
0x145: {  	[bflag:$0x3] =	sbarrier.arrive $0xFFFF  }
0x146: {  	_ =	shalt  }

// kernel: kernel.9.cloned.1.call-start
scs
__scs_entry_jumppad:
0x0: {  	(pc) =	sbr.rel $0x88, $3  }
0x1: {  	(tag) =	ssettag $0x0;
	lr =	simm.s32 $0x1  }
0x2: {  	[smem:$0x3F9B] =	sst lr;
	_ =	strace $0xD0000000  }
0x3: {  	_ = 	snop  }
0x4: {  	_ = 	snop  }
0x5: {  	_ = 	snop  }
0x6: {  	_ = 	snop  }
0x7: {  	_ = 	snop  }
__scs_overlays_trampoline_lowered:
0x8: {  	[smem:$0x3FAA] =	sst s0  }
0x9: {  	[smem:$0x3FAB] =	sst s1  }
0xa: {  	[smem:$0x3FAC] =	sst s2  }
0xb: {  	[smem:$0x3FAD] =	sst s3  }
0xc: {  	[smem:$0x3FAE] =	sst s4  }
0xd: {  	[smem:$0x3FAF] =	sst s5  }
0xe: {  	[smem:$0x3FB0] =	sst s6  }
0xf: {  	[smem:$0x3FB1] =	sst s7  }
0x10: {  	[smem:$0x3FB2] =	sst s8  }
0x11: {  	[smem:$0x3FB3] =	sst s9;
	s0 =	simm.s32 @!p0 $0x0  }
0x12: {  	s1 =	sld [smem:$0x3F99];
	s0 =	simm.s32 @p0 $0x1  }
0x13: {  	[smem:$0x3FB4] =	sst s0;
	s0 =	simm.s32 @!p1 $0x0  }
0x14: {  	s2 =	sld [smem:$0x3F98];
	s0 =	simm.s32 @p1 $0x1  }
0x15: {  	[smem:$0x3FB5] =	sst s0;
	s0 =	simm.s32 @!p2 $0x0  }
0x16: {  	s3 =	sld [smem:$0x3FDB];
	s0 =	simm.s32 @p2 $0x1  }
0x17: {  	s4 =	simm.s32 $0x1BF5;
	[smem:$0x3FB7] =	sst s0  }
0x18: {  	s0 =	sld [smem:$0x3F9A];
	_ =	swait.ge [sflag:s4], $0x0  }
0x19: {  	s7 =	sld [smem:$0x3F9B]  }
0x1a: {  	s8 =	sadd.s32 $0xFFFFE003, lr  }
0x1b: {  	s9 =	sadd.s32 $0xFFFFFEF7, lr;
	s5 =	simm.s32 $0xFFFFFFFF;
	p2 =	slt.u32 s8, $0xFFFFF086  }
0x1c: {  	p1 =	slt.u32 s9, $0xF7A;
	s5 =	simm.s32 @!p2 $0x0  }
0x1d: {  	s5 =	simm.s32 @p1 $0x1;
	p0 =	seq.s32 s7, s2  }
0x1e: {  	s7 =	smul.u32 @!p0 $0xF7A, s2;
	p2 =	seq.s32 @!p0 s5, $0x0  }
0x1f: {  	s9 =	smul.u32 $0xF7A, s1;
	s8 =	simm.s32 @!p0 $0x1BF5;
	p2 =	por !p2, p0  }
0x20: {  	[sflag:s8] =	ssyncset.s32 @!p0 $0xFFFFF086;
	s6 =	sadd.s32 @!p0 s3, s7;
	s7 =	simm.s32 @!p0 $0x108  }
0x21: {  	s3 =	sadd.s32 s3, s9;
	s6 =	sadd.s32 @!p0 $0x88, s6;
	s7 =	simm.s32 @p2 $0x1082  }
0x22: {  	[simem:s7], [sflag:s8] =	dma.local @!p0 [hbm:s6], $0xF7A  }
0x23: {  	s9 =	sor.u32 $0xD0000000, s2;
	s6 =	simm.s32 $0x108;
	_ =	swait.ge @!p0 [sflag:s8], $0x0  }
0x24: {  	s3 =	sadd.s32 $0x88, s3;
	s6 =	simm.s32 @!p1 $0x1082;
	[sflag:s4] =	ssyncset.s32 $0xFFFFF086  }
0x25: {  	[simem:s6], [sflag:s4] =	dma.local [hbm:s3], $0xF7A  }
0x26: {  	[smem:$0x3F9B] =	sst s1;
	(tag) =	ssettag s2;
	_ =	strace s9  }
0x27: {  	s1 =	sld [smem:$0x3FAB]  }
0x28: {  	s2 =	sld [smem:$0x3FAC]  }
0x29: {  	s4 =	sld [smem:$0x3FAE]  }
0x2a: {  	p0 =	seq.s32 s5, $0x0;
	s5 =	sld [smem:$0x3FAF]  }
0x2b: {  	s6 =	sld [smem:$0x3FB0]  }
0x2c: {  	s7 =	sld [smem:$0x3FB1]  }
0x2d: {  	s3 =	simm.s32 $0x108;
	s8 =	sld [smem:$0x3FB2]  }
0x2e: {  	s3 =	simm.s32 @!p0 $0x1082;
	s9 =	sld [smem:$0x3FB3]  }
0x2f: {  	lr =	sadd.s32 s0, s3;
	s0 =	sld [smem:$0x3FAA]  }
0x30: {  	s3 =	sld [smem:$0x3FAD]  }
0x31: {  	[smem:$0x3FB6] =	sst s10  }
0x32: {  	s10 =	sld [smem:$0x3FB4];
	_ =	sdelay $0x3  }
0x33: {  	p0 =	seq.s32 s10, $0x1;
	s10 =	sld [smem:$0x3FB6];
	_ =	sdelay $0x3  }
0x34: {  	[smem:$0x3FB6] =	sst s10  }
0x35: {  	s10 =	sld [smem:$0x3FB5];
	_ =	sdelay $0x3  }
0x36: {  	p1 =	seq.s32 s10, $0x1;
	s10 =	sld [smem:$0x3FB6];
	_ =	sdelay $0x3  }
0x37: {  	[smem:$0x3FB6] =	sst s10  }
0x38: {  	s10 =	sld [smem:$0x3FB7]  }
0x39: {  	_ = 	snop;
	(pc) =	sbr.ind lr, $3  }
0x3a: {  	_ = 	snop  }
0x3b: {  	_ = 	snop  }
0x3c: {  	p2 =	seq.s32 s10, $0x1;
	s10 =	sld [smem:$0x3FB6]  }
0x3d: {  	_ =	shalt  }
0x3e: {  	_ =	shalt  }
0x3f: {  	_ =	shalt  }
0x40: {  	_ =	shalt  }
0x41: {  	_ =	shalt  }
0x42: {  	_ =	shalt  }
0x43: {  	_ =	shalt  }
0x44: {  	_ =	shalt  }
0x45: {  	_ =	shalt  }
0x46: {  	_ =	shalt  }
0x47: {  	_ =	shalt  }
0x48: {  	_ =	shalt  }
0x49: {  	_ =	shalt  }
0x4a: {  	_ =	shalt  }
0x4b: {  	_ =	shalt  }
0x4c: {  	_ =	shalt  }
0x4d: {  	_ =	shalt  }
0x4e: {  	_ =	shalt  }
0x4f: {  	_ =	shalt  }
0x50: {  	_ =	shalt  }
0x51: {  	_ =	shalt  }
0x52: {  	_ =	shalt  }
0x53: {  	_ =	shalt  }
0x54: {  	_ =	shalt  }
0x55: {  	_ =	shalt  }
0x56: {  	_ =	shalt  }
0x57: {  	_ =	shalt  }
0x58: {  	_ =	shalt  }
0x59: {  	_ =	shalt  }
0x5a: {  	_ =	shalt  }
0x5b: {  	_ =	shalt  }
0x5c: {  	_ =	shalt  }
0x5d: {  	_ =	shalt  }
0x5e: {  	_ =	shalt  }
0x5f: {  	_ =	shalt  }
0x60: {  	_ =	shalt  }
0x61: {  	_ =	shalt  }
0x62: {  	_ =	shalt  }
0x63: {  	_ =	shalt  }
0x64: {  	_ =	shalt  }
0x65: {  	_ =	shalt  }
0x66: {  	_ =	shalt  }
0x67: {  	_ =	shalt  }
0x68: {  	_ =	shalt  }
0x69: {  	_ =	shalt  }
0x6a: {  	_ =	shalt  }
0x6b: {  	_ =	shalt  }
0x6c: {  	_ =	shalt  }
0x6d: {  	_ =	shalt  }
0x6e: {  	_ =	shalt  }
0x6f: {  	_ =	shalt  }
0x70: {  	_ =	shalt  }
0x71: {  	_ =	shalt  }
0x72: {  	_ =	shalt  }
0x73: {  	_ =	shalt  }
0x74: {  	_ =	shalt  }
0x75: {  	_ =	shalt  }
0x76: {  	_ =	shalt  }
0x77: {  	_ =	shalt  }
0x78: {  	_ =	shalt  }
0x79: {  	_ =	shalt  }
0x7a: {  	_ =	shalt  }
0x7b: {  	_ =	shalt  }
0x7c: {  	_ =	shalt  }
0x7d: {  	_ =	shalt  }
0x7e: {  	_ =	shalt  }
0x7f: {  	_ =	shalt  }
0x80: {  	_ =	shalt  }
0x81: {  	_ =	shalt  }
0x82: {  	_ =	shalt  }
0x83: {  	_ =	shalt  }
0x84: {  	_ =	shalt  }
0x85: {  	_ =	shalt  }
0x86: {  	_ =	shalt  }
0x87: {  	_ =	shalt  }
.Lfunc_end0:
.L_simem_size_0:
called_computation_lowered:
.L_overlay_start_0:
0x88: {  	s2 =	sld [smem:$0x3FD9]  }
0x89: {  	s3 =	sld [smem:$0x3FFE];
	_ =	sdelay $0x1  }
0x8a: {  	s1 =	srdreg.scid  }
0x8b: {  	s0 =	sand.u32 $0x1, s1  }
0x8c: {  	s17 =	sshll.u32 s0, $0xA;
	s2 =	sadd.s32 s3, s2  }
0x8d: {  	s2 =	sadd.s32 s2, s17  }
0x8e: {  	[smem:$0x3FC2] =	sst s2  }
0x8f: {  	_ = 	snop  }
0x90: {  	s2 =	sld [smem:$0x3FD0];
	(tm) =	ssettm $0x1  }
0x91: {  	s18 =	sld [smem:$0x3FFB];
	_ =	sdelay $0x3  }
0x92: {  	_ =	strace s18  }
0x93: {  	s3 =	sld [smem:$0x3FFC];
	_ =	sdelay $0x3  }
0x94: {  	_ =	strace s3  }
0x95: {  	s3 =	sld [smem:$0x3FFD];
	_ =	sdelay $0x3  }
0x96: {  	_ =	strace s3  }
0x97: {  	_ =	strace $0x8FFFFFFF  }
0x98: {  	s19 =	sld [smem:$0x3FDB];
	_ =	sdelay $0x1  }
0x99: {  	s4 =	simm.s32 $_scs_section_size  }
0x9a: {  	s5 =	simm.s32 $_size__tile_overlayer_lowered;
	s6 =	simm.s32 $_tile_overlayer_lowered  }
0x9b: {  	s22 =	simm.s32 $0x1BFF;
	s21 =	sshll.u32 s6, $0x1;
	s3 =	sadd.s32 s4, s19  }
0x9c: {  	s7 =	simm.s32 $0x0;
	s20 =	sshll.u32 s5, $0x1;
	s5 =	sadd.s32 s21, s3  }
0x9d: {  	[timem:s7], [sflag:s22] =	dma.local [hbm:s5], s20  }
0x9e: {  	_ =	swait.ge [sflag:s22], s20  }
0x9f: {  	s4 =	ssub.s32 $0x0, s20;
	[sflag:s22] =	ssyncset.done $0x0  }
0xa0: {  	[sflag:s22] =	ssyncadd.s32 s4;
	_ =	sdelay $0x1  }
0xa1: {  	s23 =	simm.s32 $0x1B8B  }
0xa2: {  	_ =	swait.ge [sflag:s23], $0x1  }
0xa3: {  	[sflag:s23] =	ssyncset.done $0x0  }
0xa4: {  	s25 =	simm.s32 $0x1B8E;
	s24 =	sld [smem:$0x3FFE];
	[sflag:s23] =	ssyncadd.s32 $0xFFFFFFFF  }
0xa5: {  	s26 =	simm.s32 $execute0_lowered;
	[smem:$0x3FD2] =	sst s25  }
0xa6: {  	s5 =	sshll.u32 s26, $0x1;
	_ =	strace $0x80000046;
	[dreg:$0x1] =	wrdreg $0xFFFFFFFF  }
0xa7: {  	s28 =	simm.s32 $_size_execute0_lowered;
	s3 =	sadd.s32 s3, s5;
	[dreg:$0x0] =	wrdreg $0x0  }
0xa8: {  	s5 =	sshll.u32 s28, $0x1;
	[dreg:$0x2] =	wrdreg s3  }
0xa9: {  	[dreg:$0x3] =	wrdreg s5  }
0xaa: {  	[dreg:$0x4] =	wrdreg $0xC0  }
0xab: {  	_ =	task [dreg:s7], $0x5FFFF  }
0xac: {  	[dreg:$0x1] =	wrdreg $0xFFFFFFFF  }
0xad: {  	[dreg:$0x0] =	wrdreg $0x60  }
0xae: {  	[dreg:$0x2] =	wrdreg s24  }
0xaf: {  	[dreg:$0x3] =	wrdreg s2  }
0xb0: {  	[dreg:$0x4] =	wrdreg $0x54000  }
0xb1: {  	[dreg:$0x5] =	wrdreg $0x9  }
0xb2: {  	_ =	task.clear_ibuf [dreg:s7], $0x6FFFF;
	_ =	strace $0x90000046  }
0xb3: {  	s29 =	simm.s32 $0x9;
	_ =	strace $0x80000048  }
0xb4: {  	_ =	swait.ge [sflag:s29], $0x1  }
0xb5: {  	[sflag:s29] =	ssyncadd.s32 $0xFFFFFFFF  }
0xb6: {  	_ =	strace $0x90000048  }
0xb7: {  	_ =	sfence  }
0xb8: {  	s30 =	sld [smem:$0x0];
	_ =	sdelay $0x2  }
0xb9: {  	s31 =	sshll.u32 s1, $0xD;
	s1 =	sshrl.u32 s1, $0x2  }
0xba: {  	s3 =	sand.u32 $0x4000, s31;
	s1 =	sadd.s32 s1, s30  }
0xbb: {  	s0 =	sor.u32 s3, s0;
	s1 =	sshll.u32 s1, $0x11  }
0xbc: {  	s0 =	sor.u32 s1, s0  }
0xbd: {  	s0 =	sadd.s32 $0x8F2B, s0  }
0xbe: {  	[sflag:s0] =	ssyncadd.remote.s32 $0x1  }
0xbf: {  	_ =	sfence.sel $0xFFFF  }
0xc0: {  	[dreg:$0x0] =	wrdreg $0xFFFFFFFF;
	(pc) =	sbr.abs _section_cstart, $3  }
0xc1: {  	[dreg:$0x1] =	wrdreg $0xFFFFFFFF  }
0xc2: {  	_ =	task.clear_ibuf [dreg:s7], $0x2FFFF;
	_ =	strace $0x9FFFFFFF  }
0xc3: {  	(tm) =	ssettm $0x7FFFFFFF  }
tec
execute0_lowered:
.L_overlay_start_1:
0x0: {  	(tag) =	ssettag $0x1  }
0x1: {  	s0 =	rddreg [dreg:$0x0]  }
0x2: {  	s1 =	rddreg [dreg:$0x1]  }
0x3: {  	s2 =	rddreg [dreg:$0x2]  }
0x4: {  	s12 =	rddreg [dreg:$0x3]  }
0x5: {  	s31 =	simm.s32 $0x0;
	[dreg:$0x4] =	wrdreg s1  }
0x6: {  	[smem:$0x7FF] =	sst s31;
	s23 =	sadd.s32 $0x8A00, s0  }
0x7: {  	s24 =	simm.s32 $0x80;
	_ =	strace $0x80000047;
	[dreg:$0x5] =	wrdreg s23  }
0x8: {  	s22 =	srdreg.scid;
	s25 =	simm.s32 $0x100;
	[dreg:$0x8] =	wrdreg s24  }
0x9: {  	s6 =	stileid.u32;
	s26 =	simm.s32 $0x180;
	[dreg:$0x9] =	wrdreg s25  }
0xa: {  	s8 =	simm.s32 $0x380;
	s10 =	simm.s32 $0x400;
	[dreg:$0xa] =	wrdreg s26  }
0xb: {  	s11 =	simm.s32 $0x480;
	s14 =	simm.s32 $0x500;
	[dreg:$0xe] =	wrdreg s8  }
0xc: {  	s15 =	simm.s32 $0x580;
	s17 =	simm.s32 $0x600;
	[dreg:$0xf] =	wrdreg s10  }
0xd: {  	s18 =	simm.s32 $0x680;
	s19 =	simm.s32 $0x700;
	[dreg:$0x10] =	wrdreg s11  }
0xe: {  	s20 =	simm.s32 $0x780;
	s21 =	simm.s32 $0x800;
	[dreg:$0x11] =	wrdreg s14  }
0xf: {  	s30 =	simm.s32 $0xB80;
	s29 =	simm.s32 $0xC00;
	[dreg:$0x12] =	wrdreg s15  }
0x10: {  	s28 =	simm.s32 $0xC80;
	p0 =	por $0x0, $0x0;
	[dreg:$0x13] =	wrdreg s17  }
0x11: {  	s1 =	sand.u32 $0x1, s22;
	s5 =	smul.u32 $0x13800, s6;
	[dreg:$0x14] =	wrdreg s18  }
0x12: {  	s9 =	smul.u32 $0x4E000, s6;
	s16 =	sshll.u32 s6, $0x6;
	[dreg:$0x15] =	wrdreg s19  }
0x13: {  	s22 =	simm.s32 $0x880;
	s3 =	sshll.u32 s1, $0x4;
	[dreg:$0x16] =	wrdreg s20  }
0x14: {  	s4 =	smul.u32 $0x138800, s1;
	s1 =	ssub.s32 $0x2, s1;
	[dreg:$0x17] =	wrdreg s21  }
0x15: {  	[dreg:$0x18] =	wrdreg s22;
	s23 =	simm.s32 $0x900;
	s8 =	simm.s32 $0x1  }
0x16: {  	s24 =	simm.s32 $0x980;
	s25 =	simm.s32 $0xA00;
	s10 =	simm.s32 $0x3  }
0x17: {  	s26 =	simm.s32 $0xA80;
	s11 =	simm.s32 $0x4;
	s18 =	simm.s32 $0xB00  }
0x18: {  	s22 =	simm.s32 $0xF00;
	s21 =	simm.s32 $0xF80;
	s20 =	simm.s32 $0x1000  }
0x19: {  	s19 =	simm.s32 $0x1100;
	s17 =	simm.s32 $0x1180;
	s15 =	simm.s32 $0x1280  }
0x1a: {  	s14 =	simm.s32 $0x1300;
	s3 =	sor.u32 s6, s3;
	[dreg:$0x19] =	wrdreg s23  }
0x1b: {  	s7 =	sshrl.u32 s1, $0x1;
	s13 =	sshrl.u32 s9, $0x2;
	[dreg:$0x1a] =	wrdreg s24  }
0x1c: {  	s6 =	simm.s32 $0x1400;
	s9 =	simm.s32 $0x2;
	[dreg:$0x1b] =	wrdreg s25  }
0x1d: {  	[dreg:$0x1c] =	wrdreg s26;
	s26 =	simm.s32 $0xD00;
	s25 =	simm.s32 $0xD80  }
0x1e: {  	s24 =	simm.s32 $0xE00;
	s23 =	simm.s32 $0xE80;
	s3 =	smul.u32 $0x280, s3  }
0x1f: {  	s4 =	sadd.s32 s5, s4;
	s5 =	simm.s32 $0x300;
	s1 =	ssub.s32 s1, s7  }
0x20: {  	s7 =	simm.s32 $0x7D;
	s4 =	sshrl.u32 s4, $0x3;
	[dreg:$0xd] =	wrdreg s5  }
0x21: {  	s1 =	smax.u32 s1, $0x1;
	s5 =	simm.s32 $0x5;
	s3 =	sadd.s32 s3, s0  }
0x22: {  	s0 =	sadd.s32 s4, s0;
	s4 =	simm.s32 $0x280;
	p1 =	sne.s32 s1, $0x1  }
.Ltmp0:
0x23: {  	s3 =	sadd.s32 $0x3A00, s3;
	[dreg:$0xc] =	wrdreg s4;
	(pc) =	sbr.rel @!p1 .LBB2_1-.Ltmp0, $4  }
0x24: {  	s0 =	sadd.s32 $0xB200, s0;
	s4 =	sadd.s32 s13, s2;
	[dreg:$0x6] =	wrdreg s3  }
0x25: {  	s13 =	simm.s32 $0x1380;
	[dreg:$0x7] =	wrdreg s0;
	s3 =	simm.s32 $0x200  }
0x26: {  	s4 =	sshrl.u32 s4, $0x3;
	s0 =	sadd.s32 $0xFFFFFFFF, s1;
	s1 =	rddreg [dreg:$0x5]  }
0x27: {  	[dreg:$0xb] =	wrdreg s3;
	s3 =	sor.u32 $0x1C05, s16;
	s16 =	simm.s32 $0x1200  }
0x28: {  	[spmem:s4], [sflag:s3] =	dma.local [hbm:s1], $0x2800  }
0x29: {  	_ =	swait.ge [sflag:s5], $0x2800  }
0x2a: {  	[sflag:s5] =	ssyncset.done $0x0  }
0x2b: {  	s12 =	rddreg [dreg:$0x6];
	[sflag:s5] =	ssyncadd.s32 $0xFFFFD800  }
0x2c: {  	[tilespmem:s31], [sflag:$0x5] =	stream.linear.gather [hbm4b:s12+s31], $0x1400, $0x38;
	[tilespmem:$0x18C80] =	vst v63  }
0x2d: {  	_ =	swait.ge [sflag:s5], $0x1400  }
0x2e: {  	[sflag:s5] =	ssyncset.done $0x0  }
0x2f: {  	s12 =	rddreg [dreg:$0x4];
	[sflag:s5] =	ssyncadd.s32 $0xFFFFEC00  }
0x30: {  	[tilespmem:s6], [sflag:$0x5] =	stream.linear.gather [hbm4b:s12+s31], $0x3E80, $0x38;
	[tilespmem:$0x18C80] =	vst v63  }
0x31: {  	_ =	swait.ge [sflag:s5], $0x3E80  }
0x32: {  	[sflag:s5] =	ssyncset.done $0x0  }
0x33: {  	[sflag:s5] =	ssyncadd.s32 $0xFFFFC180  }
0x34: {  	[bflag:$0x0] =	sbarrier.arrive $0xFFFF  }
0x35: {  	[spmem:s2] =	stream.indirect.scatter.add.f32 [tilespmem:s6], [sflag:$0x1], $0x80, s31, s7, $0xb8;
	[tilespmem:$0x18C80] =	vst v63  }
0x36: {  	s1 =	rddreg [dreg:$0x8]  }
0x37: {  	[spmem:s2] =	stream.indirect.scatter.add.f32 [tilespmem:s6], [sflag:$0x2], $0x80, s1, s7, $0xb8;
	[tilespmem:$0x18C80] =	vst v63  }
0x38: {  	s12 =	smov.u32 s0;
	s0 =	rddreg [dreg:$0x9]  }
0x39: {  	[spmem:s2] =	stream.indirect.scatter.add.f32 [tilespmem:s6], [sflag:$0x3], $0x80, s0, s7, $0xb8;
	[tilespmem:$0x18C80] =	vst v63  }
0x3a: {  	s1 =	rddreg [dreg:$0xa]  }
0x3b: {  	[spmem:s2] =	stream.indirect.scatter.add.f32 [tilespmem:s6], [sflag:$0x4], $0x80, s1, s7, $0xb8;
	[tilespmem:$0x18C80] =	vst v63  }
0x3c: {  	_ =	swait.ge [sflag:s8], $0x3E80  }
0x3d: {  	[sflag:s8] =	ssyncset.done $0x0  }
0x3e: {  	s1 =	rddreg [dreg:$0xb];
	[sflag:s8] =	ssyncadd.s32 $0xFFFFC180  }
0x3f: {  	[spmem:s2] =	stream.indirect.scatter.add.f32 [tilespmem:s6], [sflag:$0x1], $0x80, s1, s7, $0xb8;
	[tilespmem:$0x18C80] =	vst v63  }
0x40: {  	_ =	swait.ge [sflag:s9], $0x3E80  }
0x41: {  	[sflag:s9] =	ssyncset.done $0x0  }
0x42: {  	s1 =	rddreg [dreg:$0xc];
	[sflag:s9] =	ssyncadd.s32 $0xFFFFC180  }
0x43: {  	[spmem:s2] =	stream.indirect.scatter.add.f32 [tilespmem:s6], [sflag:$0x2], $0x80, s1, s7, $0xb8;
	[tilespmem:$0x18C80] =	vst v63  }
0x44: {  	_ =	swait.ge [sflag:s10], $0x3E80  }
0x45: {  	[sflag:s10] =	ssyncset.done $0x0  }
0x46: {  	s1 =	rddreg [dreg:$0xd];
	[sflag:s10] =	ssyncadd.s32 $0xFFFFC180  }
0x47: {  	[spmem:s2] =	stream.indirect.scatter.add.f32 [tilespmem:s6], [sflag:$0x3], $0x80, s1, s7, $0xb8;
	[tilespmem:$0x18C80] =	vst v63  }
0x48: {  	_ =	swait.ge [sflag:s11], $0x3E80  }
0x49: {  	[sflag:s11] =	ssyncset.done $0x0  }
0x4a: {  	s1 =	rddreg [dreg:$0xe];
	[sflag:s11] =	ssyncadd.s32 $0xFFFFC180  }
0x4b: {  	[spmem:s2] =	stream.indirect.scatter.add.f32 [tilespmem:s6], [sflag:$0x4], $0x80, s1, s7, $0xb8;
	[tilespmem:$0x18C80] =	vst v63  }
0x4c: {  	_ =	swait.ge [sflag:s8], $0x3E80  }
0x4d: {  	[sflag:s8] =	ssyncset.done $0x0  }
0x4e: {  	s1 =	rddreg [dreg:$0xf];
	[sflag:s8] =	ssyncadd.s32 $0xFFFFC180  }
0x4f: {  	[spmem:s2] =	stream.indirect.scatter.add.f32 [tilespmem:s6], [sflag:$0x1], $0x80, s1, s7, $0xb8;
	[tilespmem:$0x18C80] =	vst v63  }
0x50: {  	_ =	swait.ge [sflag:s9], $0x3E80  }
0x51: {  	[sflag:s9] =	ssyncset.done $0x0  }
0x52: {  	s1 =	rddreg [dreg:$0x10];
	[sflag:s9] =	ssyncadd.s32 $0xFFFFC180  }
0x53: {  	[spmem:s2] =	stream.indirect.scatter.add.f32 [tilespmem:s6], [sflag:$0x2], $0x80, s1, s7, $0xb8;
	[tilespmem:$0x18C80] =	vst v63  }
0x54: {  	_ =	swait.ge [sflag:s10], $0x3E80  }
0x55: {  	[sflag:s10] =	ssyncset.done $0x0  }
0x56: {  	s1 =	rddreg [dreg:$0x11];
	[sflag:s10] =	ssyncadd.s32 $0xFFFFC180  }
0x57: {  	[spmem:s2] =	stream.indirect.scatter.add.f32 [tilespmem:s6], [sflag:$0x3], $0x80, s1, s7, $0xb8;
	[tilespmem:$0x18C80] =	vst v63  }
0x58: {  	_ =	swait.ge [sflag:s11], $0x3E80  }
0x59: {  	[sflag:s11] =	ssyncset.done $0x0  }
0x5a: {  	s1 =	rddreg [dreg:$0x12];
	[sflag:s11] =	ssyncadd.s32 $0xFFFFC180  }
0x5b: {  	[spmem:s2] =	stream.indirect.scatter.add.f32 [tilespmem:s6], [sflag:$0x4], $0x80, s1, s7, $0xb8;
	[tilespmem:$0x18C80] =	vst v63  }
0x5c: {  	_ =	swait.ge [sflag:s8], $0x3E80  }
0x5d: {  	[sflag:s8] =	ssyncset.done $0x0  }
0x5e: {  	s1 =	rddreg [dreg:$0x13];
	[sflag:s8] =	ssyncadd.s32 $0xFFFFC180  }
0x5f: {  	[spmem:s2] =	stream.indirect.scatter.add.f32 [tilespmem:s6], [sflag:$0x1], $0x80, s1, s7, $0xb8;
	[tilespmem:$0x18C80] =	vst v63  }
0x60: {  	_ =	swait.ge [sflag:s9], $0x3E80  }
0x61: {  	[sflag:s9] =	ssyncset.done $0x0  }
0x62: {  	s1 =	rddreg [dreg:$0x14];
	[sflag:s9] =	ssyncadd.s32 $0xFFFFC180  }
0x63: {  	[spmem:s2] =	stream.indirect.scatter.add.f32 [tilespmem:s6], [sflag:$0x2], $0x80, s1, s7, $0xb8;
	[tilespmem:$0x18C80] =	vst v63  }
0x64: {  	_ =	swait.ge [sflag:s10], $0x3E80  }
0x65: {  	[sflag:s10] =	ssyncset.done $0x0  }
0x66: {  	s1 =	rddreg [dreg:$0x15];
	[sflag:s10] =	ssyncadd.s32 $0xFFFFC180  }
0x67: {  	[spmem:s2] =	stream.indirect.scatter.add.f32 [tilespmem:s6], [sflag:$0x3], $0x80, s1, s7, $0xb8;
	[tilespmem:$0x18C80] =	vst v63  }
0x68: {  	_ =	swait.ge [sflag:s11], $0x3E80  }
0x69: {  	[sflag:s11] =	ssyncset.done $0x0  }
0x6a: {  	s1 =	rddreg [dreg:$0x16];
	[sflag:s11] =	ssyncadd.s32 $0xFFFFC180  }
0x6b: {  	[spmem:s2] =	stream.indirect.scatter.add.f32 [tilespmem:s6], [sflag:$0x4], $0x80, s1, s7, $0xb8;
	[tilespmem:$0x18C80] =	vst v63  }
0x6c: {  	_ =	swait.ge [sflag:s8], $0x3E80  }
0x6d: {  	[sflag:s8] =	ssyncset.done $0x0  }
0x6e: {  	s1 =	rddreg [dreg:$0x17];
	[sflag:s8] =	ssyncadd.s32 $0xFFFFC180  }
0x6f: {  	[spmem:s2] =	stream.indirect.scatter.add.f32 [tilespmem:s6], [sflag:$0x1], $0x80, s1, s7, $0xb8;
	[tilespmem:$0x18C80] =	vst v63  }
0x70: {  	_ =	swait.ge [sflag:s9], $0x3E80  }
0x71: {  	[sflag:s9] =	ssyncset.done $0x0  }
0x72: {  	s1 =	rddreg [dreg:$0x18];
	[sflag:s9] =	ssyncadd.s32 $0xFFFFC180  }
0x73: {  	[spmem:s2] =	stream.indirect.scatter.add.f32 [tilespmem:s6], [sflag:$0x2], $0x80, s1, s7, $0xb8;
	[tilespmem:$0x18C80] =	vst v63  }
0x74: {  	_ =	swait.ge [sflag:s10], $0x3E80  }
0x75: {  	[sflag:s10] =	ssyncset.done $0x0  }
0x76: {  	s1 =	rddreg [dreg:$0x19];
	[sflag:s10] =	ssyncadd.s32 $0xFFFFC180  }
0x77: {  	[spmem:s2] =	stream.indirect.scatter.add.f32 [tilespmem:s6], [sflag:$0x3], $0x80, s1, s7, $0xb8;
	[tilespmem:$0x18C80] =	vst v63  }
0x78: {  	_ =	swait.ge [sflag:s11], $0x3E80  }
0x79: {  	[sflag:s11] =	ssyncset.done $0x0  }
0x7a: {  	s1 =	rddreg [dreg:$0x1a];
	[sflag:s11] =	ssyncadd.s32 $0xFFFFC180  }
0x7b: {  	[spmem:s2] =	stream.indirect.scatter.add.f32 [tilespmem:s6], [sflag:$0x4], $0x80, s1, s7, $0xb8;
	[tilespmem:$0x18C80] =	vst v63  }
0x7c: {  	_ =	swait.ge [sflag:s8], $0x3E80  }
0x7d: {  	[sflag:s8] =	ssyncset.done $0x0  }
0x7e: {  	s1 =	rddreg [dreg:$0x1b];
	[sflag:s8] =	ssyncadd.s32 $0xFFFFC180  }
0x7f: {  	[spmem:s2] =	stream.indirect.scatter.add.f32 [tilespmem:s6], [sflag:$0x1], $0x80, s1, s7, $0xb8;
	[tilespmem:$0x18C80] =	vst v63  }
0x80: {  	_ =	swait.ge [sflag:s9], $0x3E80  }
0x81: {  	[sflag:s9] =	ssyncset.done $0x0  }
0x82: {  	s1 =	rddreg [dreg:$0x1c];
	[sflag:s9] =	ssyncadd.s32 $0xFFFFC180  }
0x83: {  	[spmem:s2] =	stream.indirect.scatter.add.f32 [tilespmem:s6], [sflag:$0x2], $0x80, s1, s7, $0xb8;
	[tilespmem:$0x18C80] =	vst v63  }
0x84: {  	_ =	swait.ge [sflag:s10], $0x3E80  }
0x85: {  	[sflag:s10] =	ssyncset.done $0x0  }
0x86: {  	[sflag:s10] =	ssyncadd.s32 $0xFFFFC180  }
0x87: {  	[spmem:s2] =	stream.indirect.scatter.add.f32 [tilespmem:s6], [sflag:$0x3], $0x80, s18, s7, $0xb8;
	[tilespmem:$0x18C80] =	vst v63  }
0x88: {  	_ =	swait.ge [sflag:s11], $0x3E80  }
0x89: {  	[sflag:s11] =	ssyncset.done $0x0  }
0x8a: {  	[sflag:s11] =	ssyncadd.s32 $0xFFFFC180  }
0x8b: {  	[spmem:s2] =	stream.indirect.scatter.add.f32 [tilespmem:s6], [sflag:$0x4], $0x80, s30, s7, $0xb8;
	[tilespmem:$0x18C80] =	vst v63  }
0x8c: {  	_ =	swait.ge [sflag:s8], $0x3E80  }
0x8d: {  	[sflag:s8] =	ssyncset.done $0x0  }
0x8e: {  	[sflag:s8] =	ssyncadd.s32 $0xFFFFC180  }
0x8f: {  	[spmem:s2] =	stream.indirect.scatter.add.f32 [tilespmem:s6], [sflag:$0x1], $0x80, s29, s7, $0xb8;
	[tilespmem:$0x18C80] =	vst v63  }
0x90: {  	_ =	swait.ge [sflag:s9], $0x3E80  }
0x91: {  	[sflag:s9] =	ssyncset.done $0x0  }
0x92: {  	[sflag:s9] =	ssyncadd.s32 $0xFFFFC180  }
0x93: {  	[spmem:s2] =	stream.indirect.scatter.add.f32 [tilespmem:s6], [sflag:$0x2], $0x80, s28, s7, $0xb8;
	[tilespmem:$0x18C80] =	vst v63  }
0x94: {  	_ =	swait.ge [sflag:s10], $0x3E80  }
0x95: {  	[sflag:s10] =	ssyncset.done $0x0  }
0x96: {  	[sflag:s10] =	ssyncadd.s32 $0xFFFFC180  }
0x97: {  	[spmem:s2] =	stream.indirect.scatter.add.f32 [tilespmem:s6], [sflag:$0x3], $0x80, s26, s7, $0xb8;
	[tilespmem:$0x18C80] =	vst v63  }
0x98: {  	_ =	swait.ge [sflag:s11], $0x3E80  }
0x99: {  	[sflag:s11] =	ssyncset.done $0x0  }
0x9a: {  	[sflag:s11] =	ssyncadd.s32 $0xFFFFC180  }
0x9b: {  	[spmem:s2] =	stream.indirect.scatter.add.f32 [tilespmem:s6], [sflag:$0x4], $0x80, s25, s7, $0xb8;
	[tilespmem:$0x18C80] =	vst v63  }
0x9c: {  	_ =	swait.ge [sflag:s8], $0x3E80  }
0x9d: {  	[sflag:s8] =	ssyncset.done $0x0  }
0x9e: {  	[sflag:s8] =	ssyncadd.s32 $0xFFFFC180  }
0x9f: {  	[spmem:s2] =	stream.indirect.scatter.add.f32 [tilespmem:s6], [sflag:$0x1], $0x80, s24, s7, $0xb8;
	[tilespmem:$0x18C80] =	vst v63  }
0xa0: {  	_ =	swait.ge [sflag:s9], $0x3E80  }
0xa1: {  	[sflag:s9] =	ssyncset.done $0x0  }
0xa2: {  	[sflag:s9] =	ssyncadd.s32 $0xFFFFC180  }
0xa3: {  	[spmem:s2] =	stream.indirect.scatter.add.f32 [tilespmem:s6], [sflag:$0x2], $0x80, s23, s7, $0xb8;
	[tilespmem:$0x18C80] =	vst v63  }
0xa4: {  	_ =	swait.ge [sflag:s10], $0x3E80  }
0xa5: {  	[sflag:s10] =	ssyncset.done $0x0  }
0xa6: {  	[sflag:s10] =	ssyncadd.s32 $0xFFFFC180  }
0xa7: {  	[spmem:s2] =	stream.indirect.scatter.add.f32 [tilespmem:s6], [sflag:$0x3], $0x80, s22, s7, $0xb8;
	[tilespmem:$0x18C80] =	vst v63  }
0xa8: {  	_ =	swait.ge [sflag:s11], $0x3E80  }
0xa9: {  	[sflag:s11] =	ssyncset.done $0x0  }
0xaa: {  	[sflag:s11] =	ssyncadd.s32 $0xFFFFC180  }
0xab: {  	[spmem:s2] =	stream.indirect.scatter.add.f32 [tilespmem:s6], [sflag:$0x4], $0x80, s21, s7, $0xb8;
	[tilespmem:$0x18C80] =	vst v63  }
0xac: {  	_ =	swait.ge [sflag:s8], $0x3E80  }
0xad: {  	[sflag:s8] =	ssyncset.done $0x0  }
0xae: {  	[sflag:s8] =	ssyncadd.s32 $0xFFFFC180  }
0xaf: {  	[spmem:s2] =	stream.indirect.scatter.add.f32 [tilespmem:s6], [sflag:$0x1], $0x80, s20, s7, $0xb8;
	[tilespmem:$0x18C80] =	vst v63  }
0xb0: {  	_ =	swait.ge [sflag:s9], $0x3E80  }
0xb1: {  	[sflag:s9] =	ssyncset.done $0x0  }
0xb2: {  	s1 =	simm.s32 $0x1080;
	[sflag:s9] =	ssyncadd.s32 $0xFFFFC180  }
0xb3: {  	[spmem:s2] =	stream.indirect.scatter.add.f32 [tilespmem:s6], [sflag:$0x2], $0x80, s1, s7, $0xb8;
	[tilespmem:$0x18C80] =	vst v63  }
0xb4: {  	_ =	swait.ge [sflag:s10], $0x3E80  }
0xb5: {  	[sflag:s10] =	ssyncset.done $0x0  }
0xb6: {  	[sflag:s10] =	ssyncadd.s32 $0xFFFFC180  }
0xb7: {  	[spmem:s2] =	stream.indirect.scatter.add.f32 [tilespmem:s6], [sflag:$0x3], $0x80, s19, s7, $0xb8;
	[tilespmem:$0x18C80] =	vst v63  }
0xb8: {  	_ =	swait.ge [sflag:s11], $0x3E80  }
0xb9: {  	[sflag:s11] =	ssyncset.done $0x0  }
0xba: {  	[sflag:s11] =	ssyncadd.s32 $0xFFFFC180  }
0xbb: {  	[spmem:s2] =	stream.indirect.scatter.add.f32 [tilespmem:s6], [sflag:$0x4], $0x80, s17, s7, $0xb8;
	[tilespmem:$0x18C80] =	vst v63  }
0xbc: {  	_ =	swait.ge [sflag:s8], $0x3E80  }
0xbd: {  	[sflag:s8] =	ssyncset.done $0x0  }
0xbe: {  	[sflag:s8] =	ssyncadd.s32 $0xFFFFC180  }
0xbf: {  	[spmem:s2] =	stream.indirect.scatter.add.f32 [tilespmem:s6], [sflag:$0x1], $0x80, s16, s7, $0xb8;
	[tilespmem:$0x18C80] =	vst v63  }
0xc0: {  	_ =	swait.ge [sflag:s9], $0x3E80  }
0xc1: {  	[sflag:s9] =	ssyncset.done $0x0  }
0xc2: {  	[sflag:s9] =	ssyncadd.s32 $0xFFFFC180  }
0xc3: {  	[spmem:s2] =	stream.indirect.scatter.add.f32 [tilespmem:s6], [sflag:$0x2], $0x80, s15, s7, $0xb8;
	[tilespmem:$0x18C80] =	vst v63  }
0xc4: {  	_ =	swait.ge [sflag:s10], $0x3E80  }
0xc5: {  	[sflag:s10] =	ssyncset.done $0x0  }
0xc6: {  	[sflag:s10] =	ssyncadd.s32 $0xFFFFC180  }
0xc7: {  	[spmem:s2] =	stream.indirect.scatter.add.f32 [tilespmem:s6], [sflag:$0x3], $0x80, s14, s7, $0xb8;
	[tilespmem:$0x18C80] =	vst v63  }
0xc8: {  	_ =	swait.ge [sflag:s11], $0x3E80  }
0xc9: {  	[sflag:s11] =	ssyncset.done $0x0  }
0xca: {  	[sflag:s11] =	ssyncadd.s32 $0xFFFFC180  }
0xcb: {  	[spmem:s2] =	stream.indirect.scatter.add.f32 [tilespmem:s6], [sflag:$0x4], $0x80, s13, s7, $0xb8;
	[tilespmem:$0x18C80] =	vst v63  }
0xcc: {  	_ =	swait.ge [sflag:s8], $0x3E80  }
0xcd: {  	[sflag:s8] =	ssyncset.done $0x0  }
0xce: {  	[sflag:s8] =	ssyncadd.s32 $0xFFFFC180  }
0xcf: {  	_ =	swait.ge [sflag:s9], $0x3E80  }
0xd0: {  	[sflag:s9] =	ssyncset.done $0x0  }
0xd1: {  	[sflag:s9] =	ssyncadd.s32 $0xFFFFC180  }
0xd2: {  	_ =	swait.ge [sflag:s10], $0x3E80  }
0xd3: {  	[sflag:s10] =	ssyncset.done $0x0  }
0xd4: {  	[sflag:s10] =	ssyncadd.s32 $0xFFFFC180  }
0xd5: {  	_ =	swait.ge [sflag:s11], $0x3E80  }
0xd6: {  	[sflag:s11] =	ssyncset.done $0x0  }
0xd7: {  	p1 =	sne.s32 s12, $0x1;
	[sflag:s11] =	ssyncadd.s32 $0xFFFFC180  }
.Ltmp1:
0xd8: {  	[bflag:$0x0] =	sbarrier.arrive $0xFFFF;
	(pc) =	sbr.rel @!p1 .LBB2_3-.Ltmp1, $4  }
0xd9: {  	s1 =	rddreg [dreg:$0x7]  }
0xda: {  	[hbm:s1], [sflag:s3] =	dma.local [spmem:s4], $0x2800  }
0xdb: {  	p0 =	por $0x1, $0x1;
	_ =	swait.ge [sflag:s5], $0x2800  }
0xdc: {  	s0 =	sadd.s32 $0xFFFFFFFF, s12;
	s1 =	rddreg [dreg:$0x5];
	[sflag:s5] =	ssyncset.done $0x0  }
.LBB2_4:
0xdd: {  	[sflag:s5] =	ssyncadd.s32 $0xFFFFD800  }
0xde: {  	[spmem:s4], [sflag:s3] =	dma.local [hbm:s1], $0x2800  }
0xdf: {  	_ =	swait.ge [sflag:s5], $0x2800  }
0xe0: {  	[sflag:s5] =	ssyncset.done $0x0  }
0xe1: {  	s12 =	rddreg [dreg:$0x6];
	[sflag:s5] =	ssyncadd.s32 $0xFFFFD800  }
0xe2: {  	[tilespmem:s31], [sflag:$0x5] =	stream.linear.gather [hbm4b:s12+s31], $0x1400, $0x38;
	[tilespmem:$0x18C80] =	vst v63  }
0xe3: {  	_ =	swait.ge [sflag:s5], $0x1400  }
0xe4: {  	[sflag:s5] =	ssyncset.done $0x0  }
0xe5: {  	s12 =	rddreg [dreg:$0x4];
	[sflag:s5] =	ssyncadd.s32 $0xFFFFEC00  }
0xe6: {  	[tilespmem:s6], [sflag:$0x5] =	stream.linear.gather [hbm4b:s12+s31], $0x3E80, $0x38;
	[tilespmem:$0x18C80] =	vst v63  }
0xe7: {  	_ =	swait.ge [sflag:s5], $0x3E80  }
0xe8: {  	[sflag:s5] =	ssyncset.done $0x0  }
0xe9: {  	[sflag:s5] =	ssyncadd.s32 $0xFFFFC180  }
0xea: {  	[bflag:$0x0] =	sbarrier.arrive $0xFFFF  }
0xeb: {  	[spmem:s2] =	stream.indirect.scatter.add.f32 [tilespmem:s6], [sflag:$0x1], $0x80, s31, s7, $0xb8;
	[tilespmem:$0x18C80] =	vst v63  }
0xec: {  	s1 =	rddreg [dreg:$0x8]  }
0xed: {  	[spmem:s2] =	stream.indirect.scatter.add.f32 [tilespmem:s6], [sflag:$0x2], $0x80, s1, s7, $0xb8;
	[tilespmem:$0x18C80] =	vst v63  }
0xee: {  	s12 =	rddreg [dreg:$0x9]  }
0xef: {  	[spmem:s2] =	stream.indirect.scatter.add.f32 [tilespmem:s6], [sflag:$0x3], $0x80, s12, s7, $0xb8;
	[tilespmem:$0x18C80] =	vst v63  }
0xf0: {  	s1 =	rddreg [dreg:$0xa]  }
0xf1: {  	[spmem:s2] =	stream.indirect.scatter.add.f32 [tilespmem:s6], [sflag:$0x4], $0x80, s1, s7, $0xb8;
	[tilespmem:$0x18C80] =	vst v63  }
0xf2: {  	_ =	swait.ge [sflag:s8], $0x3E80  }
0xf3: {  	[sflag:s8] =	ssyncset.done $0x0  }
0xf4: {  	s12 =	rddreg [dreg:$0xb];
	[sflag:s8] =	ssyncadd.s32 $0xFFFFC180  }
0xf5: {  	[spmem:s2] =	stream.indirect.scatter.add.f32 [tilespmem:s6], [sflag:$0x1], $0x80, s12, s7, $0xb8;
	[tilespmem:$0x18C80] =	vst v63  }
0xf6: {  	_ =	swait.ge [sflag:s9], $0x3E80  }
0xf7: {  	[sflag:s9] =	ssyncset.done $0x0  }
0xf8: {  	s12 =	rddreg [dreg:$0xc];
	[sflag:s9] =	ssyncadd.s32 $0xFFFFC180  }
0xf9: {  	[spmem:s2] =	stream.indirect.scatter.add.f32 [tilespmem:s6], [sflag:$0x2], $0x80, s12, s7, $0xb8;
	[tilespmem:$0x18C80] =	vst v63  }
0xfa: {  	_ =	swait.ge [sflag:s10], $0x3E80  }
0xfb: {  	[sflag:s10] =	ssyncset.done $0x0  }
0xfc: {  	s12 =	rddreg [dreg:$0xd];
	[sflag:s10] =	ssyncadd.s32 $0xFFFFC180  }
0xfd: {  	[spmem:s2] =	stream.indirect.scatter.add.f32 [tilespmem:s6], [sflag:$0x3], $0x80, s12, s7, $0xb8;
	[tilespmem:$0x18C80] =	vst v63  }
0xfe: {  	_ =	swait.ge [sflag:s11], $0x3E80  }
0xff: {  	[sflag:s11] =	ssyncset.done $0x0  }
0x100: {  	s12 =	rddreg [dreg:$0xe];
	[sflag:s11] =	ssyncadd.s32 $0xFFFFC180  }
0x101: {  	[spmem:s2] =	stream.indirect.scatter.add.f32 [tilespmem:s6], [sflag:$0x4], $0x80, s12, s7, $0xb8;
	[tilespmem:$0x18C80] =	vst v63  }
0x102: {  	_ =	swait.ge [sflag:s8], $0x3E80  }
0x103: {  	[sflag:s8] =	ssyncset.done $0x0  }
0x104: {  	s12 =	rddreg [dreg:$0xf];
	[sflag:s8] =	ssyncadd.s32 $0xFFFFC180  }
0x105: {  	[spmem:s2] =	stream.indirect.scatter.add.f32 [tilespmem:s6], [sflag:$0x1], $0x80, s12, s7, $0xb8;
	[tilespmem:$0x18C80] =	vst v63  }
0x106: {  	_ =	swait.ge [sflag:s9], $0x3E80  }
0x107: {  	[sflag:s9] =	ssyncset.done $0x0  }
0x108: {  	s12 =	rddreg [dreg:$0x10];
	[sflag:s9] =	ssyncadd.s32 $0xFFFFC180  }
0x109: {  	[spmem:s2] =	stream.indirect.scatter.add.f32 [tilespmem:s6], [sflag:$0x2], $0x80, s12, s7, $0xb8;
	[tilespmem:$0x18C80] =	vst v63  }
0x10a: {  	_ =	swait.ge [sflag:s10], $0x3E80  }
0x10b: {  	[sflag:s10] =	ssyncset.done $0x0  }
0x10c: {  	s12 =	rddreg [dreg:$0x11];
	[sflag:s10] =	ssyncadd.s32 $0xFFFFC180  }
0x10d: {  	[spmem:s2] =	stream.indirect.scatter.add.f32 [tilespmem:s6], [sflag:$0x3], $0x80, s12, s7, $0xb8;
	[tilespmem:$0x18C80] =	vst v63  }
0x10e: {  	_ =	swait.ge [sflag:s11], $0x3E80  }
0x10f: {  	[sflag:s11] =	ssyncset.done $0x0  }
0x110: {  	s12 =	rddreg [dreg:$0x12];
	[sflag:s11] =	ssyncadd.s32 $0xFFFFC180  }
0x111: {  	[spmem:s2] =	stream.indirect.scatter.add.f32 [tilespmem:s6], [sflag:$0x4], $0x80, s12, s7, $0xb8;
	[tilespmem:$0x18C80] =	vst v63  }
0x112: {  	_ =	swait.ge [sflag:s8], $0x3E80  }
0x113: {  	[sflag:s8] =	ssyncset.done $0x0  }
0x114: {  	s12 =	rddreg [dreg:$0x13];
	[sflag:s8] =	ssyncadd.s32 $0xFFFFC180  }
0x115: {  	[spmem:s2] =	stream.indirect.scatter.add.f32 [tilespmem:s6], [sflag:$0x1], $0x80, s12, s7, $0xb8;
	[tilespmem:$0x18C80] =	vst v63  }
0x116: {  	_ =	swait.ge [sflag:s9], $0x3E80  }
0x117: {  	[sflag:s9] =	ssyncset.done $0x0  }
0x118: {  	s12 =	rddreg [dreg:$0x14];
	[sflag:s9] =	ssyncadd.s32 $0xFFFFC180  }
0x119: {  	[spmem:s2] =	stream.indirect.scatter.add.f32 [tilespmem:s6], [sflag:$0x2], $0x80, s12, s7, $0xb8;
	[tilespmem:$0x18C80] =	vst v63  }
0x11a: {  	_ =	swait.ge [sflag:s10], $0x3E80  }
0x11b: {  	[sflag:s10] =	ssyncset.done $0x0  }
0x11c: {  	s12 =	rddreg [dreg:$0x15];
	[sflag:s10] =	ssyncadd.s32 $0xFFFFC180  }
0x11d: {  	[spmem:s2] =	stream.indirect.scatter.add.f32 [tilespmem:s6], [sflag:$0x3], $0x80, s12, s7, $0xb8;
	[tilespmem:$0x18C80] =	vst v63  }
0x11e: {  	_ =	swait.ge [sflag:s11], $0x3E80  }
0x11f: {  	[sflag:s11] =	ssyncset.done $0x0  }
0x120: {  	s12 =	rddreg [dreg:$0x16];
	[sflag:s11] =	ssyncadd.s32 $0xFFFFC180  }
0x121: {  	[spmem:s2] =	stream.indirect.scatter.add.f32 [tilespmem:s6], [sflag:$0x4], $0x80, s12, s7, $0xb8;
	[tilespmem:$0x18C80] =	vst v63  }
0x122: {  	_ =	swait.ge [sflag:s8], $0x3E80  }
0x123: {  	[sflag:s8] =	ssyncset.done $0x0  }
0x124: {  	s12 =	rddreg [dreg:$0x17];
	[sflag:s8] =	ssyncadd.s32 $0xFFFFC180  }
0x125: {  	[spmem:s2] =	stream.indirect.scatter.add.f32 [tilespmem:s6], [sflag:$0x1], $0x80, s12, s7, $0xb8;
	[tilespmem:$0x18C80] =	vst v63  }
0x126: {  	_ =	swait.ge [sflag:s9], $0x3E80  }
0x127: {  	[sflag:s9] =	ssyncset.done $0x0  }
0x128: {  	s12 =	rddreg [dreg:$0x18];
	[sflag:s9] =	ssyncadd.s32 $0xFFFFC180  }
0x129: {  	[spmem:s2] =	stream.indirect.scatter.add.f32 [tilespmem:s6], [sflag:$0x2], $0x80, s12, s7, $0xb8;
	[tilespmem:$0x18C80] =	vst v63  }
0x12a: {  	_ =	swait.ge [sflag:s10], $0x3E80  }
0x12b: {  	[sflag:s10] =	ssyncset.done $0x0  }
0x12c: {  	s12 =	rddreg [dreg:$0x19];
	[sflag:s10] =	ssyncadd.s32 $0xFFFFC180  }
0x12d: {  	[spmem:s2] =	stream.indirect.scatter.add.f32 [tilespmem:s6], [sflag:$0x3], $0x80, s12, s7, $0xb8;
	[tilespmem:$0x18C80] =	vst v63  }
0x12e: {  	_ =	swait.ge [sflag:s11], $0x3E80  }
0x12f: {  	[sflag:s11] =	ssyncset.done $0x0  }
0x130: {  	s12 =	rddreg [dreg:$0x1a];
	[sflag:s11] =	ssyncadd.s32 $0xFFFFC180  }
0x131: {  	[spmem:s2] =	stream.indirect.scatter.add.f32 [tilespmem:s6], [sflag:$0x4], $0x80, s12, s7, $0xb8;
	[tilespmem:$0x18C80] =	vst v63  }
0x132: {  	_ =	swait.ge [sflag:s8], $0x3E80  }
0x133: {  	[sflag:s8] =	ssyncset.done $0x0  }
0x134: {  	s12 =	rddreg [dreg:$0x1b];
	[sflag:s8] =	ssyncadd.s32 $0xFFFFC180  }
0x135: {  	[spmem:s2] =	stream.indirect.scatter.add.f32 [tilespmem:s6], [sflag:$0x1], $0x80, s12, s7, $0xb8;
	[tilespmem:$0x18C80] =	vst v63  }
0x136: {  	_ =	swait.ge [sflag:s9], $0x3E80  }
0x137: {  	[sflag:s9] =	ssyncset.done $0x0  }
0x138: {  	s12 =	rddreg [dreg:$0x1c];
	[sflag:s9] =	ssyncadd.s32 $0xFFFFC180  }
0x139: {  	[spmem:s2] =	stream.indirect.scatter.add.f32 [tilespmem:s6], [sflag:$0x2], $0x80, s12, s7, $0xb8;
	[tilespmem:$0x18C80] =	vst v63  }
0x13a: {  	_ =	swait.ge [sflag:s10], $0x3E80  }
0x13b: {  	[sflag:s10] =	ssyncset.done $0x0  }
0x13c: {  	[sflag:s10] =	ssyncadd.s32 $0xFFFFC180  }
0x13d: {  	[spmem:s2] =	stream.indirect.scatter.add.f32 [tilespmem:s6], [sflag:$0x3], $0x80, s18, s7, $0xb8;
	[tilespmem:$0x18C80] =	vst v63  }
0x13e: {  	_ =	swait.ge [sflag:s11], $0x3E80  }
0x13f: {  	[sflag:s11] =	ssyncset.done $0x0  }
0x140: {  	[sflag:s11] =	ssyncadd.s32 $0xFFFFC180  }
0x141: {  	[spmem:s2] =	stream.indirect.scatter.add.f32 [tilespmem:s6], [sflag:$0x4], $0x80, s30, s7, $0xb8;
	[tilespmem:$0x18C80] =	vst v63  }
0x142: {  	_ =	swait.ge [sflag:s8], $0x3E80  }
0x143: {  	[sflag:s8] =	ssyncset.done $0x0  }
0x144: {  	[sflag:s8] =	ssyncadd.s32 $0xFFFFC180  }
0x145: {  	[spmem:s2] =	stream.indirect.scatter.add.f32 [tilespmem:s6], [sflag:$0x1], $0x80, s29, s7, $0xb8;
	[tilespmem:$0x18C80] =	vst v63  }
0x146: {  	_ =	swait.ge [sflag:s9], $0x3E80  }
0x147: {  	[sflag:s9] =	ssyncset.done $0x0  }
0x148: {  	[sflag:s9] =	ssyncadd.s32 $0xFFFFC180  }
0x149: {  	[spmem:s2] =	stream.indirect.scatter.add.f32 [tilespmem:s6], [sflag:$0x2], $0x80, s28, s7, $0xb8;
	[tilespmem:$0x18C80] =	vst v63  }
0x14a: {  	_ =	swait.ge [sflag:s10], $0x3E80  }
0x14b: {  	[sflag:s10] =	ssyncset.done $0x0  }
0x14c: {  	[sflag:s10] =	ssyncadd.s32 $0xFFFFC180  }
0x14d: {  	[spmem:s2] =	stream.indirect.scatter.add.f32 [tilespmem:s6], [sflag:$0x3], $0x80, s26, s7, $0xb8;
	[tilespmem:$0x18C80] =	vst v63  }
0x14e: {  	_ =	swait.ge [sflag:s11], $0x3E80  }
0x14f: {  	[sflag:s11] =	ssyncset.done $0x0  }
0x150: {  	[sflag:s11] =	ssyncadd.s32 $0xFFFFC180  }
0x151: {  	[spmem:s2] =	stream.indirect.scatter.add.f32 [tilespmem:s6], [sflag:$0x4], $0x80, s25, s7, $0xb8;
	[tilespmem:$0x18C80] =	vst v63  }
0x152: {  	_ =	swait.ge [sflag:s8], $0x3E80  }
0x153: {  	[sflag:s8] =	ssyncset.done $0x0  }
0x154: {  	[sflag:s8] =	ssyncadd.s32 $0xFFFFC180  }
0x155: {  	[spmem:s2] =	stream.indirect.scatter.add.f32 [tilespmem:s6], [sflag:$0x1], $0x80, s24, s7, $0xb8;
	[tilespmem:$0x18C80] =	vst v63  }
0x156: {  	_ =	swait.ge [sflag:s9], $0x3E80  }
0x157: {  	[sflag:s9] =	ssyncset.done $0x0  }
0x158: {  	[sflag:s9] =	ssyncadd.s32 $0xFFFFC180  }
0x159: {  	[spmem:s2] =	stream.indirect.scatter.add.f32 [tilespmem:s6], [sflag:$0x2], $0x80, s23, s7, $0xb8;
	[tilespmem:$0x18C80] =	vst v63  }
0x15a: {  	_ =	swait.ge [sflag:s10], $0x3E80  }
0x15b: {  	[sflag:s10] =	ssyncset.done $0x0  }
0x15c: {  	[sflag:s10] =	ssyncadd.s32 $0xFFFFC180  }
0x15d: {  	[spmem:s2] =	stream.indirect.scatter.add.f32 [tilespmem:s6], [sflag:$0x3], $0x80, s22, s7, $0xb8;
	[tilespmem:$0x18C80] =	vst v63  }
0x15e: {  	_ =	swait.ge [sflag:s11], $0x3E80  }
0x15f: {  	[sflag:s11] =	ssyncset.done $0x0  }
0x160: {  	[sflag:s11] =	ssyncadd.s32 $0xFFFFC180  }
0x161: {  	[spmem:s2] =	stream.indirect.scatter.add.f32 [tilespmem:s6], [sflag:$0x4], $0x80, s21, s7, $0xb8;
	[tilespmem:$0x18C80] =	vst v63  }
0x162: {  	_ =	swait.ge [sflag:s8], $0x3E80  }
0x163: {  	[sflag:s8] =	ssyncset.done $0x0  }
0x164: {  	[sflag:s8] =	ssyncadd.s32 $0xFFFFC180  }
0x165: {  	[spmem:s2] =	stream.indirect.scatter.add.f32 [tilespmem:s6], [sflag:$0x1], $0x80, s20, s7, $0xb8;
	[tilespmem:$0x18C80] =	vst v63  }
0x166: {  	_ =	swait.ge [sflag:s9], $0x3E80  }
0x167: {  	[sflag:s9] =	ssyncset.done $0x0  }
0x168: {  	s12 =	simm.s32 $0x1080;
	[sflag:s9] =	ssyncadd.s32 $0xFFFFC180  }
0x169: {  	[spmem:s2] =	stream.indirect.scatter.add.f32 [tilespmem:s6], [sflag:$0x2], $0x80, s12, s7, $0xb8;
	[tilespmem:$0x18C80] =	vst v63  }
0x16a: {  	_ =	swait.ge [sflag:s10], $0x3E80  }
0x16b: {  	[sflag:s10] =	ssyncset.done $0x0  }
0x16c: {  	[sflag:s10] =	ssyncadd.s32 $0xFFFFC180  }
0x16d: {  	[spmem:s2] =	stream.indirect.scatter.add.f32 [tilespmem:s6], [sflag:$0x3], $0x80, s19, s7, $0xb8;
	[tilespmem:$0x18C80] =	vst v63  }
0x16e: {  	_ =	swait.ge [sflag:s11], $0x3E80  }
0x16f: {  	[sflag:s11] =	ssyncset.done $0x0  }
0x170: {  	[sflag:s11] =	ssyncadd.s32 $0xFFFFC180  }
0x171: {  	[spmem:s2] =	stream.indirect.scatter.add.f32 [tilespmem:s6], [sflag:$0x4], $0x80, s17, s7, $0xb8;
	[tilespmem:$0x18C80] =	vst v63  }
0x172: {  	_ =	swait.ge [sflag:s8], $0x3E80  }
0x173: {  	[sflag:s8] =	ssyncset.done $0x0  }
0x174: {  	[sflag:s8] =	ssyncadd.s32 $0xFFFFC180  }
0x175: {  	[spmem:s2] =	stream.indirect.scatter.add.f32 [tilespmem:s6], [sflag:$0x1], $0x80, s16, s7, $0xb8;
	[tilespmem:$0x18C80] =	vst v63  }
0x176: {  	_ =	swait.ge [sflag:s9], $0x3E80  }
0x177: {  	[sflag:s9] =	ssyncset.done $0x0  }
0x178: {  	[sflag:s9] =	ssyncadd.s32 $0xFFFFC180  }
0x179: {  	[spmem:s2] =	stream.indirect.scatter.add.f32 [tilespmem:s6], [sflag:$0x2], $0x80, s15, s7, $0xb8;
	[tilespmem:$0x18C80] =	vst v63  }
0x17a: {  	_ =	swait.ge [sflag:s10], $0x3E80  }
0x17b: {  	[sflag:s10] =	ssyncset.done $0x0  }
0x17c: {  	[sflag:s10] =	ssyncadd.s32 $0xFFFFC180  }
0x17d: {  	[spmem:s2] =	stream.indirect.scatter.add.f32 [tilespmem:s6], [sflag:$0x3], $0x80, s14, s7, $0xb8;
	[tilespmem:$0x18C80] =	vst v63  }
0x17e: {  	_ =	swait.ge [sflag:s11], $0x3E80  }
0x17f: {  	[sflag:s11] =	ssyncset.done $0x0  }
0x180: {  	[sflag:s11] =	ssyncadd.s32 $0xFFFFC180  }
0x181: {  	[spmem:s2] =	stream.indirect.scatter.add.f32 [tilespmem:s6], [sflag:$0x4], $0x80, s13, s7, $0xb8;
	[tilespmem:$0x18C80] =	vst v63  }
0x182: {  	_ =	swait.ge [sflag:s8], $0x3E80  }
0x183: {  	[sflag:s8] =	ssyncset.done $0x0  }
0x184: {  	[sflag:s8] =	ssyncadd.s32 $0xFFFFC180  }
0x185: {  	_ =	swait.ge [sflag:s9], $0x3E80  }
0x186: {  	[sflag:s9] =	ssyncset.done $0x0  }
0x187: {  	[sflag:s9] =	ssyncadd.s32 $0xFFFFC180  }
0x188: {  	_ =	swait.ge [sflag:s10], $0x3E80  }
0x189: {  	[sflag:s10] =	ssyncset.done $0x0  }
0x18a: {  	[sflag:s10] =	ssyncadd.s32 $0xFFFFC180  }
0x18b: {  	_ =	swait.ge [sflag:s11], $0x3E80  }
0x18c: {  	[sflag:s11] =	ssyncset.done $0x0  }
0x18d: {  	p1 =	sne.s32 s0, $0x1;
	[sflag:s11] =	ssyncadd.s32 $0xFFFFC180  }
.Ltmp2:
0x18e: {  	[bflag:$0x0] =	sbarrier.arrive $0xFFFF;
	(pc) =	sbr.rel @p1 .LBB2_4-.Ltmp2, $4  }
0x18f: {  	s12 =	rddreg [dreg:$0x7]  }
0x190: {  	[hbm:s12], [sflag:s3] =	dma.local [spmem:s4], $0x2800  }
0x191: {  	_ =	swait.ge [sflag:s5], $0x2800  }
0x192: {  	s0 =	sadd.s32 $0xFFFFFFFF, s0;
	s1 =	rddreg [dreg:$0x5];
	[sflag:s5] =	ssyncset.done $0x0  }
0x193: {  	s13 =	simm.s32 $0xB00;
	s30 =	simm.s32 $0xB80;
	s29 =	simm.s32 $0xC00  }
0x194: {  	s28 =	simm.s32 $0xC80;
	s26 =	simm.s32 $0xD00;
	s25 =	simm.s32 $0xD80  }
0x195: {  	s24 =	simm.s32 $0xE00;
	s23 =	simm.s32 $0xE80;
	s22 =	simm.s32 $0xF00  }
0x196: {  	s21 =	simm.s32 $0xF80;
	s20 =	simm.s32 $0x1000;
	s19 =	simm.s32 $0x1100  }
0x197: {  	s18 =	simm.s32 $0x1080;
	s17 =	simm.s32 $0x1180;
	s16 =	simm.s32 $0x1200  }
0x198: {  	s15 =	simm.s32 $0x1280;
	s14 =	simm.s32 $0x1300;
	s12 =	rddreg [dreg:$0x3]  }
.LBB2_6:
0x199: {  	[sflag:s5] =	ssyncadd.s32 @p0 $0xFFFFD800  }
0x19a: {  	[spmem:s4], [sflag:s3] =	dma.local [hbm:s1], $0x2800  }
0x19b: {  	_ =	swait.ge [sflag:s5], $0x2800  }
0x19c: {  	[sflag:s5] =	ssyncset.done $0x0  }
0x19d: {  	s0 =	rddreg [dreg:$0x6];
	[sflag:s5] =	ssyncadd.s32 $0xFFFFD800  }
0x19e: {  	[tilespmem:s31], [sflag:$0x5] =	stream.linear.gather [hbm4b:s0+s31], $0x1400, $0x38;
	[tilespmem:$0x18C80] =	vst v63  }
0x19f: {  	_ =	swait.ge [sflag:s5], $0x1400  }
0x1a0: {  	[sflag:s5] =	ssyncset.done $0x0  }
0x1a1: {  	s1 =	rddreg [dreg:$0x4];
	[sflag:s5] =	ssyncadd.s32 $0xFFFFEC00  }
0x1a2: {  	[tilespmem:s6], [sflag:$0x5] =	stream.linear.gather [hbm4b:s1+s31], $0x3E80, $0x38;
	[tilespmem:$0x18C80] =	vst v63  }
0x1a3: {  	_ =	swait.ge [sflag:s5], $0x3E80  }
0x1a4: {  	[sflag:s5] =	ssyncset.done $0x0  }
0x1a5: {  	[sflag:s5] =	ssyncadd.s32 $0xFFFFC180  }
0x1a6: {  	[bflag:$0x0] =	sbarrier.arrive $0xFFFF  }
0x1a7: {  	[spmem:s2] =	stream.indirect.scatter.add.f32 [tilespmem:s6], [sflag:$0x1], $0x80, s31, s7, $0xb8;
	[tilespmem:$0x18C80] =	vst v63  }
0x1a8: {  	s0 =	rddreg [dreg:$0x8]  }
0x1a9: {  	[spmem:s2] =	stream.indirect.scatter.add.f32 [tilespmem:s6], [sflag:$0x2], $0x80, s0, s7, $0xb8;
	[tilespmem:$0x18C80] =	vst v63  }
0x1aa: {  	s1 =	rddreg [dreg:$0x9]  }
0x1ab: {  	[spmem:s2] =	stream.indirect.scatter.add.f32 [tilespmem:s6], [sflag:$0x3], $0x80, s1, s7, $0xb8;
	[tilespmem:$0x18C80] =	vst v63  }
0x1ac: {  	s31 =	rddreg [dreg:$0xa]  }
0x1ad: {  	[spmem:s2] =	stream.indirect.scatter.add.f32 [tilespmem:s6], [sflag:$0x4], $0x80, s31, s7, $0xb8;
	[tilespmem:$0x18C80] =	vst v63  }
0x1ae: {  	_ =	swait.ge [sflag:s8], $0x3E80  }
0x1af: {  	[sflag:s8] =	ssyncset.done $0x0  }
0x1b0: {  	s31 =	rddreg [dreg:$0xb];
	[sflag:s8] =	ssyncadd.s32 $0xFFFFC180  }
0x1b1: {  	[spmem:s2] =	stream.indirect.scatter.add.f32 [tilespmem:s6], [sflag:$0x1], $0x80, s31, s7, $0xb8;
	[tilespmem:$0x18C80] =	vst v63  }
0x1b2: {  	_ =	swait.ge [sflag:s9], $0x3E80  }
0x1b3: {  	[sflag:s9] =	ssyncset.done $0x0  }
0x1b4: {  	s1 =	rddreg [dreg:$0xc];
	[sflag:s9] =	ssyncadd.s32 $0xFFFFC180  }
0x1b5: {  	[spmem:s2] =	stream.indirect.scatter.add.f32 [tilespmem:s6], [sflag:$0x2], $0x80, s1, s7, $0xb8;
	[tilespmem:$0x18C80] =	vst v63  }
0x1b6: {  	_ =	swait.ge [sflag:s10], $0x3E80  }
0x1b7: {  	[sflag:s10] =	ssyncset.done $0x0  }
0x1b8: {  	s31 =	rddreg [dreg:$0xd];
	[sflag:s10] =	ssyncadd.s32 $0xFFFFC180  }
0x1b9: {  	[spmem:s2] =	stream.indirect.scatter.add.f32 [tilespmem:s6], [sflag:$0x3], $0x80, s31, s7, $0xb8;
	[tilespmem:$0x18C80] =	vst v63  }
0x1ba: {  	_ =	swait.ge [sflag:s11], $0x3E80  }
0x1bb: {  	[sflag:s11] =	ssyncset.done $0x0  }
0x1bc: {  	s1 =	rddreg [dreg:$0xe];
	[sflag:s11] =	ssyncadd.s32 $0xFFFFC180  }
0x1bd: {  	[spmem:s2] =	stream.indirect.scatter.add.f32 [tilespmem:s6], [sflag:$0x4], $0x80, s1, s7, $0xb8;
	[tilespmem:$0x18C80] =	vst v63  }
0x1be: {  	_ =	swait.ge [sflag:s8], $0x3E80  }
0x1bf: {  	[sflag:s8] =	ssyncset.done $0x0  }
0x1c0: {  	s31 =	rddreg [dreg:$0xf];
	[sflag:s8] =	ssyncadd.s32 $0xFFFFC180  }
0x1c1: {  	[spmem:s2] =	stream.indirect.scatter.add.f32 [tilespmem:s6], [sflag:$0x1], $0x80, s31, s7, $0xb8;
	[tilespmem:$0x18C80] =	vst v63  }
0x1c2: {  	_ =	swait.ge [sflag:s9], $0x3E80  }
0x1c3: {  	[sflag:s9] =	ssyncset.done $0x0  }
0x1c4: {  	s1 =	rddreg [dreg:$0x10];
	[sflag:s9] =	ssyncadd.s32 $0xFFFFC180  }
0x1c5: {  	[spmem:s2] =	stream.indirect.scatter.add.f32 [tilespmem:s6], [sflag:$0x2], $0x80, s1, s7, $0xb8;
	[tilespmem:$0x18C80] =	vst v63  }
0x1c6: {  	_ =	swait.ge [sflag:s10], $0x3E80  }
0x1c7: {  	[sflag:s10] =	ssyncset.done $0x0  }
0x1c8: {  	s31 =	rddreg [dreg:$0x11];
	[sflag:s10] =	ssyncadd.s32 $0xFFFFC180  }
0x1c9: {  	[spmem:s2] =	stream.indirect.scatter.add.f32 [tilespmem:s6], [sflag:$0x3], $0x80, s31, s7, $0xb8;
	[tilespmem:$0x18C80] =	vst v63  }
0x1ca: {  	_ =	swait.ge [sflag:s11], $0x3E80  }
0x1cb: {  	[sflag:s11] =	ssyncset.done $0x0  }
0x1cc: {  	s1 =	rddreg [dreg:$0x12];
	[sflag:s11] =	ssyncadd.s32 $0xFFFFC180  }
0x1cd: {  	[spmem:s2] =	stream.indirect.scatter.add.f32 [tilespmem:s6], [sflag:$0x4], $0x80, s1, s7, $0xb8;
	[tilespmem:$0x18C80] =	vst v63  }
0x1ce: {  	_ =	swait.ge [sflag:s8], $0x3E80  }
0x1cf: {  	[sflag:s8] =	ssyncset.done $0x0  }
0x1d0: {  	s31 =	rddreg [dreg:$0x13];
	[sflag:s8] =	ssyncadd.s32 $0xFFFFC180  }
0x1d1: {  	[spmem:s2] =	stream.indirect.scatter.add.f32 [tilespmem:s6], [sflag:$0x1], $0x80, s31, s7, $0xb8;
	[tilespmem:$0x18C80] =	vst v63  }
0x1d2: {  	_ =	swait.ge [sflag:s9], $0x3E80  }
0x1d3: {  	[sflag:s9] =	ssyncset.done $0x0  }
0x1d4: {  	s1 =	rddreg [dreg:$0x14];
	[sflag:s9] =	ssyncadd.s32 $0xFFFFC180  }
0x1d5: {  	[spmem:s2] =	stream.indirect.scatter.add.f32 [tilespmem:s6], [sflag:$0x2], $0x80, s1, s7, $0xb8;
	[tilespmem:$0x18C80] =	vst v63  }
0x1d6: {  	_ =	swait.ge [sflag:s10], $0x3E80  }
0x1d7: {  	[sflag:s10] =	ssyncset.done $0x0  }
0x1d8: {  	s31 =	rddreg [dreg:$0x15];
	[sflag:s10] =	ssyncadd.s32 $0xFFFFC180  }
0x1d9: {  	[spmem:s2] =	stream.indirect.scatter.add.f32 [tilespmem:s6], [sflag:$0x3], $0x80, s31, s7, $0xb8;
	[tilespmem:$0x18C80] =	vst v63  }
0x1da: {  	_ =	swait.ge [sflag:s11], $0x3E80  }
0x1db: {  	[sflag:s11] =	ssyncset.done $0x0  }
0x1dc: {  	s1 =	rddreg [dreg:$0x16];
	[sflag:s11] =	ssyncadd.s32 $0xFFFFC180  }
0x1dd: {  	[spmem:s2] =	stream.indirect.scatter.add.f32 [tilespmem:s6], [sflag:$0x4], $0x80, s1, s7, $0xb8;
	[tilespmem:$0x18C80] =	vst v63  }
0x1de: {  	_ =	swait.ge [sflag:s8], $0x3E80  }
0x1df: {  	[sflag:s8] =	ssyncset.done $0x0  }
0x1e0: {  	s31 =	rddreg [dreg:$0x17];
	[sflag:s8] =	ssyncadd.s32 $0xFFFFC180  }
0x1e1: {  	[spmem:s2] =	stream.indirect.scatter.add.f32 [tilespmem:s6], [sflag:$0x1], $0x80, s31, s7, $0xb8;
	[tilespmem:$0x18C80] =	vst v63  }
0x1e2: {  	_ =	swait.ge [sflag:s9], $0x3E80  }
0x1e3: {  	[sflag:s9] =	ssyncset.done $0x0  }
0x1e4: {  	s1 =	rddreg [dreg:$0x18];
	[sflag:s9] =	ssyncadd.s32 $0xFFFFC180  }
0x1e5: {  	[spmem:s2] =	stream.indirect.scatter.add.f32 [tilespmem:s6], [sflag:$0x2], $0x80, s1, s7, $0xb8;
	[tilespmem:$0x18C80] =	vst v63  }
0x1e6: {  	_ =	swait.ge [sflag:s10], $0x3E80  }
0x1e7: {  	[sflag:s10] =	ssyncset.done $0x0  }
0x1e8: {  	s31 =	rddreg [dreg:$0x19];
	[sflag:s10] =	ssyncadd.s32 $0xFFFFC180  }
0x1e9: {  	[spmem:s2] =	stream.indirect.scatter.add.f32 [tilespmem:s6], [sflag:$0x3], $0x80, s31, s7, $0xb8;
	[tilespmem:$0x18C80] =	vst v63  }
0x1ea: {  	_ =	swait.ge [sflag:s11], $0x3E80  }
0x1eb: {  	[sflag:s11] =	ssyncset.done $0x0  }
0x1ec: {  	s1 =	rddreg [dreg:$0x1a];
	[sflag:s11] =	ssyncadd.s32 $0xFFFFC180  }
0x1ed: {  	[spmem:s2] =	stream.indirect.scatter.add.f32 [tilespmem:s6], [sflag:$0x4], $0x80, s1, s7, $0xb8;
	[tilespmem:$0x18C80] =	vst v63  }
0x1ee: {  	_ =	swait.ge [sflag:s8], $0x3E80  }
0x1ef: {  	[sflag:s8] =	ssyncset.done $0x0  }
0x1f0: {  	s31 =	rddreg [dreg:$0x1b];
	[sflag:s8] =	ssyncadd.s32 $0xFFFFC180  }
0x1f1: {  	[spmem:s2] =	stream.indirect.scatter.add.f32 [tilespmem:s6], [sflag:$0x1], $0x80, s31, s7, $0xb8;
	[tilespmem:$0x18C80] =	vst v63  }
0x1f2: {  	_ =	swait.ge [sflag:s9], $0x3E80  }
0x1f3: {  	[sflag:s9] =	ssyncset.done $0x0  }
0x1f4: {  	s1 =	rddreg [dreg:$0x1c];
	[sflag:s9] =	ssyncadd.s32 $0xFFFFC180  }
0x1f5: {  	[spmem:s2] =	stream.indirect.scatter.add.f32 [tilespmem:s6], [sflag:$0x2], $0x80, s1, s7, $0xb8;
	[tilespmem:$0x18C80] =	vst v63  }
0x1f6: {  	_ =	swait.ge [sflag:s10], $0x3E80  }
0x1f7: {  	[sflag:s10] =	ssyncset.done $0x0  }
0x1f8: {  	[sflag:s10] =	ssyncadd.s32 $0xFFFFC180  }
0x1f9: {  	[spmem:s2] =	stream.indirect.scatter.add.f32 [tilespmem:s6], [sflag:$0x3], $0x80, s13, s7, $0xb8;
	[tilespmem:$0x18C80] =	vst v63  }
0x1fa: {  	_ =	swait.ge [sflag:s11], $0x3E80  }
0x1fb: {  	[sflag:s11] =	ssyncset.done $0x0  }
0x1fc: {  	[sflag:s11] =	ssyncadd.s32 $0xFFFFC180  }
0x1fd: {  	[spmem:s2] =	stream.indirect.scatter.add.f32 [tilespmem:s6], [sflag:$0x4], $0x80, s30, s7, $0xb8;
	[tilespmem:$0x18C80] =	vst v63  }
0x1fe: {  	_ =	swait.ge [sflag:s8], $0x3E80  }
0x1ff: {  	[sflag:s8] =	ssyncset.done $0x0  }
0x200: {  	[sflag:s8] =	ssyncadd.s32 $0xFFFFC180  }
0x201: {  	[spmem:s2] =	stream.indirect.scatter.add.f32 [tilespmem:s6], [sflag:$0x1], $0x80, s29, s7, $0xb8;
	[tilespmem:$0x18C80] =	vst v63  }
0x202: {  	_ =	swait.ge [sflag:s9], $0x3E80  }
0x203: {  	[sflag:s9] =	ssyncset.done $0x0  }
0x204: {  	[sflag:s9] =	ssyncadd.s32 $0xFFFFC180  }
0x205: {  	[spmem:s2] =	stream.indirect.scatter.add.f32 [tilespmem:s6], [sflag:$0x2], $0x80, s28, s7, $0xb8;
	[tilespmem:$0x18C80] =	vst v63  }
0x206: {  	_ =	swait.ge [sflag:s10], $0x3E80  }
0x207: {  	[sflag:s10] =	ssyncset.done $0x0  }
0x208: {  	[sflag:s10] =	ssyncadd.s32 $0xFFFFC180  }
0x209: {  	[spmem:s2] =	stream.indirect.scatter.add.f32 [tilespmem:s6], [sflag:$0x3], $0x80, s26, s7, $0xb8;
	[tilespmem:$0x18C80] =	vst v63  }
0x20a: {  	_ =	swait.ge [sflag:s11], $0x3E80  }
0x20b: {  	[sflag:s11] =	ssyncset.done $0x0  }
0x20c: {  	[sflag:s11] =	ssyncadd.s32 $0xFFFFC180  }
0x20d: {  	[spmem:s2] =	stream.indirect.scatter.add.f32 [tilespmem:s6], [sflag:$0x4], $0x80, s25, s7, $0xb8;
	[tilespmem:$0x18C80] =	vst v63  }
0x20e: {  	_ =	swait.ge [sflag:s8], $0x3E80  }
0x20f: {  	[sflag:s8] =	ssyncset.done $0x0  }
0x210: {  	[sflag:s8] =	ssyncadd.s32 $0xFFFFC180  }
0x211: {  	[spmem:s2] =	stream.indirect.scatter.add.f32 [tilespmem:s6], [sflag:$0x1], $0x80, s24, s7, $0xb8;
	[tilespmem:$0x18C80] =	vst v63  }
0x212: {  	_ =	swait.ge [sflag:s9], $0x3E80  }
0x213: {  	[sflag:s9] =	ssyncset.done $0x0  }
0x214: {  	[sflag:s9] =	ssyncadd.s32 $0xFFFFC180  }
0x215: {  	[spmem:s2] =	stream.indirect.scatter.add.f32 [tilespmem:s6], [sflag:$0x2], $0x80, s23, s7, $0xb8;
	[tilespmem:$0x18C80] =	vst v63  }
0x216: {  	_ =	swait.ge [sflag:s10], $0x3E80  }
0x217: {  	[sflag:s10] =	ssyncset.done $0x0  }
0x218: {  	[sflag:s10] =	ssyncadd.s32 $0xFFFFC180  }
0x219: {  	[spmem:s2] =	stream.indirect.scatter.add.f32 [tilespmem:s6], [sflag:$0x3], $0x80, s22, s7, $0xb8;
	[tilespmem:$0x18C80] =	vst v63  }
0x21a: {  	_ =	swait.ge [sflag:s11], $0x3E80  }
0x21b: {  	[sflag:s11] =	ssyncset.done $0x0  }
0x21c: {  	[sflag:s11] =	ssyncadd.s32 $0xFFFFC180  }
0x21d: {  	[spmem:s2] =	stream.indirect.scatter.add.f32 [tilespmem:s6], [sflag:$0x4], $0x80, s21, s7, $0xb8;
	[tilespmem:$0x18C80] =	vst v63  }
0x21e: {  	_ =	swait.ge [sflag:s8], $0x3E80  }
0x21f: {  	[sflag:s8] =	ssyncset.done $0x0  }
0x220: {  	[sflag:s8] =	ssyncadd.s32 $0xFFFFC180  }
0x221: {  	[spmem:s2] =	stream.indirect.scatter.add.f32 [tilespmem:s6], [sflag:$0x1], $0x80, s20, s7, $0xb8;
	[tilespmem:$0x18C80] =	vst v63  }
0x222: {  	_ =	swait.ge [sflag:s9], $0x3E80  }
0x223: {  	[sflag:s9] =	ssyncset.done $0x0  }
0x224: {  	[sflag:s9] =	ssyncadd.s32 $0xFFFFC180  }
0x225: {  	[spmem:s2] =	stream.indirect.scatter.add.f32 [tilespmem:s6], [sflag:$0x2], $0x80, s18, s7, $0xb8;
	[tilespmem:$0x18C80] =	vst v63  }
0x226: {  	_ =	swait.ge [sflag:s10], $0x3E80  }
0x227: {  	[sflag:s10] =	ssyncset.done $0x0  }
0x228: {  	[sflag:s10] =	ssyncadd.s32 $0xFFFFC180  }
0x229: {  	[spmem:s2] =	stream.indirect.scatter.add.f32 [tilespmem:s6], [sflag:$0x3], $0x80, s19, s7, $0xb8;
	[tilespmem:$0x18C80] =	vst v63  }
0x22a: {  	_ =	swait.ge [sflag:s11], $0x3E80  }
0x22b: {  	[sflag:s11] =	ssyncset.done $0x0  }
0x22c: {  	[sflag:s11] =	ssyncadd.s32 $0xFFFFC180  }
0x22d: {  	[spmem:s2] =	stream.indirect.scatter.add.f32 [tilespmem:s6], [sflag:$0x4], $0x80, s17, s7, $0xb8;
	[tilespmem:$0x18C80] =	vst v63  }
0x22e: {  	_ =	swait.ge [sflag:s8], $0x3E80  }
0x22f: {  	[sflag:s8] =	ssyncset.done $0x0  }
0x230: {  	[sflag:s8] =	ssyncadd.s32 $0xFFFFC180  }
0x231: {  	[spmem:s2] =	stream.indirect.scatter.add.f32 [tilespmem:s6], [sflag:$0x1], $0x80, s16, s7, $0xb8;
	[tilespmem:$0x18C80] =	vst v63  }
0x232: {  	_ =	swait.ge [sflag:s9], $0x3E80  }
0x233: {  	[sflag:s9] =	ssyncset.done $0x0  }
0x234: {  	[sflag:s9] =	ssyncadd.s32 $0xFFFFC180  }
0x235: {  	[spmem:s2] =	stream.indirect.scatter.add.f32 [tilespmem:s6], [sflag:$0x2], $0x80, s15, s7, $0xb8;
	[tilespmem:$0x18C80] =	vst v63  }
0x236: {  	_ =	swait.ge [sflag:s10], $0x3E80  }
0x237: {  	[sflag:s10] =	ssyncset.done $0x0  }
0x238: {  	[sflag:s10] =	ssyncadd.s32 $0xFFFFC180  }
0x239: {  	[spmem:s2] =	stream.indirect.scatter.add.f32 [tilespmem:s6], [sflag:$0x3], $0x80, s14, s7, $0xb8;
	[tilespmem:$0x18C80] =	vst v63  }
0x23a: {  	_ =	swait.ge [sflag:s11], $0x3E80  }
0x23b: {  	[sflag:s11] =	ssyncset.done $0x0  }
0x23c: {  	s29 =	simm.s32 $0x1380;
	[sflag:s11] =	ssyncadd.s32 $0xFFFFC180  }
0x23d: {  	[spmem:s2] =	stream.indirect.scatter.add.f32 [tilespmem:s6], [sflag:$0x4], $0x80, s29, s7, $0xb8;
	[tilespmem:$0x18C80] =	vst v63  }
0x23e: {  	_ =	swait.ge [sflag:s8], $0x3E80  }
0x23f: {  	[sflag:s8] =	ssyncset.done $0x0  }
0x240: {  	[sflag:s8] =	ssyncadd.s32 $0xFFFFC180  }
0x241: {  	_ =	swait.ge [sflag:s9], $0x3E80  }
0x242: {  	[sflag:s9] =	ssyncset.done $0x0  }
0x243: {  	[sflag:s9] =	ssyncadd.s32 $0xFFFFC180  }
0x244: {  	_ =	swait.ge [sflag:s10], $0x3E80  }
0x245: {  	[sflag:s10] =	ssyncset.done $0x0  }
0x246: {  	[sflag:s10] =	ssyncadd.s32 $0xFFFFC180  }
0x247: {  	_ =	swait.ge [sflag:s11], $0x3E80  }
0x248: {  	[sflag:s11] =	ssyncset.done $0x0  }
0x249: {  	[sflag:s11] =	ssyncadd.s32 $0xFFFFC180  }
0x24a: {  	[bflag:$0x0] =	sbarrier.arrive $0xFFFF  }
0x24b: {  	s30 =	rddreg [dreg:$0x7]  }
0x24c: {  	[hbm:s30], [sflag:s3] =	dma.local [spmem:s4], $0x2800  }
0x24d: {  	_ =	swait.ge [sflag:s5], $0x2800  }
0x24e: {  	[sflag:s5] =	ssyncset.done $0x0  }
0x24f: {  	[sflag:s5] =	ssyncadd.s32 $0xFFFFD800  }
0x250: {  	_ =	sfence.sel $0x180000  }
0x251: {  	s31 =	stileid.u32;
	[bflag:$0x0] =	sbarrier.arrive $0xFFFF  }
0x252: {  	p0 =	sne.s32 s31, $0x0;
	_ =	strace $0x90000047  }
0x253: {  	s0 =	sadd.s32 @!p0 $0x100000, s12;
	[bflag:$0x2] =	sbarrier.arrive $0xFFFF  }
0x254: {  	[sflag:s0] =	ssyncadd.tile.s32 @!p0 $0x1;
	_ =	shalt  }
.LBB2_1:
0x255: {  	s13 =	simm.s32 $0xB00;
	s30 =	simm.s32 $0xB80;
	s29 =	simm.s32 $0xC00  }
.Ltmp3:
0x256: {  	s28 =	simm.s32 $0xC80;
	s26 =	simm.s32 $0xD00;
	(pc) =	sbr.rel .LBB2_6-.Ltmp3, $4  }
0x257: {  	s25 =	simm.s32 $0xD80;
	s24 =	simm.s32 $0xE00;
	s23 =	simm.s32 $0xE80  }
0x258: {  	s22 =	simm.s32 $0xF00;
	s21 =	simm.s32 $0xF80;
	s20 =	simm.s32 $0x1000  }
0x259: {  	s19 =	simm.s32 $0x1100;
	s18 =	simm.s32 $0x1080;
	s17 =	simm.s32 $0x1180  }
0x25a: {  	s16 =	simm.s32 $0x1200;
	s15 =	simm.s32 $0x1280;
	s14 =	simm.s32 $0x1300  }
.LBB2_3:
0x25b: {  	s13 =	simm.s32 $0xB00  }
0x25c: {  	s30 =	simm.s32 $0xB80;
	s29 =	simm.s32 $0xC00;
	s28 =	simm.s32 $0xC80  }
.Ltmp4:
0x25d: {  	s26 =	simm.s32 $0xD00;
	s25 =	simm.s32 $0xD80;
	(pc) =	sbr.rel .LBB2_6-.Ltmp4, $4  }
0x25e: {  	s24 =	simm.s32 $0xE00;
	s23 =	simm.s32 $0xE80;
	s22 =	simm.s32 $0xF00  }
0x25f: {  	s21 =	simm.s32 $0xF80;
	s20 =	simm.s32 $0x1000;
	s19 =	simm.s32 $0x1100  }
0x260: {  	s18 =	simm.s32 $0x1080;
	s17 =	simm.s32 $0x1180;
	s16 =	simm.s32 $0x1200  }
0x261: {  	s15 =	simm.s32 $0x1280;
	s14 =	simm.s32 $0x1300;
	s12 =	rddreg [dreg:$0x3]  }
.Lfunc_end2:
_tile_overlayer_lowered:
.L_overlay_start_2:
0x262: {  	(tag) =	ssettag $0x2  }
0x263: {  	s0 =	rddreg [dreg:$0x0];
	s2 =	stileid.u32  }
0x264: {  	s1 =	rddreg [dreg:$0x1];
	p0 =	sne.s32 s2, $0x0  }
0x265: {  	s3 =	rddreg [dreg:$0x2];
	[bflag:$0x3] =	sbarrier.arrive $0xFFFF;
	s2 =	simm.s32 @!p0 $0x1C05  }
0x266: {  	[timem:s3], [sflag:s2] =	dma.local @!p0 [hbm:s0], s1  }
0x267: {  	s0 =	simm.s32 @!p0 $0x5  }
0x268: {  	_ =	swait.ge @!p0 [sflag:s0], s1  }
0x269: {  	s1 =	ssub.s32 @!p0 $0x0, s1;
	[sflag:s0] =	ssyncset.done @!p0 $0x0  }
0x26a: {  	[sflag:s0] =	ssyncadd.s32 @!p0 s1  }
0x26b: {  	[bflag:$0x3] =	sbarrier.arrive $0xFFFF  }
0x26c: {  	_ =	shalt  }

</sc_bundles>
